<compile_context>
chip_gen: v7x
topology: tpu7x:2x2x1
jax: 0.10.2.dev20260603
libtpu: 0.0.44.dev20260713+nightly
codegen_flags: <defaults>
</compile_context>

<pallas_src>
import functools

import jax
import jax.numpy as jnp
from jax import lax
from jax.experimental import pallas as pl
from jax.experimental.pallas import tpu as pltpu
from jax.experimental.pallas import tpu_sc as plsc

N = 10000
E = 320000
D = 128
ED = 16
H = 128
W = 144

BN = 1000
BE = 2000

NC = 2
NS = 16
CHK = 80
CH = E // (NC * NS * CHK)
EPT = CH * CHK
CH2 = E // (NS * CHK)


def _silu(v):
    return v * jax.nn.sigmoid(v)



WG = 256


def _prep_body(h_ref, xp_ref, xn_ref, wa_ref, wb_ref, ts_ref, td_ref):
    h = h_ref[...]
    z = jnp.zeros((h.shape[0], WG - D - 16), jnp.float32)
    ts_ref[...] = jnp.concatenate([jnp.dot(h, wa_ref[...],
                                           preferred_element_type=jnp.float32),
                                   xp_ref[...], z], axis=1)
    td_ref[...] = jnp.concatenate([jnp.dot(h, wb_ref[...],
                                           preferred_element_type=jnp.float32),
                                   xn_ref[...], z], axis=1)


def _prep(h, xp, xn, wa, wb):
    grid = (N // BN,)
    return pl.pallas_call(
        _prep_body,
        grid=grid,
        in_specs=[
            pl.BlockSpec((BN, D), lambda i: (i, 0)),
            pl.BlockSpec((BN, 16), lambda i: (i, 0)),
            pl.BlockSpec((BN, 16), lambda i: (i, 0)),
            pl.BlockSpec((D, D), lambda i: (0, 0)),
            pl.BlockSpec((D, D), lambda i: (0, 0)),
        ],
        out_specs=[
            pl.BlockSpec((BN, WG), lambda i: (i, 0)),
            pl.BlockSpec((BN, WG), lambda i: (i, 0)),
        ],
        out_shape=[
            jax.ShapeDtypeStruct((N, WG), jnp.float32),
            jax.ShapeDtypeStruct((N, WG), jnp.float32),
        ],
    )(h, xp, xn, wa, wb)



def _sc_mesh():
    return plsc.VectorSubcoreMesh(core_axis_name="c", subcore_axis_name="s")


def _gather(ta, tb, src5, dst5):
    @functools.partial(
        pl.kernel,
        out_type=[
            jax.ShapeDtypeStruct((E, D), jnp.float32),
            jax.ShapeDtypeStruct((E, 16), jnp.float32),
        ],
        mesh=_sc_mesh(),
        scratch_types=[
            pltpu.VMEM((1, CHK), jnp.int32),
            pltpu.VMEM((1, CHK), jnp.int32),
            pltpu.VMEM((1, CHK), jnp.int32),
            pltpu.VMEM((1, CHK), jnp.int32),
            pltpu.VMEM((CHK, WG), jnp.float32),
            pltpu.VMEM((CHK, WG), jnp.float32),
            pltpu.VMEM((CHK, WG), jnp.float32),
            pltpu.VMEM((CHK, WG), jnp.float32),
            pltpu.VMEM((CHK, D), jnp.float32),
            pltpu.VMEM((CHK, D), jnp.float32),
            pltpu.VMEM((CHK, 16), jnp.float32),
            pltpu.VMEM((CHK, 16), jnp.float32),
            pltpu.SemaphoreType.DMA,
            pltpu.SemaphoreType.DMA,
            pltpu.SemaphoreType.DMA,
            pltpu.SemaphoreType.DMA,
            pltpu.SemaphoreType.DMA,
            pltpu.SemaphoreType.DMA,
            pltpu.SemaphoreType.DMA,
            pltpu.SemaphoreType.DMA,
        ],
    )
    def k(ta_h, tb_h, src_h, dst_h, o_h, r_h,
          is0, is1, id0, id1,
          ba0, ba1, bb0, bb1, bo0, bo1, br0, br1,
          sa0, sa1, sb0, sb1, so0, so1, si0, si1):
        cid = lax.axis_index("c")
        sid = lax.axis_index("s")
        base = (cid * NS + sid) * EPT

        bufs = ((ba0, bb0, bo0, br0, is0, id0, sa0, sb0, so0, si0),
                (ba1, bb1, bo1, br1, is1, id1, sa1, sb1, so1, si1))

        def idx_copy(j, p):
            isb, idb, si = bufs[p][4], bufs[p][5], bufs[p][9]
            pltpu.async_copy(src_h.at[cid, sid, j], isb, si)
            pltpu.async_copy(dst_h.at[cid, sid, j], idb, si)

        def issue(j, p):
            ba, bb, _, _, isb, idb, sa, sb, _, si = bufs[p]
            pltpu.make_async_copy(src_h.at[cid, sid, j], isb, si).wait()
            pltpu.make_async_copy(dst_h.at[cid, sid, j], idb, si).wait()
            pltpu.async_copy(ta_h.at[isb.at[0]], ba, sa)
            pltpu.async_copy(tb_h.at[idb.at[0]], bb, sb)

        def process(j, p):
            ba, bb, bo, br, isb, idb, sa, sb, so, si = bufs[p]
            idx_copy(j + 2, p)

            pltpu.make_async_copy(ta_h.at[isb.at[0]], ba, sa).wait()
            pltpu.make_async_copy(tb_h.at[idb.at[0]], bb, sb).wait()

            pltpu.make_async_copy(bo, o_h.at[pl.ds(base, CHK)], so).wait()
            pltpu.make_async_copy(br, r_h.at[pl.ds(base, CHK)], so).wait()

            def add_row(r4, carry):
                for u in range(4):
                    r = r4 * 4 + u
                    for c in range(D // 16):
                        sl = pl.ds(c * 16, 16)
                        bo[r, sl] = ba[r, sl] + bb[r, sl]
                    sl = pl.ds(D, 16)
                    br[r, pl.ds(0, 16)] = ba[r, sl] + bb[r, sl]
                return carry

            lax.fori_loop(0, CHK // 4, add_row, 0)

            pltpu.async_copy(bo, o_h.at[pl.ds(base + j * CHK, CHK)], so)
            pltpu.async_copy(br, r_h.at[pl.ds(base + j * CHK, CHK)], so)

        idx_copy(0, 0)
        idx_copy(1, 1)
        issue(0, 0)
        issue(1, 1)
        pltpu.async_copy(bo0, o_h.at[pl.ds(base, CHK)], so0)
        pltpu.async_copy(br0, r_h.at[pl.ds(base, CHK)], so0)
        pltpu.async_copy(bo1, o_h.at[pl.ds(base, CHK)], so1)
        pltpu.async_copy(br1, r_h.at[pl.ds(base, CHK)], so1)

        def body(j2, carry):
            j = 2 * j2
            process(j, 0)
            issue(j + 2, 0)
            process(j + 1, 1)
            issue(j + 3, 1)
            return carry

        lax.fori_loop(0, (CH - 1) // 2, body, 0)
        process(CH - 1, 0)
        pltpu.make_async_copy(bo1, o_h.at[pl.ds(base, CHK)], so1).wait()
        pltpu.make_async_copy(br1, r_h.at[pl.ds(base, CHK)], so1).wait()
        pltpu.make_async_copy(bo0, o_h.at[pl.ds(base, CHK)], so0).wait()
        pltpu.make_async_copy(br0, r_h.at[pl.ds(base, CHK)], so0).wait()
        pltpu.make_async_copy(ta_h.at[is1.at[0]], ba1, sa1).wait()
        pltpu.make_async_copy(tb_h.at[id1.at[0]], bb1, sb1).wait()
        pltpu.make_async_copy(src_h.at[cid, sid, 0], is0, si0).wait()
        pltpu.make_async_copy(dst_h.at[cid, sid, 0], id0, si0).wait()

    return k(ta, tb, src5, dst5)



def _edge_body(o_ref, r_ref, ea_ref, we_ref, wd_ref, bm1_ref, wm2_ref,
               bm2_ref, wc1_ref, bc1_ref, wc2_ref, bc2_ref, sm_ref, sc_ref):
    g = o_ref[...]
    r16 = r_ref[...]
    ds = jnp.sum(r16 * r16, axis=1, keepdims=True)
    mp = (g + jnp.dot(ea_ref[...], we_ref[...],
                      preferred_element_type=jnp.float32)
          + ds * wd_ref[...] + bm1_ref[...])
    m = _silu(mp)
    msg = _silu(jnp.dot(m, wm2_ref[...],
                        preferred_element_type=jnp.float32) + bm2_ref[...])
    t = _silu(jnp.dot(msg, wc1_ref[...],
                      preferred_element_type=jnp.float32) + bc1_ref[...])
    cw = jnp.dot(t, wc2_ref[...],
                 preferred_element_type=jnp.float32) + bc2_ref[...]
    sm_ref[...] = msg
    cs16 = r16 * cw
    col = lax.broadcasted_iota(jnp.int32, cs16.shape, 1)
    cs16 = jnp.where(col == 3, 1.0, cs16)
    sc_ref[...] = jnp.concatenate(
        [cs16, jnp.zeros((cs16.shape[0], D - 16), jnp.float32)], axis=1)


def _edge(o, r, ea, we, wd, bm1, wm2, bm2, wc1, bc1, wc2, bc2):
    grid = (E // BE,)
    full = lambda i: (0, 0)
    return pl.pallas_call(
        _edge_body,
        grid=grid,
        in_specs=[
            pl.BlockSpec((BE, D), lambda i: (i, 0)),
            pl.BlockSpec((BE, 16), lambda i: (i, 0)),
            pl.BlockSpec((BE, ED), lambda i: (i, 0)),
            pl.BlockSpec((ED, H), full),
            pl.BlockSpec((1, H), full),
            pl.BlockSpec((1, H), full),
            pl.BlockSpec((H, H), full),
            pl.BlockSpec((1, H), full),
            pl.BlockSpec((H, H), full),
            pl.BlockSpec((1, H), full),
            pl.BlockSpec((H, 1), full),
            pl.BlockSpec((1, 1), full),
        ],
        out_specs=[
            pl.BlockSpec((BE, D), lambda i: (i, 0)),
            pl.BlockSpec((BE, D), lambda i: (i, 0)),
        ],
        out_shape=[
            jax.ShapeDtypeStruct((E, D), jnp.float32),
            jax.ShapeDtypeStruct((E, D), jnp.float32),
        ],
    )(o, r, ea, we, wd, bm1, wm2, bm2, wc1, bc1, wc2, bc2)



def _scatter(sm, sc_, dst3, zer):
    @functools.partial(
        pl.kernel,
        out_type=jax.ShapeDtypeStruct((NC, N, D), jnp.float32),
        mesh=_sc_mesh(),
        scratch_types=[
            pltpu.VMEM((1, CHK), jnp.int32),
            pltpu.VMEM((1, CHK), jnp.int32),
            pltpu.VMEM((CHK, D), jnp.float32),
            pltpu.VMEM((CHK, D), jnp.float32),
            pltpu.VMEM_SHARED((N, D), jnp.float32),
            pltpu.SemaphoreType.DMA,
            pltpu.SemaphoreType.DMA,
            pltpu.SemaphoreType.DMA,
            pltpu.SemaphoreType.DMA,
        ],
    )
    def k(sm_h, sc_h, dst_h, z_h, p_h, ix0, ix1, pay0, pay1, accum,
          l0, l1, s0, s1):
        cid = lax.axis_index("c")
        sid = lax.axis_index("s")

        @pl.when(sid == 0)
        def _():
            pltpu.sync_copy(z_h, accum)

        plsc.subcore_barrier()
        base = sid * (CH2 * CHK)

        def run(src_h):
            def load(j, pay, ixb, sem):
                pltpu.async_copy(
                    src_h.at[pl.ds(base + j * CHK, CHK)], pay, sem)
                pltpu.async_copy(dst_h.at[sid, j], ixb, sem)

            def wait_load(pay, ixb, sem):
                pltpu.make_async_copy(
                    src_h.at[pl.ds(base, CHK)], pay, sem).wait()
                pltpu.make_async_copy(dst_h.at[sid, 0], ixb, sem).wait()

            def scat(pay, ixb, sem):
                pltpu.async_copy(pay, accum.at[ixb.at[0]], sem, add=True)

            def wait_scat(pay, ixb, sem):
                pltpu.make_async_copy(
                    pay, accum.at[ixb.at[0]], sem).wait()

            load(0, pay0, ix0, l0)

            def body(j2, carry):
                j = 2 * j2
                wait_load(pay0, ix0, l0)
                scat(pay0, ix0, s0)

                @pl.when(j2 > 0)
                def _():
                    wait_scat(pay1, ix1, s1)

                load(j + 1, pay1, ix1, l1)
                wait_load(pay1, ix1, l1)
                scat(pay1, ix1, s1)
                wait_scat(pay0, ix0, s0)

                @pl.when(j2 < CH2 // 2 - 1)
                def _():
                    load(j + 2, pay0, ix0, l0)

                return carry

            lax.fori_loop(0, CH2 // 2, body, 0)
            wait_scat(pay1, ix1, s1)

        @pl.when(cid == 0)
        def _():
            run(sm_h)

        @pl.when(cid == 1)
        def _():
            run(sc_h)

        plsc.subcore_barrier()
        rows = 1000

        @pl.when(sid < N // rows)
        def _():
            pltpu.sync_copy(accum.at[pl.ds(sid * rows, rows)],
                            p_h.at[cid, pl.ds(sid * rows, rows)])

    return k(sm, sc_, dst3, zer)



def _node_body(h_ref, xp_ref, p_ref, wn1a_ref, wn1b_ref, bn1_ref,
               wn2_ref, bn2_ref, g_ref, b_ref, ho_ref, xo_ref):
    h = h_ref[...]
    p = p_ref[...]
    am = p[0]
    a16 = p[1, :, :16]
    cnt = jnp.maximum(a16[:, 3:4], 1.0)
    xo_ref[...] = xp_ref[...] + a16 / cnt
    hu = _silu(jnp.dot(h, wn1a_ref[...], preferred_element_type=jnp.float32)
               + jnp.dot(am, wn1b_ref[...], preferred_element_type=jnp.float32)
               + bn1_ref[...])
    hu = jnp.dot(hu, wn2_ref[...],
                 preferred_element_type=jnp.float32) + bn2_ref[...]
    pre = h + hu
    mu = jnp.mean(pre, axis=1, keepdims=True)
    c = pre - mu
    var = jnp.mean(c * c, axis=1, keepdims=True)
    ho_ref[...] = c * lax.rsqrt(var + 1e-5) * g_ref[...] + b_ref[...]


def _node(h, xp, parts, wn1a, wn1b, bn1, wn2, bn2, gamma, beta):
    grid = (N // BN,)
    full = lambda i: (0, 0)
    return pl.pallas_call(
        _node_body,
        grid=grid,
        in_specs=[
            pl.BlockSpec((BN, D), lambda i: (i, 0)),
            pl.BlockSpec((BN, 16), lambda i: (i, 0)),
            pl.BlockSpec((2, BN, D), lambda i: (0, i, 0)),
            pl.BlockSpec((D, H), full),
            pl.BlockSpec((H, H), full),
            pl.BlockSpec((1, H), full),
            pl.BlockSpec((H, D), full),
            pl.BlockSpec((1, D), full),
            pl.BlockSpec((1, D), full),
            pl.BlockSpec((1, D), full),
        ],
        out_specs=[
            pl.BlockSpec((BN, D), lambda i: (i, 0)),
            pl.BlockSpec((BN, 16), lambda i: (i, 0)),
        ],
        out_shape=[
            jax.ShapeDtypeStruct((N, D), jnp.float32),
            jax.ShapeDtypeStruct((N, 16), jnp.float32),
        ],
    )(h, xp, parts, wn1a, wn1b, bn1, wn2, bn2, gamma, beta)



def kernel(h, x, edge_index, edge_attr, Wm1, bm1, Wm2, bm2, Wc1, bc1, Wc2,
           bc2, Wn1, bn1, Wn2, bn2, gamma, beta):
    pad2 = ((0, 0), (0, 0), (0, 2), (0, 0), (0, 0))
    src5 = jnp.pad(edge_index[0].reshape(NC, NS, CH, 1, CHK), pad2)
    dst5 = jnp.pad(edge_index[1].reshape(NC, NS, CH, 1, CHK), pad2)
    dst3 = edge_index[1].reshape(NS, CH2, 1, CHK)
    xp = jnp.pad(x, ((0, 0), (0, 13)))
    xn = -xp

    ta, tb = _prep(h, xp, xn, Wm1[:D], Wm1[D:2 * D])
    o, r = _gather(ta, tb, src5, dst5)

    sm, sc_ = _edge(o, r, edge_attr, Wm1[2 * D:2 * D + ED], Wm1[2 * D + ED:],
                    bm1[None, :], Wm2, bm2[None, :], Wc1, bc1[None, :], Wc2,
                    bc2[None, :])

    parts = _scatter(sm, sc_, dst3, jnp.zeros((N, D), jnp.float32))

    ho, xo = _node(h, xp, parts, Wn1[:D], Wn1[D:], bn1[None, :], Wn2,
                   bn2[None, :], gamma[None, :], beta[None, :])
    return (ho, xo[:, :3])

# --- scband reference (transcript-rebuilt; emitter-appended) ---
"""Pipeline reference for scband-egnnlayer-34574486733397 (READ-ONLY COPY).

The authoritative reference and input builder live on the scoring server;
editing this copy changes nothing except your own understanding.
"""

import jax, jax.numpy as jnp
import numpy as np

N = 10000
E = 320000
D = 128
ED = 16
H = 128

def silu(v):
    return v * jax.nn.sigmoid(v)

def setup_inputs(seed: int = 0) -> dict:
    key = jax.random.key(seed)
    ks = jax.random.split(key, 20)
    h = jax.random.normal(ks[0], (N, D), dtype=jnp.float32)
    x = jax.random.normal(ks[1], (N, 3), dtype=jnp.float32)
    edge_index = jax.random.randint(ks[2], (2, E), 0, N, dtype=jnp.int32)
    edge_attr = jax.random.normal(ks[3], (E, ED), dtype=jnp.float32)
    s = 0.05
    Wm1 = jax.random.normal(ks[4], (2 * D + ED + 1, H), dtype=jnp.float32) * s
    bm1 = jnp.zeros((H,), dtype=jnp.float32)
    Wm2 = jax.random.normal(ks[5], (H, H), dtype=jnp.float32) * s
    bm2 = jnp.zeros((H,), dtype=jnp.float32)
    Wc1 = jax.random.normal(ks[6], (H, H), dtype=jnp.float32) * s
    bc1 = jnp.zeros((H,), dtype=jnp.float32)
    Wc2 = jax.random.normal(ks[7], (H, 1), dtype=jnp.float32) * s
    bc2 = jnp.zeros((1,), dtype=jnp.float32)
    Wn1 = jax.random.normal(ks[8], (D + H, H), dtype=jnp.float32) * s
    bn1 = jnp.zeros((H,), dtype=jnp.float32)
    Wn2 = jax.random.normal(ks[9], (H, D), dtype=jnp.float32) * s
    bn2 = jnp.zeros((D,), dtype=jnp.float32)
    gamma = jnp.ones((D,), dtype=jnp.float32)
    beta = jnp.zeros((D,), dtype=jnp.float32)
    return {"h": h, "x": x, "edge_index": edge_index, "edge_attr": edge_attr,
            "Wm1": Wm1, "bm1": bm1, "Wm2": Wm2, "bm2": bm2,
            "Wc1": Wc1, "bc1": bc1, "Wc2": Wc2, "bc2": bc2,
            "Wn1": Wn1, "bn1": bn1, "Wn2": Wn2, "bn2": bn2,
            "gamma": gamma, "beta": beta}

def reference(h, x, edge_index, edge_attr, Wm1, bm1, Wm2, bm2, Wc1, bc1, Wc2, bc2, Wn1, bn1, Wn2, bn2, gamma, beta):
    src = edge_index[0]
    dst = edge_index[1]
    n = h.shape[0]
    rel_pos = x[src] - x[dst]
    dist_sq = jnp.sum(rel_pos ** 2, axis=-1, keepdims=True)
    msg_input = jnp.concatenate([h[src], h[dst], edge_attr, dist_sq], axis=-1)
    m = silu(msg_input @ Wm1 + bm1)
    msg = silu(m @ Wm2 + bm2)
    coord_weight = silu(msg @ Wc1 + bc1) @ Wc2 + bc2
    coord_shift = rel_pos * coord_weight
    agg_coord = jnp.zeros_like(x).at[dst].add(coord_shift)
    count = jnp.zeros((n, 1), dtype=x.dtype).at[dst].add(jnp.ones((src.shape[0], 1), dtype=x.dtype))
    count = jnp.clip(count, 1.0, None)
    x_out = x + agg_coord / count
    agg_msg = jnp.zeros((n, msg.shape[-1]), dtype=h.dtype).at[dst].add(msg)
    nin = jnp.concatenate([h, agg_msg], axis=-1)
    h_upd = silu(nin @ Wn1 + bn1) @ Wn2 + bn2
    pre = h + h_upd
    mu = jnp.mean(pre, axis=-1, keepdims=True)
    var = jnp.var(pre, axis=-1, keepdims=True)
    h_out = (pre - mu) / jnp.sqrt(var + 1e-5) * gamma + beta
    return (h_out, x_out)

if __name__ == "__main__":
    import jax
    _d = setup_inputs()
    print(jax.jit(kernel)(*tuple(_d.values())))

</pallas_src>

<mosaic_0001>
#map = affine_map<(d0, d1) -> (0, 0)>
#map1 = affine_map<(d0, d1) -> (0, 0, 0, 0, 0)>
module attributes {stable_mosaic.version = 14 : i64} {
  func.func @k(%arg0: i32, %arg1: i32, %arg2: memref<10000x256xf32, #tpu.memory_space<hbm>>, %arg3: memref<10000x256xf32, #tpu.memory_space<hbm>>, %arg4: memref<2x16x127x1x80xi32, #tpu.memory_space<hbm>>, %arg5: memref<2x16x127x1x80xi32, #tpu.memory_space<hbm>>, %arg6: memref<320000x128xf32, #tpu.memory_space<hbm>>, %arg7: memref<320000x16xf32, #tpu.memory_space<hbm>>, %arg8: memref<1x80xi32, #tpu.memory_space<vmem>>, %arg9: memref<1x80xi32, #tpu.memory_space<vmem>>, %arg10: memref<1x80xi32, #tpu.memory_space<vmem>>, %arg11: memref<1x80xi32, #tpu.memory_space<vmem>>, %arg12: memref<80x256xf32, #tpu.memory_space<vmem>>, %arg13: memref<80x256xf32, #tpu.memory_space<vmem>>, %arg14: memref<80x256xf32, #tpu.memory_space<vmem>>, %arg15: memref<80x256xf32, #tpu.memory_space<vmem>>, %arg16: memref<80x128xf32, #tpu.memory_space<vmem>>, %arg17: memref<80x128xf32, #tpu.memory_space<vmem>>, %arg18: memref<80x16xf32, #tpu.memory_space<vmem>>, %arg19: memref<80x16xf32, #tpu.memory_space<vmem>>, %arg20: memref<!tpu.dma_semaphore, #tpu.memory_space<semaphore_mem>>, %arg21: memref<!tpu.dma_semaphore, #tpu.memory_space<semaphore_mem>>, %arg22: memref<!tpu.dma_semaphore, #tpu.memory_space<semaphore_mem>>, %arg23: memref<!tpu.dma_semaphore, #tpu.memory_space<semaphore_mem>>, %arg24: memref<!tpu.dma_semaphore, #tpu.memory_space<semaphore_mem>>, %arg25: memref<!tpu.dma_semaphore, #tpu.memory_space<semaphore_mem>>, %arg26: memref<!tpu.dma_semaphore, #tpu.memory_space<semaphore_mem>>, %arg27: memref<!tpu.dma_semaphore, #tpu.memory_space<semaphore_mem>>) attributes {dimension_semantics = [#tpu.dimension_semantics<core_parallel>, #tpu.dimension_semantics<subcore_parallel>], iteration_bounds = array<i64: 2, 16>, scalar_prefetch = 0 : i64, scratch_operands = 20 : i64, tpu.core_type = #tpu.core_type<sc_vector_subcore>, window_params = [{transform_indices = #map}, {transform_indices = #map}, {transform_indices = #map1}, {transform_indices = #map1}, {transform_indices = #map}, {transform_indices = #map}]} {
    %mul3A = arith.constant 16 : i32
    %mul3A_0 = arith.muli %arg0, %mul3A : i32
    %add3A = arith.addi %mul3A_0, %arg1 : i32
    %mul3A_1 = arith.constant 10000 : i32
    %mul3A_2 = arith.muli %add3A, %mul3A_1 : i32
    %dma_start3A = arith.constant 0 : i32
    %dma_start3A_3 = arith.constant 0 : i32
    %dma_start3A_4 = arith.constant 0 : i32
    %dma_start3A_5 = tpu.memref_slice %arg4[%arg0, %arg1, %dma_start3A, %dma_start3A_3, %dma_start3A_4] : memref<2x16x127x1x80xi32, #tpu.memory_space<hbm>> -> memref<1x1x1x1x80xi32, #tpu.memory_space<hbm>>
    %dma_start3A_6 = tpu.memref_squeeze %dma_start3A_5 : memref<1x1x1x1x80xi32, #tpu.memory_space<hbm>> -> memref<1x80xi32, #tpu.memory_space<hbm>>
    %dma_start3A_7 = arith.constant 0 : i32
    %dma_start3A_8 = arith.constant 0 : i32
    %dma_start3A_9 = tpu.memref_slice %arg4[%arg0, %arg1, %dma_start3A, %dma_start3A_7, %dma_start3A_8] : memref<2x16x127x1x80xi32, #tpu.memory_space<hbm>> -> memref<1x1x1x1x80xi32, #tpu.memory_space<hbm>>
    %dma_start3A_10 = tpu.memref_squeeze %dma_start3A_9 : memref<1x1x1x1x80xi32, #tpu.memory_space<hbm>> -> memref<1x80xi32, #tpu.memory_space<hbm>>
    tpu.enqueue_dma source(%dma_start3A_10 : memref<1x80xi32, #tpu.memory_space<hbm>>) target(%arg8 : memref<1x80xi32, #tpu.memory_space<vmem>>) target_semaphore(%arg26 : memref<!tpu.dma_semaphore, #tpu.memory_space<semaphore_mem>>)
    %dma_start3A_11 = arith.constant 0 : i32
    %dma_start3A_12 = arith.constant 0 : i32
    %dma_start3A_13 = arith.constant 0 : i32
    %dma_start3A_14 = tpu.memref_slice %arg5[%arg0, %arg1, %dma_start3A_11, %dma_start3A_12, %dma_start3A_13] : memref<2x16x127x1x80xi32, #tpu.memory_space<hbm>> -> memref<1x1x1x1x80xi32, #tpu.memory_space<hbm>>
    %dma_start3A_15 = tpu.memref_squeeze %dma_start3A_14 : memref<1x1x1x1x80xi32, #tpu.memory_space<hbm>> -> memref<1x80xi32, #tpu.memory_space<hbm>>
    %dma_start3A_16 = arith.constant 0 : i32
    %dma_start3A_17 = arith.constant 0 : i32
    %dma_start3A_18 = tpu.memref_slice %arg5[%arg0, %arg1, %dma_start3A_11, %dma_start3A_16, %dma_start3A_17] : memref<2x16x127x1x80xi32, #tpu.memory_space<hbm>> -> memref<1x1x1x1x80xi32, #tpu.memory_space<hbm>>
    %dma_start3A_19 = tpu.memref_squeeze %dma_start3A_18 : memref<1x1x1x1x80xi32, #tpu.memory_space<hbm>> -> memref<1x80xi32, #tpu.memory_space<hbm>>
    tpu.enqueue_dma source(%dma_start3A_19 : memref<1x80xi32, #tpu.memory_space<hbm>>) target(%arg10 : memref<1x80xi32, #tpu.memory_space<vmem>>) target_semaphore(%arg26 : memref<!tpu.dma_semaphore, #tpu.memory_space<semaphore_mem>>)
    %dma_start3A_20 = arith.constant 1 : i32
    %dma_start3A_21 = arith.constant 0 : i32
    %dma_start3A_22 = arith.constant 0 : i32
    %dma_start3A_23 = tpu.memref_slice %arg4[%arg0, %arg1, %dma_start3A_20, %dma_start3A_21, %dma_start3A_22] : memref<2x16x127x1x80xi32, #tpu.memory_space<hbm>> -> memref<1x1x1x1x80xi32, #tpu.memory_space<hbm>>
    %dma_start3A_24 = tpu.memref_squeeze %dma_start3A_23 : memref<1x1x1x1x80xi32, #tpu.memory_space<hbm>> -> memref<1x80xi32, #tpu.memory_space<hbm>>
    %dma_start3A_25 = arith.constant 0 : i32
    %dma_start3A_26 = arith.constant 0 : i32
    %dma_start3A_27 = tpu.memref_slice %arg4[%arg0, %arg1, %dma_start3A_20, %dma_start3A_25, %dma_start3A_26] : memref<2x16x127x1x80xi32, #tpu.memory_space<hbm>> -> memref<1x1x1x1x80xi32, #tpu.memory_space<hbm>>
    %dma_start3A_28 = tpu.memref_squeeze %dma_start3A_27 : memref<1x1x1x1x80xi32, #tpu.memory_space<hbm>> -> memref<1x80xi32, #tpu.memory_space<hbm>>
    tpu.enqueue_dma source(%dma_start3A_28 : memref<1x80xi32, #tpu.memory_space<hbm>>) target(%arg9 : memref<1x80xi32, #tpu.memory_space<vmem>>) target_semaphore(%arg27 : memref<!tpu.dma_semaphore, #tpu.memory_space<semaphore_mem>>)
    %dma_start3A_29 = arith.constant 1 : i32
    %dma_start3A_30 = arith.constant 0 : i32
    %dma_start3A_31 = arith.constant 0 : i32
    %dma_start3A_32 = tpu.memref_slice %arg5[%arg0, %arg1, %dma_start3A_29, %dma_start3A_30, %dma_start3A_31] : memref<2x16x127x1x80xi32, #tpu.memory_space<hbm>> -> memref<1x1x1x1x80xi32, #tpu.memory_space<hbm>>
    %dma_start3A_33 = tpu.memref_squeeze %dma_start3A_32 : memref<1x1x1x1x80xi32, #tpu.memory_space<hbm>> -> memref<1x80xi32, #tpu.memory_space<hbm>>
    %dma_start3A_34 = arith.constant 0 : i32
    %dma_start3A_35 = arith.constant 0 : i32
    %dma_start3A_36 = tpu.memref_slice %arg5[%arg0, %arg1, %dma_start3A_29, %dma_start3A_34, %dma_start3A_35] : memref<2x16x127x1x80xi32, #tpu.memory_space<hbm>> -> memref<1x1x1x1x80xi32, #tpu.memory_space<hbm>>
    %dma_start3A_37 = tpu.memref_squeeze %dma_start3A_36 : memref<1x1x1x1x80xi32, #tpu.memory_space<hbm>> -> memref<1x80xi32, #tpu.memory_space<hbm>>
    tpu.enqueue_dma source(%dma_start3A_37 : memref<1x80xi32, #tpu.memory_space<hbm>>) target(%arg11 : memref<1x80xi32, #tpu.memory_space<vmem>>) target_semaphore(%arg27 : memref<!tpu.dma_semaphore, #tpu.memory_space<semaphore_mem>>)
    %dma_wait3A = arith.constant 0 : i32
    %dma_wait3A_38 = arith.constant 0 : i32
    %dma_wait3A_39 = arith.constant 0 : i32
    %dma_wait3A_40 = tpu.memref_slice %arg4[%arg0, %arg1, %dma_wait3A, %dma_wait3A_38, %dma_wait3A_39] : memref<2x16x127x1x80xi32, #tpu.memory_space<hbm>> -> memref<1x1x1x1x80xi32, #tpu.memory_space<hbm>>
    %dma_wait3A_41 = tpu.memref_squeeze %dma_wait3A_40 : memref<1x1x1x1x80xi32, #tpu.memory_space<hbm>> -> memref<1x80xi32, #tpu.memory_space<hbm>>
    %dma_wait3A_42 = arith.constant 0 : i32
    %dma_wait3A_43 = arith.constant 0 : i32
    %dma_wait3A_44 = tpu.memref_slice %arg4[%arg0, %arg1, %dma_wait3A, %dma_wait3A_42, %dma_wait3A_43] : memref<2x16x127x1x80xi32, #tpu.memory_space<hbm>> -> memref<1x1x1x1x80xi32, #tpu.memory_space<hbm>>
    %dma_wait3A_45 = tpu.memref_squeeze %dma_wait3A_44 : memref<1x1x1x1x80xi32, #tpu.memory_space<hbm>> -> memref<1x80xi32, #tpu.memory_space<hbm>>
    tpu.wait_dma2 semaphore(%arg26 : memref<!tpu.dma_semaphore, #tpu.memory_space<semaphore_mem>>) src(%dma_wait3A_45 : memref<1x80xi32, #tpu.memory_space<hbm>>) dst(%arg8 : memref<1x80xi32, #tpu.memory_space<vmem>>)
    %dma_wait3A_46 = arith.constant 0 : i32
    %dma_wait3A_47 = arith.constant 0 : i32
    %dma_wait3A_48 = arith.constant 0 : i32
    %dma_wait3A_49 = tpu.memref_slice %arg5[%arg0, %arg1, %dma_wait3A_46, %dma_wait3A_47, %dma_wait3A_48] : memref<2x16x127x1x80xi32, #tpu.memory_space<hbm>> -> memref<1x1x1x1x80xi32, #tpu.memory_space<hbm>>
    %dma_wait3A_50 = tpu.memref_squeeze %dma_wait3A_49 : memref<1x1x1x1x80xi32, #tpu.memory_space<hbm>> -> memref<1x80xi32, #tpu.memory_space<hbm>>
    %dma_wait3A_51 = arith.constant 0 : i32
    %dma_wait3A_52 = arith.constant 0 : i32
    %dma_wait3A_53 = tpu.memref_slice %arg5[%arg0, %arg1, %dma_wait3A_46, %dma_wait3A_51, %dma_wait3A_52] : memref<2x16x127x1x80xi32, #tpu.memory_space<hbm>> -> memref<1x1x1x1x80xi32, #tpu.memory_space<hbm>>
    %dma_wait3A_54 = tpu.memref_squeeze %dma_wait3A_53 : memref<1x1x1x1x80xi32, #tpu.memory_space<hbm>> -> memref<1x80xi32, #tpu.memory_space<hbm>>
    tpu.wait_dma2 semaphore(%arg26 : memref<!tpu.dma_semaphore, #tpu.memory_space<semaphore_mem>>) src(%dma_wait3A_54 : memref<1x80xi32, #tpu.memory_space<hbm>>) dst(%arg10 : memref<1x80xi32, #tpu.memory_space<vmem>>)
    %dma_start3A_55 = arith.constant 0 : i32
    %dma_start3A_56 = arith.constant 0 : i32
    %dma_start3A_57 = tpu.memref_slice %arg8[%dma_start3A_55, %dma_start3A_56] : memref<1x80xi32, #tpu.memory_space<vmem>> -> memref<1x80xi32, #tpu.memory_space<vmem>>
    %dma_start3A_58 = tpu.memref_squeeze %dma_start3A_57 : memref<1x80xi32, #tpu.memory_space<vmem>> -> memref<80xi32, #tpu.memory_space<vmem>>
    %dma_start3A_59 = arith.constant 0 : i32
    %dma_start3A_60 = arith.constant 0 : i32
    %dma_start3A_61 = tpu.memref_slice %arg2[%dma_start3A_59, %dma_start3A_60] : memref<10000x256xf32, #tpu.memory_space<hbm>> -> memref<10000x256xf32, #tpu.memory_space<hbm>>
    tpu.enqueue_indirect_dma source(%dma_start3A_61 : memref<10000x256xf32, #tpu.memory_space<hbm>>) target(%arg12 : memref<80x256xf32, #tpu.memory_space<vmem>>) offsets(%dma_start3A_58 : memref<80xi32, #tpu.memory_space<vmem>>) semaphore(%arg20 : memref<!tpu.dma_semaphore, #tpu.memory_space<semaphore_mem>>)
    %dma_start3A_62 = arith.constant 0 : i32
    %dma_start3A_63 = arith.constant 0 : i32
    %dma_start3A_64 = tpu.memref_slice %arg10[%dma_start3A_62, %dma_start3A_63] : memref<1x80xi32, #tpu.memory_space<vmem>> -> memref<1x80xi32, #tpu.memory_space<vmem>>
    %dma_start3A_65 = tpu.memref_squeeze %dma_start3A_64 : memref<1x80xi32, #tpu.memory_space<vmem>> -> memref<80xi32, #tpu.memory_space<vmem>>
    %dma_start3A_66 = arith.constant 0 : i32
    %dma_start3A_67 = arith.constant 0 : i32
    %dma_start3A_68 = tpu.memref_slice %arg3[%dma_start3A_66, %dma_start3A_67] : memref<10000x256xf32, #tpu.memory_space<hbm>> -> memref<10000x256xf32, #tpu.memory_space<hbm>>
    tpu.enqueue_indirect_dma source(%dma_start3A_68 : memref<10000x256xf32, #tpu.memory_space<hbm>>) target(%arg14 : memref<80x256xf32, #tpu.memory_space<vmem>>) offsets(%dma_start3A_65 : memref<80xi32, #tpu.memory_space<vmem>>) semaphore(%arg22 : memref<!tpu.dma_semaphore, #tpu.memory_space<semaphore_mem>>)
    %dma_wait3A_69 = arith.constant 1 : i32
    %dma_wait3A_70 = arith.constant 0 : i32
    %dma_wait3A_71 = arith.constant 0 : i32
    %dma_wait3A_72 = tpu.memref_slice %arg4[%arg0, %arg1, %dma_wait3A_69, %dma_wait3A_70, %dma_wait3A_71] : memref<2x16x127x1x80xi32, #tpu.memory_space<hbm>> -> memref<1x1x1x1x80xi32, #tpu.memory_space<hbm>>
    %dma_wait3A_73 = tpu.memref_squeeze %dma_wait3A_72 : memref<1x1x1x1x80xi32, #tpu.memory_space<hbm>> -> memref<1x80xi32, #tpu.memory_space<hbm>>
    %dma_wait3A_74 = arith.constant 0 : i32
    %dma_wait3A_75 = arith.constant 0 : i32
    %dma_wait3A_76 = tpu.memref_slice %arg4[%arg0, %arg1, %dma_wait3A_69, %dma_wait3A_74, %dma_wait3A_75] : memref<2x16x127x1x80xi32, #tpu.memory_space<hbm>> -> memref<1x1x1x1x80xi32, #tpu.memory_space<hbm>>
    %dma_wait3A_77 = tpu.memref_squeeze %dma_wait3A_76 : memref<1x1x1x1x80xi32, #tpu.memory_space<hbm>> -> memref<1x80xi32, #tpu.memory_space<hbm>>
    tpu.wait_dma2 semaphore(%arg27 : memref<!tpu.dma_semaphore, #tpu.memory_space<semaphore_mem>>) src(%dma_wait3A_77 : memref<1x80xi32, #tpu.memory_space<hbm>>) dst(%arg9 : memref<1x80xi32, #tpu.memory_space<vmem>>)
    %dma_wait3A_78 = arith.constant 1 : i32
    %dma_wait3A_79 = arith.constant 0 : i32
    %dma_wait3A_80 = arith.constant 0 : i32
    %dma_wait3A_81 = tpu.memref_slice %arg5[%arg0, %arg1, %dma_wait3A_78, %dma_wait3A_79, %dma_wait3A_80] : memref<2x16x127x1x80xi32, #tpu.memory_space<hbm>> -> memref<1x1x1x1x80xi32, #tpu.memory_space<hbm>>
    %dma_wait3A_82 = tpu.memref_squeeze %dma_wait3A_81 : memref<1x1x1x1x80xi32, #tpu.memory_space<hbm>> -> memref<1x80xi32, #tpu.memory_space<hbm>>
    %dma_wait3A_83 = arith.constant 0 : i32
    %dma_wait3A_84 = arith.constant 0 : i32
    %dma_wait3A_85 = tpu.memref_slice %arg5[%arg0, %arg1, %dma_wait3A_78, %dma_wait3A_83, %dma_wait3A_84] : memref<2x16x127x1x80xi32, #tpu.memory_space<hbm>> -> memref<1x1x1x1x80xi32, #tpu.memory_space<hbm>>
    %dma_wait3A_86 = tpu.memref_squeeze %dma_wait3A_85 : memref<1x1x1x1x80xi32, #tpu.memory_space<hbm>> -> memref<1x80xi32, #tpu.memory_space<hbm>>
    tpu.wait_dma2 semaphore(%arg27 : memref<!tpu.dma_semaphore, #tpu.memory_space<semaphore_mem>>) src(%dma_wait3A_86 : memref<1x80xi32, #tpu.memory_space<hbm>>) dst(%arg11 : memref<1x80xi32, #tpu.memory_space<vmem>>)
    %dma_start3A_87 = arith.constant 0 : i32
    %dma_start3A_88 = arith.constant 0 : i32
    %dma_start3A_89 = tpu.memref_slice %arg9[%dma_start3A_87, %dma_start3A_88] : memref<1x80xi32, #tpu.memory_space<vmem>> -> memref<1x80xi32, #tpu.memory_space<vmem>>
    %dma_start3A_90 = tpu.memref_squeeze %dma_start3A_89 : memref<1x80xi32, #tpu.memory_space<vmem>> -> memref<80xi32, #tpu.memory_space<vmem>>
    %dma_start3A_91 = arith.constant 0 : i32
    %dma_start3A_92 = arith.constant 0 : i32
    %dma_start3A_93 = tpu.memref_slice %arg2[%dma_start3A_91, %dma_start3A_92] : memref<10000x256xf32, #tpu.memory_space<hbm>> -> memref<10000x256xf32, #tpu.memory_space<hbm>>
    tpu.enqueue_indirect_dma source(%dma_start3A_93 : memref<10000x256xf32, #tpu.memory_space<hbm>>) target(%arg13 : memref<80x256xf32, #tpu.memory_space<vmem>>) offsets(%dma_start3A_90 : memref<80xi32, #tpu.memory_space<vmem>>) semaphore(%arg21 : memref<!tpu.dma_semaphore, #tpu.memory_space<semaphore_mem>>)
    %dma_start3A_94 = arith.constant 0 : i32
    %dma_start3A_95 = arith.constant 0 : i32
    %dma_start3A_96 = tpu.memref_slice %arg11[%dma_start3A_94, %dma_start3A_95] : memref<1x80xi32, #tpu.memory_space<vmem>> -> memref<1x80xi32, #tpu.memory_space<vmem>>
    %dma_start3A_97 = tpu.memref_squeeze %dma_start3A_96 : memref<1x80xi32, #tpu.memory_space<vmem>> -> memref<80xi32, #tpu.memory_space<vmem>>
    %dma_start3A_98 = arith.constant 0 : i32
    %dma_start3A_99 = arith.constant 0 : i32
    %dma_start3A_100 = tpu.memref_slice %arg3[%dma_start3A_98, %dma_start3A_99] : memref<10000x256xf32, #tpu.memory_space<hbm>> -> memref<10000x256xf32, #tpu.memory_space<hbm>>
    tpu.enqueue_indirect_dma source(%dma_start3A_100 : memref<10000x256xf32, #tpu.memory_space<hbm>>) target(%arg15 : memref<80x256xf32, #tpu.memory_space<vmem>>) offsets(%dma_start3A_97 : memref<80xi32, #tpu.memory_space<vmem>>) semaphore(%arg23 : memref<!tpu.dma_semaphore, #tpu.memory_space<semaphore_mem>>)
    %dma_start3A_101 = arith.constant 0 : i32
    %dma_start3A_102 = tpu.memref_slice %arg6[%mul3A_2, %dma_start3A_101] : memref<320000x128xf32, #tpu.memory_space<hbm>> -> memref<80x128xf32, #tpu.memory_space<hbm>>
    %dma_start3A_103 = arith.constant 0 : i32
    %dma_start3A_104 = tpu.memref_slice %arg6[%mul3A_2, %dma_start3A_103] : memref<320000x128xf32, #tpu.memory_space<hbm>> -> memref<80x128xf32, #tpu.memory_space<hbm>>
    tpu.enqueue_dma source(%arg16 : memref<80x128xf32, #tpu.memory_space<vmem>>) target(%dma_start3A_104 : memref<80x128xf32, #tpu.memory_space<hbm>>) target_semaphore(%arg24 : memref<!tpu.dma_semaphore, #tpu.memory_space<semaphore_mem>>)
    %dma_start3A_105 = arith.constant 0 : i32
    %dma_start3A_106 = tpu.memref_slice %arg7[%mul3A_2, %dma_start3A_105] : memref<320000x16xf32, #tpu.memory_space<hbm>> -> memref<80x16xf32, #tpu.memory_space<hbm>>
    %dma_start3A_107 = arith.constant 0 : i32
    %dma_start3A_108 = tpu.memref_slice %arg7[%mul3A_2, %dma_start3A_107] : memref<320000x16xf32, #tpu.memory_space<hbm>> -> memref<80x16xf32, #tpu.memory_space<hbm>>
    tpu.enqueue_dma source(%arg18 : memref<80x16xf32, #tpu.memory_space<vmem>>) target(%dma_start3A_108 : memref<80x16xf32, #tpu.memory_space<hbm>>) target_semaphore(%arg24 : memref<!tpu.dma_semaphore, #tpu.memory_space<semaphore_mem>>)
    %dma_start3A_109 = arith.constant 0 : i32
    %dma_start3A_110 = tpu.memref_slice %arg6[%mul3A_2, %dma_start3A_109] : memref<320000x128xf32, #tpu.memory_space<hbm>> -> memref<80x128xf32, #tpu.memory_space<hbm>>
    %dma_start3A_111 = arith.constant 0 : i32
    %dma_start3A_112 = tpu.memref_slice %arg6[%mul3A_2, %dma_start3A_111] : memref<320000x128xf32, #tpu.memory_space<hbm>> -> memref<80x128xf32, #tpu.memory_space<hbm>>
    tpu.enqueue_dma source(%arg17 : memref<80x128xf32, #tpu.memory_space<vmem>>) target(%dma_start3A_112 : memref<80x128xf32, #tpu.memory_space<hbm>>) target_semaphore(%arg25 : memref<!tpu.dma_semaphore, #tpu.memory_space<semaphore_mem>>)
    %dma_start3A_113 = arith.constant 0 : i32
    %dma_start3A_114 = tpu.memref_slice %arg7[%mul3A_2, %dma_start3A_113] : memref<320000x16xf32, #tpu.memory_space<hbm>> -> memref<80x16xf32, #tpu.memory_space<hbm>>
    %dma_start3A_115 = arith.constant 0 : i32
    %dma_start3A_116 = tpu.memref_slice %arg7[%mul3A_2, %dma_start3A_115] : memref<320000x16xf32, #tpu.memory_space<hbm>> -> memref<80x16xf32, #tpu.memory_space<hbm>>
    tpu.enqueue_dma source(%arg19 : memref<80x16xf32, #tpu.memory_space<vmem>>) target(%dma_start3A_116 : memref<80x16xf32, #tpu.memory_space<hbm>>) target_semaphore(%arg25 : memref<!tpu.dma_semaphore, #tpu.memory_space<semaphore_mem>>)
    %scan3A = arith.constant 0 : i32
    %scan3A_117 = arith.constant 0 : i32
    %scan3A_118 = arith.constant 62 : i32
    %scan3A_119 = arith.addi %scan3A_117, %scan3A_118 : i32
    %scan3A_120 = arith.constant 1 : i32
    scf.for %scan3A_228 = %scan3A_117 to %scan3A_119 step %scan3A_120  : i32 {
      %mul3A_229 = arith.constant 2 : i32
      %mul3A_230 = arith.muli %mul3A_229, %scan3A_228 : i32
      %add3A_231 = arith.constant 2 : i32
      %add3A_232 = arith.addi %mul3A_230, %add3A_231 : i32
      %dma_start3A_233 = arith.constant 0 : i32
      %dma_start3A_234 = arith.constant 0 : i32
      %dma_start3A_235 = tpu.memref_slice %arg4[%arg0, %arg1, %add3A_232, %dma_start3A_233, %dma_start3A_234] : memref<2x16x127x1x80xi32, #tpu.memory_space<hbm>> -> memref<1x1x1x1x80xi32, #tpu.memory_space<hbm>>
      %dma_start3A_236 = tpu.memref_squeeze %dma_start3A_235 : memref<1x1x1x1x80xi32, #tpu.memory_space<hbm>> -> memref<1x80xi32, #tpu.memory_space<hbm>>
      %dma_start3A_237 = arith.constant 0 : i32
      %dma_start3A_238 = arith.constant 0 : i32
      %dma_start3A_239 = tpu.memref_slice %arg4[%arg0, %arg1, %add3A_232, %dma_start3A_237, %dma_start3A_238] : memref<2x16x127x1x80xi32, #tpu.memory_space<hbm>> -> memref<1x1x1x1x80xi32, #tpu.memory_space<hbm>>
      %dma_start3A_240 = tpu.memref_squeeze %dma_start3A_239 : memref<1x1x1x1x80xi32, #tpu.memory_space<hbm>> -> memref<1x80xi32, #tpu.memory_space<hbm>>
      tpu.enqueue_dma source(%dma_start3A_240 : memref<1x80xi32, #tpu.memory_space<hbm>>) target(%arg8 : memref<1x80xi32, #tpu.memory_space<vmem>>) target_semaphore(%arg26 : memref<!tpu.dma_semaphore, #tpu.memory_space<semaphore_mem>>)
      %dma_start3A_241 = arith.constant 0 : i32
      %dma_start3A_242 = arith.constant 0 : i32
      %dma_start3A_243 = tpu.memref_slice %arg5[%arg0, %arg1, %add3A_232, %dma_start3A_241, %dma_start3A_242] : memref<2x16x127x1x80xi32, #tpu.memory_space<hbm>> -> memref<1x1x1x1x80xi32, #tpu.memory_space<hbm>>
      %dma_start3A_244 = tpu.memref_squeeze %dma_start3A_243 : memref<1x1x1x1x80xi32, #tpu.memory_space<hbm>> -> memref<1x80xi32, #tpu.memory_space<hbm>>
      %dma_start3A_245 = arith.constant 0 : i32
      %dma_start3A_246 = arith.constant 0 : i32
      %dma_start3A_247 = tpu.memref_slice %arg5[%arg0, %arg1, %add3A_232, %dma_start3A_245, %dma_start3A_246] : memref<2x16x127x1x80xi32, #tpu.memory_space<hbm>> -> memref<1x1x1x1x80xi32, #tpu.memory_space<hbm>>
      %dma_start3A_248 = tpu.memref_squeeze %dma_start3A_247 : memref<1x1x1x1x80xi32, #tpu.memory_space<hbm>> -> memref<1x80xi32, #tpu.memory_space<hbm>>
      tpu.enqueue_dma source(%dma_start3A_248 : memref<1x80xi32, #tpu.memory_space<hbm>>) target(%arg10 : memref<1x80xi32, #tpu.memory_space<vmem>>) target_semaphore(%arg26 : memref<!tpu.dma_semaphore, #tpu.memory_space<semaphore_mem>>)
      %dma_wait3A_249 = arith.constant 0 : i32
      %dma_wait3A_250 = arith.constant 0 : i32
      %dma_wait3A_251 = tpu.memref_slice %arg8[%dma_wait3A_249, %dma_wait3A_250] : memref<1x80xi32, #tpu.memory_space<vmem>> -> memref<1x80xi32, #tpu.memory_space<vmem>>
      %dma_wait3A_252 = tpu.memref_squeeze %dma_wait3A_251 : memref<1x80xi32, #tpu.memory_space<vmem>> -> memref<80xi32, #tpu.memory_space<vmem>>
      %dma_wait3A_253 = arith.constant 0 : i32
      %dma_wait3A_254 = arith.constant 0 : i32
      %dma_wait3A_255 = tpu.memref_slice %arg2[%dma_wait3A_253, %dma_wait3A_254] : memref<10000x256xf32, #tpu.memory_space<hbm>> -> memref<10000x256xf32, #tpu.memory_space<hbm>>
      tpu.wait_indirect_dma semaphore(%arg20 : memref<!tpu.dma_semaphore, #tpu.memory_space<semaphore_mem>>) src(%dma_wait3A_255 : memref<10000x256xf32, #tpu.memory_space<hbm>>) dst(%arg12 : memref<80x256xf32, #tpu.memory_space<vmem>>)
      %dma_wait3A_256 = arith.constant 0 : i32
      %dma_wait3A_257 = arith.constant 0 : i32
      %dma_wait3A_258 = tpu.memref_slice %arg10[%dma_wait3A_256, %dma_wait3A_257] : memref<1x80xi32, #tpu.memory_space<vmem>> -> memref<1x80xi32, #tpu.memory_space<vmem>>
      %dma_wait3A_259 = tpu.memref_squeeze %dma_wait3A_258 : memref<1x80xi32, #tpu.memory_space<vmem>> -> memref<80xi32, #tpu.memory_space<vmem>>
      %dma_wait3A_260 = arith.constant 0 : i32
      %dma_wait3A_261 = arith.constant 0 : i32
      %dma_wait3A_262 = tpu.memref_slice %arg3[%dma_wait3A_260, %dma_wait3A_261] : memref<10000x256xf32, #tpu.memory_space<hbm>> -> memref<10000x256xf32, #tpu.memory_space<hbm>>
      tpu.wait_indirect_dma semaphore(%arg22 : memref<!tpu.dma_semaphore, #tpu.memory_space<semaphore_mem>>) src(%dma_wait3A_262 : memref<10000x256xf32, #tpu.memory_space<hbm>>) dst(%arg14 : memref<80x256xf32, #tpu.memory_space<vmem>>)
      %dma_wait3A_263 = arith.constant 0 : i32
      %dma_wait3A_264 = tpu.memref_slice %arg6[%mul3A_2, %dma_wait3A_263] : memref<320000x128xf32, #tpu.memory_space<hbm>> -> memref<80x128xf32, #tpu.memory_space<hbm>>
      %dma_wait3A_265 = arith.constant 0 : i32
      %dma_wait3A_266 = tpu.memref_slice %arg6[%mul3A_2, %dma_wait3A_265] : memref<320000x128xf32, #tpu.memory_space<hbm>> -> memref<80x128xf32, #tpu.memory_space<hbm>>
      tpu.wait_dma2 semaphore(%arg24 : memref<!tpu.dma_semaphore, #tpu.memory_space<semaphore_mem>>) src(%arg16 : memref<80x128xf32, #tpu.memory_space<vmem>>) dst(%dma_wait3A_266 : memref<80x128xf32, #tpu.memory_space<hbm>>)
      %dma_wait3A_267 = arith.constant 0 : i32
      %dma_wait3A_268 = tpu.memref_slice %arg7[%mul3A_2, %dma_wait3A_267] : memref<320000x16xf32, #tpu.memory_space<hbm>> -> memref<80x16xf32, #tpu.memory_space<hbm>>
      %dma_wait3A_269 = arith.constant 0 : i32
      %dma_wait3A_270 = tpu.memref_slice %arg7[%mul3A_2, %dma_wait3A_269] : memref<320000x16xf32, #tpu.memory_space<hbm>> -> memref<80x16xf32, #tpu.memory_space<hbm>>
      tpu.wait_dma2 semaphore(%arg24 : memref<!tpu.dma_semaphore, #tpu.memory_space<semaphore_mem>>) src(%arg18 : memref<80x16xf32, #tpu.memory_space<vmem>>) dst(%dma_wait3A_270 : memref<80x16xf32, #tpu.memory_space<hbm>>)
      %scan3A_271 = arith.constant 0 : i32
      %scan3A_272 = arith.constant 0 : i32
      %scan3A_273 = arith.constant 20 : i32
      %scan3A_274 = arith.addi %scan3A_272, %scan3A_273 : i32
      %scan3A_275 = arith.constant 1 : i32
      scf.for %scan3A_417 = %scan3A_272 to %scan3A_274 step %scan3A_275  : i32 {
        %mul3A_418 = arith.constant 4 : i32
        %mul3A_419 = arith.muli %scan3A_417, %mul3A_418 : i32
        %add3A_420 = arith.constant 0 : i32
        %add3A_421 = arith.addi %mul3A_419, %add3A_420 : i32
        %get3A = arith.index_cast %add3A_421 : i32 to index
        %get3A_422 = arith.constant 0 : index
        %get3A_423 = tpu.vector_load %arg12[%get3A, %get3A_422] {strides = array<i32>} : memref<80x256xf32, #tpu.memory_space<vmem>>, vector<1x16xf32>,
        %get3A_424 = vector.shape_cast %get3A_423 : vector<1x16xf32> to vector<16xf32>
        %get3A_425 = arith.index_cast %add3A_421 : i32 to index
        %get3A_426 = arith.constant 0 : index
        %get3A_427 = tpu.vector_load %arg14[%get3A_425, %get3A_426] {strides = array<i32>} : memref<80x256xf32, #tpu.memory_space<vmem>>, vector<1x16xf32>,
        %get3A_428 = vector.shape_cast %get3A_427 : vector<1x16xf32> to vector<16xf32>
        %add3A_429 = arith.addf %get3A_424, %get3A_428 : vector<16xf32>
        %swap3A = arith.index_cast %add3A_421 : i32 to index
        %swap3A_430 = arith.constant 0 : index
        %swap3A_431 = tpu.vector_load %arg16[%swap3A, %swap3A_430] {strides = array<i32>} : memref<80x128xf32, #tpu.memory_space<vmem>>, vector<1x16xf32>,
        %swap3A_432 = vector.shape_cast %swap3A_431 : vector<1x16xf32> to vector<16xf32>
        %swap3A_433 = vector.shape_cast %add3A_429 : vector<16xf32> to vector<1x16xf32>
        tpu.vector_store %arg16[%swap3A, %swap3A_430], %swap3A_433 {strides = array<i32>} : memref<80x128xf32, #tpu.memory_space<vmem>>, vector<1x16xf32>,
        %get3A_434 = arith.index_cast %add3A_421 : i32 to index
        %get3A_435 = arith.constant 16 : index
        %get3A_436 = tpu.vector_load %arg12[%get3A_434, %get3A_435] {strides = array<i32>} : memref<80x256xf32, #tpu.memory_space<vmem>>, vector<1x16xf32>,
        %get3A_437 = vector.shape_cast %get3A_436 : vector<1x16xf32> to vector<16xf32>
        %get3A_438 = arith.index_cast %add3A_421 : i32 to index
        %get3A_439 = arith.constant 16 : index
        %get3A_440 = tpu.vector_load %arg14[%get3A_438, %get3A_439] {strides = array<i32>} : memref<80x256xf32, #tpu.memory_space<vmem>>, vector<1x16xf32>,
        %get3A_441 = vector.shape_cast %get3A_440 : vector<1x16xf32> to vector<16xf32>
        %add3A_442 = arith.addf %get3A_437, %get3A_441 : vector<16xf32>
        %swap3A_443 = arith.index_cast %add3A_421 : i32 to index
        %swap3A_444 = arith.constant 16 : index
        %swap3A_445 = tpu.vector_load %arg16[%swap3A_443, %swap3A_444] {strides = array<i32>} : memref<80x128xf32, #tpu.memory_space<vmem>>, vector<1x16xf32>,
        %swap3A_446 = vector.shape_cast %swap3A_445 : vector<1x16xf32> to vector<16xf32>
        %swap3A_447 = vector.shape_cast %add3A_442 : vector<16xf32> to vector<1x16xf32>
        tpu.vector_store %arg16[%swap3A_443, %swap3A_444], %swap3A_447 {strides = array<i32>} : memref<80x128xf32, #tpu.memory_space<vmem>>, vector<1x16xf32>,
        %get3A_448 = arith.index_cast %add3A_421 : i32 to index
        %get3A_449 = arith.constant 32 : index
        %get3A_450 = tpu.vector_load %arg12[%get3A_448, %get3A_449] {strides = array<i32>} : memref<80x256xf32, #tpu.memory_space<vmem>>, vector<1x16xf32>,
        %get3A_451 = vector.shape_cast %get3A_450 : vector<1x16xf32> to vector<16xf32>
        %get3A_452 = arith.index_cast %add3A_421 : i32 to index
        %get3A_453 = arith.constant 32 : index
        %get3A_454 = tpu.vector_load %arg14[%get3A_452, %get3A_453] {strides = array<i32>} : memref<80x256xf32, #tpu.memory_space<vmem>>, vector<1x16xf32>,
        %get3A_455 = vector.shape_cast %get3A_454 : vector<1x16xf32> to vector<16xf32>
        %add3A_456 = arith.addf %get3A_451, %get3A_455 : vector<16xf32>
        %swap3A_457 = arith.index_cast %add3A_421 : i32 to index
        %swap3A_458 = arith.constant 32 : index
        %swap3A_459 = tpu.vector_load %arg16[%swap3A_457, %swap3A_458] {strides = array<i32>} : memref<80x128xf32, #tpu.memory_space<vmem>>, vector<1x16xf32>,
        %swap3A_460 = vector.shape_cast %swap3A_459 : vector<1x16xf32> to vector<16xf32>
        %swap3A_461 = vector.shape_cast %add3A_456 : vector<16xf32> to vector<1x16xf32>
        tpu.vector_store %arg16[%swap3A_457, %swap3A_458], %swap3A_461 {strides = array<i32>} : memref<80x128xf32, #tpu.memory_space<vmem>>, vector<1x16xf32>,
        %get3A_462 = arith.index_cast %add3A_421 : i32 to index
        %get3A_463 = arith.constant 48 : index
        %get3A_464 = tpu.vector_load %arg12[%get3A_462, %get3A_463] {strides = array<i32>} : memref<80x256xf32, #tpu.memory_space<vmem>>, vector<1x16xf32>,
        %get3A_465 = vector.shape_cast %get3A_464 : vector<1x16xf32> to vector<16xf32>
        %get3A_466 = arith.index_cast %add3A_421 : i32 to index
        %get3A_467 = arith.constant 48 : index
        %get3A_468 = tpu.vector_load %arg14[%get3A_466, %get3A_467] {strides = array<i32>} : memref<80x256xf32, #tpu.memory_space<vmem>>, vector<1x16xf32>,
        %get3A_469 = vector.shape_cast %get3A_468 : vector<1x16xf32> to vector<16xf32>
        %add3A_470 = arith.addf %get3A_465, %get3A_469 : vector<16xf32>
        %swap3A_471 = arith.index_cast %add3A_421 : i32 to index
        %swap3A_472 = arith.constant 48 : index
        %swap3A_473 = tpu.vector_load %arg16[%swap3A_471, %swap3A_472] {strides = array<i32>} : memref<80x128xf32, #tpu.memory_space<vmem>>, vector<1x16xf32>,
        %swap3A_474 = vector.shape_cast %swap3A_473 : vector<1x16xf32> to vector<16xf32>
        %swap3A_475 = vector.shape_cast %add3A_470 : vector<16xf32> to vector<1x16xf32>
        tpu.vector_store %arg16[%swap3A_471, %swap3A_472], %swap3A_475 {strides = array<i32>} : memref<80x128xf32, #tpu.memory_space<vmem>>, vector<1x16xf32>,
        %get3A_476 = arith.index_cast %add3A_421 : i32 to index
        %get3A_477 = arith.constant 64 : index
        %get3A_478 = tpu.vector_load %arg12[%get3A_476, %get3A_477] {strides = array<i32>} : memref<80x256xf32, #tpu.memory_space<vmem>>, vector<1x16xf32>,
        %get3A_479 = vector.shape_cast %get3A_478 : vector<1x16xf32> to vector<16xf32>
        %get3A_480 = arith.index_cast %add3A_421 : i32 to index
        %get3A_481 = arith.constant 64 : index
        %get3A_482 = tpu.vector_load %arg14[%get3A_480, %get3A_481] {strides = array<i32>} : memref<80x256xf32, #tpu.memory_space<vmem>>, vector<1x16xf32>,
        %get3A_483 = vector.shape_cast %get3A_482 : vector<1x16xf32> to vector<16xf32>
        %add3A_484 = arith.addf %get3A_479, %get3A_483 : vector<16xf32>
        %swap3A_485 = arith.index_cast %add3A_421 : i32 to index
        %swap3A_486 = arith.constant 64 : index
        %swap3A_487 = tpu.vector_load %arg16[%swap3A_485, %swap3A_486] {strides = array<i32>} : memref<80x128xf32, #tpu.memory_space<vmem>>, vector<1x16xf32>,
        %swap3A_488 = vector.shape_cast %swap3A_487 : vector<1x16xf32> to vector<16xf32>
        %swap3A_489 = vector.shape_cast %add3A_484 : vector<16xf32> to vector<1x16xf32>
        tpu.vector_store %arg16[%swap3A_485, %swap3A_486], %swap3A_489 {strides = array<i32>} : memref<80x128xf32, #tpu.memory_space<vmem>>, vector<1x16xf32>,
        %get3A_490 = arith.index_cast %add3A_421 : i32 to index
        %get3A_491 = arith.constant 80 : index
        %get3A_492 = tpu.vector_load %arg12[%get3A_490, %get3A_491] {strides = array<i32>} : memref<80x256xf32, #tpu.memory_space<vmem>>, vector<1x16xf32>,
        %get3A_493 = vector.shape_cast %get3A_492 : vector<1x16xf32> to vector<16xf32>
        %get3A_494 = arith.index_cast %add3A_421 : i32 to index
        %get3A_495 = arith.constant 80 : index
        %get3A_496 = tpu.vector_load %arg14[%get3A_494, %get3A_495] {strides = array<i32>} : memref<80x256xf32, #tpu.memory_space<vmem>>, vector<1x16xf32>,
        %get3A_497 = vector.shape_cast %get3A_496 : vector<1x16xf32> to vector<16xf32>
        %add3A_498 = arith.addf %get3A_493, %get3A_497 : vector<16xf32>
        %swap3A_499 = arith.index_cast %add3A_421 : i32 to index
        %swap3A_500 = arith.constant 80 : index
        %swap3A_501 = tpu.vector_load %arg16[%swap3A_499, %swap3A_500] {strides = array<i32>} : memref<80x128xf32, #tpu.memory_space<vmem>>, vector<1x16xf32>,
        %swap3A_502 = vector.shape_cast %swap3A_501 : vector<1x16xf32> to vector<16xf32>
        %swap3A_503 = vector.shape_cast %add3A_498 : vector<16xf32> to vector<1x16xf32>
        tpu.vector_store %arg16[%swap3A_499, %swap3A_500], %swap3A_503 {strides = array<i32>} : memref<80x128xf32, #tpu.memory_space<vmem>>, vector<1x16xf32>,
        %get3A_504 = arith.index_cast %add3A_421 : i32 to index
        %get3A_505 = arith.constant 96 : index
        %get3A_506 = tpu.vector_load %arg12[%get3A_504, %get3A_505] {strides = array<i32>} : memref<80x256xf32, #tpu.memory_space<vmem>>, vector<1x16xf32>,
        %get3A_507 = vector.shape_cast %get3A_506 : vector<1x16xf32> to vector<16xf32>
        %get3A_508 = arith.index_cast %add3A_421 : i32 to index
        %get3A_509 = arith.constant 96 : index
        %get3A_510 = tpu.vector_load %arg14[%get3A_508, %get3A_509] {strides = array<i32>} : memref<80x256xf32, #tpu.memory_space<vmem>>, vector<1x16xf32>,
        %get3A_511 = vector.shape_cast %get3A_510 : vector<1x16xf32> to vector<16xf32>
        %add3A_512 = arith.addf %get3A_507, %get3A_511 : vector<16xf32>
        %swap3A_513 = arith.index_cast %add3A_421 : i32 to index
        %swap3A_514 = arith.constant 96 : index
        %swap3A_515 = tpu.vector_load %arg16[%swap3A_513, %swap3A_514] {strides = array<i32>} : memref<80x128xf32, #tpu.memory_space<vmem>>, vector<1x16xf32>,
        %swap3A_516 = vector.shape_cast %swap3A_515 : vector<1x16xf32> to vector<16xf32>
        %swap3A_517 = vector.shape_cast %add3A_512 : vector<16xf32> to vector<1x16xf32>
        tpu.vector_store %arg16[%swap3A_513, %swap3A_514], %swap3A_517 {strides = array<i32>} : memref<80x128xf32, #tpu.memory_space<vmem>>, vector<1x16xf32>,
        %get3A_518 = arith.index_cast %add3A_421 : i32 to index
        %get3A_519 = arith.constant 112 : index
        %get3A_520 = tpu.vector_load %arg12[%get3A_518, %get3A_519] {strides = array<i32>} : memref<80x256xf32, #tpu.memory_space<vmem>>, vector<1x16xf32>,
        %get3A_521 = vector.shape_cast %get3A_520 : vector<1x16xf32> to vector<16xf32>
        %get3A_522 = arith.index_cast %add3A_421 : i32 to index
        %get3A_523 = arith.constant 112 : index
        %get3A_524 = tpu.vector_load %arg14[%get3A_522, %get3A_523] {strides = array<i32>} : memref<80x256xf32, #tpu.memory_space<vmem>>, vector<1x16xf32>,
        %get3A_525 = vector.shape_cast %get3A_524 : vector<1x16xf32> to vector<16xf32>
        %add3A_526 = arith.addf %get3A_521, %get3A_525 : vector<16xf32>
        %swap3A_527 = arith.index_cast %add3A_421 : i32 to index
        %swap3A_528 = arith.constant 112 : index
        %swap3A_529 = tpu.vector_load %arg16[%swap3A_527, %swap3A_528] {strides = array<i32>} : memref<80x128xf32, #tpu.memory_space<vmem>>, vector<1x16xf32>,
        %swap3A_530 = vector.shape_cast %swap3A_529 : vector<1x16xf32> to vector<16xf32>
        %swap3A_531 = vector.shape_cast %add3A_526 : vector<16xf32> to vector<1x16xf32>
        tpu.vector_store %arg16[%swap3A_527, %swap3A_528], %swap3A_531 {strides = array<i32>} : memref<80x128xf32, #tpu.memory_space<vmem>>, vector<1x16xf32>,
        %get3A_532 = arith.index_cast %add3A_421 : i32 to index
        %get3A_533 = arith.constant 128 : index
        %get3A_534 = tpu.vector_load %arg12[%get3A_532, %get3A_533] {strides = array<i32>} : memref<80x256xf32, #tpu.memory_space<vmem>>, vector<1x16xf32>,
        %get3A_535 = vector.shape_cast %get3A_534 : vector<1x16xf32> to vector<16xf32>
        %get3A_536 = arith.index_cast %add3A_421 : i32 to index
        %get3A_537 = arith.constant 128 : index
        %get3A_538 = tpu.vector_load %arg14[%get3A_536, %get3A_537] {strides = array<i32>} : memref<80x256xf32, #tpu.memory_space<vmem>>, vector<1x16xf32>,
        %get3A_539 = vector.shape_cast %get3A_538 : vector<1x16xf32> to vector<16xf32>
        %add3A_540 = arith.addf %get3A_535, %get3A_539 : vector<16xf32>
        %swap3A_541 = arith.index_cast %add3A_421 : i32 to index
        %swap3A_542 = arith.constant 0 : index
        %swap3A_543 = tpu.vector_load %arg18[%swap3A_541, %swap3A_542] {strides = array<i32>} : memref<80x16xf32, #tpu.memory_space<vmem>>, vector<1x16xf32>,
        %swap3A_544 = vector.shape_cast %swap3A_543 : vector<1x16xf32> to vector<16xf32>
        %swap3A_545 = vector.shape_cast %add3A_540 : vector<16xf32> to vector<1x16xf32>
        tpu.vector_store %arg18[%swap3A_541, %swap3A_542], %swap3A_545 {strides = array<i32>} : memref<80x16xf32, #tpu.memory_space<vmem>>, vector<1x16xf32>,
        %mul3A_546 = arith.constant 4 : i32
        %mul3A_547 = arith.muli %scan3A_417, %mul3A_546 : i32
        %add3A_548 = arith.constant 1 : i32
        %add3A_549 = arith.addi %mul3A_547, %add3A_548 : i32
        %get3A_550 = arith.index_cast %add3A_549 : i32 to index
        %get3A_551 = arith.constant 0 : index
        %get3A_552 = tpu.vector_load %arg12[%get3A_550, %get3A_551] {strides = array<i32>} : memref<80x256xf32, #tpu.memory_space<vmem>>, vector<1x16xf32>,
        %get3A_553 = vector.shape_cast %get3A_552 : vector<1x16xf32> to vector<16xf32>
        %get3A_554 = arith.index_cast %add3A_549 : i32 to index
        %get3A_555 = arith.constant 0 : index
        %get3A_556 = tpu.vector_load %arg14[%get3A_554, %get3A_555] {strides = array<i32>} : memref<80x256xf32, #tpu.memory_space<vmem>>, vector<1x16xf32>,
        %get3A_557 = vector.shape_cast %get3A_556 : vector<1x16xf32> to vector<16xf32>
        %add3A_558 = arith.addf %get3A_553, %get3A_557 : vector<16xf32>
        %swap3A_559 = arith.index_cast %add3A_549 : i32 to index
        %swap3A_560 = arith.constant 0 : index
        %swap3A_561 = tpu.vector_load %arg16[%swap3A_559, %swap3A_560] {strides = array<i32>} : memref<80x128xf32, #tpu.memory_space<vmem>>, vector<1x16xf32>,
        %swap3A_562 = vector.shape_cast %swap3A_561 : vector<1x16xf32> to vector<16xf32>
        %swap3A_563 = vector.shape_cast %add3A_558 : vector<16xf32> to vector<1x16xf32>
        tpu.vector_store %arg16[%swap3A_559, %swap3A_560], %swap3A_563 {strides = array<i32>} : memref<80x128xf32, #tpu.memory_space<vmem>>, vector<1x16xf32>,
        %get3A_564 = arith.index_cast %add3A_549 : i32 to index
        %get3A_565 = arith.constant 16 : index
        %get3A_566 = tpu.vector_load %arg12[%get3A_564, %get3A_565] {strides = array<i32>} : memref<80x256xf32, #tpu.memory_space<vmem>>, vector<1x16xf32>,
        %get3A_567 = vector.shape_cast %get3A_566 : vector<1x16xf32> to vector<16xf32>
        %get3A_568 = arith.index_cast %add3A_549 : i32 to index
        %get3A_569 = arith.constant 16 : index
        %get3A_570 = tpu.vector_load %arg14[%get3A_568, %get3A_569] {strides = array<i32>} : memref<80x256xf32, #tpu.memory_space<vmem>>, vector<1x16xf32>,
        %get3A_571 = vector.shape_cast %get3A_570 : vector<1x16xf32> to vector<16xf32>
        %add3A_572 = arith.addf %get3A_567, %get3A_571 : vector<16xf32>
        %swap3A_573 = arith.index_cast %add3A_549 : i32 to index
        %swap3A_574 = arith.constant 16 : index
        %swap3A_575 = tpu.vector_load %arg16[%swap3A_573, %swap3A_574] {strides = array<i32>} : memref<80x128xf32, #tpu.memory_space<vmem>>, vector<1x16xf32>,
        %swap3A_576 = vector.shape_cast %swap3A_575 : vector<1x16xf32> to vector<16xf32>
        %swap3A_577 = vector.shape_cast %add3A_572 : vector<16xf32> to vector<1x16xf32>
        tpu.vector_store %arg16[%swap3A_573, %swap3A_574], %swap3A_577 {strides = array<i32>} : memref<80x128xf32, #tpu.memory_space<vmem>>, vector<1x16xf32>,
        %get3A_578 = arith.index_cast %add3A_549 : i32 to index
        %get3A_579 = arith.constant 32 : index
        %get3A_580 = tpu.vector_load %arg12[%get3A_578, %get3A_579] {strides = array<i32>} : memref<80x256xf32, #tpu.memory_space<vmem>>, vector<1x16xf32>,
        %get3A_581 = vector.shape_cast %get3A_580 : vector<1x16xf32> to vector<16xf32>
        %get3A_582 = arith.index_cast %add3A_549 : i32 to index
        %get3A_583 = arith.constant 32 : index
        %get3A_584 = tpu.vector_load %arg14[%get3A_582, %get3A_583] {strides = array<i32>} : memref<80x256xf32, #tpu.memory_space<vmem>>, vector<1x16xf32>,
        %get3A_585 = vector.shape_cast %get3A_584 : vector<1x16xf32> to vector<16xf32>
        %add3A_586 = arith.addf %get3A_581, %get3A_585 : vector<16xf32>
        %swap3A_587 = arith.index_cast %add3A_549 : i32 to index
        %swap3A_588 = arith.constant 32 : index
        %swap3A_589 = tpu.vector_load %arg16[%swap3A_587, %swap3A_588] {strides = array<i32>} : memref<80x128xf32, #tpu.memory_space<vmem>>, vector<1x16xf32>,
        %swap3A_590 = vector.shape_cast %swap3A_589 : vector<1x16xf32> to vector<16xf32>
        %swap3A_591 = vector.shape_cast %add3A_586 : vector<16xf32> to vector<1x16xf32>
        tpu.vector_store %arg16[%swap3A_587, %swap3A_588], %swap3A_591 {strides = array<i32>} : memref<80x128xf32, #tpu.memory_space<vmem>>, vector<1x16xf32>,
        %get3A_592 = arith.index_cast %add3A_549 : i32 to index
        %get3A_593 = arith.constant 48 : index
        %get3A_594 = tpu.vector_load %arg12[%get3A_592, %get3A_593] {strides = array<i32>} : memref<80x256xf32, #tpu.memory_space<vmem>>, vector<1x16xf32>,
        %get3A_595 = vector.shape_cast %get3A_594 : vector<1x16xf32> to vector<16xf32>
        %get3A_596 = arith.index_cast %add3A_549 : i32 to index
        %get3A_597 = arith.constant 48 : index
        %get3A_598 = tpu.vector_load %arg14[%get3A_596, %get3A_597] {strides = array<i32>} : memref<80x256xf32, #tpu.memory_space<vmem>>, vector<1x16xf32>,
        %get3A_599 = vector.shape_cast %get3A_598 : vector<1x16xf32> to vector<16xf32>
        %add3A_600 = arith.addf %get3A_595, %get3A_599 : vector<16xf32>
        %swap3A_601 = arith.index_cast %add3A_549 : i32 to index
        %swap3A_602 = arith.constant 48 : index
        %swap3A_603 = tpu.vector_load %arg16[%swap3A_601, %swap3A_602] {strides = array<i32>} : memref<80x128xf32, #tpu.memory_space<vmem>>, vector<1x16xf32>,
        %swap3A_604 = vector.shape_cast %swap3A_603 : vector<1x16xf32> to vector<16xf32>
        %swap3A_605 = vector.shape_cast %add3A_600 : vector<16xf32> to vector<1x16xf32>
        tpu.vector_store %arg16[%swap3A_601, %swap3A_602], %swap3A_605 {strides = array<i32>} : memref<80x128xf32, #tpu.memory_space<vmem>>, vector<1x16xf32>,
        %get3A_606 = arith.index_cast %add3A_549 : i32 to index
        %get3A_607 = arith.constant 64 : index
        %get3A_608 = tpu.vector_load %arg12[%get3A_606, %get3A_607] {strides = array<i32>} : memref<80x256xf32, #tpu.memory_space<vmem>>, vector<1x16xf32>,
        %get3A_609 = vector.shape_cast %get3A_608 : vector<1x16xf32> to vector<16xf32>
        %get3A_610 = arith.index_cast %add3A_549 : i32 to index
        %get3A_611 = arith.constant 64 : index
        %get3A_612 = tpu.vector_load %arg14[%get3A_610, %get3A_611] {strides = array<i32>} : memref<80x256xf32, #tpu.memory_space<vmem>>, vector<1x16xf32>,
        %get3A_613 = vector.shape_cast %get3A_612 : vector<1x16xf32> to vector<16xf32>
        %add3A_614 = arith.addf %get3A_609, %get3A_613 : vector<16xf32>
        %swap3A_615 = arith.index_cast %add3A_549 : i32 to index
        %swap3A_616 = arith.constant 64 : index
        %swap3A_617 = tpu.vector_load %arg16[%swap3A_615, %swap3A_616] {strides = array<i32>} : memref<80x128xf32, #tpu.memory_space<vmem>>, vector<1x16xf32>,
        %swap3A_618 = vector.shape_cast %swap3A_617 : vector<1x16xf32> to vector<16xf32>
        %swap3A_619 = vector.shape_cast %add3A_614 : vector<16xf32> to vector<1x16xf32>
        tpu.vector_store %arg16[%swap3A_615, %swap3A_616], %swap3A_619 {strides = array<i32>} : memref<80x128xf32, #tpu.memory_space<vmem>>, vector<1x16xf32>,
        %get3A_620 = arith.index_cast %add3A_549 : i32 to index
        %get3A_621 = arith.constant 80 : index
        %get3A_622 = tpu.vector_load %arg12[%get3A_620, %get3A_621] {strides = array<i32>} : memref<80x256xf32, #tpu.memory_space<vmem>>, vector<1x16xf32>,
        %get3A_623 = vector.shape_cast %get3A_622 : vector<1x16xf32> to vector<16xf32>
        %get3A_624 = arith.index_cast %add3A_549 : i32 to index
        %get3A_625 = arith.constant 80 : index
        %get3A_626 = tpu.vector_load %arg14[%get3A_624, %get3A_625] {strides = array<i32>} : memref<80x256xf32, #tpu.memory_space<vmem>>, vector<1x16xf32>,
        %get3A_627 = vector.shape_cast %get3A_626 : vector<1x16xf32> to vector<16xf32>
        %add3A_628 = arith.addf %get3A_623, %get3A_627 : vector<16xf32>
        %swap3A_629 = arith.index_cast %add3A_549 : i32 to index
        %swap3A_630 = arith.constant 80 : index
        %swap3A_631 = tpu.vector_load %arg16[%swap3A_629, %swap3A_630] {strides = array<i32>} : memref<80x128xf32, #tpu.memory_space<vmem>>, vector<1x16xf32>,
        %swap3A_632 = vector.shape_cast %swap3A_631 : vector<1x16xf32> to vector<16xf32>
        %swap3A_633 = vector.shape_cast %add3A_628 : vector<16xf32> to vector<1x16xf32>
        tpu.vector_store %arg16[%swap3A_629, %swap3A_630], %swap3A_633 {strides = array<i32>} : memref<80x128xf32, #tpu.memory_space<vmem>>, vector<1x16xf32>,
        %get3A_634 = arith.index_cast %add3A_549 : i32 to index
        %get3A_635 = arith.constant 96 : index
        %get3A_636 = tpu.vector_load %arg12[%get3A_634, %get3A_635] {strides = array<i32>} : memref<80x256xf32, #tpu.memory_space<vmem>>, vector<1x16xf32>,
        %get3A_637 = vector.shape_cast %get3A_636 : vector<1x16xf32> to vector<16xf32>
        %get3A_638 = arith.index_cast %add3A_549 : i32 to index
        %get3A_639 = arith.constant 96 : index
        %get3A_640 = tpu.vector_load %arg14[%get3A_638, %get3A_639] {strides = array<i32>} : memref<80x256xf32, #tpu.memory_space<vmem>>, vector<1x16xf32>,
        %get3A_641 = vector.shape_cast %get3A_640 : vector<1x16xf32> to vector<16xf32>
        %add3A_642 = arith.addf %get3A_637, %get3A_641 : vector<16xf32>
        %swap3A_643 = arith.index_cast %add3A_549 : i32 to index
        %swap3A_644 = arith.constant 96 : index
        %swap3A_645 = tpu.vector_load %arg16[%swap3A_643, %swap3A_644] {strides = array<i32>} : memref<80x128xf32, #tpu.memory_space<vmem>>, vector<1x16xf32>,
        %swap3A_646 = vector.shape_cast %swap3A_645 : vector<1x16xf32> to vector<16xf32>
        %swap3A_647 = vector.shape_cast %add3A_642 : vector<16xf32> to vector<1x16xf32>
        tpu.vector_store %arg16[%swap3A_643, %swap3A_644], %swap3A_647 {strides = array<i32>} : memref<80x128xf32, #tpu.memory_space<vmem>>, vector<1x16xf32>,
        %get3A_648 = arith.index_cast %add3A_549 : i32 to index
        %get3A_649 = arith.constant 112 : index
        %get3A_650 = tpu.vector_load %arg12[%get3A_648, %get3A_649] {strides = array<i32>} : memref<80x256xf32, #tpu.memory_space<vmem>>, vector<1x16xf32>,
        %get3A_651 = vector.shape_cast %get3A_650 : vector<1x16xf32> to vector<16xf32>
        %get3A_652 = arith.index_cast %add3A_549 : i32 to index
        %get3A_653 = arith.constant 112 : index
        %get3A_654 = tpu.vector_load %arg14[%get3A_652, %get3A_653] {strides = array<i32>} : memref<80x256xf32, #tpu.memory_space<vmem>>, vector<1x16xf32>,
        %get3A_655 = vector.shape_cast %get3A_654 : vector<1x16xf32> to vector<16xf32>
        %add3A_656 = arith.addf %get3A_651, %get3A_655 : vector<16xf32>
        %swap3A_657 = arith.index_cast %add3A_549 : i32 to index
        %swap3A_658 = arith.constant 112 : index
        %swap3A_659 = tpu.vector_load %arg16[%swap3A_657, %swap3A_658] {strides = array<i32>} : memref<80x128xf32, #tpu.memory_space<vmem>>, vector<1x16xf32>,
        %swap3A_660 = vector.shape_cast %swap3A_659 : vector<1x16xf32> to vector<16xf32>
        %swap3A_661 = vector.shape_cast %add3A_656 : vector<16xf32> to vector<1x16xf32>
        tpu.vector_store %arg16[%swap3A_657, %swap3A_658], %swap3A_661 {strides = array<i32>} : memref<80x128xf32, #tpu.memory_space<vmem>>, vector<1x16xf32>,
        %get3A_662 = arith.index_cast %add3A_549 : i32 to index
        %get3A_663 = arith.constant 128 : index
        %get3A_664 = tpu.vector_load %arg12[%get3A_662, %get3A_663] {strides = array<i32>} : memref<80x256xf32, #tpu.memory_space<vmem>>, vector<1x16xf32>,
        %get3A_665 = vector.shape_cast %get3A_664 : vector<1x16xf32> to vector<16xf32>
        %get3A_666 = arith.index_cast %add3A_549 : i32 to index
        %get3A_667 = arith.constant 128 : index
        %get3A_668 = tpu.vector_load %arg14[%get3A_666, %get3A_667] {strides = array<i32>} : memref<80x256xf32, #tpu.memory_space<vmem>>, vector<1x16xf32>,
        %get3A_669 = vector.shape_cast %get3A_668 : vector<1x16xf32> to vector<16xf32>
        %add3A_670 = arith.addf %get3A_665, %get3A_669 : vector<16xf32>
        %swap3A_671 = arith.index_cast %add3A_549 : i32 to index
        %swap3A_672 = arith.constant 0 : index
        %swap3A_673 = tpu.vector_load %arg18[%swap3A_671, %swap3A_672] {strides = array<i32>} : memref<80x16xf32, #tpu.memory_space<vmem>>, vector<1x16xf32>,
        %swap3A_674 = vector.shape_cast %swap3A_673 : vector<1x16xf32> to vector<16xf32>
        %swap3A_675 = vector.shape_cast %add3A_670 : vector<16xf32> to vector<1x16xf32>
        tpu.vector_store %arg18[%swap3A_671, %swap3A_672], %swap3A_675 {strides = array<i32>} : memref<80x16xf32, #tpu.memory_space<vmem>>, vector<1x16xf32>,
        %mul3A_676 = arith.constant 4 : i32
        %mul3A_677 = arith.muli %scan3A_417, %mul3A_676 : i32
        %add3A_678 = arith.constant 2 : i32
        %add3A_679 = arith.addi %mul3A_677, %add3A_678 : i32
        %get3A_680 = arith.index_cast %add3A_679 : i32 to index
        %get3A_681 = arith.constant 0 : index
        %get3A_682 = tpu.vector_load %arg12[%get3A_680, %get3A_681] {strides = array<i32>} : memref<80x256xf32, #tpu.memory_space<vmem>>, vector<1x16xf32>,
        %get3A_683 = vector.shape_cast %get3A_682 : vector<1x16xf32> to vector<16xf32>
        %get3A_684 = arith.index_cast %add3A_679 : i32 to index
        %get3A_685 = arith.constant 0 : index
        %get3A_686 = tpu.vector_load %arg14[%get3A_684, %get3A_685] {strides = array<i32>} : memref<80x256xf32, #tpu.memory_space<vmem>>, vector<1x16xf32>,
        %get3A_687 = vector.shape_cast %get3A_686 : vector<1x16xf32> to vector<16xf32>
        %add3A_688 = arith.addf %get3A_683, %get3A_687 : vector<16xf32>
        %swap3A_689 = arith.index_cast %add3A_679 : i32 to index
        %swap3A_690 = arith.constant 0 : index
        %swap3A_691 = tpu.vector_load %arg16[%swap3A_689, %swap3A_690] {strides = array<i32>} : memref<80x128xf32, #tpu.memory_space<vmem>>, vector<1x16xf32>,
        %swap3A_692 = vector.shape_cast %swap3A_691 : vector<1x16xf32> to vector<16xf32>
        %swap3A_693 = vector.shape_cast %add3A_688 : vector<16xf32> to vector<1x16xf32>
        tpu.vector_store %arg16[%swap3A_689, %swap3A_690], %swap3A_693 {strides = array<i32>} : memref<80x128xf32, #tpu.memory_space<vmem>>, vector<1x16xf32>,
        %get3A_694 = arith.index_cast %add3A_679 : i32 to index
        %get3A_695 = arith.constant 16 : index
        %get3A_696 = tpu.vector_load %arg12[%get3A_694, %get3A_695] {strides = array<i32>} : memref<80x256xf32, #tpu.memory_space<vmem>>, vector<1x16xf32>,
        %get3A_697 = vector.shape_cast %get3A_696 : vector<1x16xf32> to vector<16xf32>
        %get3A_698 = arith.index_cast %add3A_679 : i32 to index
        %get3A_699 = arith.constant 16 : index
        %get3A_700 = tpu.vector_load %arg14[%get3A_698, %get3A_699] {strides = array<i32>} : memref<80x256xf32, #tpu.memory_space<vmem>>, vector<1x16xf32>,
        %get3A_701 = vector.shape_cast %get3A_700 : vector<1x16xf32> to vector<16xf32>
        %add3A_702 = arith.addf %get3A_697, %get3A_701 : vector<16xf32>
        %swap3A_703 = arith.index_cast %add3A_679 : i32 to index
        %swap3A_704 = arith.constant 16 : index
        %swap3A_705 = tpu.vector_load %arg16[%swap3A_703, %swap3A_704] {strides = array<i32>} : memref<80x128xf32, #tpu.memory_space<vmem>>, vector<1x16xf32>,
        %swap3A_706 = vector.shape_cast %swap3A_705 : vector<1x16xf32> to vector<16xf32>
        %swap3A_707 = vector.shape_cast %add3A_702 : vector<16xf32> to vector<1x16xf32>
        tpu.vector_store %arg16[%swap3A_703, %swap3A_704], %swap3A_707 {strides = array<i32>} : memref<80x128xf32, #tpu.memory_space<vmem>>, vector<1x16xf32>,
        %get3A_708 = arith.index_cast %add3A_679 : i32 to index
        %get3A_709 = arith.constant 32 : index
        %get3A_710 = tpu.vector_load %arg12[%get3A_708, %get3A_709] {strides = array<i32>} : memref<80x256xf32, #tpu.memory_space<vmem>>, vector<1x16xf32>,
        %get3A_711 = vector.shape_cast %get3A_710 : vector<1x16xf32> to vector<16xf32>
        %get3A_712 = arith.index_cast %add3A_679 : i32 to index
        %get3A_713 = arith.constant 32 : index
        %get3A_714 = tpu.vector_load %arg14[%get3A_712, %get3A_713] {strides = array<i32>} : memref<80x256xf32, #tpu.memory_space<vmem>>, vector<1x16xf32>,
        %get3A_715 = vector.shape_cast %get3A_714 : vector<1x16xf32> to vector<16xf32>
        %add3A_716 = arith.addf %get3A_711, %get3A_715 : vector<16xf32>
        %swap3A_717 = arith.index_cast %add3A_679 : i32 to index
        %swap3A_718 = arith.constant 32 : index
        %swap3A_719 = tpu.vector_load %arg16[%swap3A_717, %swap3A_718] {strides = array<i32>} : memref<80x128xf32, #tpu.memory_space<vmem>>, vector<1x16xf32>,
        %swap3A_720 = vector.shape_cast %swap3A_719 : vector<1x16xf32> to vector<16xf32>
        %swap3A_721 = vector.shape_cast %add3A_716 : vector<16xf32> to vector<1x16xf32>
        tpu.vector_store %arg16[%swap3A_717, %swap3A_718], %swap3A_721 {strides = array<i32>} : memref<80x128xf32, #tpu.memory_space<vmem>>, vector<1x16xf32>,
        %get3A_722 = arith.index_cast %add3A_679 : i32 to index
        %get3A_723 = arith.constant 48 : index
        %get3A_724 = tpu.vector_load %arg12[%get3A_722, %get3A_723] {strides = array<i32>} : memref<80x256xf32, #tpu.memory_space<vmem>>, vector<1x16xf32>,
        %get3A_725 = vector.shape_cast %get3A_724 : vector<1x16xf32> to vector<16xf32>
        %get3A_726 = arith.index_cast %add3A_679 : i32 to index
        %get3A_727 = arith.constant 48 : index
        %get3A_728 = tpu.vector_load %arg14[%get3A_726, %get3A_727] {strides = array<i32>} : memref<80x256xf32, #tpu.memory_space<vmem>>, vector<1x16xf32>,
        %get3A_729 = vector.shape_cast %get3A_728 : vector<1x16xf32> to vector<16xf32>
        %add3A_730 = arith.addf %get3A_725, %get3A_729 : vector<16xf32>
        %swap3A_731 = arith.index_cast %add3A_679 : i32 to index
        %swap3A_732 = arith.constant 48 : index
        %swap3A_733 = tpu.vector_load %arg16[%swap3A_731, %swap3A_732] {strides = array<i32>} : memref<80x128xf32, #tpu.memory_space<vmem>>, vector<1x16xf32>,
        %swap3A_734 = vector.shape_cast %swap3A_733 : vector<1x16xf32> to vector<16xf32>
        %swap3A_735 = vector.shape_cast %add3A_730 : vector<16xf32> to vector<1x16xf32>
        tpu.vector_store %arg16[%swap3A_731, %swap3A_732], %swap3A_735 {strides = array<i32>} : memref<80x128xf32, #tpu.memory_space<vmem>>, vector<1x16xf32>,
        %get3A_736 = arith.index_cast %add3A_679 : i32 to index
        %get3A_737 = arith.constant 64 : index
        %get3A_738 = tpu.vector_load %arg12[%get3A_736, %get3A_737] {strides = array<i32>} : memref<80x256xf32, #tpu.memory_space<vmem>>, vector<1x16xf32>,
        %get3A_739 = vector.shape_cast %get3A_738 : vector<1x16xf32> to vector<16xf32>
        %get3A_740 = arith.index_cast %add3A_679 : i32 to index
        %get3A_741 = arith.constant 64 : index
        %get3A_742 = tpu.vector_load %arg14[%get3A_740, %get3A_741] {strides = array<i32>} : memref<80x256xf32, #tpu.memory_space<vmem>>, vector<1x16xf32>,
        %get3A_743 = vector.shape_cast %get3A_742 : vector<1x16xf32> to vector<16xf32>
        %add3A_744 = arith.addf %get3A_739, %get3A_743 : vector<16xf32>
        %swap3A_745 = arith.index_cast %add3A_679 : i32 to index
        %swap3A_746 = arith.constant 64 : index
        %swap3A_747 = tpu.vector_load %arg16[%swap3A_745, %swap3A_746] {strides = array<i32>} : memref<80x128xf32, #tpu.memory_space<vmem>>, vector<1x16xf32>,
        %swap3A_748 = vector.shape_cast %swap3A_747 : vector<1x16xf32> to vector<16xf32>
        %swap3A_749 = vector.shape_cast %add3A_744 : vector<16xf32> to vector<1x16xf32>
        tpu.vector_store %arg16[%swap3A_745, %swap3A_746], %swap3A_749 {strides = array<i32>} : memref<80x128xf32, #tpu.memory_space<vmem>>, vector<1x16xf32>,
        %get3A_750 = arith.index_cast %add3A_679 : i32 to index
        %get3A_751 = arith.constant 80 : index
        %get3A_752 = tpu.vector_load %arg12[%get3A_750, %get3A_751] {strides = array<i32>} : memref<80x256xf32, #tpu.memory_space<vmem>>, vector<1x16xf32>,
        %get3A_753 = vector.shape_cast %get3A_752 : vector<1x16xf32> to vector<16xf32>
        %get3A_754 = arith.index_cast %add3A_679 : i32 to index
        %get3A_755 = arith.constant 80 : index
        %get3A_756 = tpu.vector_load %arg14[%get3A_754, %get3A_755] {strides = array<i32>} : memref<80x256xf32, #tpu.memory_space<vmem>>, vector<1x16xf32>,
        %get3A_757 = vector.shape_cast %get3A_756 : vector<1x16xf32> to vector<16xf32>
        %add3A_758 = arith.addf %get3A_753, %get3A_757 : vector<16xf32>
        %swap3A_759 = arith.index_cast %add3A_679 : i32 to index
        %swap3A_760 = arith.constant 80 : index
        %swap3A_761 = tpu.vector_load %arg16[%swap3A_759, %swap3A_760] {strides = array<i32>} : memref<80x128xf32, #tpu.memory_space<vmem>>, vector<1x16xf32>,
        %swap3A_762 = vector.shape_cast %swap3A_761 : vector<1x16xf32> to vector<16xf32>
        %swap3A_763 = vector.shape_cast %add3A_758 : vector<16xf32> to vector<1x16xf32>
        tpu.vector_store %arg16[%swap3A_759, %swap3A_760], %swap3A_763 {strides = array<i32>} : memref<80x128xf32, #tpu.memory_space<vmem>>, vector<1x16xf32>,
        %get3A_764 = arith.index_cast %add3A_679 : i32 to index
        %get3A_765 = arith.constant 96 : index
        %get3A_766 = tpu.vector_load %arg12[%get3A_764, %get3A_765] {strides = array<i32>} : memref<80x256xf32, #tpu.memory_space<vmem>>, vector<1x16xf32>,
        %get3A_767 = vector.shape_cast %get3A_766 : vector<1x16xf32> to vector<16xf32>
        %get3A_768 = arith.index_cast %add3A_679 : i32 to index
        %get3A_769 = arith.constant 96 : index
        %get3A_770 = tpu.vector_load %arg14[%get3A_768, %get3A_769] {strides = array<i32>} : memref<80x256xf32, #tpu.memory_space<vmem>>, vector<1x16xf32>,
        %get3A_771 = vector.shape_cast %get3A_770 : vector<1x16xf32> to vector<16xf32>
        %add3A_772 = arith.addf %get3A_767, %get3A_771 : vector<16xf32>
        %swap3A_773 = arith.index_cast %add3A_679 : i32 to index
        %swap3A_774 = arith.constant 96 : index
        %swap3A_775 = tpu.vector_load %arg16[%swap3A_773, %swap3A_774] {strides = array<i32>} : memref<80x128xf32, #tpu.memory_space<vmem>>, vector<1x16xf32>,
        %swap3A_776 = vector.shape_cast %swap3A_775 : vector<1x16xf32> to vector<16xf32>
        %swap3A_777 = vector.shape_cast %add3A_772 : vector<16xf32> to vector<1x16xf32>
        tpu.vector_store %arg16[%swap3A_773, %swap3A_774], %swap3A_777 {strides = array<i32>} : memref<80x128xf32, #tpu.memory_space<vmem>>, vector<1x16xf32>,
        %get3A_778 = arith.index_cast %add3A_679 : i32 to index
        %get3A_779 = arith.constant 112 : index
        %get3A_780 = tpu.vector_load %arg12[%get3A_778, %get3A_779] {strides = array<i32>} : memref<80x256xf32, #tpu.memory_space<vmem>>, vector<1x16xf32>,
        %get3A_781 = vector.shape_cast %get3A_780 : vector<1x16xf32> to vector<16xf32>
        %get3A_782 = arith.index_cast %add3A_679 : i32 to index
        %get3A_783 = arith.constant 112 : index
        %get3A_784 = tpu.vector_load %arg14[%get3A_782, %get3A_783] {strides = array<i32>} : memref<80x256xf32, #tpu.memory_space<vmem>>, vector<1x16xf32>,
        %get3A_785 = vector.shape_cast %get3A_784 : vector<1x16xf32> to vector<16xf32>
        %add3A_786 = arith.addf %get3A_781, %get3A_785 : vector<16xf32>
        %swap3A_787 = arith.index_cast %add3A_679 : i32 to index
        %swap3A_788 = arith.constant 112 : index
        %swap3A_789 = tpu.vector_load %arg16[%swap3A_787, %swap3A_788] {strides = array<i32>} : memref<80x128xf32, #tpu.memory_space<vmem>>, vector<1x16xf32>,
        %swap3A_790 = vector.shape_cast %swap3A_789 : vector<1x16xf32> to vector<16xf32>
        %swap3A_791 = vector.shape_cast %add3A_786 : vector<16xf32> to vector<1x16xf32>
        tpu.vector_store %arg16[%swap3A_787, %swap3A_788], %swap3A_791 {strides = array<i32>} : memref<80x128xf32, #tpu.memory_space<vmem>>, vector<1x16xf32>,
        %get3A_792 = arith.index_cast %add3A_679 : i32 to index
        %get3A_793 = arith.constant 128 : index
        %get3A_794 = tpu.vector_load %arg12[%get3A_792, %get3A_793] {strides = array<i32>} : memref<80x256xf32, #tpu.memory_space<vmem>>, vector<1x16xf32>,
        %get3A_795 = vector.shape_cast %get3A_794 : vector<1x16xf32> to vector<16xf32>
        %get3A_796 = arith.index_cast %add3A_679 : i32 to index
        %get3A_797 = arith.constant 128 : index
        %get3A_798 = tpu.vector_load %arg14[%get3A_796, %get3A_797] {strides = array<i32>} : memref<80x256xf32, #tpu.memory_space<vmem>>, vector<1x16xf32>,
        %get3A_799 = vector.shape_cast %get3A_798 : vector<1x16xf32> to vector<16xf32>
        %add3A_800 = arith.addf %get3A_795, %get3A_799 : vector<16xf32>
        %swap3A_801 = arith.index_cast %add3A_679 : i32 to index
        %swap3A_802 = arith.constant 0 : index
        %swap3A_803 = tpu.vector_load %arg18[%swap3A_801, %swap3A_802] {strides = array<i32>} : memref<80x16xf32, #tpu.memory_space<vmem>>, vector<1x16xf32>,
        %swap3A_804 = vector.shape_cast %swap3A_803 : vector<1x16xf32> to vector<16xf32>
        %swap3A_805 = vector.shape_cast %add3A_800 : vector<16xf32> to vector<1x16xf32>
        tpu.vector_store %arg18[%swap3A_801, %swap3A_802], %swap3A_805 {strides = array<i32>} : memref<80x16xf32, #tpu.memory_space<vmem>>, vector<1x16xf32>,
        %mul3A_806 = arith.constant 4 : i32
        %mul3A_807 = arith.muli %scan3A_417, %mul3A_806 : i32
        %add3A_808 = arith.constant 3 : i32
        %add3A_809 = arith.addi %mul3A_807, %add3A_808 : i32
        %get3A_810 = arith.index_cast %add3A_809 : i32 to index
        %get3A_811 = arith.constant 0 : index
        %get3A_812 = tpu.vector_load %arg12[%get3A_810, %get3A_811] {strides = array<i32>} : memref<80x256xf32, #tpu.memory_space<vmem>>, vector<1x16xf32>,
        %get3A_813 = vector.shape_cast %get3A_812 : vector<1x16xf32> to vector<16xf32>
        %get3A_814 = arith.index_cast %add3A_809 : i32 to index
        %get3A_815 = arith.constant 0 : index
        %get3A_816 = tpu.vector_load %arg14[%get3A_814, %get3A_815] {strides = array<i32>} : memref<80x256xf32, #tpu.memory_space<vmem>>, vector<1x16xf32>,
        %get3A_817 = vector.shape_cast %get3A_816 : vector<1x16xf32> to vector<16xf32>
        %add3A_818 = arith.addf %get3A_813, %get3A_817 : vector<16xf32>
        %swap3A_819 = arith.index_cast %add3A_809 : i32 to index
        %swap3A_820 = arith.constant 0 : index
        %swap3A_821 = tpu.vector_load %arg16[%swap3A_819, %swap3A_820] {strides = array<i32>} : memref<80x128xf32, #tpu.memory_space<vmem>>, vector<1x16xf32>,
        %swap3A_822 = vector.shape_cast %swap3A_821 : vector<1x16xf32> to vector<16xf32>
        %swap3A_823 = vector.shape_cast %add3A_818 : vector<16xf32> to vector<1x16xf32>
        tpu.vector_store %arg16[%swap3A_819, %swap3A_820], %swap3A_823 {strides = array<i32>} : memref<80x128xf32, #tpu.memory_space<vmem>>, vector<1x16xf32>,
        %get3A_824 = arith.index_cast %add3A_809 : i32 to index
        %get3A_825 = arith.constant 16 : index
        %get3A_826 = tpu.vector_load %arg12[%get3A_824, %get3A_825] {strides = array<i32>} : memref<80x256xf32, #tpu.memory_space<vmem>>, vector<1x16xf32>,
        %get3A_827 = vector.shape_cast %get3A_826 : vector<1x16xf32> to vector<16xf32>
        %get3A_828 = arith.index_cast %add3A_809 : i32 to index
        %get3A_829 = arith.constant 16 : index
        %get3A_830 = tpu.vector_load %arg14[%get3A_828, %get3A_829] {strides = array<i32>} : memref<80x256xf32, #tpu.memory_space<vmem>>, vector<1x16xf32>,
        %get3A_831 = vector.shape_cast %get3A_830 : vector<1x16xf32> to vector<16xf32>
        %add3A_832 = arith.addf %get3A_827, %get3A_831 : vector<16xf32>
        %swap3A_833 = arith.index_cast %add3A_809 : i32 to index
        %swap3A_834 = arith.constant 16 : index
        %swap3A_835 = tpu.vector_load %arg16[%swap3A_833, %swap3A_834] {strides = array<i32>} : memref<80x128xf32, #tpu.memory_space<vmem>>, vector<1x16xf32>,
        %swap3A_836 = vector.shape_cast %swap3A_835 : vector<1x16xf32> to vector<16xf32>
        %swap3A_837 = vector.shape_cast %add3A_832 : vector<16xf32> to vector<1x16xf32>
        tpu.vector_store %arg16[%swap3A_833, %swap3A_834], %swap3A_837 {strides = array<i32>} : memref<80x128xf32, #tpu.memory_space<vmem>>, vector<1x16xf32>,
        %get3A_838 = arith.index_cast %add3A_809 : i32 to index
        %get3A_839 = arith.constant 32 : index
        %get3A_840 = tpu.vector_load %arg12[%get3A_838, %get3A_839] {strides = array<i32>} : memref<80x256xf32, #tpu.memory_space<vmem>>, vector<1x16xf32>,
        %get3A_841 = vector.shape_cast %get3A_840 : vector<1x16xf32> to vector<16xf32>
        %get3A_842 = arith.index_cast %add3A_809 : i32 to index
        %get3A_843 = arith.constant 32 : index
        %get3A_844 = tpu.vector_load %arg14[%get3A_842, %get3A_843] {strides = array<i32>} : memref<80x256xf32, #tpu.memory_space<vmem>>, vector<1x16xf32>,
        %get3A_845 = vector.shape_cast %get3A_844 : vector<1x16xf32> to vector<16xf32>
        %add3A_846 = arith.addf %get3A_841, %get3A_845 : vector<16xf32>
        %swap3A_847 = arith.index_cast %add3A_809 : i32 to index
        %swap3A_848 = arith.constant 32 : index
        %swap3A_849 = tpu.vector_load %arg16[%swap3A_847, %swap3A_848] {strides = array<i32>} : memref<80x128xf32, #tpu.memory_space<vmem>>, vector<1x16xf32>,
        %swap3A_850 = vector.shape_cast %swap3A_849 : vector<1x16xf32> to vector<16xf32>
        %swap3A_851 = vector.shape_cast %add3A_846 : vector<16xf32> to vector<1x16xf32>
        tpu.vector_store %arg16[%swap3A_847, %swap3A_848], %swap3A_851 {strides = array<i32>} : memref<80x128xf32, #tpu.memory_space<vmem>>, vector<1x16xf32>,
        %get3A_852 = arith.index_cast %add3A_809 : i32 to index
        %get3A_853 = arith.constant 48 : index
        %get3A_854 = tpu.vector_load %arg12[%get3A_852, %get3A_853] {strides = array<i32>} : memref<80x256xf32, #tpu.memory_space<vmem>>, vector<1x16xf32>,
        %get3A_855 = vector.shape_cast %get3A_854 : vector<1x16xf32> to vector<16xf32>
        %get3A_856 = arith.index_cast %add3A_809 : i32 to index
        %get3A_857 = arith.constant 48 : index
        %get3A_858 = tpu.vector_load %arg14[%get3A_856, %get3A_857] {strides = array<i32>} : memref<80x256xf32, #tpu.memory_space<vmem>>, vector<1x16xf32>,
        %get3A_859 = vector.shape_cast %get3A_858 : vector<1x16xf32> to vector<16xf32>
        %add3A_860 = arith.addf %get3A_855, %get3A_859 : vector<16xf32>
        %swap3A_861 = arith.index_cast %add3A_809 : i32 to index
        %swap3A_862 = arith.constant 48 : index
        %swap3A_863 = tpu.vector_load %arg16[%swap3A_861, %swap3A_862] {strides = array<i32>} : memref<80x128xf32, #tpu.memory_space<vmem>>, vector<1x16xf32>,
        %swap3A_864 = vector.shape_cast %swap3A_863 : vector<1x16xf32> to vector<16xf32>
        %swap3A_865 = vector.shape_cast %add3A_860 : vector<16xf32> to vector<1x16xf32>
        tpu.vector_store %arg16[%swap3A_861, %swap3A_862], %swap3A_865 {strides = array<i32>} : memref<80x128xf32, #tpu.memory_space<vmem>>, vector<1x16xf32>,
        %get3A_866 = arith.index_cast %add3A_809 : i32 to index
        %get3A_867 = arith.constant 64 : index
        %get3A_868 = tpu.vector_load %arg12[%get3A_866, %get3A_867] {strides = array<i32>} : memref<80x256xf32, #tpu.memory_space<vmem>>, vector<1x16xf32>,
        %get3A_869 = vector.shape_cast %get3A_868 : vector<1x16xf32> to vector<16xf32>
        %get3A_870 = arith.index_cast %add3A_809 : i32 to index
        %get3A_871 = arith.constant 64 : index
        %get3A_872 = tpu.vector_load %arg14[%get3A_870, %get3A_871] {strides = array<i32>} : memref<80x256xf32, #tpu.memory_space<vmem>>, vector<1x16xf32>,
        %get3A_873 = vector.shape_cast %get3A_872 : vector<1x16xf32> to vector<16xf32>
        %add3A_874 = arith.addf %get3A_869, %get3A_873 : vector<16xf32>
        %swap3A_875 = arith.index_cast %add3A_809 : i32 to index
        %swap3A_876 = arith.constant 64 : index
        %swap3A_877 = tpu.vector_load %arg16[%swap3A_875, %swap3A_876] {strides = array<i32>} : memref<80x128xf32, #tpu.memory_space<vmem>>, vector<1x16xf32>,
        %swap3A_878 = vector.shape_cast %swap3A_877 : vector<1x16xf32> to vector<16xf32>
        %swap3A_879 = vector.shape_cast %add3A_874 : vector<16xf32> to vector<1x16xf32>
        tpu.vector_store %arg16[%swap3A_875, %swap3A_876], %swap3A_879 {strides = array<i32>} : memref<80x128xf32, #tpu.memory_space<vmem>>, vector<1x16xf32>,
        %get3A_880 = arith.index_cast %add3A_809 : i32 to index
        %get3A_881 = arith.constant 80 : index
        %get3A_882 = tpu.vector_load %arg12[%get3A_880, %get3A_881] {strides = array<i32>} : memref<80x256xf32, #tpu.memory_space<vmem>>, vector<1x16xf32>,
        %get3A_883 = vector.shape_cast %get3A_882 : vector<1x16xf32> to vector<16xf32>
        %get3A_884 = arith.index_cast %add3A_809 : i32 to index
        %get3A_885 = arith.constant 80 : index
        %get3A_886 = tpu.vector_load %arg14[%get3A_884, %get3A_885] {strides = array<i32>} : memref<80x256xf32, #tpu.memory_space<vmem>>, vector<1x16xf32>,
        %get3A_887 = vector.shape_cast %get3A_886 : vector<1x16xf32> to vector<16xf32>
        %add3A_888 = arith.addf %get3A_883, %get3A_887 : vector<16xf32>
        %swap3A_889 = arith.index_cast %add3A_809 : i32 to index
        %swap3A_890 = arith.constant 80 : index
        %swap3A_891 = tpu.vector_load %arg16[%swap3A_889, %swap3A_890] {strides = array<i32>} : memref<80x128xf32, #tpu.memory_space<vmem>>, vector<1x16xf32>,
        %swap3A_892 = vector.shape_cast %swap3A_891 : vector<1x16xf32> to vector<16xf32>
        %swap3A_893 = vector.shape_cast %add3A_888 : vector<16xf32> to vector<1x16xf32>
        tpu.vector_store %arg16[%swap3A_889, %swap3A_890], %swap3A_893 {strides = array<i32>} : memref<80x128xf32, #tpu.memory_space<vmem>>, vector<1x16xf32>,
        %get3A_894 = arith.index_cast %add3A_809 : i32 to index
        %get3A_895 = arith.constant 96 : index
        %get3A_896 = tpu.vector_load %arg12[%get3A_894, %get3A_895] {strides = array<i32>} : memref<80x256xf32, #tpu.memory_space<vmem>>, vector<1x16xf32>,
        %get3A_897 = vector.shape_cast %get3A_896 : vector<1x16xf32> to vector<16xf32>
        %get3A_898 = arith.index_cast %add3A_809 : i32 to index
        %get3A_899 = arith.constant 96 : index
        %get3A_900 = tpu.vector_load %arg14[%get3A_898, %get3A_899] {strides = array<i32>} : memref<80x256xf32, #tpu.memory_space<vmem>>, vector<1x16xf32>,
        %get3A_901 = vector.shape_cast %get3A_900 : vector<1x16xf32> to vector<16xf32>
        %add3A_902 = arith.addf %get3A_897, %get3A_901 : vector<16xf32>
        %swap3A_903 = arith.index_cast %add3A_809 : i32 to index
        %swap3A_904 = arith.constant 96 : index
        %swap3A_905 = tpu.vector_load %arg16[%swap3A_903, %swap3A_904] {strides = array<i32>} : memref<80x128xf32, #tpu.memory_space<vmem>>, vector<1x16xf32>,
        %swap3A_906 = vector.shape_cast %swap3A_905 : vector<1x16xf32> to vector<16xf32>
        %swap3A_907 = vector.shape_cast %add3A_902 : vector<16xf32> to vector<1x16xf32>
        tpu.vector_store %arg16[%swap3A_903, %swap3A_904], %swap3A_907 {strides = array<i32>} : memref<80x128xf32, #tpu.memory_space<vmem>>, vector<1x16xf32>,
        %get3A_908 = arith.index_cast %add3A_809 : i32 to index
        %get3A_909 = arith.constant 112 : index
        %get3A_910 = tpu.vector_load %arg12[%get3A_908, %get3A_909] {strides = array<i32>} : memref<80x256xf32, #tpu.memory_space<vmem>>, vector<1x16xf32>,
        %get3A_911 = vector.shape_cast %get3A_910 : vector<1x16xf32> to vector<16xf32>
        %get3A_912 = arith.index_cast %add3A_809 : i32 to index
        %get3A_913 = arith.constant 112 : index
        %get3A_914 = tpu.vector_load %arg14[%get3A_912, %get3A_913] {strides = array<i32>} : memref<80x256xf32, #tpu.memory_space<vmem>>, vector<1x16xf32>,
        %get3A_915 = vector.shape_cast %get3A_914 : vector<1x16xf32> to vector<16xf32>
        %add3A_916 = arith.addf %get3A_911, %get3A_915 : vector<16xf32>
        %swap3A_917 = arith.index_cast %add3A_809 : i32 to index
        %swap3A_918 = arith.constant 112 : index
        %swap3A_919 = tpu.vector_load %arg16[%swap3A_917, %swap3A_918] {strides = array<i32>} : memref<80x128xf32, #tpu.memory_space<vmem>>, vector<1x16xf32>,
        %swap3A_920 = vector.shape_cast %swap3A_919 : vector<1x16xf32> to vector<16xf32>
        %swap3A_921 = vector.shape_cast %add3A_916 : vector<16xf32> to vector<1x16xf32>
        tpu.vector_store %arg16[%swap3A_917, %swap3A_918], %swap3A_921 {strides = array<i32>} : memref<80x128xf32, #tpu.memory_space<vmem>>, vector<1x16xf32>,
        %get3A_922 = arith.index_cast %add3A_809 : i32 to index
        %get3A_923 = arith.constant 128 : index
        %get3A_924 = tpu.vector_load %arg12[%get3A_922, %get3A_923] {strides = array<i32>} : memref<80x256xf32, #tpu.memory_space<vmem>>, vector<1x16xf32>,
        %get3A_925 = vector.shape_cast %get3A_924 : vector<1x16xf32> to vector<16xf32>
        %get3A_926 = arith.index_cast %add3A_809 : i32 to index
        %get3A_927 = arith.constant 128 : index
        %get3A_928 = tpu.vector_load %arg14[%get3A_926, %get3A_927] {strides = array<i32>} : memref<80x256xf32, #tpu.memory_space<vmem>>, vector<1x16xf32>,
        %get3A_929 = vector.shape_cast %get3A_928 : vector<1x16xf32> to vector<16xf32>
        %add3A_930 = arith.addf %get3A_925, %get3A_929 : vector<16xf32>
        %swap3A_931 = arith.index_cast %add3A_809 : i32 to index
        %swap3A_932 = arith.constant 0 : index
        %swap3A_933 = tpu.vector_load %arg18[%swap3A_931, %swap3A_932] {strides = array<i32>} : memref<80x16xf32, #tpu.memory_space<vmem>>, vector<1x16xf32>,
        %swap3A_934 = vector.shape_cast %swap3A_933 : vector<1x16xf32> to vector<16xf32>
        %swap3A_935 = vector.shape_cast %add3A_930 : vector<16xf32> to vector<1x16xf32>
        tpu.vector_store %arg18[%swap3A_931, %swap3A_932], %swap3A_935 {strides = array<i32>} : memref<80x16xf32, #tpu.memory_space<vmem>>, vector<1x16xf32>,
      }
      %scan3A_276 = arith.constant 20 : i32
      %mul3A_277 = arith.constant 80 : i32
      %mul3A_278 = arith.muli %mul3A_230, %mul3A_277 : i32
      %add3A_279 = arith.addi %mul3A_2, %mul3A_278 : i32
      %dma_start3A_280 = arith.constant 0 : i32
      %dma_start3A_281 = tpu.memref_slice %arg6[%add3A_279, %dma_start3A_280] : memref<320000x128xf32, #tpu.memory_space<hbm>> -> memref<80x128xf32, #tpu.memory_space<hbm>>
      %dma_start3A_282 = arith.constant 0 : i32
      %dma_start3A_283 = tpu.memref_slice %arg6[%add3A_279, %dma_start3A_282] : memref<320000x128xf32, #tpu.memory_space<hbm>> -> memref<80x128xf32, #tpu.memory_space<hbm>>
      tpu.enqueue_dma source(%arg16 : memref<80x128xf32, #tpu.memory_space<vmem>>) target(%dma_start3A_283 : memref<80x128xf32, #tpu.memory_space<hbm>>) target_semaphore(%arg24 : memref<!tpu.dma_semaphore, #tpu.memory_space<semaphore_mem>>)
      %mul3A_284 = arith.constant 80 : i32
      %mul3A_285 = arith.muli %mul3A_230, %mul3A_284 : i32
      %add3A_286 = arith.addi %mul3A_2, %mul3A_285 : i32
      %dma_start3A_287 = arith.constant 0 : i32
      %dma_start3A_288 = tpu.memref_slice %arg7[%add3A_286, %dma_start3A_287] : memref<320000x16xf32, #tpu.memory_space<hbm>> -> memref<80x16xf32, #tpu.memory_space<hbm>>
      %dma_start3A_289 = arith.constant 0 : i32
      %dma_start3A_290 = tpu.memref_slice %arg7[%add3A_286, %dma_start3A_289] : memref<320000x16xf32, #tpu.memory_space<hbm>> -> memref<80x16xf32, #tpu.memory_space<hbm>>
      tpu.enqueue_dma source(%arg18 : memref<80x16xf32, #tpu.memory_space<vmem>>) target(%dma_start3A_290 : memref<80x16xf32, #tpu.memory_space<hbm>>) target_semaphore(%arg24 : memref<!tpu.dma_semaphore, #tpu.memory_space<semaphore_mem>>)
      %add3A_291 = arith.constant 2 : i32
      %add3A_292 = arith.addi %mul3A_230, %add3A_291 : i32
      %dma_wait3A_293 = arith.constant 0 : i32
      %dma_wait3A_294 = arith.constant 0 : i32
      %dma_wait3A_295 = tpu.memref_slice %arg4[%arg0, %arg1, %add3A_292, %dma_wait3A_293, %dma_wait3A_294] : memref<2x16x127x1x80xi32, #tpu.memory_space<hbm>> -> memref<1x1x1x1x80xi32, #tpu.memory_space<hbm>>
      %dma_wait3A_296 = tpu.memref_squeeze %dma_wait3A_295 : memref<1x1x1x1x80xi32, #tpu.memory_space<hbm>> -> memref<1x80xi32, #tpu.memory_space<hbm>>
      %dma_wait3A_297 = arith.constant 0 : i32
      %dma_wait3A_298 = arith.constant 0 : i32
      %dma_wait3A_299 = tpu.memref_slice %arg4[%arg0, %arg1, %add3A_292, %dma_wait3A_297, %dma_wait3A_298] : memref<2x16x127x1x80xi32, #tpu.memory_space<hbm>> -> memref<1x1x1x1x80xi32, #tpu.memory_space<hbm>>
      %dma_wait3A_300 = tpu.memref_squeeze %dma_wait3A_299 : memref<1x1x1x1x80xi32, #tpu.memory_space<hbm>> -> memref<1x80xi32, #tpu.memory_space<hbm>>
      tpu.wait_dma2 semaphore(%arg26 : memref<!tpu.dma_semaphore, #tpu.memory_space<semaphore_mem>>) src(%dma_wait3A_300 : memref<1x80xi32, #tpu.memory_space<hbm>>) dst(%arg8 : memref<1x80xi32, #tpu.memory_space<vmem>>)
      %dma_wait3A_301 = arith.constant 0 : i32
      %dma_wait3A_302 = arith.constant 0 : i32
      %dma_wait3A_303 = tpu.memref_slice %arg5[%arg0, %arg1, %add3A_292, %dma_wait3A_301, %dma_wait3A_302] : memref<2x16x127x1x80xi32, #tpu.memory_space<hbm>> -> memref<1x1x1x1x80xi32, #tpu.memory_space<hbm>>
      %dma_wait3A_304 = tpu.memref_squeeze %dma_wait3A_303 : memref<1x1x1x1x80xi32, #tpu.memory_space<hbm>> -> memref<1x80xi32, #tpu.memory_space<hbm>>
      %dma_wait3A_305 = arith.constant 0 : i32
      %dma_wait3A_306 = arith.constant 0 : i32
      %dma_wait3A_307 = tpu.memref_slice %arg5[%arg0, %arg1, %add3A_292, %dma_wait3A_305, %dma_wait3A_306] : memref<2x16x127x1x80xi32, #tpu.memory_space<hbm>> -> memref<1x1x1x1x80xi32, #tpu.memory_space<hbm>>
      %dma_wait3A_308 = tpu.memref_squeeze %dma_wait3A_307 : memref<1x1x1x1x80xi32, #tpu.memory_space<hbm>> -> memref<1x80xi32, #tpu.memory_space<hbm>>
      tpu.wait_dma2 semaphore(%arg26 : memref<!tpu.dma_semaphore, #tpu.memory_space<semaphore_mem>>) src(%dma_wait3A_308 : memref<1x80xi32, #tpu.memory_space<hbm>>) dst(%arg10 : memref<1x80xi32, #tpu.memory_space<vmem>>)
      %dma_start3A_309 = arith.constant 0 : i32
      %dma_start3A_310 = arith.constant 0 : i32
      %dma_start3A_311 = tpu.memref_slice %arg8[%dma_start3A_309, %dma_start3A_310] : memref<1x80xi32, #tpu.memory_space<vmem>> -> memref<1x80xi32, #tpu.memory_space<vmem>>
      %dma_start3A_312 = tpu.memref_squeeze %dma_start3A_311 : memref<1x80xi32, #tpu.memory_space<vmem>> -> memref<80xi32, #tpu.memory_space<vmem>>
      %dma_start3A_313 = arith.constant 0 : i32
      %dma_start3A_314 = arith.constant 0 : i32
      %dma_start3A_315 = tpu.memref_slice %arg2[%dma_start3A_313, %dma_start3A_314] : memref<10000x256xf32, #tpu.memory_space<hbm>> -> memref<10000x256xf32, #tpu.memory_space<hbm>>
      tpu.enqueue_indirect_dma source(%dma_start3A_315 : memref<10000x256xf32, #tpu.memory_space<hbm>>) target(%arg12 : memref<80x256xf32, #tpu.memory_space<vmem>>) offsets(%dma_start3A_312 : memref<80xi32, #tpu.memory_space<vmem>>) semaphore(%arg20 : memref<!tpu.dma_semaphore, #tpu.memory_space<semaphore_mem>>)
      %dma_start3A_316 = arith.constant 0 : i32
      %dma_start3A_317 = arith.constant 0 : i32
      %dma_start3A_318 = tpu.memref_slice %arg10[%dma_start3A_316, %dma_start3A_317] : memref<1x80xi32, #tpu.memory_space<vmem>> -> memref<1x80xi32, #tpu.memory_space<vmem>>
      %dma_start3A_319 = tpu.memref_squeeze %dma_start3A_318 : memref<1x80xi32, #tpu.memory_space<vmem>> -> memref<80xi32, #tpu.memory_space<vmem>>
      %dma_start3A_320 = arith.constant 0 : i32
      %dma_start3A_321 = arith.constant 0 : i32
      %dma_start3A_322 = tpu.memref_slice %arg3[%dma_start3A_320, %dma_start3A_321] : memref<10000x256xf32, #tpu.memory_space<hbm>> -> memref<10000x256xf32, #tpu.memory_space<hbm>>
      tpu.enqueue_indirect_dma source(%dma_start3A_322 : memref<10000x256xf32, #tpu.memory_space<hbm>>) target(%arg14 : memref<80x256xf32, #tpu.memory_space<vmem>>) offsets(%dma_start3A_319 : memref<80xi32, #tpu.memory_space<vmem>>) semaphore(%arg22 : memref<!tpu.dma_semaphore, #tpu.memory_space<semaphore_mem>>)
      %add3A_323 = arith.constant 1 : i32
      %add3A_324 = arith.addi %mul3A_230, %add3A_323 : i32
      %add3A_325 = arith.constant 2 : i32
      %add3A_326 = arith.addi %add3A_324, %add3A_325 : i32
      %dma_start3A_327 = arith.constant 0 : i32
      %dma_start3A_328 = arith.constant 0 : i32
      %dma_start3A_329 = tpu.memref_slice %arg4[%arg0, %arg1, %add3A_326, %dma_start3A_327, %dma_start3A_328] : memref<2x16x127x1x80xi32, #tpu.memory_space<hbm>> -> memref<1x1x1x1x80xi32, #tpu.memory_space<hbm>>
      %dma_start3A_330 = tpu.memref_squeeze %dma_start3A_329 : memref<1x1x1x1x80xi32, #tpu.memory_space<hbm>> -> memref<1x80xi32, #tpu.memory_space<hbm>>
      %dma_start3A_331 = arith.constant 0 : i32
      %dma_start3A_332 = arith.constant 0 : i32
      %dma_start3A_333 = tpu.memref_slice %arg4[%arg0, %arg1, %add3A_326, %dma_start3A_331, %dma_start3A_332] : memref<2x16x127x1x80xi32, #tpu.memory_space<hbm>> -> memref<1x1x1x1x80xi32, #tpu.memory_space<hbm>>
      %dma_start3A_334 = tpu.memref_squeeze %dma_start3A_333 : memref<1x1x1x1x80xi32, #tpu.memory_space<hbm>> -> memref<1x80xi32, #tpu.memory_space<hbm>>
      tpu.enqueue_dma source(%dma_start3A_334 : memref<1x80xi32, #tpu.memory_space<hbm>>) target(%arg9 : memref<1x80xi32, #tpu.memory_space<vmem>>) target_semaphore(%arg27 : memref<!tpu.dma_semaphore, #tpu.memory_space<semaphore_mem>>)
      %dma_start3A_335 = arith.constant 0 : i32
      %dma_start3A_336 = arith.constant 0 : i32
      %dma_start3A_337 = tpu.memref_slice %arg5[%arg0, %arg1, %add3A_326, %dma_start3A_335, %dma_start3A_336] : memref<2x16x127x1x80xi32, #tpu.memory_space<hbm>> -> memref<1x1x1x1x80xi32, #tpu.memory_space<hbm>>
      %dma_start3A_338 = tpu.memref_squeeze %dma_start3A_337 : memref<1x1x1x1x80xi32, #tpu.memory_space<hbm>> -> memref<1x80xi32, #tpu.memory_space<hbm>>
      %dma_start3A_339 = arith.constant 0 : i32
      %dma_start3A_340 = arith.constant 0 : i32
      %dma_start3A_341 = tpu.memref_slice %arg5[%arg0, %arg1, %add3A_326, %dma_start3A_339, %dma_start3A_340] : memref<2x16x127x1x80xi32, #tpu.memory_space<hbm>> -> memref<1x1x1x1x80xi32, #tpu.memory_space<hbm>>
      %dma_start3A_342 = tpu.memref_squeeze %dma_start3A_341 : memref<1x1x1x1x80xi32, #tpu.memory_space<hbm>> -> memref<1x80xi32, #tpu.memory_space<hbm>>
      tpu.enqueue_dma source(%dma_start3A_342 : memref<1x80xi32, #tpu.memory_space<hbm>>) target(%arg11 : memref<1x80xi32, #tpu.memory_space<vmem>>) target_semaphore(%arg27 : memref<!tpu.dma_semaphore, #tpu.memory_space<semaphore_mem>>)
      %dma_wait3A_343 = arith.constant 0 : i32
      %dma_wait3A_344 = arith.constant 0 : i32
      %dma_wait3A_345 = tpu.memref_slice %arg9[%dma_wait3A_343, %dma_wait3A_344] : memref<1x80xi32, #tpu.memory_space<vmem>> -> memref<1x80xi32, #tpu.memory_space<vmem>>
      %dma_wait3A_346 = tpu.memref_squeeze %dma_wait3A_345 : memref<1x80xi32, #tpu.memory_space<vmem>> -> memref<80xi32, #tpu.memory_space<vmem>>
      %dma_wait3A_347 = arith.constant 0 : i32
      %dma_wait3A_348 = arith.constant 0 : i32
      %dma_wait3A_349 = tpu.memref_slice %arg2[%dma_wait3A_347, %dma_wait3A_348] : memref<10000x256xf32, #tpu.memory_space<hbm>> -> memref<10000x256xf32, #tpu.memory_space<hbm>>
      tpu.wait_indirect_dma semaphore(%arg21 : memref<!tpu.dma_semaphore, #tpu.memory_space<semaphore_mem>>) src(%dma_wait3A_349 : memref<10000x256xf32, #tpu.memory_space<hbm>>) dst(%arg13 : memref<80x256xf32, #tpu.memory_space<vmem>>)
      %dma_wait3A_350 = arith.constant 0 : i32
      %dma_wait3A_351 = arith.constant 0 : i32
      %dma_wait3A_352 = tpu.memref_slice %arg11[%dma_wait3A_350, %dma_wait3A_351] : memref<1x80xi32, #tpu.memory_space<vmem>> -> memref<1x80xi32, #tpu.memory_space<vmem>>
      %dma_wait3A_353 = tpu.memref_squeeze %dma_wait3A_352 : memref<1x80xi32, #tpu.memory_space<vmem>> -> memref<80xi32, #tpu.memory_space<vmem>>
      %dma_wait3A_354 = arith.constant 0 : i32
      %dma_wait3A_355 = arith.constant 0 : i32
      %dma_wait3A_356 = tpu.memref_slice %arg3[%dma_wait3A_354, %dma_wait3A_355] : memref<10000x256xf32, #tpu.memory_space<hbm>> -> memref<10000x256xf32, #tpu.memory_space<hbm>>
      tpu.wait_indirect_dma semaphore(%arg23 : memref<!tpu.dma_semaphore, #tpu.memory_space<semaphore_mem>>) src(%dma_wait3A_356 : memref<10000x256xf32, #tpu.memory_space<hbm>>) dst(%arg15 : memref<80x256xf32, #tpu.memory_space<vmem>>)
      %dma_wait3A_357 = arith.constant 0 : i32
      %dma_wait3A_358 = tpu.memref_slice %arg6[%mul3A_2, %dma_wait3A_357] : memref<320000x128xf32, #tpu.memory_space<hbm>> -> memref<80x128xf32, #tpu.memory_space<hbm>>
      %dma_wait3A_359 = arith.constant 0 : i32
      %dma_wait3A_360 = tpu.memref_slice %arg6[%mul3A_2, %dma_wait3A_359] : memref<320000x128xf32, #tpu.memory_space<hbm>> -> memref<80x128xf32, #tpu.memory_space<hbm>>
      tpu.wait_dma2 semaphore(%arg25 : memref<!tpu.dma_semaphore, #tpu.memory_space<semaphore_mem>>) src(%arg17 : memref<80x128xf32, #tpu.memory_space<vmem>>) dst(%dma_wait3A_360 : memref<80x128xf32, #tpu.memory_space<hbm>>)
      %dma_wait3A_361 = arith.constant 0 : i32
      %dma_wait3A_362 = tpu.memref_slice %arg7[%mul3A_2, %dma_wait3A_361] : memref<320000x16xf32, #tpu.memory_space<hbm>> -> memref<80x16xf32, #tpu.memory_space<hbm>>
      %dma_wait3A_363 = arith.constant 0 : i32
      %dma_wait3A_364 = tpu.memref_slice %arg7[%mul3A_2, %dma_wait3A_363] : memref<320000x16xf32, #tpu.memory_space<hbm>> -> memref<80x16xf32, #tpu.memory_space<hbm>>
      tpu.wait_dma2 semaphore(%arg25 : memref<!tpu.dma_semaphore, #tpu.memory_space<semaphore_mem>>) src(%arg19 : memref<80x16xf32, #tpu.memory_space<vmem>>) dst(%dma_wait3A_364 : memref<80x16xf32, #tpu.memory_space<hbm>>)
      %scan3A_365 = arith.constant 0 : i32
      %scan3A_366 = arith.constant 0 : i32
      %scan3A_367 = arith.constant 20 : i32
      %scan3A_368 = arith.addi %scan3A_366, %scan3A_367 : i32
      %scan3A_369 = arith.constant 1 : i32
      scf.for %scan3A_417 = %scan3A_366 to %scan3A_368 step %scan3A_369  : i32 {
        %mul3A_418 = arith.constant 4 : i32
        %mul3A_419 = arith.muli %scan3A_417, %mul3A_418 : i32
        %add3A_420 = arith.constant 0 : i32
        %add3A_421 = arith.addi %mul3A_419, %add3A_420 : i32
        %get3A = arith.index_cast %add3A_421 : i32 to index
        %get3A_422 = arith.constant 0 : index
        %get3A_423 = tpu.vector_load %arg13[%get3A, %get3A_422] {strides = array<i32>} : memref<80x256xf32, #tpu.memory_space<vmem>>, vector<1x16xf32>,
        %get3A_424 = vector.shape_cast %get3A_423 : vector<1x16xf32> to vector<16xf32>
        %get3A_425 = arith.index_cast %add3A_421 : i32 to index
        %get3A_426 = arith.constant 0 : index
        %get3A_427 = tpu.vector_load %arg15[%get3A_425, %get3A_426] {strides = array<i32>} : memref<80x256xf32, #tpu.memory_space<vmem>>, vector<1x16xf32>,
        %get3A_428 = vector.shape_cast %get3A_427 : vector<1x16xf32> to vector<16xf32>
        %add3A_429 = arith.addf %get3A_424, %get3A_428 : vector<16xf32>
        %swap3A = arith.index_cast %add3A_421 : i32 to index
        %swap3A_430 = arith.constant 0 : index
        %swap3A_431 = tpu.vector_load %arg17[%swap3A, %swap3A_430] {strides = array<i32>} : memref<80x128xf32, #tpu.memory_space<vmem>>, vector<1x16xf32>,
        %swap3A_432 = vector.shape_cast %swap3A_431 : vector<1x16xf32> to vector<16xf32>
        %swap3A_433 = vector.shape_cast %add3A_429 : vector<16xf32> to vector<1x16xf32>
        tpu.vector_store %arg17[%swap3A, %swap3A_430], %swap3A_433 {strides = array<i32>} : memref<80x128xf32, #tpu.memory_space<vmem>>, vector<1x16xf32>,
        %get3A_434 = arith.index_cast %add3A_421 : i32 to index
        %get3A_435 = arith.constant 16 : index
        %get3A_436 = tpu.vector_load %arg13[%get3A_434, %get3A_435] {strides = array<i32>} : memref<80x256xf32, #tpu.memory_space<vmem>>, vector<1x16xf32>,
        %get3A_437 = vector.shape_cast %get3A_436 : vector<1x16xf32> to vector<16xf32>
        %get3A_438 = arith.index_cast %add3A_421 : i32 to index
        %get3A_439 = arith.constant 16 : index
        %get3A_440 = tpu.vector_load %arg15[%get3A_438, %get3A_439] {strides = array<i32>} : memref<80x256xf32, #tpu.memory_space<vmem>>, vector<1x16xf32>,
        %get3A_441 = vector.shape_cast %get3A_440 : vector<1x16xf32> to vector<16xf32>
        %add3A_442 = arith.addf %get3A_437, %get3A_441 : vector<16xf32>
        %swap3A_443 = arith.index_cast %add3A_421 : i32 to index
        %swap3A_444 = arith.constant 16 : index
        %swap3A_445 = tpu.vector_load %arg17[%swap3A_443, %swap3A_444] {strides = array<i32>} : memref<80x128xf32, #tpu.memory_space<vmem>>, vector<1x16xf32>,
        %swap3A_446 = vector.shape_cast %swap3A_445 : vector<1x16xf32> to vector<16xf32>
        %swap3A_447 = vector.shape_cast %add3A_442 : vector<16xf32> to vector<1x16xf32>
        tpu.vector_store %arg17[%swap3A_443, %swap3A_444], %swap3A_447 {strides = array<i32>} : memref<80x128xf32, #tpu.memory_space<vmem>>, vector<1x16xf32>,
        %get3A_448 = arith.index_cast %add3A_421 : i32 to index
        %get3A_449 = arith.constant 32 : index
        %get3A_450 = tpu.vector_load %arg13[%get3A_448, %get3A_449] {strides = array<i32>} : memref<80x256xf32, #tpu.memory_space<vmem>>, vector<1x16xf32>,
        %get3A_451 = vector.shape_cast %get3A_450 : vector<1x16xf32> to vector<16xf32>
        %get3A_452 = arith.index_cast %add3A_421 : i32 to index
        %get3A_453 = arith.constant 32 : index
        %get3A_454 = tpu.vector_load %arg15[%get3A_452, %get3A_453] {strides = array<i32>} : memref<80x256xf32, #tpu.memory_space<vmem>>, vector<1x16xf32>,
        %get3A_455 = vector.shape_cast %get3A_454 : vector<1x16xf32> to vector<16xf32>
        %add3A_456 = arith.addf %get3A_451, %get3A_455 : vector<16xf32>
        %swap3A_457 = arith.index_cast %add3A_421 : i32 to index
        %swap3A_458 = arith.constant 32 : index
        %swap3A_459 = tpu.vector_load %arg17[%swap3A_457, %swap3A_458] {strides = array<i32>} : memref<80x128xf32, #tpu.memory_space<vmem>>, vector<1x16xf32>,
        %swap3A_460 = vector.shape_cast %swap3A_459 : vector<1x16xf32> to vector<16xf32>
        %swap3A_461 = vector.shape_cast %add3A_456 : vector<16xf32> to vector<1x16xf32>
        tpu.vector_store %arg17[%swap3A_457, %swap3A_458], %swap3A_461 {strides = array<i32>} : memref<80x128xf32, #tpu.memory_space<vmem>>, vector<1x16xf32>,
        %get3A_462 = arith.index_cast %add3A_421 : i32 to index
        %get3A_463 = arith.constant 48 : index
        %get3A_464 = tpu.vector_load %arg13[%get3A_462, %get3A_463] {strides = array<i32>} : memref<80x256xf32, #tpu.memory_space<vmem>>, vector<1x16xf32>,
        %get3A_465 = vector.shape_cast %get3A_464 : vector<1x16xf32> to vector<16xf32>
        %get3A_466 = arith.index_cast %add3A_421 : i32 to index
        %get3A_467 = arith.constant 48 : index
        %get3A_468 = tpu.vector_load %arg15[%get3A_466, %get3A_467] {strides = array<i32>} : memref<80x256xf32, #tpu.memory_space<vmem>>, vector<1x16xf32>,
        %get3A_469 = vector.shape_cast %get3A_468 : vector<1x16xf32> to vector<16xf32>
        %add3A_470 = arith.addf %get3A_465, %get3A_469 : vector<16xf32>
        %swap3A_471 = arith.index_cast %add3A_421 : i32 to index
        %swap3A_472 = arith.constant 48 : index
        %swap3A_473 = tpu.vector_load %arg17[%swap3A_471, %swap3A_472] {strides = array<i32>} : memref<80x128xf32, #tpu.memory_space<vmem>>, vector<1x16xf32>,
        %swap3A_474 = vector.shape_cast %swap3A_473 : vector<1x16xf32> to vector<16xf32>
        %swap3A_475 = vector.shape_cast %add3A_470 : vector<16xf32> to vector<1x16xf32>
        tpu.vector_store %arg17[%swap3A_471, %swap3A_472], %swap3A_475 {strides = array<i32>} : memref<80x128xf32, #tpu.memory_space<vmem>>, vector<1x16xf32>,
        %get3A_476 = arith.index_cast %add3A_421 : i32 to index
        %get3A_477 = arith.constant 64 : index
        %get3A_478 = tpu.vector_load %arg13[%get3A_476, %get3A_477] {strides = array<i32>} : memref<80x256xf32, #tpu.memory_space<vmem>>, vector<1x16xf32>,
        %get3A_479 = vector.shape_cast %get3A_478 : vector<1x16xf32> to vector<16xf32>
        %get3A_480 = arith.index_cast %add3A_421 : i32 to index
        %get3A_481 = arith.constant 64 : index
        %get3A_482 = tpu.vector_load %arg15[%get3A_480, %get3A_481] {strides = array<i32>} : memref<80x256xf32, #tpu.memory_space<vmem>>, vector<1x16xf32>,
        %get3A_483 = vector.shape_cast %get3A_482 : vector<1x16xf32> to vector<16xf32>
        %add3A_484 = arith.addf %get3A_479, %get3A_483 : vector<16xf32>
        %swap3A_485 = arith.index_cast %add3A_421 : i32 to index
        %swap3A_486 = arith.constant 64 : index
        %swap3A_487 = tpu.vector_load %arg17[%swap3A_485, %swap3A_486] {strides = array<i32>} : memref<80x128xf32, #tpu.memory_space<vmem>>, vector<1x16xf32>,
        %swap3A_488 = vector.shape_cast %swap3A_487 : vector<1x16xf32> to vector<16xf32>
        %swap3A_489 = vector.shape_cast %add3A_484 : vector<16xf32> to vector<1x16xf32>
        tpu.vector_store %arg17[%swap3A_485, %swap3A_486], %swap3A_489 {strides = array<i32>} : memref<80x128xf32, #tpu.memory_space<vmem>>, vector<1x16xf32>,
        %get3A_490 = arith.index_cast %add3A_421 : i32 to index
        %get3A_491 = arith.constant 80 : index
        %get3A_492 = tpu.vector_load %arg13[%get3A_490, %get3A_491] {strides = array<i32>} : memref<80x256xf32, #tpu.memory_space<vmem>>, vector<1x16xf32>,
        %get3A_493 = vector.shape_cast %get3A_492 : vector<1x16xf32> to vector<16xf32>
        %get3A_494 = arith.index_cast %add3A_421 : i32 to index
        %get3A_495 = arith.constant 80 : index
        %get3A_496 = tpu.vector_load %arg15[%get3A_494, %get3A_495] {strides = array<i32>} : memref<80x256xf32, #tpu.memory_space<vmem>>, vector<1x16xf32>,
        %get3A_497 = vector.shape_cast %get3A_496 : vector<1x16xf32> to vector<16xf32>
        %add3A_498 = arith.addf %get3A_493, %get3A_497 : vector<16xf32>
        %swap3A_499 = arith.index_cast %add3A_421 : i32 to index
        %swap3A_500 = arith.constant 80 : index
        %swap3A_501 = tpu.vector_load %arg17[%swap3A_499, %swap3A_500] {strides = array<i32>} : memref<80x128xf32, #tpu.memory_space<vmem>>, vector<1x16xf32>,
        %swap3A_502 = vector.shape_cast %swap3A_501 : vector<1x16xf32> to vector<16xf32>
        %swap3A_503 = vector.shape_cast %add3A_498 : vector<16xf32> to vector<1x16xf32>
        tpu.vector_store %arg17[%swap3A_499, %swap3A_500], %swap3A_503 {strides = array<i32>} : memref<80x128xf32, #tpu.memory_space<vmem>>, vector<1x16xf32>,
        %get3A_504 = arith.index_cast %add3A_421 : i32 to index
        %get3A_505 = arith.constant 96 : index
        %get3A_506 = tpu.vector_load %arg13[%get3A_504, %get3A_505] {strides = array<i32>} : memref<80x256xf32, #tpu.memory_space<vmem>>, vector<1x16xf32>,
        %get3A_507 = vector.shape_cast %get3A_506 : vector<1x16xf32> to vector<16xf32>
        %get3A_508 = arith.index_cast %add3A_421 : i32 to index
        %get3A_509 = arith.constant 96 : index
        %get3A_510 = tpu.vector_load %arg15[%get3A_508, %get3A_509] {strides = array<i32>} : memref<80x256xf32, #tpu.memory_space<vmem>>, vector<1x16xf32>,
        %get3A_511 = vector.shape_cast %get3A_510 : vector<1x16xf32> to vector<16xf32>
        %add3A_512 = arith.addf %get3A_507, %get3A_511 : vector<16xf32>
        %swap3A_513 = arith.index_cast %add3A_421 : i32 to index
        %swap3A_514 = arith.constant 96 : index
        %swap3A_515 = tpu.vector_load %arg17[%swap3A_513, %swap3A_514] {strides = array<i32>} : memref<80x128xf32, #tpu.memory_space<vmem>>, vector<1x16xf32>,
        %swap3A_516 = vector.shape_cast %swap3A_515 : vector<1x16xf32> to vector<16xf32>
        %swap3A_517 = vector.shape_cast %add3A_512 : vector<16xf32> to vector<1x16xf32>
        tpu.vector_store %arg17[%swap3A_513, %swap3A_514], %swap3A_517 {strides = array<i32>} : memref<80x128xf32, #tpu.memory_space<vmem>>, vector<1x16xf32>,
        %get3A_518 = arith.index_cast %add3A_421 : i32 to index
        %get3A_519 = arith.constant 112 : index
        %get3A_520 = tpu.vector_load %arg13[%get3A_518, %get3A_519] {strides = array<i32>} : memref<80x256xf32, #tpu.memory_space<vmem>>, vector<1x16xf32>,
        %get3A_521 = vector.shape_cast %get3A_520 : vector<1x16xf32> to vector<16xf32>
        %get3A_522 = arith.index_cast %add3A_421 : i32 to index
        %get3A_523 = arith.constant 112 : index
        %get3A_524 = tpu.vector_load %arg15[%get3A_522, %get3A_523] {strides = array<i32>} : memref<80x256xf32, #tpu.memory_space<vmem>>, vector<1x16xf32>,
        %get3A_525 = vector.shape_cast %get3A_524 : vector<1x16xf32> to vector<16xf32>
        %add3A_526 = arith.addf %get3A_521, %get3A_525 : vector<16xf32>
        %swap3A_527 = arith.index_cast %add3A_421 : i32 to index
        %swap3A_528 = arith.constant 112 : index
        %swap3A_529 = tpu.vector_load %arg17[%swap3A_527, %swap3A_528] {strides = array<i32>} : memref<80x128xf32, #tpu.memory_space<vmem>>, vector<1x16xf32>,
        %swap3A_530 = vector.shape_cast %swap3A_529 : vector<1x16xf32> to vector<16xf32>
        %swap3A_531 = vector.shape_cast %add3A_526 : vector<16xf32> to vector<1x16xf32>
        tpu.vector_store %arg17[%swap3A_527, %swap3A_528], %swap3A_531 {strides = array<i32>} : memref<80x128xf32, #tpu.memory_space<vmem>>, vector<1x16xf32>,
        %get3A_532 = arith.index_cast %add3A_421 : i32 to index
        %get3A_533 = arith.constant 128 : index
        %get3A_534 = tpu.vector_load %arg13[%get3A_532, %get3A_533] {strides = array<i32>} : memref<80x256xf32, #tpu.memory_space<vmem>>, vector<1x16xf32>,
        %get3A_535 = vector.shape_cast %get3A_534 : vector<1x16xf32> to vector<16xf32>
        %get3A_536 = arith.index_cast %add3A_421 : i32 to index
        %get3A_537 = arith.constant 128 : index
        %get3A_538 = tpu.vector_load %arg15[%get3A_536, %get3A_537] {strides = array<i32>} : memref<80x256xf32, #tpu.memory_space<vmem>>, vector<1x16xf32>,
        %get3A_539 = vector.shape_cast %get3A_538 : vector<1x16xf32> to vector<16xf32>
        %add3A_540 = arith.addf %get3A_535, %get3A_539 : vector<16xf32>
        %swap3A_541 = arith.index_cast %add3A_421 : i32 to index
        %swap3A_542 = arith.constant 0 : index
        %swap3A_543 = tpu.vector_load %arg19[%swap3A_541, %swap3A_542] {strides = array<i32>} : memref<80x16xf32, #tpu.memory_space<vmem>>, vector<1x16xf32>,
        %swap3A_544 = vector.shape_cast %swap3A_543 : vector<1x16xf32> to vector<16xf32>
        %swap3A_545 = vector.shape_cast %add3A_540 : vector<16xf32> to vector<1x16xf32>
        tpu.vector_store %arg19[%swap3A_541, %swap3A_542], %swap3A_545 {strides = array<i32>} : memref<80x16xf32, #tpu.memory_space<vmem>>, vector<1x16xf32>,
        %mul3A_546 = arith.constant 4 : i32
        %mul3A_547 = arith.muli %scan3A_417, %mul3A_546 : i32
        %add3A_548 = arith.constant 1 : i32
        %add3A_549 = arith.addi %mul3A_547, %add3A_548 : i32
        %get3A_550 = arith.index_cast %add3A_549 : i32 to index
        %get3A_551 = arith.constant 0 : index
        %get3A_552 = tpu.vector_load %arg13[%get3A_550, %get3A_551] {strides = array<i32>} : memref<80x256xf32, #tpu.memory_space<vmem>>, vector<1x16xf32>,
        %get3A_553 = vector.shape_cast %get3A_552 : vector<1x16xf32> to vector<16xf32>
        %get3A_554 = arith.index_cast %add3A_549 : i32 to index
        %get3A_555 = arith.constant 0 : index
        %get3A_556 = tpu.vector_load %arg15[%get3A_554, %get3A_555] {strides = array<i32>} : memref<80x256xf32, #tpu.memory_space<vmem>>, vector<1x16xf32>,
        %get3A_557 = vector.shape_cast %get3A_556 : vector<1x16xf32> to vector<16xf32>
        %add3A_558 = arith.addf %get3A_553, %get3A_557 : vector<16xf32>
        %swap3A_559 = arith.index_cast %add3A_549 : i32 to index
        %swap3A_560 = arith.constant 0 : index
        %swap3A_561 = tpu.vector_load %arg17[%swap3A_559, %swap3A_560] {strides = array<i32>} : memref<80x128xf32, #tpu.memory_space<vmem>>, vector<1x16xf32>,
        %swap3A_562 = vector.shape_cast %swap3A_561 : vector<1x16xf32> to vector<16xf32>
        %swap3A_563 = vector.shape_cast %add3A_558 : vector<16xf32> to vector<1x16xf32>
        tpu.vector_store %arg17[%swap3A_559, %swap3A_560], %swap3A_563 {strides = array<i32>} : memref<80x128xf32, #tpu.memory_space<vmem>>, vector<1x16xf32>,
        %get3A_564 = arith.index_cast %add3A_549 : i32 to index
        %get3A_565 = arith.constant 16 : index
        %get3A_566 = tpu.vector_load %arg13[%get3A_564, %get3A_565] {strides = array<i32>} : memref<80x256xf32, #tpu.memory_space<vmem>>, vector<1x16xf32>,
        %get3A_567 = vector.shape_cast %get3A_566 : vector<1x16xf32> to vector<16xf32>
        %get3A_568 = arith.index_cast %add3A_549 : i32 to index
        %get3A_569 = arith.constant 16 : index
        %get3A_570 = tpu.vector_load %arg15[%get3A_568, %get3A_569] {strides = array<i32>} : memref<80x256xf32, #tpu.memory_space<vmem>>, vector<1x16xf32>,
        %get3A_571 = vector.shape_cast %get3A_570 : vector<1x16xf32> to vector<16xf32>
        %add3A_572 = arith.addf %get3A_567, %get3A_571 : vector<16xf32>
        %swap3A_573 = arith.index_cast %add3A_549 : i32 to index
        %swap3A_574 = arith.constant 16 : index
        %swap3A_575 = tpu.vector_load %arg17[%swap3A_573, %swap3A_574] {strides = array<i32>} : memref<80x128xf32, #tpu.memory_space<vmem>>, vector<1x16xf32>,
        %swap3A_576 = vector.shape_cast %swap3A_575 : vector<1x16xf32> to vector<16xf32>
        %swap3A_577 = vector.shape_cast %add3A_572 : vector<16xf32> to vector<1x16xf32>
        tpu.vector_store %arg17[%swap3A_573, %swap3A_574], %swap3A_577 {strides = array<i32>} : memref<80x128xf32, #tpu.memory_space<vmem>>, vector<1x16xf32>,
        %get3A_578 = arith.index_cast %add3A_549 : i32 to index
        %get3A_579 = arith.constant 32 : index
        %get3A_580 = tpu.vector_load %arg13[%get3A_578, %get3A_579] {strides = array<i32>} : memref<80x256xf32, #tpu.memory_space<vmem>>, vector<1x16xf32>,
        %get3A_581 = vector.shape_cast %get3A_580 : vector<1x16xf32> to vector<16xf32>
        %get3A_582 = arith.index_cast %add3A_549 : i32 to index
        %get3A_583 = arith.constant 32 : index
        %get3A_584 = tpu.vector_load %arg15[%get3A_582, %get3A_583] {strides = array<i32>} : memref<80x256xf32, #tpu.memory_space<vmem>>, vector<1x16xf32>,
        %get3A_585 = vector.shape_cast %get3A_584 : vector<1x16xf32> to vector<16xf32>
        %add3A_586 = arith.addf %get3A_581, %get3A_585 : vector<16xf32>
        %swap3A_587 = arith.index_cast %add3A_549 : i32 to index
        %swap3A_588 = arith.constant 32 : index
        %swap3A_589 = tpu.vector_load %arg17[%swap3A_587, %swap3A_588] {strides = array<i32>} : memref<80x128xf32, #tpu.memory_space<vmem>>, vector<1x16xf32>,
        %swap3A_590 = vector.shape_cast %swap3A_589 : vector<1x16xf32> to vector<16xf32>
        %swap3A_591 = vector.shape_cast %add3A_586 : vector<16xf32> to vector<1x16xf32>
        tpu.vector_store %arg17[%swap3A_587, %swap3A_588], %swap3A_591 {strides = array<i32>} : memref<80x128xf32, #tpu.memory_space<vmem>>, vector<1x16xf32>,
        %get3A_592 = arith.index_cast %add3A_549 : i32 to index
        %get3A_593 = arith.constant 48 : index
        %get3A_594 = tpu.vector_load %arg13[%get3A_592, %get3A_593] {strides = array<i32>} : memref<80x256xf32, #tpu.memory_space<vmem>>, vector<1x16xf32>,
        %get3A_595 = vector.shape_cast %get3A_594 : vector<1x16xf32> to vector<16xf32>
        %get3A_596 = arith.index_cast %add3A_549 : i32 to index
        %get3A_597 = arith.constant 48 : index
        %get3A_598 = tpu.vector_load %arg15[%get3A_596, %get3A_597] {strides = array<i32>} : memref<80x256xf32, #tpu.memory_space<vmem>>, vector<1x16xf32>,
        %get3A_599 = vector.shape_cast %get3A_598 : vector<1x16xf32> to vector<16xf32>
        %add3A_600 = arith.addf %get3A_595, %get3A_599 : vector<16xf32>
        %swap3A_601 = arith.index_cast %add3A_549 : i32 to index
        %swap3A_602 = arith.constant 48 : index
        %swap3A_603 = tpu.vector_load %arg17[%swap3A_601, %swap3A_602] {strides = array<i32>} : memref<80x128xf32, #tpu.memory_space<vmem>>, vector<1x16xf32>,
        %swap3A_604 = vector.shape_cast %swap3A_603 : vector<1x16xf32> to vector<16xf32>
        %swap3A_605 = vector.shape_cast %add3A_600 : vector<16xf32> to vector<1x16xf32>
        tpu.vector_store %arg17[%swap3A_601, %swap3A_602], %swap3A_605 {strides = array<i32>} : memref<80x128xf32, #tpu.memory_space<vmem>>, vector<1x16xf32>,
        %get3A_606 = arith.index_cast %add3A_549 : i32 to index
        %get3A_607 = arith.constant 64 : index
        %get3A_608 = tpu.vector_load %arg13[%get3A_606, %get3A_607] {strides = array<i32>} : memref<80x256xf32, #tpu.memory_space<vmem>>, vector<1x16xf32>,
        %get3A_609 = vector.shape_cast %get3A_608 : vector<1x16xf32> to vector<16xf32>
        %get3A_610 = arith.index_cast %add3A_549 : i32 to index
        %get3A_611 = arith.constant 64 : index
        %get3A_612 = tpu.vector_load %arg15[%get3A_610, %get3A_611] {strides = array<i32>} : memref<80x256xf32, #tpu.memory_space<vmem>>, vector<1x16xf32>,
        %get3A_613 = vector.shape_cast %get3A_612 : vector<1x16xf32> to vector<16xf32>
        %add3A_614 = arith.addf %get3A_609, %get3A_613 : vector<16xf32>
        %swap3A_615 = arith.index_cast %add3A_549 : i32 to index
        %swap3A_616 = arith.constant 64 : index
        %swap3A_617 = tpu.vector_load %arg17[%swap3A_615, %swap3A_616] {strides = array<i32>} : memref<80x128xf32, #tpu.memory_space<vmem>>, vector<1x16xf32>,
        %swap3A_618 = vector.shape_cast %swap3A_617 : vector<1x16xf32> to vector<16xf32>
        %swap3A_619 = vector.shape_cast %add3A_614 : vector<16xf32> to vector<1x16xf32>
        tpu.vector_store %arg17[%swap3A_615, %swap3A_616], %swap3A_619 {strides = array<i32>} : memref<80x128xf32, #tpu.memory_space<vmem>>, vector<1x16xf32>,
        %get3A_620 = arith.index_cast %add3A_549 : i32 to index
        %get3A_621 = arith.constant 80 : index
        %get3A_622 = tpu.vector_load %arg13[%get3A_620, %get3A_621] {strides = array<i32>} : memref<80x256xf32, #tpu.memory_space<vmem>>, vector<1x16xf32>,
        %get3A_623 = vector.shape_cast %get3A_622 : vector<1x16xf32> to vector<16xf32>
        %get3A_624 = arith.index_cast %add3A_549 : i32 to index
        %get3A_625 = arith.constant 80 : index
        %get3A_626 = tpu.vector_load %arg15[%get3A_624, %get3A_625] {strides = array<i32>} : memref<80x256xf32, #tpu.memory_space<vmem>>, vector<1x16xf32>,
        %get3A_627 = vector.shape_cast %get3A_626 : vector<1x16xf32> to vector<16xf32>
        %add3A_628 = arith.addf %get3A_623, %get3A_627 : vector<16xf32>
        %swap3A_629 = arith.index_cast %add3A_549 : i32 to index
        %swap3A_630 = arith.constant 80 : index
        %swap3A_631 = tpu.vector_load %arg17[%swap3A_629, %swap3A_630] {strides = array<i32>} : memref<80x128xf32, #tpu.memory_space<vmem>>, vector<1x16xf32>,
        %swap3A_632 = vector.shape_cast %swap3A_631 : vector<1x16xf32> to vector<16xf32>
        %swap3A_633 = vector.shape_cast %add3A_628 : vector<16xf32> to vector<1x16xf32>
        tpu.vector_store %arg17[%swap3A_629, %swap3A_630], %swap3A_633 {strides = array<i32>} : memref<80x128xf32, #tpu.memory_space<vmem>>, vector<1x16xf32>,
        %get3A_634 = arith.index_cast %add3A_549 : i32 to index
        %get3A_635 = arith.constant 96 : index
        %get3A_636 = tpu.vector_load %arg13[%get3A_634, %get3A_635] {strides = array<i32>} : memref<80x256xf32, #tpu.memory_space<vmem>>, vector<1x16xf32>,
        %get3A_637 = vector.shape_cast %get3A_636 : vector<1x16xf32> to vector<16xf32>
        %get3A_638 = arith.index_cast %add3A_549 : i32 to index
        %get3A_639 = arith.constant 96 : index
        %get3A_640 = tpu.vector_load %arg15[%get3A_638, %get3A_639] {strides = array<i32>} : memref<80x256xf32, #tpu.memory_space<vmem>>, vector<1x16xf32>,
        %get3A_641 = vector.shape_cast %get3A_640 : vector<1x16xf32> to vector<16xf32>
        %add3A_642 = arith.addf %get3A_637, %get3A_641 : vector<16xf32>
        %swap3A_643 = arith.index_cast %add3A_549 : i32 to index
        %swap3A_644 = arith.constant 96 : index
        %swap3A_645 = tpu.vector_load %arg17[%swap3A_643, %swap3A_644] {strides = array<i32>} : memref<80x128xf32, #tpu.memory_space<vmem>>, vector<1x16xf32>,
        %swap3A_646 = vector.shape_cast %swap3A_645 : vector<1x16xf32> to vector<16xf32>
        %swap3A_647 = vector.shape_cast %add3A_642 : vector<16xf32> to vector<1x16xf32>
        tpu.vector_store %arg17[%swap3A_643, %swap3A_644], %swap3A_647 {strides = array<i32>} : memref<80x128xf32, #tpu.memory_space<vmem>>, vector<1x16xf32>,
        %get3A_648 = arith.index_cast %add3A_549 : i32 to index
        %get3A_649 = arith.constant 112 : index
        %get3A_650 = tpu.vector_load %arg13[%get3A_648, %get3A_649] {strides = array<i32>} : memref<80x256xf32, #tpu.memory_space<vmem>>, vector<1x16xf32>,
        %get3A_651 = vector.shape_cast %get3A_650 : vector<1x16xf32> to vector<16xf32>
        %get3A_652 = arith.index_cast %add3A_549 : i32 to index
        %get3A_653 = arith.constant 112 : index
        %get3A_654 = tpu.vector_load %arg15[%get3A_652, %get3A_653] {strides = array<i32>} : memref<80x256xf32, #tpu.memory_space<vmem>>, vector<1x16xf32>,
        %get3A_655 = vector.shape_cast %get3A_654 : vector<1x16xf32> to vector<16xf32>
        %add3A_656 = arith.addf %get3A_651, %get3A_655 : vector<16xf32>
        %swap3A_657 = arith.index_cast %add3A_549 : i32 to index
        %swap3A_658 = arith.constant 112 : index
        %swap3A_659 = tpu.vector_load %arg17[%swap3A_657, %swap3A_658] {strides = array<i32>} : memref<80x128xf32, #tpu.memory_space<vmem>>, vector<1x16xf32>,
        %swap3A_660 = vector.shape_cast %swap3A_659 : vector<1x16xf32> to vector<16xf32>
        %swap3A_661 = vector.shape_cast %add3A_656 : vector<16xf32> to vector<1x16xf32>
        tpu.vector_store %arg17[%swap3A_657, %swap3A_658], %swap3A_661 {strides = array<i32>} : memref<80x128xf32, #tpu.memory_space<vmem>>, vector<1x16xf32>,
        %get3A_662 = arith.index_cast %add3A_549 : i32 to index
        %get3A_663 = arith.constant 128 : index
        %get3A_664 = tpu.vector_load %arg13[%get3A_662, %get3A_663] {strides = array<i32>} : memref<80x256xf32, #tpu.memory_space<vmem>>, vector<1x16xf32>,
        %get3A_665 = vector.shape_cast %get3A_664 : vector<1x16xf32> to vector<16xf32>
        %get3A_666 = arith.index_cast %add3A_549 : i32 to index
        %get3A_667 = arith.constant 128 : index
        %get3A_668 = tpu.vector_load %arg15[%get3A_666, %get3A_667] {strides = array<i32>} : memref<80x256xf32, #tpu.memory_space<vmem>>, vector<1x16xf32>,
        %get3A_669 = vector.shape_cast %get3A_668 : vector<1x16xf32> to vector<16xf32>
        %add3A_670 = arith.addf %get3A_665, %get3A_669 : vector<16xf32>
        %swap3A_671 = arith.index_cast %add3A_549 : i32 to index
        %swap3A_672 = arith.constant 0 : index
        %swap3A_673 = tpu.vector_load %arg19[%swap3A_671, %swap3A_672] {strides = array<i32>} : memref<80x16xf32, #tpu.memory_space<vmem>>, vector<1x16xf32>,
        %swap3A_674 = vector.shape_cast %swap3A_673 : vector<1x16xf32> to vector<16xf32>
        %swap3A_675 = vector.shape_cast %add3A_670 : vector<16xf32> to vector<1x16xf32>
        tpu.vector_store %arg19[%swap3A_671, %swap3A_672], %swap3A_675 {strides = array<i32>} : memref<80x16xf32, #tpu.memory_space<vmem>>, vector<1x16xf32>,
        %mul3A_676 = arith.constant 4 : i32
        %mul3A_677 = arith.muli %scan3A_417, %mul3A_676 : i32
        %add3A_678 = arith.constant 2 : i32
        %add3A_679 = arith.addi %mul3A_677, %add3A_678 : i32
        %get3A_680 = arith.index_cast %add3A_679 : i32 to index
        %get3A_681 = arith.constant 0 : index
        %get3A_682 = tpu.vector_load %arg13[%get3A_680, %get3A_681] {strides = array<i32>} : memref<80x256xf32, #tpu.memory_space<vmem>>, vector<1x16xf32>,
        %get3A_683 = vector.shape_cast %get3A_682 : vector<1x16xf32> to vector<16xf32>
        %get3A_684 = arith.index_cast %add3A_679 : i32 to index
        %get3A_685 = arith.constant 0 : index
        %get3A_686 = tpu.vector_load %arg15[%get3A_684, %get3A_685] {strides = array<i32>} : memref<80x256xf32, #tpu.memory_space<vmem>>, vector<1x16xf32>,
        %get3A_687 = vector.shape_cast %get3A_686 : vector<1x16xf32> to vector<16xf32>
        %add3A_688 = arith.addf %get3A_683, %get3A_687 : vector<16xf32>
        %swap3A_689 = arith.index_cast %add3A_679 : i32 to index
        %swap3A_690 = arith.constant 0 : index
        %swap3A_691 = tpu.vector_load %arg17[%swap3A_689, %swap3A_690] {strides = array<i32>} : memref<80x128xf32, #tpu.memory_space<vmem>>, vector<1x16xf32>,
        %swap3A_692 = vector.shape_cast %swap3A_691 : vector<1x16xf32> to vector<16xf32>
        %swap3A_693 = vector.shape_cast %add3A_688 : vector<16xf32> to vector<1x16xf32>
        tpu.vector_store %arg17[%swap3A_689, %swap3A_690], %swap3A_693 {strides = array<i32>} : memref<80x128xf32, #tpu.memory_space<vmem>>, vector<1x16xf32>,
        %get3A_694 = arith.index_cast %add3A_679 : i32 to index
        %get3A_695 = arith.constant 16 : index
        %get3A_696 = tpu.vector_load %arg13[%get3A_694, %get3A_695] {strides = array<i32>} : memref<80x256xf32, #tpu.memory_space<vmem>>, vector<1x16xf32>,
        %get3A_697 = vector.shape_cast %get3A_696 : vector<1x16xf32> to vector<16xf32>
        %get3A_698 = arith.index_cast %add3A_679 : i32 to index
        %get3A_699 = arith.constant 16 : index
        %get3A_700 = tpu.vector_load %arg15[%get3A_698, %get3A_699] {strides = array<i32>} : memref<80x256xf32, #tpu.memory_space<vmem>>, vector<1x16xf32>,
        %get3A_701 = vector.shape_cast %get3A_700 : vector<1x16xf32> to vector<16xf32>
        %add3A_702 = arith.addf %get3A_697, %get3A_701 : vector<16xf32>
        %swap3A_703 = arith.index_cast %add3A_679 : i32 to index
        %swap3A_704 = arith.constant 16 : index
        %swap3A_705 = tpu.vector_load %arg17[%swap3A_703, %swap3A_704] {strides = array<i32>} : memref<80x128xf32, #tpu.memory_space<vmem>>, vector<1x16xf32>,
        %swap3A_706 = vector.shape_cast %swap3A_705 : vector<1x16xf32> to vector<16xf32>
        %swap3A_707 = vector.shape_cast %add3A_702 : vector<16xf32> to vector<1x16xf32>
        tpu.vector_store %arg17[%swap3A_703, %swap3A_704], %swap3A_707 {strides = array<i32>} : memref<80x128xf32, #tpu.memory_space<vmem>>, vector<1x16xf32>,
        %get3A_708 = arith.index_cast %add3A_679 : i32 to index
        %get3A_709 = arith.constant 32 : index
        %get3A_710 = tpu.vector_load %arg13[%get3A_708, %get3A_709] {strides = array<i32>} : memref<80x256xf32, #tpu.memory_space<vmem>>, vector<1x16xf32>,
        %get3A_711 = vector.shape_cast %get3A_710 : vector<1x16xf32> to vector<16xf32>
        %get3A_712 = arith.index_cast %add3A_679 : i32 to index
        %get3A_713 = arith.constant 32 : index
        %get3A_714 = tpu.vector_load %arg15[%get3A_712, %get3A_713] {strides = array<i32>} : memref<80x256xf32, #tpu.memory_space<vmem>>, vector<1x16xf32>,
        %get3A_715 = vector.shape_cast %get3A_714 : vector<1x16xf32> to vector<16xf32>
        %add3A_716 = arith.addf %get3A_711, %get3A_715 : vector<16xf32>
        %swap3A_717 = arith.index_cast %add3A_679 : i32 to index
        %swap3A_718 = arith.constant 32 : index
        %swap3A_719 = tpu.vector_load %arg17[%swap3A_717, %swap3A_718] {strides = array<i32>} : memref<80x128xf32, #tpu.memory_space<vmem>>, vector<1x16xf32>,
        %swap3A_720 = vector.shape_cast %swap3A_719 : vector<1x16xf32> to vector<16xf32>
        %swap3A_721 = vector.shape_cast %add3A_716 : vector<16xf32> to vector<1x16xf32>
        tpu.vector_store %arg17[%swap3A_717, %swap3A_718], %swap3A_721 {strides = array<i32>} : memref<80x128xf32, #tpu.memory_space<vmem>>, vector<1x16xf32>,
        %get3A_722 = arith.index_cast %add3A_679 : i32 to index
        %get3A_723 = arith.constant 48 : index
        %get3A_724 = tpu.vector_load %arg13[%get3A_722, %get3A_723] {strides = array<i32>} : memref<80x256xf32, #tpu.memory_space<vmem>>, vector<1x16xf32>,
        %get3A_725 = vector.shape_cast %get3A_724 : vector<1x16xf32> to vector<16xf32>
        %get3A_726 = arith.index_cast %add3A_679 : i32 to index
        %get3A_727 = arith.constant 48 : index
        %get3A_728 = tpu.vector_load %arg15[%get3A_726, %get3A_727] {strides = array<i32>} : memref<80x256xf32, #tpu.memory_space<vmem>>, vector<1x16xf32>,
        %get3A_729 = vector.shape_cast %get3A_728 : vector<1x16xf32> to vector<16xf32>
        %add3A_730 = arith.addf %get3A_725, %get3A_729 : vector<16xf32>
        %swap3A_731 = arith.index_cast %add3A_679 : i32 to index
        %swap3A_732 = arith.constant 48 : index
        %swap3A_733 = tpu.vector_load %arg17[%swap3A_731, %swap3A_732] {strides = array<i32>} : memref<80x128xf32, #tpu.memory_space<vmem>>, vector<1x16xf32>,
        %swap3A_734 = vector.shape_cast %swap3A_733 : vector<1x16xf32> to vector<16xf32>
        %swap3A_735 = vector.shape_cast %add3A_730 : vector<16xf32> to vector<1x16xf32>
        tpu.vector_store %arg17[%swap3A_731, %swap3A_732], %swap3A_735 {strides = array<i32>} : memref<80x128xf32, #tpu.memory_space<vmem>>, vector<1x16xf32>,
        %get3A_736 = arith.index_cast %add3A_679 : i32 to index
        %get3A_737 = arith.constant 64 : index
        %get3A_738 = tpu.vector_load %arg13[%get3A_736, %get3A_737] {strides = array<i32>} : memref<80x256xf32, #tpu.memory_space<vmem>>, vector<1x16xf32>,
        %get3A_739 = vector.shape_cast %get3A_738 : vector<1x16xf32> to vector<16xf32>
        %get3A_740 = arith.index_cast %add3A_679 : i32 to index
        %get3A_741 = arith.constant 64 : index
        %get3A_742 = tpu.vector_load %arg15[%get3A_740, %get3A_741] {strides = array<i32>} : memref<80x256xf32, #tpu.memory_space<vmem>>, vector<1x16xf32>,
        %get3A_743 = vector.shape_cast %get3A_742 : vector<1x16xf32> to vector<16xf32>
        %add3A_744 = arith.addf %get3A_739, %get3A_743 : vector<16xf32>
        %swap3A_745 = arith.index_cast %add3A_679 : i32 to index
        %swap3A_746 = arith.constant 64 : index
        %swap3A_747 = tpu.vector_load %arg17[%swap3A_745, %swap3A_746] {strides = array<i32>} : memref<80x128xf32, #tpu.memory_space<vmem>>, vector<1x16xf32>,
        %swap3A_748 = vector.shape_cast %swap3A_747 : vector<1x16xf32> to vector<16xf32>
        %swap3A_749 = vector.shape_cast %add3A_744 : vector<16xf32> to vector<1x16xf32>
        tpu.vector_store %arg17[%swap3A_745, %swap3A_746], %swap3A_749 {strides = array<i32>} : memref<80x128xf32, #tpu.memory_space<vmem>>, vector<1x16xf32>,
        %get3A_750 = arith.index_cast %add3A_679 : i32 to index
        %get3A_751 = arith.constant 80 : index
        %get3A_752 = tpu.vector_load %arg13[%get3A_750, %get3A_751] {strides = array<i32>} : memref<80x256xf32, #tpu.memory_space<vmem>>, vector<1x16xf32>,
        %get3A_753 = vector.shape_cast %get3A_752 : vector<1x16xf32> to vector<16xf32>
        %get3A_754 = arith.index_cast %add3A_679 : i32 to index
        %get3A_755 = arith.constant 80 : index
        %get3A_756 = tpu.vector_load %arg15[%get3A_754, %get3A_755] {strides = array<i32>} : memref<80x256xf32, #tpu.memory_space<vmem>>, vector<1x16xf32>,
        %get3A_757 = vector.shape_cast %get3A_756 : vector<1x16xf32> to vector<16xf32>
        %add3A_758 = arith.addf %get3A_753, %get3A_757 : vector<16xf32>
        %swap3A_759 = arith.index_cast %add3A_679 : i32 to index
        %swap3A_760 = arith.constant 80 : index
        %swap3A_761 = tpu.vector_load %arg17[%swap3A_759, %swap3A_760] {strides = array<i32>} : memref<80x128xf32, #tpu.memory_space<vmem>>, vector<1x16xf32>,
        %swap3A_762 = vector.shape_cast %swap3A_761 : vector<1x16xf32> to vector<16xf32>
        %swap3A_763 = vector.shape_cast %add3A_758 : vector<16xf32> to vector<1x16xf32>
        tpu.vector_store %arg17[%swap3A_759, %swap3A_760], %swap3A_763 {strides = array<i32>} : memref<80x128xf32, #tpu.memory_space<vmem>>, vector<1x16xf32>,
        %get3A_764 = arith.index_cast %add3A_679 : i32 to index
        %get3A_765 = arith.constant 96 : index
        %get3A_766 = tpu.vector_load %arg13[%get3A_764, %get3A_765] {strides = array<i32>} : memref<80x256xf32, #tpu.memory_space<vmem>>, vector<1x16xf32>,
        %get3A_767 = vector.shape_cast %get3A_766 : vector<1x16xf32> to vector<16xf32>
        %get3A_768 = arith.index_cast %add3A_679 : i32 to index
        %get3A_769 = arith.constant 96 : index
        %get3A_770 = tpu.vector_load %arg15[%get3A_768, %get3A_769] {strides = array<i32>} : memref<80x256xf32, #tpu.memory_space<vmem>>, vector<1x16xf32>,
        %get3A_771 = vector.shape_cast %get3A_770 : vector<1x16xf32> to vector<16xf32>
        %add3A_772 = arith.addf %get3A_767, %get3A_771 : vector<16xf32>
        %swap3A_773 = arith.index_cast %add3A_679 : i32 to index
        %swap3A_774 = arith.constant 96 : index
        %swap3A_775 = tpu.vector_load %arg17[%swap3A_773, %swap3A_774] {strides = array<i32>} : memref<80x128xf32, #tpu.memory_space<vmem>>, vector<1x16xf32>,
        %swap3A_776 = vector.shape_cast %swap3A_775 : vector<1x16xf32> to vector<16xf32>
        %swap3A_777 = vector.shape_cast %add3A_772 : vector<16xf32> to vector<1x16xf32>
        tpu.vector_store %arg17[%swap3A_773, %swap3A_774], %swap3A_777 {strides = array<i32>} : memref<80x128xf32, #tpu.memory_space<vmem>>, vector<1x16xf32>,
        %get3A_778 = arith.index_cast %add3A_679 : i32 to index
        %get3A_779 = arith.constant 112 : index
        %get3A_780 = tpu.vector_load %arg13[%get3A_778, %get3A_779] {strides = array<i32>} : memref<80x256xf32, #tpu.memory_space<vmem>>, vector<1x16xf32>,
        %get3A_781 = vector.shape_cast %get3A_780 : vector<1x16xf32> to vector<16xf32>
        %get3A_782 = arith.index_cast %add3A_679 : i32 to index
        %get3A_783 = arith.constant 112 : index
        %get3A_784 = tpu.vector_load %arg15[%get3A_782, %get3A_783] {strides = array<i32>} : memref<80x256xf32, #tpu.memory_space<vmem>>, vector<1x16xf32>,
        %get3A_785 = vector.shape_cast %get3A_784 : vector<1x16xf32> to vector<16xf32>
        %add3A_786 = arith.addf %get3A_781, %get3A_785 : vector<16xf32>
        %swap3A_787 = arith.index_cast %add3A_679 : i32 to index
        %swap3A_788 = arith.constant 112 : index
        %swap3A_789 = tpu.vector_load %arg17[%swap3A_787, %swap3A_788] {strides = array<i32>} : memref<80x128xf32, #tpu.memory_space<vmem>>, vector<1x16xf32>,
        %swap3A_790 = vector.shape_cast %swap3A_789 : vector<1x16xf32> to vector<16xf32>
        %swap3A_791 = vector.shape_cast %add3A_786 : vector<16xf32> to vector<1x16xf32>
        tpu.vector_store %arg17[%swap3A_787, %swap3A_788], %swap3A_791 {strides = array<i32>} : memref<80x128xf32, #tpu.memory_space<vmem>>, vector<1x16xf32>,
        %get3A_792 = arith.index_cast %add3A_679 : i32 to index
        %get3A_793 = arith.constant 128 : index
        %get3A_794 = tpu.vector_load %arg13[%get3A_792, %get3A_793] {strides = array<i32>} : memref<80x256xf32, #tpu.memory_space<vmem>>, vector<1x16xf32>,
        %get3A_795 = vector.shape_cast %get3A_794 : vector<1x16xf32> to vector<16xf32>
        %get3A_796 = arith.index_cast %add3A_679 : i32 to index
        %get3A_797 = arith.constant 128 : index
        %get3A_798 = tpu.vector_load %arg15[%get3A_796, %get3A_797] {strides = array<i32>} : memref<80x256xf32, #tpu.memory_space<vmem>>, vector<1x16xf32>,
        %get3A_799 = vector.shape_cast %get3A_798 : vector<1x16xf32> to vector<16xf32>
        %add3A_800 = arith.addf %get3A_795, %get3A_799 : vector<16xf32>
        %swap3A_801 = arith.index_cast %add3A_679 : i32 to index
        %swap3A_802 = arith.constant 0 : index
        %swap3A_803 = tpu.vector_load %arg19[%swap3A_801, %swap3A_802] {strides = array<i32>} : memref<80x16xf32, #tpu.memory_space<vmem>>, vector<1x16xf32>,
        %swap3A_804 = vector.shape_cast %swap3A_803 : vector<1x16xf32> to vector<16xf32>
        %swap3A_805 = vector.shape_cast %add3A_800 : vector<16xf32> to vector<1x16xf32>
        tpu.vector_store %arg19[%swap3A_801, %swap3A_802], %swap3A_805 {strides = array<i32>} : memref<80x16xf32, #tpu.memory_space<vmem>>, vector<1x16xf32>,
        %mul3A_806 = arith.constant 4 : i32
        %mul3A_807 = arith.muli %scan3A_417, %mul3A_806 : i32
        %add3A_808 = arith.constant 3 : i32
        %add3A_809 = arith.addi %mul3A_807, %add3A_808 : i32
        %get3A_810 = arith.index_cast %add3A_809 : i32 to index
        %get3A_811 = arith.constant 0 : index
        %get3A_812 = tpu.vector_load %arg13[%get3A_810, %get3A_811] {strides = array<i32>} : memref<80x256xf32, #tpu.memory_space<vmem>>, vector<1x16xf32>,
        %get3A_813 = vector.shape_cast %get3A_812 : vector<1x16xf32> to vector<16xf32>
        %get3A_814 = arith.index_cast %add3A_809 : i32 to index
        %get3A_815 = arith.constant 0 : index
        %get3A_816 = tpu.vector_load %arg15[%get3A_814, %get3A_815] {strides = array<i32>} : memref<80x256xf32, #tpu.memory_space<vmem>>, vector<1x16xf32>,
        %get3A_817 = vector.shape_cast %get3A_816 : vector<1x16xf32> to vector<16xf32>
        %add3A_818 = arith.addf %get3A_813, %get3A_817 : vector<16xf32>
        %swap3A_819 = arith.index_cast %add3A_809 : i32 to index
        %swap3A_820 = arith.constant 0 : index
        %swap3A_821 = tpu.vector_load %arg17[%swap3A_819, %swap3A_820] {strides = array<i32>} : memref<80x128xf32, #tpu.memory_space<vmem>>, vector<1x16xf32>,
        %swap3A_822 = vector.shape_cast %swap3A_821 : vector<1x16xf32> to vector<16xf32>
        %swap3A_823 = vector.shape_cast %add3A_818 : vector<16xf32> to vector<1x16xf32>
        tpu.vector_store %arg17[%swap3A_819, %swap3A_820], %swap3A_823 {strides = array<i32>} : memref<80x128xf32, #tpu.memory_space<vmem>>, vector<1x16xf32>,
        %get3A_824 = arith.index_cast %add3A_809 : i32 to index
        %get3A_825 = arith.constant 16 : index
        %get3A_826 = tpu.vector_load %arg13[%get3A_824, %get3A_825] {strides = array<i32>} : memref<80x256xf32, #tpu.memory_space<vmem>>, vector<1x16xf32>,
        %get3A_827 = vector.shape_cast %get3A_826 : vector<1x16xf32> to vector<16xf32>
        %get3A_828 = arith.index_cast %add3A_809 : i32 to index
        %get3A_829 = arith.constant 16 : index
        %get3A_830 = tpu.vector_load %arg15[%get3A_828, %get3A_829] {strides = array<i32>} : memref<80x256xf32, #tpu.memory_space<vmem>>, vector<1x16xf32>,
        %get3A_831 = vector.shape_cast %get3A_830 : vector<1x16xf32> to vector<16xf32>
        %add3A_832 = arith.addf %get3A_827, %get3A_831 : vector<16xf32>
        %swap3A_833 = arith.index_cast %add3A_809 : i32 to index
        %swap3A_834 = arith.constant 16 : index
        %swap3A_835 = tpu.vector_load %arg17[%swap3A_833, %swap3A_834] {strides = array<i32>} : memref<80x128xf32, #tpu.memory_space<vmem>>, vector<1x16xf32>,
        %swap3A_836 = vector.shape_cast %swap3A_835 : vector<1x16xf32> to vector<16xf32>
        %swap3A_837 = vector.shape_cast %add3A_832 : vector<16xf32> to vector<1x16xf32>
        tpu.vector_store %arg17[%swap3A_833, %swap3A_834], %swap3A_837 {strides = array<i32>} : memref<80x128xf32, #tpu.memory_space<vmem>>, vector<1x16xf32>,
        %get3A_838 = arith.index_cast %add3A_809 : i32 to index
        %get3A_839 = arith.constant 32 : index
        %get3A_840 = tpu.vector_load %arg13[%get3A_838, %get3A_839] {strides = array<i32>} : memref<80x256xf32, #tpu.memory_space<vmem>>, vector<1x16xf32>,
        %get3A_841 = vector.shape_cast %get3A_840 : vector<1x16xf32> to vector<16xf32>
        %get3A_842 = arith.index_cast %add3A_809 : i32 to index
        %get3A_843 = arith.constant 32 : index
        %get3A_844 = tpu.vector_load %arg15[%get3A_842, %get3A_843] {strides = array<i32>} : memref<80x256xf32, #tpu.memory_space<vmem>>, vector<1x16xf32>,
        %get3A_845 = vector.shape_cast %get3A_844 : vector<1x16xf32> to vector<16xf32>
        %add3A_846 = arith.addf %get3A_841, %get3A_845 : vector<16xf32>
        %swap3A_847 = arith.index_cast %add3A_809 : i32 to index
        %swap3A_848 = arith.constant 32 : index
        %swap3A_849 = tpu.vector_load %arg17[%swap3A_847, %swap3A_848] {strides = array<i32>} : memref<80x128xf32, #tpu.memory_space<vmem>>, vector<1x16xf32>,
        %swap3A_850 = vector.shape_cast %swap3A_849 : vector<1x16xf32> to vector<16xf32>
        %swap3A_851 = vector.shape_cast %add3A_846 : vector<16xf32> to vector<1x16xf32>
        tpu.vector_store %arg17[%swap3A_847, %swap3A_848], %swap3A_851 {strides = array<i32>} : memref<80x128xf32, #tpu.memory_space<vmem>>, vector<1x16xf32>,
        %get3A_852 = arith.index_cast %add3A_809 : i32 to index
        %get3A_853 = arith.constant 48 : index
        %get3A_854 = tpu.vector_load %arg13[%get3A_852, %get3A_853] {strides = array<i32>} : memref<80x256xf32, #tpu.memory_space<vmem>>, vector<1x16xf32>,
        %get3A_855 = vector.shape_cast %get3A_854 : vector<1x16xf32> to vector<16xf32>
        %get3A_856 = arith.index_cast %add3A_809 : i32 to index
        %get3A_857 = arith.constant 48 : index
        %get3A_858 = tpu.vector_load %arg15[%get3A_856, %get3A_857] {strides = array<i32>} : memref<80x256xf32, #tpu.memory_space<vmem>>, vector<1x16xf32>,
        %get3A_859 = vector.shape_cast %get3A_858 : vector<1x16xf32> to vector<16xf32>
        %add3A_860 = arith.addf %get3A_855, %get3A_859 : vector<16xf32>
        %swap3A_861 = arith.index_cast %add3A_809 : i32 to index
        %swap3A_862 = arith.constant 48 : index
        %swap3A_863 = tpu.vector_load %arg17[%swap3A_861, %swap3A_862] {strides = array<i32>} : memref<80x128xf32, #tpu.memory_space<vmem>>, vector<1x16xf32>,
        %swap3A_864 = vector.shape_cast %swap3A_863 : vector<1x16xf32> to vector<16xf32>
        %swap3A_865 = vector.shape_cast %add3A_860 : vector<16xf32> to vector<1x16xf32>
        tpu.vector_store %arg17[%swap3A_861, %swap3A_862], %swap3A_865 {strides = array<i32>} : memref<80x128xf32, #tpu.memory_space<vmem>>, vector<1x16xf32>,
        %get3A_866 = arith.index_cast %add3A_809 : i32 to index
        %get3A_867 = arith.constant 64 : index
        %get3A_868 = tpu.vector_load %arg13[%get3A_866, %get3A_867] {strides = array<i32>} : memref<80x256xf32, #tpu.memory_space<vmem>>, vector<1x16xf32>,
        %get3A_869 = vector.shape_cast %get3A_868 : vector<1x16xf32> to vector<16xf32>
        %get3A_870 = arith.index_cast %add3A_809 : i32 to index
        %get3A_871 = arith.constant 64 : index
        %get3A_872 = tpu.vector_load %arg15[%get3A_870, %get3A_871] {strides = array<i32>} : memref<80x256xf32, #tpu.memory_space<vmem>>, vector<1x16xf32>,
        %get3A_873 = vector.shape_cast %get3A_872 : vector<1x16xf32> to vector<16xf32>
        %add3A_874 = arith.addf %get3A_869, %get3A_873 : vector<16xf32>
        %swap3A_875 = arith.index_cast %add3A_809 : i32 to index
        %swap3A_876 = arith.constant 64 : index
        %swap3A_877 = tpu.vector_load %arg17[%swap3A_875, %swap3A_876] {strides = array<i32>} : memref<80x128xf32, #tpu.memory_space<vmem>>, vector<1x16xf32>,
        %swap3A_878 = vector.shape_cast %swap3A_877 : vector<1x16xf32> to vector<16xf32>
        %swap3A_879 = vector.shape_cast %add3A_874 : vector<16xf32> to vector<1x16xf32>
        tpu.vector_store %arg17[%swap3A_875, %swap3A_876], %swap3A_879 {strides = array<i32>} : memref<80x128xf32, #tpu.memory_space<vmem>>, vector<1x16xf32>,
        %get3A_880 = arith.index_cast %add3A_809 : i32 to index
        %get3A_881 = arith.constant 80 : index
        %get3A_882 = tpu.vector_load %arg13[%get3A_880, %get3A_881] {strides = array<i32>} : memref<80x256xf32, #tpu.memory_space<vmem>>, vector<1x16xf32>,
        %get3A_883 = vector.shape_cast %get3A_882 : vector<1x16xf32> to vector<16xf32>
        %get3A_884 = arith.index_cast %add3A_809 : i32 to index
        %get3A_885 = arith.constant 80 : index
        %get3A_886 = tpu.vector_load %arg15[%get3A_884, %get3A_885] {strides = array<i32>} : memref<80x256xf32, #tpu.memory_space<vmem>>, vector<1x16xf32>,
        %get3A_887 = vector.shape_cast %get3A_886 : vector<1x16xf32> to vector<16xf32>
        %add3A_888 = arith.addf %get3A_883, %get3A_887 : vector<16xf32>
        %swap3A_889 = arith.index_cast %add3A_809 : i32 to index
        %swap3A_890 = arith.constant 80 : index
        %swap3A_891 = tpu.vector_load %arg17[%swap3A_889, %swap3A_890] {strides = array<i32>} : memref<80x128xf32, #tpu.memory_space<vmem>>, vector<1x16xf32>,
        %swap3A_892 = vector.shape_cast %swap3A_891 : vector<1x16xf32> to vector<16xf32>
        %swap3A_893 = vector.shape_cast %add3A_888 : vector<16xf32> to vector<1x16xf32>
        tpu.vector_store %arg17[%swap3A_889, %swap3A_890], %swap3A_893 {strides = array<i32>} : memref<80x128xf32, #tpu.memory_space<vmem>>, vector<1x16xf32>,
        %get3A_894 = arith.index_cast %add3A_809 : i32 to index
        %get3A_895 = arith.constant 96 : index
        %get3A_896 = tpu.vector_load %arg13[%get3A_894, %get3A_895] {strides = array<i32>} : memref<80x256xf32, #tpu.memory_space<vmem>>, vector<1x16xf32>,
        %get3A_897 = vector.shape_cast %get3A_896 : vector<1x16xf32> to vector<16xf32>
        %get3A_898 = arith.index_cast %add3A_809 : i32 to index
        %get3A_899 = arith.constant 96 : index
        %get3A_900 = tpu.vector_load %arg15[%get3A_898, %get3A_899] {strides = array<i32>} : memref<80x256xf32, #tpu.memory_space<vmem>>, vector<1x16xf32>,
        %get3A_901 = vector.shape_cast %get3A_900 : vector<1x16xf32> to vector<16xf32>
        %add3A_902 = arith.addf %get3A_897, %get3A_901 : vector<16xf32>
        %swap3A_903 = arith.index_cast %add3A_809 : i32 to index
        %swap3A_904 = arith.constant 96 : index
        %swap3A_905 = tpu.vector_load %arg17[%swap3A_903, %swap3A_904] {strides = array<i32>} : memref<80x128xf32, #tpu.memory_space<vmem>>, vector<1x16xf32>,
        %swap3A_906 = vector.shape_cast %swap3A_905 : vector<1x16xf32> to vector<16xf32>
        %swap3A_907 = vector.shape_cast %add3A_902 : vector<16xf32> to vector<1x16xf32>
        tpu.vector_store %arg17[%swap3A_903, %swap3A_904], %swap3A_907 {strides = array<i32>} : memref<80x128xf32, #tpu.memory_space<vmem>>, vector<1x16xf32>,
        %get3A_908 = arith.index_cast %add3A_809 : i32 to index
        %get3A_909 = arith.constant 112 : index
        %get3A_910 = tpu.vector_load %arg13[%get3A_908, %get3A_909] {strides = array<i32>} : memref<80x256xf32, #tpu.memory_space<vmem>>, vector<1x16xf32>,
        %get3A_911 = vector.shape_cast %get3A_910 : vector<1x16xf32> to vector<16xf32>
        %get3A_912 = arith.index_cast %add3A_809 : i32 to index
        %get3A_913 = arith.constant 112 : index
        %get3A_914 = tpu.vector_load %arg15[%get3A_912, %get3A_913] {strides = array<i32>} : memref<80x256xf32, #tpu.memory_space<vmem>>, vector<1x16xf32>,
        %get3A_915 = vector.shape_cast %get3A_914 : vector<1x16xf32> to vector<16xf32>
        %add3A_916 = arith.addf %get3A_911, %get3A_915 : vector<16xf32>
        %swap3A_917 = arith.index_cast %add3A_809 : i32 to index
        %swap3A_918 = arith.constant 112 : index
        %swap3A_919 = tpu.vector_load %arg17[%swap3A_917, %swap3A_918] {strides = array<i32>} : memref<80x128xf32, #tpu.memory_space<vmem>>, vector<1x16xf32>,
        %swap3A_920 = vector.shape_cast %swap3A_919 : vector<1x16xf32> to vector<16xf32>
        %swap3A_921 = vector.shape_cast %add3A_916 : vector<16xf32> to vector<1x16xf32>
        tpu.vector_store %arg17[%swap3A_917, %swap3A_918], %swap3A_921 {strides = array<i32>} : memref<80x128xf32, #tpu.memory_space<vmem>>, vector<1x16xf32>,
        %get3A_922 = arith.index_cast %add3A_809 : i32 to index
        %get3A_923 = arith.constant 128 : index
        %get3A_924 = tpu.vector_load %arg13[%get3A_922, %get3A_923] {strides = array<i32>} : memref<80x256xf32, #tpu.memory_space<vmem>>, vector<1x16xf32>,
        %get3A_925 = vector.shape_cast %get3A_924 : vector<1x16xf32> to vector<16xf32>
        %get3A_926 = arith.index_cast %add3A_809 : i32 to index
        %get3A_927 = arith.constant 128 : index
        %get3A_928 = tpu.vector_load %arg15[%get3A_926, %get3A_927] {strides = array<i32>} : memref<80x256xf32, #tpu.memory_space<vmem>>, vector<1x16xf32>,
        %get3A_929 = vector.shape_cast %get3A_928 : vector<1x16xf32> to vector<16xf32>
        %add3A_930 = arith.addf %get3A_925, %get3A_929 : vector<16xf32>
        %swap3A_931 = arith.index_cast %add3A_809 : i32 to index
        %swap3A_932 = arith.constant 0 : index
        %swap3A_933 = tpu.vector_load %arg19[%swap3A_931, %swap3A_932] {strides = array<i32>} : memref<80x16xf32, #tpu.memory_space<vmem>>, vector<1x16xf32>,
        %swap3A_934 = vector.shape_cast %swap3A_933 : vector<1x16xf32> to vector<16xf32>
        %swap3A_935 = vector.shape_cast %add3A_930 : vector<16xf32> to vector<1x16xf32>
        tpu.vector_store %arg19[%swap3A_931, %swap3A_932], %swap3A_935 {strides = array<i32>} : memref<80x16xf32, #tpu.memory_space<vmem>>, vector<1x16xf32>,
      }
      %scan3A_370 = arith.constant 20 : i32
      %mul3A_371 = arith.constant 80 : i32
      %mul3A_372 = arith.muli %add3A_324, %mul3A_371 : i32
      %add3A_373 = arith.addi %mul3A_2, %mul3A_372 : i32
      %dma_start3A_374 = arith.constant 0 : i32
      %dma_start3A_375 = tpu.memref_slice %arg6[%add3A_373, %dma_start3A_374] : memref<320000x128xf32, #tpu.memory_space<hbm>> -> memref<80x128xf32, #tpu.memory_space<hbm>>
      %dma_start3A_376 = arith.constant 0 : i32
      %dma_start3A_377 = tpu.memref_slice %arg6[%add3A_373, %dma_start3A_376] : memref<320000x128xf32, #tpu.memory_space<hbm>> -> memref<80x128xf32, #tpu.memory_space<hbm>>
      tpu.enqueue_dma source(%arg17 : memref<80x128xf32, #tpu.memory_space<vmem>>) target(%dma_start3A_377 : memref<80x128xf32, #tpu.memory_space<hbm>>) target_semaphore(%arg25 : memref<!tpu.dma_semaphore, #tpu.memory_space<semaphore_mem>>)
      %mul3A_378 = arith.constant 80 : i32
      %mul3A_379 = arith.muli %add3A_324, %mul3A_378 : i32
      %add3A_380 = arith.addi %mul3A_2, %mul3A_379 : i32
      %dma_start3A_381 = arith.constant 0 : i32
      %dma_start3A_382 = tpu.memref_slice %arg7[%add3A_380, %dma_start3A_381] : memref<320000x16xf32, #tpu.memory_space<hbm>> -> memref<80x16xf32, #tpu.memory_space<hbm>>
      %dma_start3A_383 = arith.constant 0 : i32
      %dma_start3A_384 = tpu.memref_slice %arg7[%add3A_380, %dma_start3A_383] : memref<320000x16xf32, #tpu.memory_space<hbm>> -> memref<80x16xf32, #tpu.memory_space<hbm>>
      tpu.enqueue_dma source(%arg19 : memref<80x16xf32, #tpu.memory_space<vmem>>) target(%dma_start3A_384 : memref<80x16xf32, #tpu.memory_space<hbm>>) target_semaphore(%arg25 : memref<!tpu.dma_semaphore, #tpu.memory_space<semaphore_mem>>)
      %add3A_385 = arith.constant 3 : i32
      %add3A_386 = arith.addi %mul3A_230, %add3A_385 : i32
      %dma_wait3A_387 = arith.constant 0 : i32
      %dma_wait3A_388 = arith.constant 0 : i32
      %dma_wait3A_389 = tpu.memref_slice %arg4[%arg0, %arg1, %add3A_386, %dma_wait3A_387, %dma_wait3A_388] : memref<2x16x127x1x80xi32, #tpu.memory_space<hbm>> -> memref<1x1x1x1x80xi32, #tpu.memory_space<hbm>>
      %dma_wait3A_390 = tpu.memref_squeeze %dma_wait3A_389 : memref<1x1x1x1x80xi32, #tpu.memory_space<hbm>> -> memref<1x80xi32, #tpu.memory_space<hbm>>
      %dma_wait3A_391 = arith.constant 0 : i32
      %dma_wait3A_392 = arith.constant 0 : i32
      %dma_wait3A_393 = tpu.memref_slice %arg4[%arg0, %arg1, %add3A_386, %dma_wait3A_391, %dma_wait3A_392] : memref<2x16x127x1x80xi32, #tpu.memory_space<hbm>> -> memref<1x1x1x1x80xi32, #tpu.memory_space<hbm>>
      %dma_wait3A_394 = tpu.memref_squeeze %dma_wait3A_393 : memref<1x1x1x1x80xi32, #tpu.memory_space<hbm>> -> memref<1x80xi32, #tpu.memory_space<hbm>>
      tpu.wait_dma2 semaphore(%arg27 : memref<!tpu.dma_semaphore, #tpu.memory_space<semaphore_mem>>) src(%dma_wait3A_394 : memref<1x80xi32, #tpu.memory_space<hbm>>) dst(%arg9 : memref<1x80xi32, #tpu.memory_space<vmem>>)
      %dma_wait3A_395 = arith.constant 0 : i32
      %dma_wait3A_396 = arith.constant 0 : i32
      %dma_wait3A_397 = tpu.memref_slice %arg5[%arg0, %arg1, %add3A_386, %dma_wait3A_395, %dma_wait3A_396] : memref<2x16x127x1x80xi32, #tpu.memory_space<hbm>> -> memref<1x1x1x1x80xi32, #tpu.memory_space<hbm>>
      %dma_wait3A_398 = tpu.memref_squeeze %dma_wait3A_397 : memref<1x1x1x1x80xi32, #tpu.memory_space<hbm>> -> memref<1x80xi32, #tpu.memory_space<hbm>>
      %dma_wait3A_399 = arith.constant 0 : i32
      %dma_wait3A_400 = arith.constant 0 : i32
      %dma_wait3A_401 = tpu.memref_slice %arg5[%arg0, %arg1, %add3A_386, %dma_wait3A_399, %dma_wait3A_400] : memref<2x16x127x1x80xi32, #tpu.memory_space<hbm>> -> memref<1x1x1x1x80xi32, #tpu.memory_space<hbm>>
      %dma_wait3A_402 = tpu.memref_squeeze %dma_wait3A_401 : memref<1x1x1x1x80xi32, #tpu.memory_space<hbm>> -> memref<1x80xi32, #tpu.memory_space<hbm>>
      tpu.wait_dma2 semaphore(%arg27 : memref<!tpu.dma_semaphore, #tpu.memory_space<semaphore_mem>>) src(%dma_wait3A_402 : memref<1x80xi32, #tpu.memory_space<hbm>>) dst(%arg11 : memref<1x80xi32, #tpu.memory_space<vmem>>)
      %dma_start3A_403 = arith.constant 0 : i32
      %dma_start3A_404 = arith.constant 0 : i32
      %dma_start3A_405 = tpu.memref_slice %arg9[%dma_start3A_403, %dma_start3A_404] : memref<1x80xi32, #tpu.memory_space<vmem>> -> memref<1x80xi32, #tpu.memory_space<vmem>>
      %dma_start3A_406 = tpu.memref_squeeze %dma_start3A_405 : memref<1x80xi32, #tpu.memory_space<vmem>> -> memref<80xi32, #tpu.memory_space<vmem>>
      %dma_start3A_407 = arith.constant 0 : i32
      %dma_start3A_408 = arith.constant 0 : i32
      %dma_start3A_409 = tpu.memref_slice %arg2[%dma_start3A_407, %dma_start3A_408] : memref<10000x256xf32, #tpu.memory_space<hbm>> -> memref<10000x256xf32, #tpu.memory_space<hbm>>
      tpu.enqueue_indirect_dma source(%dma_start3A_409 : memref<10000x256xf32, #tpu.memory_space<hbm>>) target(%arg13 : memref<80x256xf32, #tpu.memory_space<vmem>>) offsets(%dma_start3A_406 : memref<80xi32, #tpu.memory_space<vmem>>) semaphore(%arg21 : memref<!tpu.dma_semaphore, #tpu.memory_space<semaphore_mem>>)
      %dma_start3A_410 = arith.constant 0 : i32
      %dma_start3A_411 = arith.constant 0 : i32
      %dma_start3A_412 = tpu.memref_slice %arg11[%dma_start3A_410, %dma_start3A_411] : memref<1x80xi32, #tpu.memory_space<vmem>> -> memref<1x80xi32, #tpu.memory_space<vmem>>
      %dma_start3A_413 = tpu.memref_squeeze %dma_start3A_412 : memref<1x80xi32, #tpu.memory_space<vmem>> -> memref<80xi32, #tpu.memory_space<vmem>>
      %dma_start3A_414 = arith.constant 0 : i32
      %dma_start3A_415 = arith.constant 0 : i32
      %dma_start3A_416 = tpu.memref_slice %arg3[%dma_start3A_414, %dma_start3A_415] : memref<10000x256xf32, #tpu.memory_space<hbm>> -> memref<10000x256xf32, #tpu.memory_space<hbm>>
      tpu.enqueue_indirect_dma source(%dma_start3A_416 : memref<10000x256xf32, #tpu.memory_space<hbm>>) target(%arg15 : memref<80x256xf32, #tpu.memory_space<vmem>>) offsets(%dma_start3A_413 : memref<80xi32, #tpu.memory_space<vmem>>) semaphore(%arg23 : memref<!tpu.dma_semaphore, #tpu.memory_space<semaphore_mem>>)
    }
    %scan3A_121 = arith.constant 62 : i32
    %dma_start3A_122 = arith.constant 126 : i32
    %dma_start3A_123 = arith.constant 0 : i32
    %dma_start3A_124 = arith.constant 0 : i32
    %dma_start3A_125 = tpu.memref_slice %arg4[%arg0, %arg1, %dma_start3A_122, %dma_start3A_123, %dma_start3A_124] : memref<2x16x127x1x80xi32, #tpu.memory_space<hbm>> -> memref<1x1x1x1x80xi32, #tpu.memory_space<hbm>>
    %dma_start3A_126 = tpu.memref_squeeze %dma_start3A_125 : memref<1x1x1x1x80xi32, #tpu.memory_space<hbm>> -> memref<1x80xi32, #tpu.memory_space<hbm>>
    %dma_start3A_127 = arith.constant 0 : i32
    %dma_start3A_128 = arith.constant 0 : i32
    %dma_start3A_129 = tpu.memref_slice %arg4[%arg0, %arg1, %dma_start3A_122, %dma_start3A_127, %dma_start3A_128] : memref<2x16x127x1x80xi32, #tpu.memory_space<hbm>> -> memref<1x1x1x1x80xi32, #tpu.memory_space<hbm>>
    %dma_start3A_130 = tpu.memref_squeeze %dma_start3A_129 : memref<1x1x1x1x80xi32, #tpu.memory_space<hbm>> -> memref<1x80xi32, #tpu.memory_space<hbm>>
    tpu.enqueue_dma source(%dma_start3A_130 : memref<1x80xi32, #tpu.memory_space<hbm>>) target(%arg8 : memref<1x80xi32, #tpu.memory_space<vmem>>) target_semaphore(%arg26 : memref<!tpu.dma_semaphore, #tpu.memory_space<semaphore_mem>>)
    %dma_start3A_131 = arith.constant 126 : i32
    %dma_start3A_132 = arith.constant 0 : i32
    %dma_start3A_133 = arith.constant 0 : i32
    %dma_start3A_134 = tpu.memref_slice %arg5[%arg0, %arg1, %dma_start3A_131, %dma_start3A_132, %dma_start3A_133] : memref<2x16x127x1x80xi32, #tpu.memory_space<hbm>> -> memref<1x1x1x1x80xi32, #tpu.memory_space<hbm>>
    %dma_start3A_135 = tpu.memref_squeeze %dma_start3A_134 : memref<1x1x1x1x80xi32, #tpu.memory_space<hbm>> -> memref<1x80xi32, #tpu.memory_space<hbm>>
    %dma_start3A_136 = arith.constant 0 : i32
    %dma_start3A_137 = arith.constant 0 : i32
    %dma_start3A_138 = tpu.memref_slice %arg5[%arg0, %arg1, %dma_start3A_131, %dma_start3A_136, %dma_start3A_137] : memref<2x16x127x1x80xi32, #tpu.memory_space<hbm>> -> memref<1x1x1x1x80xi32, #tpu.memory_space<hbm>>
    %dma_start3A_139 = tpu.memref_squeeze %dma_start3A_138 : memref<1x1x1x1x80xi32, #tpu.memory_space<hbm>> -> memref<1x80xi32, #tpu.memory_space<hbm>>
    tpu.enqueue_dma source(%dma_start3A_139 : memref<1x80xi32, #tpu.memory_space<hbm>>) target(%arg10 : memref<1x80xi32, #tpu.memory_space<vmem>>) target_semaphore(%arg26 : memref<!tpu.dma_semaphore, #tpu.memory_space<semaphore_mem>>)
    %dma_wait3A_140 = arith.constant 0 : i32
    %dma_wait3A_141 = arith.constant 0 : i32
    %dma_wait3A_142 = tpu.memref_slice %arg8[%dma_wait3A_140, %dma_wait3A_141] : memref<1x80xi32, #tpu.memory_space<vmem>> -> memref<1x80xi32, #tpu.memory_space<vmem>>
    %dma_wait3A_143 = tpu.memref_squeeze %dma_wait3A_142 : memref<1x80xi32, #tpu.memory_space<vmem>> -> memref<80xi32, #tpu.memory_space<vmem>>
    %dma_wait3A_144 = arith.constant 0 : i32
    %dma_wait3A_145 = arith.constant 0 : i32
    %dma_wait3A_146 = tpu.memref_slice %arg2[%dma_wait3A_144, %dma_wait3A_145] : memref<10000x256xf32, #tpu.memory_space<hbm>> -> memref<10000x256xf32, #tpu.memory_space<hbm>>
    tpu.wait_indirect_dma semaphore(%arg20 : memref<!tpu.dma_semaphore, #tpu.memory_space<semaphore_mem>>) src(%dma_wait3A_146 : memref<10000x256xf32, #tpu.memory_space<hbm>>) dst(%arg12 : memref<80x256xf32, #tpu.memory_space<vmem>>)
    %dma_wait3A_147 = arith.constant 0 : i32
    %dma_wait3A_148 = arith.constant 0 : i32
    %dma_wait3A_149 = tpu.memref_slice %arg10[%dma_wait3A_147, %dma_wait3A_148] : memref<1x80xi32, #tpu.memory_space<vmem>> -> memref<1x80xi32, #tpu.memory_space<vmem>>
    %dma_wait3A_150 = tpu.memref_squeeze %dma_wait3A_149 : memref<1x80xi32, #tpu.memory_space<vmem>> -> memref<80xi32, #tpu.memory_space<vmem>>
    %dma_wait3A_151 = arith.constant 0 : i32
    %dma_wait3A_152 = arith.constant 0 : i32
    %dma_wait3A_153 = tpu.memref_slice %arg3[%dma_wait3A_151, %dma_wait3A_152] : memref<10000x256xf32, #tpu.memory_space<hbm>> -> memref<10000x256xf32, #tpu.memory_space<hbm>>
    tpu.wait_indirect_dma semaphore(%arg22 : memref<!tpu.dma_semaphore, #tpu.memory_space<semaphore_mem>>) src(%dma_wait3A_153 : memref<10000x256xf32, #tpu.memory_space<hbm>>) dst(%arg14 : memref<80x256xf32, #tpu.memory_space<vmem>>)
    %dma_wait3A_154 = arith.constant 0 : i32
    %dma_wait3A_155 = tpu.memref_slice %arg6[%mul3A_2, %dma_wait3A_154] : memref<320000x128xf32, #tpu.memory_space<hbm>> -> memref<80x128xf32, #tpu.memory_space<hbm>>
    %dma_wait3A_156 = arith.constant 0 : i32
    %dma_wait3A_157 = tpu.memref_slice %arg6[%mul3A_2, %dma_wait3A_156] : memref<320000x128xf32, #tpu.memory_space<hbm>> -> memref<80x128xf32, #tpu.memory_space<hbm>>
    tpu.wait_dma2 semaphore(%arg24 : memref<!tpu.dma_semaphore, #tpu.memory_space<semaphore_mem>>) src(%arg16 : memref<80x128xf32, #tpu.memory_space<vmem>>) dst(%dma_wait3A_157 : memref<80x128xf32, #tpu.memory_space<hbm>>)
    %dma_wait3A_158 = arith.constant 0 : i32
    %dma_wait3A_159 = tpu.memref_slice %arg7[%mul3A_2, %dma_wait3A_158] : memref<320000x16xf32, #tpu.memory_space<hbm>> -> memref<80x16xf32, #tpu.memory_space<hbm>>
    %dma_wait3A_160 = arith.constant 0 : i32
    %dma_wait3A_161 = tpu.memref_slice %arg7[%mul3A_2, %dma_wait3A_160] : memref<320000x16xf32, #tpu.memory_space<hbm>> -> memref<80x16xf32, #tpu.memory_space<hbm>>
    tpu.wait_dma2 semaphore(%arg24 : memref<!tpu.dma_semaphore, #tpu.memory_space<semaphore_mem>>) src(%arg18 : memref<80x16xf32, #tpu.memory_space<vmem>>) dst(%dma_wait3A_161 : memref<80x16xf32, #tpu.memory_space<hbm>>)
    %scan3A_162 = arith.constant 0 : i32
    %scan3A_163 = arith.constant 0 : i32
    %scan3A_164 = arith.constant 20 : i32
    %scan3A_165 = arith.addi %scan3A_163, %scan3A_164 : i32
    %scan3A_166 = arith.constant 1 : i32
    scf.for %scan3A_228 = %scan3A_163 to %scan3A_165 step %scan3A_166  : i32 {
      %mul3A_229 = arith.constant 4 : i32
      %mul3A_230 = arith.muli %scan3A_228, %mul3A_229 : i32
      %add3A_231 = arith.constant 0 : i32
      %add3A_232 = arith.addi %mul3A_230, %add3A_231 : i32
      %get3A = arith.index_cast %add3A_232 : i32 to index
      %get3A_233 = arith.constant 0 : index
      %get3A_234 = tpu.vector_load %arg12[%get3A, %get3A_233] {strides = array<i32>} : memref<80x256xf32, #tpu.memory_space<vmem>>, vector<1x16xf32>,
      %get3A_235 = vector.shape_cast %get3A_234 : vector<1x16xf32> to vector<16xf32>
      %get3A_236 = arith.index_cast %add3A_232 : i32 to index
      %get3A_237 = arith.constant 0 : index
      %get3A_238 = tpu.vector_load %arg14[%get3A_236, %get3A_237] {strides = array<i32>} : memref<80x256xf32, #tpu.memory_space<vmem>>, vector<1x16xf32>,
      %get3A_239 = vector.shape_cast %get3A_238 : vector<1x16xf32> to vector<16xf32>
      %add3A_240 = arith.addf %get3A_235, %get3A_239 : vector<16xf32>
      %swap3A = arith.index_cast %add3A_232 : i32 to index
      %swap3A_241 = arith.constant 0 : index
      %swap3A_242 = tpu.vector_load %arg16[%swap3A, %swap3A_241] {strides = array<i32>} : memref<80x128xf32, #tpu.memory_space<vmem>>, vector<1x16xf32>,
      %swap3A_243 = vector.shape_cast %swap3A_242 : vector<1x16xf32> to vector<16xf32>
      %swap3A_244 = vector.shape_cast %add3A_240 : vector<16xf32> to vector<1x16xf32>
      tpu.vector_store %arg16[%swap3A, %swap3A_241], %swap3A_244 {strides = array<i32>} : memref<80x128xf32, #tpu.memory_space<vmem>>, vector<1x16xf32>,
      %get3A_245 = arith.index_cast %add3A_232 : i32 to index
      %get3A_246 = arith.constant 16 : index
      %get3A_247 = tpu.vector_load %arg12[%get3A_245, %get3A_246] {strides = array<i32>} : memref<80x256xf32, #tpu.memory_space<vmem>>, vector<1x16xf32>,
      %get3A_248 = vector.shape_cast %get3A_247 : vector<1x16xf32> to vector<16xf32>
      %get3A_249 = arith.index_cast %add3A_232 : i32 to index
      %get3A_250 = arith.constant 16 : index
      %get3A_251 = tpu.vector_load %arg14[%get3A_249, %get3A_250] {strides = array<i32>} : memref<80x256xf32, #tpu.memory_space<vmem>>, vector<1x16xf32>,
      %get3A_252 = vector.shape_cast %get3A_251 : vector<1x16xf32> to vector<16xf32>
      %add3A_253 = arith.addf %get3A_248, %get3A_252 : vector<16xf32>
      %swap3A_254 = arith.index_cast %add3A_232 : i32 to index
      %swap3A_255 = arith.constant 16 : index
      %swap3A_256 = tpu.vector_load %arg16[%swap3A_254, %swap3A_255] {strides = array<i32>} : memref<80x128xf32, #tpu.memory_space<vmem>>, vector<1x16xf32>,
      %swap3A_257 = vector.shape_cast %swap3A_256 : vector<1x16xf32> to vector<16xf32>
      %swap3A_258 = vector.shape_cast %add3A_253 : vector<16xf32> to vector<1x16xf32>
      tpu.vector_store %arg16[%swap3A_254, %swap3A_255], %swap3A_258 {strides = array<i32>} : memref<80x128xf32, #tpu.memory_space<vmem>>, vector<1x16xf32>,
      %get3A_259 = arith.index_cast %add3A_232 : i32 to index
      %get3A_260 = arith.constant 32 : index
      %get3A_261 = tpu.vector_load %arg12[%get3A_259, %get3A_260] {strides = array<i32>} : memref<80x256xf32, #tpu.memory_space<vmem>>, vector<1x16xf32>,
      %get3A_262 = vector.shape_cast %get3A_261 : vector<1x16xf32> to vector<16xf32>
      %get3A_263 = arith.index_cast %add3A_232 : i32 to index
      %get3A_264 = arith.constant 32 : index
      %get3A_265 = tpu.vector_load %arg14[%get3A_263, %get3A_264] {strides = array<i32>} : memref<80x256xf32, #tpu.memory_space<vmem>>, vector<1x16xf32>,
      %get3A_266 = vector.shape_cast %get3A_265 : vector<1x16xf32> to vector<16xf32>
      %add3A_267 = arith.addf %get3A_262, %get3A_266 : vector<16xf32>
      %swap3A_268 = arith.index_cast %add3A_232 : i32 to index
      %swap3A_269 = arith.constant 32 : index
      %swap3A_270 = tpu.vector_load %arg16[%swap3A_268, %swap3A_269] {strides = array<i32>} : memref<80x128xf32, #tpu.memory_space<vmem>>, vector<1x16xf32>,
      %swap3A_271 = vector.shape_cast %swap3A_270 : vector<1x16xf32> to vector<16xf32>
      %swap3A_272 = vector.shape_cast %add3A_267 : vector<16xf32> to vector<1x16xf32>
      tpu.vector_store %arg16[%swap3A_268, %swap3A_269], %swap3A_272 {strides = array<i32>} : memref<80x128xf32, #tpu.memory_space<vmem>>, vector<1x16xf32>,
      %get3A_273 = arith.index_cast %add3A_232 : i32 to index
      %get3A_274 = arith.constant 48 : index
      %get3A_275 = tpu.vector_load %arg12[%get3A_273, %get3A_274] {strides = array<i32>} : memref<80x256xf32, #tpu.memory_space<vmem>>, vector<1x16xf32>,
      %get3A_276 = vector.shape_cast %get3A_275 : vector<1x16xf32> to vector<16xf32>
      %get3A_277 = arith.index_cast %add3A_232 : i32 to index
      %get3A_278 = arith.constant 48 : index
      %get3A_279 = tpu.vector_load %arg14[%get3A_277, %get3A_278] {strides = array<i32>} : memref<80x256xf32, #tpu.memory_space<vmem>>, vector<1x16xf32>,
      %get3A_280 = vector.shape_cast %get3A_279 : vector<1x16xf32> to vector<16xf32>
      %add3A_281 = arith.addf %get3A_276, %get3A_280 : vector<16xf32>
      %swap3A_282 = arith.index_cast %add3A_232 : i32 to index
      %swap3A_283 = arith.constant 48 : index
      %swap3A_284 = tpu.vector_load %arg16[%swap3A_282, %swap3A_283] {strides = array<i32>} : memref<80x128xf32, #tpu.memory_space<vmem>>, vector<1x16xf32>,
      %swap3A_285 = vector.shape_cast %swap3A_284 : vector<1x16xf32> to vector<16xf32>
      %swap3A_286 = vector.shape_cast %add3A_281 : vector<16xf32> to vector<1x16xf32>
      tpu.vector_store %arg16[%swap3A_282, %swap3A_283], %swap3A_286 {strides = array<i32>} : memref<80x128xf32, #tpu.memory_space<vmem>>, vector<1x16xf32>,
      %get3A_287 = arith.index_cast %add3A_232 : i32 to index
      %get3A_288 = arith.constant 64 : index
      %get3A_289 = tpu.vector_load %arg12[%get3A_287, %get3A_288] {strides = array<i32>} : memref<80x256xf32, #tpu.memory_space<vmem>>, vector<1x16xf32>,
      %get3A_290 = vector.shape_cast %get3A_289 : vector<1x16xf32> to vector<16xf32>
      %get3A_291 = arith.index_cast %add3A_232 : i32 to index
      %get3A_292 = arith.constant 64 : index
      %get3A_293 = tpu.vector_load %arg14[%get3A_291, %get3A_292] {strides = array<i32>} : memref<80x256xf32, #tpu.memory_space<vmem>>, vector<1x16xf32>,
      %get3A_294 = vector.shape_cast %get3A_293 : vector<1x16xf32> to vector<16xf32>
      %add3A_295 = arith.addf %get3A_290, %get3A_294 : vector<16xf32>
      %swap3A_296 = arith.index_cast %add3A_232 : i32 to index
      %swap3A_297 = arith.constant 64 : index
      %swap3A_298 = tpu.vector_load %arg16[%swap3A_296, %swap3A_297] {strides = array<i32>} : memref<80x128xf32, #tpu.memory_space<vmem>>, vector<1x16xf32>,
      %swap3A_299 = vector.shape_cast %swap3A_298 : vector<1x16xf32> to vector<16xf32>
      %swap3A_300 = vector.shape_cast %add3A_295 : vector<16xf32> to vector<1x16xf32>
      tpu.vector_store %arg16[%swap3A_296, %swap3A_297], %swap3A_300 {strides = array<i32>} : memref<80x128xf32, #tpu.memory_space<vmem>>, vector<1x16xf32>,
      %get3A_301 = arith.index_cast %add3A_232 : i32 to index
      %get3A_302 = arith.constant 80 : index
      %get3A_303 = tpu.vector_load %arg12[%get3A_301, %get3A_302] {strides = array<i32>} : memref<80x256xf32, #tpu.memory_space<vmem>>, vector<1x16xf32>,
      %get3A_304 = vector.shape_cast %get3A_303 : vector<1x16xf32> to vector<16xf32>
      %get3A_305 = arith.index_cast %add3A_232 : i32 to index
      %get3A_306 = arith.constant 80 : index
      %get3A_307 = tpu.vector_load %arg14[%get3A_305, %get3A_306] {strides = array<i32>} : memref<80x256xf32, #tpu.memory_space<vmem>>, vector<1x16xf32>,
      %get3A_308 = vector.shape_cast %get3A_307 : vector<1x16xf32> to vector<16xf32>
      %add3A_309 = arith.addf %get3A_304, %get3A_308 : vector<16xf32>
      %swap3A_310 = arith.index_cast %add3A_232 : i32 to index
      %swap3A_311 = arith.constant 80 : index
      %swap3A_312 = tpu.vector_load %arg16[%swap3A_310, %swap3A_311] {strides = array<i32>} : memref<80x128xf32, #tpu.memory_space<vmem>>, vector<1x16xf32>,
      %swap3A_313 = vector.shape_cast %swap3A_312 : vector<1x16xf32> to vector<16xf32>
      %swap3A_314 = vector.shape_cast %add3A_309 : vector<16xf32> to vector<1x16xf32>
      tpu.vector_store %arg16[%swap3A_310, %swap3A_311], %swap3A_314 {strides = array<i32>} : memref<80x128xf32, #tpu.memory_space<vmem>>, vector<1x16xf32>,
      %get3A_315 = arith.index_cast %add3A_232 : i32 to index
      %get3A_316 = arith.constant 96 : index
      %get3A_317 = tpu.vector_load %arg12[%get3A_315, %get3A_316] {strides = array<i32>} : memref<80x256xf32, #tpu.memory_space<vmem>>, vector<1x16xf32>,
      %get3A_318 = vector.shape_cast %get3A_317 : vector<1x16xf32> to vector<16xf32>
      %get3A_319 = arith.index_cast %add3A_232 : i32 to index
      %get3A_320 = arith.constant 96 : index
      %get3A_321 = tpu.vector_load %arg14[%get3A_319, %get3A_320] {strides = array<i32>} : memref<80x256xf32, #tpu.memory_space<vmem>>, vector<1x16xf32>,
      %get3A_322 = vector.shape_cast %get3A_321 : vector<1x16xf32> to vector<16xf32>
      %add3A_323 = arith.addf %get3A_318, %get3A_322 : vector<16xf32>
      %swap3A_324 = arith.index_cast %add3A_232 : i32 to index
      %swap3A_325 = arith.constant 96 : index
      %swap3A_326 = tpu.vector_load %arg16[%swap3A_324, %swap3A_325] {strides = array<i32>} : memref<80x128xf32, #tpu.memory_space<vmem>>, vector<1x16xf32>,
      %swap3A_327 = vector.shape_cast %swap3A_326 : vector<1x16xf32> to vector<16xf32>
      %swap3A_328 = vector.shape_cast %add3A_323 : vector<16xf32> to vector<1x16xf32>
      tpu.vector_store %arg16[%swap3A_324, %swap3A_325], %swap3A_328 {strides = array<i32>} : memref<80x128xf32, #tpu.memory_space<vmem>>, vector<1x16xf32>,
      %get3A_329 = arith.index_cast %add3A_232 : i32 to index
      %get3A_330 = arith.constant 112 : index
      %get3A_331 = tpu.vector_load %arg12[%get3A_329, %get3A_330] {strides = array<i32>} : memref<80x256xf32, #tpu.memory_space<vmem>>, vector<1x16xf32>,
      %get3A_332 = vector.shape_cast %get3A_331 : vector<1x16xf32> to vector<16xf32>
      %get3A_333 = arith.index_cast %add3A_232 : i32 to index
      %get3A_334 = arith.constant 112 : index
      %get3A_335 = tpu.vector_load %arg14[%get3A_333, %get3A_334] {strides = array<i32>} : memref<80x256xf32, #tpu.memory_space<vmem>>, vector<1x16xf32>,
      %get3A_336 = vector.shape_cast %get3A_335 : vector<1x16xf32> to vector<16xf32>
      %add3A_337 = arith.addf %get3A_332, %get3A_336 : vector<16xf32>
      %swap3A_338 = arith.index_cast %add3A_232 : i32 to index
      %swap3A_339 = arith.constant 112 : index
      %swap3A_340 = tpu.vector_load %arg16[%swap3A_338, %swap3A_339] {strides = array<i32>} : memref<80x128xf32, #tpu.memory_space<vmem>>, vector<1x16xf32>,
      %swap3A_341 = vector.shape_cast %swap3A_340 : vector<1x16xf32> to vector<16xf32>
      %swap3A_342 = vector.shape_cast %add3A_337 : vector<16xf32> to vector<1x16xf32>
      tpu.vector_store %arg16[%swap3A_338, %swap3A_339], %swap3A_342 {strides = array<i32>} : memref<80x128xf32, #tpu.memory_space<vmem>>, vector<1x16xf32>,
      %get3A_343 = arith.index_cast %add3A_232 : i32 to index
      %get3A_344 = arith.constant 128 : index
      %get3A_345 = tpu.vector_load %arg12[%get3A_343, %get3A_344] {strides = array<i32>} : memref<80x256xf32, #tpu.memory_space<vmem>>, vector<1x16xf32>,
      %get3A_346 = vector.shape_cast %get3A_345 : vector<1x16xf32> to vector<16xf32>
      %get3A_347 = arith.index_cast %add3A_232 : i32 to index
      %get3A_348 = arith.constant 128 : index
      %get3A_349 = tpu.vector_load %arg14[%get3A_347, %get3A_348] {strides = array<i32>} : memref<80x256xf32, #tpu.memory_space<vmem>>, vector<1x16xf32>,
      %get3A_350 = vector.shape_cast %get3A_349 : vector<1x16xf32> to vector<16xf32>
      %add3A_351 = arith.addf %get3A_346, %get3A_350 : vector<16xf32>
      %swap3A_352 = arith.index_cast %add3A_232 : i32 to index
      %swap3A_353 = arith.constant 0 : index
      %swap3A_354 = tpu.vector_load %arg18[%swap3A_352, %swap3A_353] {strides = array<i32>} : memref<80x16xf32, #tpu.memory_space<vmem>>, vector<1x16xf32>,
      %swap3A_355 = vector.shape_cast %swap3A_354 : vector<1x16xf32> to vector<16xf32>
      %swap3A_356 = vector.shape_cast %add3A_351 : vector<16xf32> to vector<1x16xf32>
      tpu.vector_store %arg18[%swap3A_352, %swap3A_353], %swap3A_356 {strides = array<i32>} : memref<80x16xf32, #tpu.memory_space<vmem>>, vector<1x16xf32>,
      %mul3A_357 = arith.constant 4 : i32
      %mul3A_358 = arith.muli %scan3A_228, %mul3A_357 : i32
      %add3A_359 = arith.constant 1 : i32
      %add3A_360 = arith.addi %mul3A_358, %add3A_359 : i32
      %get3A_361 = arith.index_cast %add3A_360 : i32 to index
      %get3A_362 = arith.constant 0 : index
      %get3A_363 = tpu.vector_load %arg12[%get3A_361, %get3A_362] {strides = array<i32>} : memref<80x256xf32, #tpu.memory_space<vmem>>, vector<1x16xf32>,
      %get3A_364 = vector.shape_cast %get3A_363 : vector<1x16xf32> to vector<16xf32>
      %get3A_365 = arith.index_cast %add3A_360 : i32 to index
      %get3A_366 = arith.constant 0 : index
      %get3A_367 = tpu.vector_load %arg14[%get3A_365, %get3A_366] {strides = array<i32>} : memref<80x256xf32, #tpu.memory_space<vmem>>, vector<1x16xf32>,
      %get3A_368 = vector.shape_cast %get3A_367 : vector<1x16xf32> to vector<16xf32>
      %add3A_369 = arith.addf %get3A_364, %get3A_368 : vector<16xf32>
      %swap3A_370 = arith.index_cast %add3A_360 : i32 to index
      %swap3A_371 = arith.constant 0 : index
      %swap3A_372 = tpu.vector_load %arg16[%swap3A_370, %swap3A_371] {strides = array<i32>} : memref<80x128xf32, #tpu.memory_space<vmem>>, vector<1x16xf32>,
      %swap3A_373 = vector.shape_cast %swap3A_372 : vector<1x16xf32> to vector<16xf32>
      %swap3A_374 = vector.shape_cast %add3A_369 : vector<16xf32> to vector<1x16xf32>
      tpu.vector_store %arg16[%swap3A_370, %swap3A_371], %swap3A_374 {strides = array<i32>} : memref<80x128xf32, #tpu.memory_space<vmem>>, vector<1x16xf32>,
      %get3A_375 = arith.index_cast %add3A_360 : i32 to index
      %get3A_376 = arith.constant 16 : index
      %get3A_377 = tpu.vector_load %arg12[%get3A_375, %get3A_376] {strides = array<i32>} : memref<80x256xf32, #tpu.memory_space<vmem>>, vector<1x16xf32>,
      %get3A_378 = vector.shape_cast %get3A_377 : vector<1x16xf32> to vector<16xf32>
      %get3A_379 = arith.index_cast %add3A_360 : i32 to index
      %get3A_380 = arith.constant 16 : index
      %get3A_381 = tpu.vector_load %arg14[%get3A_379, %get3A_380] {strides = array<i32>} : memref<80x256xf32, #tpu.memory_space<vmem>>, vector<1x16xf32>,
      %get3A_382 = vector.shape_cast %get3A_381 : vector<1x16xf32> to vector<16xf32>
      %add3A_383 = arith.addf %get3A_378, %get3A_382 : vector<16xf32>
      %swap3A_384 = arith.index_cast %add3A_360 : i32 to index
      %swap3A_385 = arith.constant 16 : index
      %swap3A_386 = tpu.vector_load %arg16[%swap3A_384, %swap3A_385] {strides = array<i32>} : memref<80x128xf32, #tpu.memory_space<vmem>>, vector<1x16xf32>,
      %swap3A_387 = vector.shape_cast %swap3A_386 : vector<1x16xf32> to vector<16xf32>
      %swap3A_388 = vector.shape_cast %add3A_383 : vector<16xf32> to vector<1x16xf32>
      tpu.vector_store %arg16[%swap3A_384, %swap3A_385], %swap3A_388 {strides = array<i32>} : memref<80x128xf32, #tpu.memory_space<vmem>>, vector<1x16xf32>,
      %get3A_389 = arith.index_cast %add3A_360 : i32 to index
      %get3A_390 = arith.constant 32 : index
      %get3A_391 = tpu.vector_load %arg12[%get3A_389, %get3A_390] {strides = array<i32>} : memref<80x256xf32, #tpu.memory_space<vmem>>, vector<1x16xf32>,
      %get3A_392 = vector.shape_cast %get3A_391 : vector<1x16xf32> to vector<16xf32>
      %get3A_393 = arith.index_cast %add3A_360 : i32 to index
      %get3A_394 = arith.constant 32 : index
      %get3A_395 = tpu.vector_load %arg14[%get3A_393, %get3A_394] {strides = array<i32>} : memref<80x256xf32, #tpu.memory_space<vmem>>, vector<1x16xf32>,
      %get3A_396 = vector.shape_cast %get3A_395 : vector<1x16xf32> to vector<16xf32>
      %add3A_397 = arith.addf %get3A_392, %get3A_396 : vector<16xf32>
      %swap3A_398 = arith.index_cast %add3A_360 : i32 to index
      %swap3A_399 = arith.constant 32 : index
      %swap3A_400 = tpu.vector_load %arg16[%swap3A_398, %swap3A_399] {strides = array<i32>} : memref<80x128xf32, #tpu.memory_space<vmem>>, vector<1x16xf32>,
      %swap3A_401 = vector.shape_cast %swap3A_400 : vector<1x16xf32> to vector<16xf32>
      %swap3A_402 = vector.shape_cast %add3A_397 : vector<16xf32> to vector<1x16xf32>
      tpu.vector_store %arg16[%swap3A_398, %swap3A_399], %swap3A_402 {strides = array<i32>} : memref<80x128xf32, #tpu.memory_space<vmem>>, vector<1x16xf32>,
      %get3A_403 = arith.index_cast %add3A_360 : i32 to index
      %get3A_404 = arith.constant 48 : index
      %get3A_405 = tpu.vector_load %arg12[%get3A_403, %get3A_404] {strides = array<i32>} : memref<80x256xf32, #tpu.memory_space<vmem>>, vector<1x16xf32>,
      %get3A_406 = vector.shape_cast %get3A_405 : vector<1x16xf32> to vector<16xf32>
      %get3A_407 = arith.index_cast %add3A_360 : i32 to index
      %get3A_408 = arith.constant 48 : index
      %get3A_409 = tpu.vector_load %arg14[%get3A_407, %get3A_408] {strides = array<i32>} : memref<80x256xf32, #tpu.memory_space<vmem>>, vector<1x16xf32>,
      %get3A_410 = vector.shape_cast %get3A_409 : vector<1x16xf32> to vector<16xf32>
      %add3A_411 = arith.addf %get3A_406, %get3A_410 : vector<16xf32>
      %swap3A_412 = arith.index_cast %add3A_360 : i32 to index
      %swap3A_413 = arith.constant 48 : index
      %swap3A_414 = tpu.vector_load %arg16[%swap3A_412, %swap3A_413] {strides = array<i32>} : memref<80x128xf32, #tpu.memory_space<vmem>>, vector<1x16xf32>,
      %swap3A_415 = vector.shape_cast %swap3A_414 : vector<1x16xf32> to vector<16xf32>
      %swap3A_416 = vector.shape_cast %add3A_411 : vector<16xf32> to vector<1x16xf32>
      tpu.vector_store %arg16[%swap3A_412, %swap3A_413], %swap3A_416 {strides = array<i32>} : memref<80x128xf32, #tpu.memory_space<vmem>>, vector<1x16xf32>,
      %get3A_417 = arith.index_cast %add3A_360 : i32 to index
      %get3A_418 = arith.constant 64 : index
      %get3A_419 = tpu.vector_load %arg12[%get3A_417, %get3A_418] {strides = array<i32>} : memref<80x256xf32, #tpu.memory_space<vmem>>, vector<1x16xf32>,
      %get3A_420 = vector.shape_cast %get3A_419 : vector<1x16xf32> to vector<16xf32>
      %get3A_421 = arith.index_cast %add3A_360 : i32 to index
      %get3A_422 = arith.constant 64 : index
      %get3A_423 = tpu.vector_load %arg14[%get3A_421, %get3A_422] {strides = array<i32>} : memref<80x256xf32, #tpu.memory_space<vmem>>, vector<1x16xf32>,
      %get3A_424 = vector.shape_cast %get3A_423 : vector<1x16xf32> to vector<16xf32>
      %add3A_425 = arith.addf %get3A_420, %get3A_424 : vector<16xf32>
      %swap3A_426 = arith.index_cast %add3A_360 : i32 to index
      %swap3A_427 = arith.constant 64 : index
      %swap3A_428 = tpu.vector_load %arg16[%swap3A_426, %swap3A_427] {strides = array<i32>} : memref<80x128xf32, #tpu.memory_space<vmem>>, vector<1x16xf32>,
      %swap3A_429 = vector.shape_cast %swap3A_428 : vector<1x16xf32> to vector<16xf32>
      %swap3A_430 = vector.shape_cast %add3A_425 : vector<16xf32> to vector<1x16xf32>
      tpu.vector_store %arg16[%swap3A_426, %swap3A_427], %swap3A_430 {strides = array<i32>} : memref<80x128xf32, #tpu.memory_space<vmem>>, vector<1x16xf32>,
      %get3A_431 = arith.index_cast %add3A_360 : i32 to index
      %get3A_432 = arith.constant 80 : index
      %get3A_433 = tpu.vector_load %arg12[%get3A_431, %get3A_432] {strides = array<i32>} : memref<80x256xf32, #tpu.memory_space<vmem>>, vector<1x16xf32>,
      %get3A_434 = vector.shape_cast %get3A_433 : vector<1x16xf32> to vector<16xf32>
      %get3A_435 = arith.index_cast %add3A_360 : i32 to index
      %get3A_436 = arith.constant 80 : index
      %get3A_437 = tpu.vector_load %arg14[%get3A_435, %get3A_436] {strides = array<i32>} : memref<80x256xf32, #tpu.memory_space<vmem>>, vector<1x16xf32>,
      %get3A_438 = vector.shape_cast %get3A_437 : vector<1x16xf32> to vector<16xf32>
      %add3A_439 = arith.addf %get3A_434, %get3A_438 : vector<16xf32>
      %swap3A_440 = arith.index_cast %add3A_360 : i32 to index
      %swap3A_441 = arith.constant 80 : index
      %swap3A_442 = tpu.vector_load %arg16[%swap3A_440, %swap3A_441] {strides = array<i32>} : memref<80x128xf32, #tpu.memory_space<vmem>>, vector<1x16xf32>,
      %swap3A_443 = vector.shape_cast %swap3A_442 : vector<1x16xf32> to vector<16xf32>
      %swap3A_444 = vector.shape_cast %add3A_439 : vector<16xf32> to vector<1x16xf32>
      tpu.vector_store %arg16[%swap3A_440, %swap3A_441], %swap3A_444 {strides = array<i32>} : memref<80x128xf32, #tpu.memory_space<vmem>>, vector<1x16xf32>,
      %get3A_445 = arith.index_cast %add3A_360 : i32 to index
      %get3A_446 = arith.constant 96 : index
      %get3A_447 = tpu.vector_load %arg12[%get3A_445, %get3A_446] {strides = array<i32>} : memref<80x256xf32, #tpu.memory_space<vmem>>, vector<1x16xf32>,
      %get3A_448 = vector.shape_cast %get3A_447 : vector<1x16xf32> to vector<16xf32>
      %get3A_449 = arith.index_cast %add3A_360 : i32 to index
      %get3A_450 = arith.constant 96 : index
      %get3A_451 = tpu.vector_load %arg14[%get3A_449, %get3A_450] {strides = array<i32>} : memref<80x256xf32, #tpu.memory_space<vmem>>, vector<1x16xf32>,
      %get3A_452 = vector.shape_cast %get3A_451 : vector<1x16xf32> to vector<16xf32>
      %add3A_453 = arith.addf %get3A_448, %get3A_452 : vector<16xf32>
      %swap3A_454 = arith.index_cast %add3A_360 : i32 to index
      %swap3A_455 = arith.constant 96 : index
      %swap3A_456 = tpu.vector_load %arg16[%swap3A_454, %swap3A_455] {strides = array<i32>} : memref<80x128xf32, #tpu.memory_space<vmem>>, vector<1x16xf32>,
      %swap3A_457 = vector.shape_cast %swap3A_456 : vector<1x16xf32> to vector<16xf32>
      %swap3A_458 = vector.shape_cast %add3A_453 : vector<16xf32> to vector<1x16xf32>
      tpu.vector_store %arg16[%swap3A_454, %swap3A_455], %swap3A_458 {strides = array<i32>} : memref<80x128xf32, #tpu.memory_space<vmem>>, vector<1x16xf32>,
      %get3A_459 = arith.index_cast %add3A_360 : i32 to index
      %get3A_460 = arith.constant 112 : index
      %get3A_461 = tpu.vector_load %arg12[%get3A_459, %get3A_460] {strides = array<i32>} : memref<80x256xf32, #tpu.memory_space<vmem>>, vector<1x16xf32>,
      %get3A_462 = vector.shape_cast %get3A_461 : vector<1x16xf32> to vector<16xf32>
      %get3A_463 = arith.index_cast %add3A_360 : i32 to index
      %get3A_464 = arith.constant 112 : index
      %get3A_465 = tpu.vector_load %arg14[%get3A_463, %get3A_464] {strides = array<i32>} : memref<80x256xf32, #tpu.memory_space<vmem>>, vector<1x16xf32>,
      %get3A_466 = vector.shape_cast %get3A_465 : vector<1x16xf32> to vector<16xf32>
      %add3A_467 = arith.addf %get3A_462, %get3A_466 : vector<16xf32>
      %swap3A_468 = arith.index_cast %add3A_360 : i32 to index
      %swap3A_469 = arith.constant 112 : index
      %swap3A_470 = tpu.vector_load %arg16[%swap3A_468, %swap3A_469] {strides = array<i32>} : memref<80x128xf32, #tpu.memory_space<vmem>>, vector<1x16xf32>,
      %swap3A_471 = vector.shape_cast %swap3A_470 : vector<1x16xf32> to vector<16xf32>
      %swap3A_472 = vector.shape_cast %add3A_467 : vector<16xf32> to vector<1x16xf32>
      tpu.vector_store %arg16[%swap3A_468, %swap3A_469], %swap3A_472 {strides = array<i32>} : memref<80x128xf32, #tpu.memory_space<vmem>>, vector<1x16xf32>,
      %get3A_473 = arith.index_cast %add3A_360 : i32 to index
      %get3A_474 = arith.constant 128 : index
      %get3A_475 = tpu.vector_load %arg12[%get3A_473, %get3A_474] {strides = array<i32>} : memref<80x256xf32, #tpu.memory_space<vmem>>, vector<1x16xf32>,
      %get3A_476 = vector.shape_cast %get3A_475 : vector<1x16xf32> to vector<16xf32>
      %get3A_477 = arith.index_cast %add3A_360 : i32 to index
      %get3A_478 = arith.constant 128 : index
      %get3A_479 = tpu.vector_load %arg14[%get3A_477, %get3A_478] {strides = array<i32>} : memref<80x256xf32, #tpu.memory_space<vmem>>, vector<1x16xf32>,
      %get3A_480 = vector.shape_cast %get3A_479 : vector<1x16xf32> to vector<16xf32>
      %add3A_481 = arith.addf %get3A_476, %get3A_480 : vector<16xf32>
      %swap3A_482 = arith.index_cast %add3A_360 : i32 to index
      %swap3A_483 = arith.constant 0 : index
      %swap3A_484 = tpu.vector_load %arg18[%swap3A_482, %swap3A_483] {strides = array<i32>} : memref<80x16xf32, #tpu.memory_space<vmem>>, vector<1x16xf32>,
      %swap3A_485 = vector.shape_cast %swap3A_484 : vector<1x16xf32> to vector<16xf32>
      %swap3A_486 = vector.shape_cast %add3A_481 : vector<16xf32> to vector<1x16xf32>
      tpu.vector_store %arg18[%swap3A_482, %swap3A_483], %swap3A_486 {strides = array<i32>} : memref<80x16xf32, #tpu.memory_space<vmem>>, vector<1x16xf32>,
      %mul3A_487 = arith.constant 4 : i32
      %mul3A_488 = arith.muli %scan3A_228, %mul3A_487 : i32
      %add3A_489 = arith.constant 2 : i32
      %add3A_490 = arith.addi %mul3A_488, %add3A_489 : i32
      %get3A_491 = arith.index_cast %add3A_490 : i32 to index
      %get3A_492 = arith.constant 0 : index
      %get3A_493 = tpu.vector_load %arg12[%get3A_491, %get3A_492] {strides = array<i32>} : memref<80x256xf32, #tpu.memory_space<vmem>>, vector<1x16xf32>,
      %get3A_494 = vector.shape_cast %get3A_493 : vector<1x16xf32> to vector<16xf32>
      %get3A_495 = arith.index_cast %add3A_490 : i32 to index
      %get3A_496 = arith.constant 0 : index
      %get3A_497 = tpu.vector_load %arg14[%get3A_495, %get3A_496] {strides = array<i32>} : memref<80x256xf32, #tpu.memory_space<vmem>>, vector<1x16xf32>,
      %get3A_498 = vector.shape_cast %get3A_497 : vector<1x16xf32> to vector<16xf32>
      %add3A_499 = arith.addf %get3A_494, %get3A_498 : vector<16xf32>
      %swap3A_500 = arith.index_cast %add3A_490 : i32 to index
      %swap3A_501 = arith.constant 0 : index
      %swap3A_502 = tpu.vector_load %arg16[%swap3A_500, %swap3A_501] {strides = array<i32>} : memref<80x128xf32, #tpu.memory_space<vmem>>, vector<1x16xf32>,
      %swap3A_503 = vector.shape_cast %swap3A_502 : vector<1x16xf32> to vector<16xf32>
      %swap3A_504 = vector.shape_cast %add3A_499 : vector<16xf32> to vector<1x16xf32>
      tpu.vector_store %arg16[%swap3A_500, %swap3A_501], %swap3A_504 {strides = array<i32>} : memref<80x128xf32, #tpu.memory_space<vmem>>, vector<1x16xf32>,
      %get3A_505 = arith.index_cast %add3A_490 : i32 to index
      %get3A_506 = arith.constant 16 : index
      %get3A_507 = tpu.vector_load %arg12[%get3A_505, %get3A_506] {strides = array<i32>} : memref<80x256xf32, #tpu.memory_space<vmem>>, vector<1x16xf32>,
      %get3A_508 = vector.shape_cast %get3A_507 : vector<1x16xf32> to vector<16xf32>
      %get3A_509 = arith.index_cast %add3A_490 : i32 to index
      %get3A_510 = arith.constant 16 : index
      %get3A_511 = tpu.vector_load %arg14[%get3A_509, %get3A_510] {strides = array<i32>} : memref<80x256xf32, #tpu.memory_space<vmem>>, vector<1x16xf32>,
      %get3A_512 = vector.shape_cast %get3A_511 : vector<1x16xf32> to vector<16xf32>
      %add3A_513 = arith.addf %get3A_508, %get3A_512 : vector<16xf32>
      %swap3A_514 = arith.index_cast %add3A_490 : i32 to index
      %swap3A_515 = arith.constant 16 : index
      %swap3A_516 = tpu.vector_load %arg16[%swap3A_514, %swap3A_515] {strides = array<i32>} : memref<80x128xf32, #tpu.memory_space<vmem>>, vector<1x16xf32>,
      %swap3A_517 = vector.shape_cast %swap3A_516 : vector<1x16xf32> to vector<16xf32>
      %swap3A_518 = vector.shape_cast %add3A_513 : vector<16xf32> to vector<1x16xf32>
      tpu.vector_store %arg16[%swap3A_514, %swap3A_515], %swap3A_518 {strides = array<i32>} : memref<80x128xf32, #tpu.memory_space<vmem>>, vector<1x16xf32>,
      %get3A_519 = arith.index_cast %add3A_490 : i32 to index
      %get3A_520 = arith.constant 32 : index
      %get3A_521 = tpu.vector_load %arg12[%get3A_519, %get3A_520] {strides = array<i32>} : memref<80x256xf32, #tpu.memory_space<vmem>>, vector<1x16xf32>,
      %get3A_522 = vector.shape_cast %get3A_521 : vector<1x16xf32> to vector<16xf32>
      %get3A_523 = arith.index_cast %add3A_490 : i32 to index
      %get3A_524 = arith.constant 32 : index
      %get3A_525 = tpu.vector_load %arg14[%get3A_523, %get3A_524] {strides = array<i32>} : memref<80x256xf32, #tpu.memory_space<vmem>>, vector<1x16xf32>,
      %get3A_526 = vector.shape_cast %get3A_525 : vector<1x16xf32> to vector<16xf32>
      %add3A_527 = arith.addf %get3A_522, %get3A_526 : vector<16xf32>
      %swap3A_528 = arith.index_cast %add3A_490 : i32 to index
      %swap3A_529 = arith.constant 32 : index
      %swap3A_530 = tpu.vector_load %arg16[%swap3A_528, %swap3A_529] {strides = array<i32>} : memref<80x128xf32, #tpu.memory_space<vmem>>, vector<1x16xf32>,
      %swap3A_531 = vector.shape_cast %swap3A_530 : vector<1x16xf32> to vector<16xf32>
      %swap3A_532 = vector.shape_cast %add3A_527 : vector<16xf32> to vector<1x16xf32>
      tpu.vector_store %arg16[%swap3A_528, %swap3A_529], %swap3A_532 {strides = array<i32>} : memref<80x128xf32, #tpu.memory_space<vmem>>, vector<1x16xf32>,
      %get3A_533 = arith.index_cast %add3A_490 : i32 to index
      %get3A_534 = arith.constant 48 : index
      %get3A_535 = tpu.vector_load %arg12[%get3A_533, %get3A_534] {strides = array<i32>} : memref<80x256xf32, #tpu.memory_space<vmem>>, vector<1x16xf32>,
      %get3A_536 = vector.shape_cast %get3A_535 : vector<1x16xf32> to vector<16xf32>
      %get3A_537 = arith.index_cast %add3A_490 : i32 to index
      %get3A_538 = arith.constant 48 : index
      %get3A_539 = tpu.vector_load %arg14[%get3A_537, %get3A_538] {strides = array<i32>} : memref<80x256xf32, #tpu.memory_space<vmem>>, vector<1x16xf32>,
      %get3A_540 = vector.shape_cast %get3A_539 : vector<1x16xf32> to vector<16xf32>
      %add3A_541 = arith.addf %get3A_536, %get3A_540 : vector<16xf32>
      %swap3A_542 = arith.index_cast %add3A_490 : i32 to index
      %swap3A_543 = arith.constant 48 : index
      %swap3A_544 = tpu.vector_load %arg16[%swap3A_542, %swap3A_543] {strides = array<i32>} : memref<80x128xf32, #tpu.memory_space<vmem>>, vector<1x16xf32>,
      %swap3A_545 = vector.shape_cast %swap3A_544 : vector<1x16xf32> to vector<16xf32>
      %swap3A_546 = vector.shape_cast %add3A_541 : vector<16xf32> to vector<1x16xf32>
      tpu.vector_store %arg16[%swap3A_542, %swap3A_543], %swap3A_546 {strides = array<i32>} : memref<80x128xf32, #tpu.memory_space<vmem>>, vector<1x16xf32>,
      %get3A_547 = arith.index_cast %add3A_490 : i32 to index
      %get3A_548 = arith.constant 64 : index
      %get3A_549 = tpu.vector_load %arg12[%get3A_547, %get3A_548] {strides = array<i32>} : memref<80x256xf32, #tpu.memory_space<vmem>>, vector<1x16xf32>,
      %get3A_550 = vector.shape_cast %get3A_549 : vector<1x16xf32> to vector<16xf32>
      %get3A_551 = arith.index_cast %add3A_490 : i32 to index
      %get3A_552 = arith.constant 64 : index
      %get3A_553 = tpu.vector_load %arg14[%get3A_551, %get3A_552] {strides = array<i32>} : memref<80x256xf32, #tpu.memory_space<vmem>>, vector<1x16xf32>,
      %get3A_554 = vector.shape_cast %get3A_553 : vector<1x16xf32> to vector<16xf32>
      %add3A_555 = arith.addf %get3A_550, %get3A_554 : vector<16xf32>
      %swap3A_556 = arith.index_cast %add3A_490 : i32 to index
      %swap3A_557 = arith.constant 64 : index
      %swap3A_558 = tpu.vector_load %arg16[%swap3A_556, %swap3A_557] {strides = array<i32>} : memref<80x128xf32, #tpu.memory_space<vmem>>, vector<1x16xf32>,
      %swap3A_559 = vector.shape_cast %swap3A_558 : vector<1x16xf32> to vector<16xf32>
      %swap3A_560 = vector.shape_cast %add3A_555 : vector<16xf32> to vector<1x16xf32>
      tpu.vector_store %arg16[%swap3A_556, %swap3A_557], %swap3A_560 {strides = array<i32>} : memref<80x128xf32, #tpu.memory_space<vmem>>, vector<1x16xf32>,
      %get3A_561 = arith.index_cast %add3A_490 : i32 to index
      %get3A_562 = arith.constant 80 : index
      %get3A_563 = tpu.vector_load %arg12[%get3A_561, %get3A_562] {strides = array<i32>} : memref<80x256xf32, #tpu.memory_space<vmem>>, vector<1x16xf32>,
      %get3A_564 = vector.shape_cast %get3A_563 : vector<1x16xf32> to vector<16xf32>
      %get3A_565 = arith.index_cast %add3A_490 : i32 to index
      %get3A_566 = arith.constant 80 : index
      %get3A_567 = tpu.vector_load %arg14[%get3A_565, %get3A_566] {strides = array<i32>} : memref<80x256xf32, #tpu.memory_space<vmem>>, vector<1x16xf32>,
      %get3A_568 = vector.shape_cast %get3A_567 : vector<1x16xf32> to vector<16xf32>
      %add3A_569 = arith.addf %get3A_564, %get3A_568 : vector<16xf32>
      %swap3A_570 = arith.index_cast %add3A_490 : i32 to index
      %swap3A_571 = arith.constant 80 : index
      %swap3A_572 = tpu.vector_load %arg16[%swap3A_570, %swap3A_571] {strides = array<i32>} : memref<80x128xf32, #tpu.memory_space<vmem>>, vector<1x16xf32>,
      %swap3A_573 = vector.shape_cast %swap3A_572 : vector<1x16xf32> to vector<16xf32>
      %swap3A_574 = vector.shape_cast %add3A_569 : vector<16xf32> to vector<1x16xf32>
      tpu.vector_store %arg16[%swap3A_570, %swap3A_571], %swap3A_574 {strides = array<i32>} : memref<80x128xf32, #tpu.memory_space<vmem>>, vector<1x16xf32>,
      %get3A_575 = arith.index_cast %add3A_490 : i32 to index
      %get3A_576 = arith.constant 96 : index
      %get3A_577 = tpu.vector_load %arg12[%get3A_575, %get3A_576] {strides = array<i32>} : memref<80x256xf32, #tpu.memory_space<vmem>>, vector<1x16xf32>,
      %get3A_578 = vector.shape_cast %get3A_577 : vector<1x16xf32> to vector<16xf32>
      %get3A_579 = arith.index_cast %add3A_490 : i32 to index
      %get3A_580 = arith.constant 96 : index
      %get3A_581 = tpu.vector_load %arg14[%get3A_579, %get3A_580] {strides = array<i32>} : memref<80x256xf32, #tpu.memory_space<vmem>>, vector<1x16xf32>,
      %get3A_582 = vector.shape_cast %get3A_581 : vector<1x16xf32> to vector<16xf32>
      %add3A_583 = arith.addf %get3A_578, %get3A_582 : vector<16xf32>
      %swap3A_584 = arith.index_cast %add3A_490 : i32 to index
      %swap3A_585 = arith.constant 96 : index
      %swap3A_586 = tpu.vector_load %arg16[%swap3A_584, %swap3A_585] {strides = array<i32>} : memref<80x128xf32, #tpu.memory_space<vmem>>, vector<1x16xf32>,
      %swap3A_587 = vector.shape_cast %swap3A_586 : vector<1x16xf32> to vector<16xf32>
      %swap3A_588 = vector.shape_cast %add3A_583 : vector<16xf32> to vector<1x16xf32>
      tpu.vector_store %arg16[%swap3A_584, %swap3A_585], %swap3A_588 {strides = array<i32>} : memref<80x128xf32, #tpu.memory_space<vmem>>, vector<1x16xf32>,
      %get3A_589 = arith.index_cast %add3A_490 : i32 to index
      %get3A_590 = arith.constant 112 : index
      %get3A_591 = tpu.vector_load %arg12[%get3A_589, %get3A_590] {strides = array<i32>} : memref<80x256xf32, #tpu.memory_space<vmem>>, vector<1x16xf32>,
      %get3A_592 = vector.shape_cast %get3A_591 : vector<1x16xf32> to vector<16xf32>
      %get3A_593 = arith.index_cast %add3A_490 : i32 to index
      %get3A_594 = arith.constant 112 : index
      %get3A_595 = tpu.vector_load %arg14[%get3A_593, %get3A_594] {strides = array<i32>} : memref<80x256xf32, #tpu.memory_space<vmem>>, vector<1x16xf32>,
      %get3A_596 = vector.shape_cast %get3A_595 : vector<1x16xf32> to vector<16xf32>
      %add3A_597 = arith.addf %get3A_592, %get3A_596 : vector<16xf32>
      %swap3A_598 = arith.index_cast %add3A_490 : i32 to index
      %swap3A_599 = arith.constant 112 : index
      %swap3A_600 = tpu.vector_load %arg16[%swap3A_598, %swap3A_599] {strides = array<i32>} : memref<80x128xf32, #tpu.memory_space<vmem>>, vector<1x16xf32>,
      %swap3A_601 = vector.shape_cast %swap3A_600 : vector<1x16xf32> to vector<16xf32>
      %swap3A_602 = vector.shape_cast %add3A_597 : vector<16xf32> to vector<1x16xf32>
      tpu.vector_store %arg16[%swap3A_598, %swap3A_599], %swap3A_602 {strides = array<i32>} : memref<80x128xf32, #tpu.memory_space<vmem>>, vector<1x16xf32>,
      %get3A_603 = arith.index_cast %add3A_490 : i32 to index
      %get3A_604 = arith.constant 128 : index
      %get3A_605 = tpu.vector_load %arg12[%get3A_603, %get3A_604] {strides = array<i32>} : memref<80x256xf32, #tpu.memory_space<vmem>>, vector<1x16xf32>,
      %get3A_606 = vector.shape_cast %get3A_605 : vector<1x16xf32> to vector<16xf32>
      %get3A_607 = arith.index_cast %add3A_490 : i32 to index
      %get3A_608 = arith.constant 128 : index
      %get3A_609 = tpu.vector_load %arg14[%get3A_607, %get3A_608] {strides = array<i32>} : memref<80x256xf32, #tpu.memory_space<vmem>>, vector<1x16xf32>,
      %get3A_610 = vector.shape_cast %get3A_609 : vector<1x16xf32> to vector<16xf32>
      %add3A_611 = arith.addf %get3A_606, %get3A_610 : vector<16xf32>
      %swap3A_612 = arith.index_cast %add3A_490 : i32 to index
      %swap3A_613 = arith.constant 0 : index
      %swap3A_614 = tpu.vector_load %arg18[%swap3A_612, %swap3A_613] {strides = array<i32>} : memref<80x16xf32, #tpu.memory_space<vmem>>, vector<1x16xf32>,
      %swap3A_615 = vector.shape_cast %swap3A_614 : vector<1x16xf32> to vector<16xf32>
      %swap3A_616 = vector.shape_cast %add3A_611 : vector<16xf32> to vector<1x16xf32>
      tpu.vector_store %arg18[%swap3A_612, %swap3A_613], %swap3A_616 {strides = array<i32>} : memref<80x16xf32, #tpu.memory_space<vmem>>, vector<1x16xf32>,
      %mul3A_617 = arith.constant 4 : i32
      %mul3A_618 = arith.muli %scan3A_228, %mul3A_617 : i32
      %add3A_619 = arith.constant 3 : i32
      %add3A_620 = arith.addi %mul3A_618, %add3A_619 : i32
      %get3A_621 = arith.index_cast %add3A_620 : i32 to index
      %get3A_622 = arith.constant 0 : index
      %get3A_623 = tpu.vector_load %arg12[%get3A_621, %get3A_622] {strides = array<i32>} : memref<80x256xf32, #tpu.memory_space<vmem>>, vector<1x16xf32>,
      %get3A_624 = vector.shape_cast %get3A_623 : vector<1x16xf32> to vector<16xf32>
      %get3A_625 = arith.index_cast %add3A_620 : i32 to index
      %get3A_626 = arith.constant 0 : index
      %get3A_627 = tpu.vector_load %arg14[%get3A_625, %get3A_626] {strides = array<i32>} : memref<80x256xf32, #tpu.memory_space<vmem>>, vector<1x16xf32>,
      %get3A_628 = vector.shape_cast %get3A_627 : vector<1x16xf32> to vector<16xf32>
      %add3A_629 = arith.addf %get3A_624, %get3A_628 : vector<16xf32>
      %swap3A_630 = arith.index_cast %add3A_620 : i32 to index
      %swap3A_631 = arith.constant 0 : index
      %swap3A_632 = tpu.vector_load %arg16[%swap3A_630, %swap3A_631] {strides = array<i32>} : memref<80x128xf32, #tpu.memory_space<vmem>>, vector<1x16xf32>,
      %swap3A_633 = vector.shape_cast %swap3A_632 : vector<1x16xf32> to vector<16xf32>
      %swap3A_634 = vector.shape_cast %add3A_629 : vector<16xf32> to vector<1x16xf32>
      tpu.vector_store %arg16[%swap3A_630, %swap3A_631], %swap3A_634 {strides = array<i32>} : memref<80x128xf32, #tpu.memory_space<vmem>>, vector<1x16xf32>,
      %get3A_635 = arith.index_cast %add3A_620 : i32 to index
      %get3A_636 = arith.constant 16 : index
      %get3A_637 = tpu.vector_load %arg12[%get3A_635, %get3A_636] {strides = array<i32>} : memref<80x256xf32, #tpu.memory_space<vmem>>, vector<1x16xf32>,
      %get3A_638 = vector.shape_cast %get3A_637 : vector<1x16xf32> to vector<16xf32>
      %get3A_639 = arith.index_cast %add3A_620 : i32 to index
      %get3A_640 = arith.constant 16 : index
      %get3A_641 = tpu.vector_load %arg14[%get3A_639, %get3A_640] {strides = array<i32>} : memref<80x256xf32, #tpu.memory_space<vmem>>, vector<1x16xf32>,
      %get3A_642 = vector.shape_cast %get3A_641 : vector<1x16xf32> to vector<16xf32>
      %add3A_643 = arith.addf %get3A_638, %get3A_642 : vector<16xf32>
      %swap3A_644 = arith.index_cast %add3A_620 : i32 to index
      %swap3A_645 = arith.constant 16 : index
      %swap3A_646 = tpu.vector_load %arg16[%swap3A_644, %swap3A_645] {strides = array<i32>} : memref<80x128xf32, #tpu.memory_space<vmem>>, vector<1x16xf32>,
      %swap3A_647 = vector.shape_cast %swap3A_646 : vector<1x16xf32> to vector<16xf32>
      %swap3A_648 = vector.shape_cast %add3A_643 : vector<16xf32> to vector<1x16xf32>
      tpu.vector_store %arg16[%swap3A_644, %swap3A_645], %swap3A_648 {strides = array<i32>} : memref<80x128xf32, #tpu.memory_space<vmem>>, vector<1x16xf32>,
      %get3A_649 = arith.index_cast %add3A_620 : i32 to index
      %get3A_650 = arith.constant 32 : index
      %get3A_651 = tpu.vector_load %arg12[%get3A_649, %get3A_650] {strides = array<i32>} : memref<80x256xf32, #tpu.memory_space<vmem>>, vector<1x16xf32>,
      %get3A_652 = vector.shape_cast %get3A_651 : vector<1x16xf32> to vector<16xf32>
      %get3A_653 = arith.index_cast %add3A_620 : i32 to index
      %get3A_654 = arith.constant 32 : index
      %get3A_655 = tpu.vector_load %arg14[%get3A_653, %get3A_654] {strides = array<i32>} : memref<80x256xf32, #tpu.memory_space<vmem>>, vector<1x16xf32>,
      %get3A_656 = vector.shape_cast %get3A_655 : vector<1x16xf32> to vector<16xf32>
      %add3A_657 = arith.addf %get3A_652, %get3A_656 : vector<16xf32>
      %swap3A_658 = arith.index_cast %add3A_620 : i32 to index
      %swap3A_659 = arith.constant 32 : index
      %swap3A_660 = tpu.vector_load %arg16[%swap3A_658, %swap3A_659] {strides = array<i32>} : memref<80x128xf32, #tpu.memory_space<vmem>>, vector<1x16xf32>,
      %swap3A_661 = vector.shape_cast %swap3A_660 : vector<1x16xf32> to vector<16xf32>
      %swap3A_662 = vector.shape_cast %add3A_657 : vector<16xf32> to vector<1x16xf32>
      tpu.vector_store %arg16[%swap3A_658, %swap3A_659], %swap3A_662 {strides = array<i32>} : memref<80x128xf32, #tpu.memory_space<vmem>>, vector<1x16xf32>,
      %get3A_663 = arith.index_cast %add3A_620 : i32 to index
      %get3A_664 = arith.constant 48 : index
      %get3A_665 = tpu.vector_load %arg12[%get3A_663, %get3A_664] {strides = array<i32>} : memref<80x256xf32, #tpu.memory_space<vmem>>, vector<1x16xf32>,
      %get3A_666 = vector.shape_cast %get3A_665 : vector<1x16xf32> to vector<16xf32>
      %get3A_667 = arith.index_cast %add3A_620 : i32 to index
      %get3A_668 = arith.constant 48 : index
      %get3A_669 = tpu.vector_load %arg14[%get3A_667, %get3A_668] {strides = array<i32>} : memref<80x256xf32, #tpu.memory_space<vmem>>, vector<1x16xf32>,
      %get3A_670 = vector.shape_cast %get3A_669 : vector<1x16xf32> to vector<16xf32>
      %add3A_671 = arith.addf %get3A_666, %get3A_670 : vector<16xf32>
      %swap3A_672 = arith.index_cast %add3A_620 : i32 to index
      %swap3A_673 = arith.constant 48 : index
      %swap3A_674 = tpu.vector_load %arg16[%swap3A_672, %swap3A_673] {strides = array<i32>} : memref<80x128xf32, #tpu.memory_space<vmem>>, vector<1x16xf32>,
      %swap3A_675 = vector.shape_cast %swap3A_674 : vector<1x16xf32> to vector<16xf32>
      %swap3A_676 = vector.shape_cast %add3A_671 : vector<16xf32> to vector<1x16xf32>
      tpu.vector_store %arg16[%swap3A_672, %swap3A_673], %swap3A_676 {strides = array<i32>} : memref<80x128xf32, #tpu.memory_space<vmem>>, vector<1x16xf32>,
      %get3A_677 = arith.index_cast %add3A_620 : i32 to index
      %get3A_678 = arith.constant 64 : index
      %get3A_679 = tpu.vector_load %arg12[%get3A_677, %get3A_678] {strides = array<i32>} : memref<80x256xf32, #tpu.memory_space<vmem>>, vector<1x16xf32>,
      %get3A_680 = vector.shape_cast %get3A_679 : vector<1x16xf32> to vector<16xf32>
      %get3A_681 = arith.index_cast %add3A_620 : i32 to index
      %get3A_682 = arith.constant 64 : index
      %get3A_683 = tpu.vector_load %arg14[%get3A_681, %get3A_682] {strides = array<i32>} : memref<80x256xf32, #tpu.memory_space<vmem>>, vector<1x16xf32>,
      %get3A_684 = vector.shape_cast %get3A_683 : vector<1x16xf32> to vector<16xf32>
      %add3A_685 = arith.addf %get3A_680, %get3A_684 : vector<16xf32>
      %swap3A_686 = arith.index_cast %add3A_620 : i32 to index
      %swap3A_687 = arith.constant 64 : index
      %swap3A_688 = tpu.vector_load %arg16[%swap3A_686, %swap3A_687] {strides = array<i32>} : memref<80x128xf32, #tpu.memory_space<vmem>>, vector<1x16xf32>,
      %swap3A_689 = vector.shape_cast %swap3A_688 : vector<1x16xf32> to vector<16xf32>
      %swap3A_690 = vector.shape_cast %add3A_685 : vector<16xf32> to vector<1x16xf32>
      tpu.vector_store %arg16[%swap3A_686, %swap3A_687], %swap3A_690 {strides = array<i32>} : memref<80x128xf32, #tpu.memory_space<vmem>>, vector<1x16xf32>,
      %get3A_691 = arith.index_cast %add3A_620 : i32 to index
      %get3A_692 = arith.constant 80 : index
      %get3A_693 = tpu.vector_load %arg12[%get3A_691, %get3A_692] {strides = array<i32>} : memref<80x256xf32, #tpu.memory_space<vmem>>, vector<1x16xf32>,
      %get3A_694 = vector.shape_cast %get3A_693 : vector<1x16xf32> to vector<16xf32>
      %get3A_695 = arith.index_cast %add3A_620 : i32 to index
      %get3A_696 = arith.constant 80 : index
      %get3A_697 = tpu.vector_load %arg14[%get3A_695, %get3A_696] {strides = array<i32>} : memref<80x256xf32, #tpu.memory_space<vmem>>, vector<1x16xf32>,
      %get3A_698 = vector.shape_cast %get3A_697 : vector<1x16xf32> to vector<16xf32>
      %add3A_699 = arith.addf %get3A_694, %get3A_698 : vector<16xf32>
      %swap3A_700 = arith.index_cast %add3A_620 : i32 to index
      %swap3A_701 = arith.constant 80 : index
      %swap3A_702 = tpu.vector_load %arg16[%swap3A_700, %swap3A_701] {strides = array<i32>} : memref<80x128xf32, #tpu.memory_space<vmem>>, vector<1x16xf32>,
      %swap3A_703 = vector.shape_cast %swap3A_702 : vector<1x16xf32> to vector<16xf32>
      %swap3A_704 = vector.shape_cast %add3A_699 : vector<16xf32> to vector<1x16xf32>
      tpu.vector_store %arg16[%swap3A_700, %swap3A_701], %swap3A_704 {strides = array<i32>} : memref<80x128xf32, #tpu.memory_space<vmem>>, vector<1x16xf32>,
      %get3A_705 = arith.index_cast %add3A_620 : i32 to index
      %get3A_706 = arith.constant 96 : index
      %get3A_707 = tpu.vector_load %arg12[%get3A_705, %get3A_706] {strides = array<i32>} : memref<80x256xf32, #tpu.memory_space<vmem>>, vector<1x16xf32>,
      %get3A_708 = vector.shape_cast %get3A_707 : vector<1x16xf32> to vector<16xf32>
      %get3A_709 = arith.index_cast %add3A_620 : i32 to index
      %get3A_710 = arith.constant 96 : index
      %get3A_711 = tpu.vector_load %arg14[%get3A_709, %get3A_710] {strides = array<i32>} : memref<80x256xf32, #tpu.memory_space<vmem>>, vector<1x16xf32>,
      %get3A_712 = vector.shape_cast %get3A_711 : vector<1x16xf32> to vector<16xf32>
      %add3A_713 = arith.addf %get3A_708, %get3A_712 : vector<16xf32>
      %swap3A_714 = arith.index_cast %add3A_620 : i32 to index
      %swap3A_715 = arith.constant 96 : index
      %swap3A_716 = tpu.vector_load %arg16[%swap3A_714, %swap3A_715] {strides = array<i32>} : memref<80x128xf32, #tpu.memory_space<vmem>>, vector<1x16xf32>,
      %swap3A_717 = vector.shape_cast %swap3A_716 : vector<1x16xf32> to vector<16xf32>
      %swap3A_718 = vector.shape_cast %add3A_713 : vector<16xf32> to vector<1x16xf32>
      tpu.vector_store %arg16[%swap3A_714, %swap3A_715], %swap3A_718 {strides = array<i32>} : memref<80x128xf32, #tpu.memory_space<vmem>>, vector<1x16xf32>,
      %get3A_719 = arith.index_cast %add3A_620 : i32 to index
      %get3A_720 = arith.constant 112 : index
      %get3A_721 = tpu.vector_load %arg12[%get3A_719, %get3A_720] {strides = array<i32>} : memref<80x256xf32, #tpu.memory_space<vmem>>, vector<1x16xf32>,
      %get3A_722 = vector.shape_cast %get3A_721 : vector<1x16xf32> to vector<16xf32>
      %get3A_723 = arith.index_cast %add3A_620 : i32 to index
      %get3A_724 = arith.constant 112 : index
      %get3A_725 = tpu.vector_load %arg14[%get3A_723, %get3A_724] {strides = array<i32>} : memref<80x256xf32, #tpu.memory_space<vmem>>, vector<1x16xf32>,
      %get3A_726 = vector.shape_cast %get3A_725 : vector<1x16xf32> to vector<16xf32>
      %add3A_727 = arith.addf %get3A_722, %get3A_726 : vector<16xf32>
      %swap3A_728 = arith.index_cast %add3A_620 : i32 to index
      %swap3A_729 = arith.constant 112 : index
      %swap3A_730 = tpu.vector_load %arg16[%swap3A_728, %swap3A_729] {strides = array<i32>} : memref<80x128xf32, #tpu.memory_space<vmem>>, vector<1x16xf32>,
      %swap3A_731 = vector.shape_cast %swap3A_730 : vector<1x16xf32> to vector<16xf32>
      %swap3A_732 = vector.shape_cast %add3A_727 : vector<16xf32> to vector<1x16xf32>
      tpu.vector_store %arg16[%swap3A_728, %swap3A_729], %swap3A_732 {strides = array<i32>} : memref<80x128xf32, #tpu.memory_space<vmem>>, vector<1x16xf32>,
      %get3A_733 = arith.index_cast %add3A_620 : i32 to index
      %get3A_734 = arith.constant 128 : index
      %get3A_735 = tpu.vector_load %arg12[%get3A_733, %get3A_734] {strides = array<i32>} : memref<80x256xf32, #tpu.memory_space<vmem>>, vector<1x16xf32>,
      %get3A_736 = vector.shape_cast %get3A_735 : vector<1x16xf32> to vector<16xf32>
      %get3A_737 = arith.index_cast %add3A_620 : i32 to index
      %get3A_738 = arith.constant 128 : index
      %get3A_739 = tpu.vector_load %arg14[%get3A_737, %get3A_738] {strides = array<i32>} : memref<80x256xf32, #tpu.memory_space<vmem>>, vector<1x16xf32>,
      %get3A_740 = vector.shape_cast %get3A_739 : vector<1x16xf32> to vector<16xf32>
      %add3A_741 = arith.addf %get3A_736, %get3A_740 : vector<16xf32>
      %swap3A_742 = arith.index_cast %add3A_620 : i32 to index
      %swap3A_743 = arith.constant 0 : index
      %swap3A_744 = tpu.vector_load %arg18[%swap3A_742, %swap3A_743] {strides = array<i32>} : memref<80x16xf32, #tpu.memory_space<vmem>>, vector<1x16xf32>,
      %swap3A_745 = vector.shape_cast %swap3A_744 : vector<1x16xf32> to vector<16xf32>
      %swap3A_746 = vector.shape_cast %add3A_741 : vector<16xf32> to vector<1x16xf32>
      tpu.vector_store %arg18[%swap3A_742, %swap3A_743], %swap3A_746 {strides = array<i32>} : memref<80x16xf32, #tpu.memory_space<vmem>>, vector<1x16xf32>,
    }
    %scan3A_167 = arith.constant 20 : i32
    %add3A_168 = arith.constant 9920 : i32
    %add3A_169 = arith.addi %mul3A_2, %add3A_168 : i32
    %dma_start3A_170 = arith.constant 0 : i32
    %dma_start3A_171 = tpu.memref_slice %arg6[%add3A_169, %dma_start3A_170] : memref<320000x128xf32, #tpu.memory_space<hbm>> -> memref<80x128xf32, #tpu.memory_space<hbm>>
    %dma_start3A_172 = arith.constant 0 : i32
    %dma_start3A_173 = tpu.memref_slice %arg6[%add3A_169, %dma_start3A_172] : memref<320000x128xf32, #tpu.memory_space<hbm>> -> memref<80x128xf32, #tpu.memory_space<hbm>>
    tpu.enqueue_dma source(%arg16 : memref<80x128xf32, #tpu.memory_space<vmem>>) target(%dma_start3A_173 : memref<80x128xf32, #tpu.memory_space<hbm>>) target_semaphore(%arg24 : memref<!tpu.dma_semaphore, #tpu.memory_space<semaphore_mem>>)
    %add3A_174 = arith.constant 9920 : i32
    %add3A_175 = arith.addi %mul3A_2, %add3A_174 : i32
    %dma_start3A_176 = arith.constant 0 : i32
    %dma_start3A_177 = tpu.memref_slice %arg7[%add3A_175, %dma_start3A_176] : memref<320000x16xf32, #tpu.memory_space<hbm>> -> memref<80x16xf32, #tpu.memory_space<hbm>>
    %dma_start3A_178 = arith.constant 0 : i32
    %dma_start3A_179 = tpu.memref_slice %arg7[%add3A_175, %dma_start3A_178] : memref<320000x16xf32, #tpu.memory_space<hbm>> -> memref<80x16xf32, #tpu.memory_space<hbm>>
    tpu.enqueue_dma source(%arg18 : memref<80x16xf32, #tpu.memory_space<vmem>>) target(%dma_start3A_179 : memref<80x16xf32, #tpu.memory_space<hbm>>) target_semaphore(%arg24 : memref<!tpu.dma_semaphore, #tpu.memory_space<semaphore_mem>>)
    %dma_wait3A_180 = arith.constant 0 : i32
    %dma_wait3A_181 = tpu.memref_slice %arg6[%mul3A_2, %dma_wait3A_180] : memref<320000x128xf32, #tpu.memory_space<hbm>> -> memref<80x128xf32, #tpu.memory_space<hbm>>
    %dma_wait3A_182 = arith.constant 0 : i32
    %dma_wait3A_183 = tpu.memref_slice %arg6[%mul3A_2, %dma_wait3A_182] : memref<320000x128xf32, #tpu.memory_space<hbm>> -> memref<80x128xf32, #tpu.memory_space<hbm>>
    tpu.wait_dma2 semaphore(%arg25 : memref<!tpu.dma_semaphore, #tpu.memory_space<semaphore_mem>>) src(%arg17 : memref<80x128xf32, #tpu.memory_space<vmem>>) dst(%dma_wait3A_183 : memref<80x128xf32, #tpu.memory_space<hbm>>)
    %dma_wait3A_184 = arith.constant 0 : i32
    %dma_wait3A_185 = tpu.memref_slice %arg7[%mul3A_2, %dma_wait3A_184] : memref<320000x16xf32, #tpu.memory_space<hbm>> -> memref<80x16xf32, #tpu.memory_space<hbm>>
    %dma_wait3A_186 = arith.constant 0 : i32
    %dma_wait3A_187 = tpu.memref_slice %arg7[%mul3A_2, %dma_wait3A_186] : memref<320000x16xf32, #tpu.memory_space<hbm>> -> memref<80x16xf32, #tpu.memory_space<hbm>>
    tpu.wait_dma2 semaphore(%arg25 : memref<!tpu.dma_semaphore, #tpu.memory_space<semaphore_mem>>) src(%arg19 : memref<80x16xf32, #tpu.memory_space<vmem>>) dst(%dma_wait3A_187 : memref<80x16xf32, #tpu.memory_space<hbm>>)
    %dma_wait3A_188 = arith.constant 0 : i32
    %dma_wait3A_189 = tpu.memref_slice %arg6[%mul3A_2, %dma_wait3A_188] : memref<320000x128xf32, #tpu.memory_space<hbm>> -> memref<80x128xf32, #tpu.memory_space<hbm>>
    %dma_wait3A_190 = arith.constant 0 : i32
    %dma_wait3A_191 = tpu.memref_slice %arg6[%mul3A_2, %dma_wait3A_190] : memref<320000x128xf32, #tpu.memory_space<hbm>> -> memref<80x128xf32, #tpu.memory_space<hbm>>
    tpu.wait_dma2 semaphore(%arg24 : memref<!tpu.dma_semaphore, #tpu.memory_space<semaphore_mem>>) src(%arg16 : memref<80x128xf32, #tpu.memory_space<vmem>>) dst(%dma_wait3A_191 : memref<80x128xf32, #tpu.memory_space<hbm>>)
    %dma_wait3A_192 = arith.constant 0 : i32
    %dma_wait3A_193 = tpu.memref_slice %arg7[%mul3A_2, %dma_wait3A_192] : memref<320000x16xf32, #tpu.memory_space<hbm>> -> memref<80x16xf32, #tpu.memory_space<hbm>>
    %dma_wait3A_194 = arith.constant 0 : i32
    %dma_wait3A_195 = tpu.memref_slice %arg7[%mul3A_2, %dma_wait3A_194] : memref<320000x16xf32, #tpu.memory_space<hbm>> -> memref<80x16xf32, #tpu.memory_space<hbm>>
    tpu.wait_dma2 semaphore(%arg24 : memref<!tpu.dma_semaphore, #tpu.memory_space<semaphore_mem>>) src(%arg18 : memref<80x16xf32, #tpu.memory_space<vmem>>) dst(%dma_wait3A_195 : memref<80x16xf32, #tpu.memory_space<hbm>>)
    %dma_wait3A_196 = arith.constant 0 : i32
    %dma_wait3A_197 = arith.constant 0 : i32
    %dma_wait3A_198 = tpu.memref_slice %arg9[%dma_wait3A_196, %dma_wait3A_197] : memref<1x80xi32, #tpu.memory_space<vmem>> -> memref<1x80xi32, #tpu.memory_space<vmem>>
    %dma_wait3A_199 = tpu.memref_squeeze %dma_wait3A_198 : memref<1x80xi32, #tpu.memory_space<vmem>> -> memref<80xi32, #tpu.memory_space<vmem>>
    %dma_wait3A_200 = arith.constant 0 : i32
    %dma_wait3A_201 = arith.constant 0 : i32
    %dma_wait3A_202 = tpu.memref_slice %arg2[%dma_wait3A_200, %dma_wait3A_201] : memref<10000x256xf32, #tpu.memory_space<hbm>> -> memref<10000x256xf32, #tpu.memory_space<hbm>>
    tpu.wait_indirect_dma semaphore(%arg21 : memref<!tpu.dma_semaphore, #tpu.memory_space<semaphore_mem>>) src(%dma_wait3A_202 : memref<10000x256xf32, #tpu.memory_space<hbm>>) dst(%arg13 : memref<80x256xf32, #tpu.memory_space<vmem>>)
    %dma_wait3A_203 = arith.constant 0 : i32
    %dma_wait3A_204 = arith.constant 0 : i32
    %dma_wait3A_205 = tpu.memref_slice %arg11[%dma_wait3A_203, %dma_wait3A_204] : memref<1x80xi32, #tpu.memory_space<vmem>> -> memref<1x80xi32, #tpu.memory_space<vmem>>
    %dma_wait3A_206 = tpu.memref_squeeze %dma_wait3A_205 : memref<1x80xi32, #tpu.memory_space<vmem>> -> memref<80xi32, #tpu.memory_space<vmem>>
    %dma_wait3A_207 = arith.constant 0 : i32
    %dma_wait3A_208 = arith.constant 0 : i32
    %dma_wait3A_209 = tpu.memref_slice %arg3[%dma_wait3A_207, %dma_wait3A_208] : memref<10000x256xf32, #tpu.memory_space<hbm>> -> memref<10000x256xf32, #tpu.memory_space<hbm>>
    tpu.wait_indirect_dma semaphore(%arg23 : memref<!tpu.dma_semaphore, #tpu.memory_space<semaphore_mem>>) src(%dma_wait3A_209 : memref<10000x256xf32, #tpu.memory_space<hbm>>) dst(%arg15 : memref<80x256xf32, #tpu.memory_space<vmem>>)
    %dma_wait3A_210 = arith.constant 0 : i32
    %dma_wait3A_211 = arith.constant 0 : i32
    %dma_wait3A_212 = arith.constant 0 : i32
    %dma_wait3A_213 = tpu.memref_slice %arg4[%arg0, %arg1, %dma_wait3A_210, %dma_wait3A_211, %dma_wait3A_212] : memref<2x16x127x1x80xi32, #tpu.memory_space<hbm>> -> memref<1x1x1x1x80xi32, #tpu.memory_space<hbm>>
    %dma_wait3A_214 = tpu.memref_squeeze %dma_wait3A_213 : memref<1x1x1x1x80xi32, #tpu.memory_space<hbm>> -> memref<1x80xi32, #tpu.memory_space<hbm>>
    %dma_wait3A_215 = arith.constant 0 : i32
    %dma_wait3A_216 = arith.constant 0 : i32
    %dma_wait3A_217 = tpu.memref_slice %arg4[%arg0, %arg1, %dma_wait3A_210, %dma_wait3A_215, %dma_wait3A_216] : memref<2x16x127x1x80xi32, #tpu.memory_space<hbm>> -> memref<1x1x1x1x80xi32, #tpu.memory_space<hbm>>
    %dma_wait3A_218 = tpu.memref_squeeze %dma_wait3A_217 : memref<1x1x1x1x80xi32, #tpu.memory_space<hbm>> -> memref<1x80xi32, #tpu.memory_space<hbm>>
    tpu.wait_dma2 semaphore(%arg26 : memref<!tpu.dma_semaphore, #tpu.memory_space<semaphore_mem>>) src(%dma_wait3A_218 : memref<1x80xi32, #tpu.memory_space<hbm>>) dst(%arg8 : memref<1x80xi32, #tpu.memory_space<vmem>>)
    %dma_wait3A_219 = arith.constant 0 : i32
    %dma_wait3A_220 = arith.constant 0 : i32
    %dma_wait3A_221 = arith.constant 0 : i32
    %dma_wait3A_222 = tpu.memref_slice %arg5[%arg0, %arg1, %dma_wait3A_219, %dma_wait3A_220, %dma_wait3A_221] : memref<2x16x127x1x80xi32, #tpu.memory_space<hbm>> -> memref<1x1x1x1x80xi32, #tpu.memory_space<hbm>>
    %dma_wait3A_223 = tpu.memref_squeeze %dma_wait3A_222 : memref<1x1x1x1x80xi32, #tpu.memory_space<hbm>> -> memref<1x80xi32, #tpu.memory_space<hbm>>
    %dma_wait3A_224 = arith.constant 0 : i32
    %dma_wait3A_225 = arith.constant 0 : i32
    %dma_wait3A_226 = tpu.memref_slice %arg5[%arg0, %arg1, %dma_wait3A_219, %dma_wait3A_224, %dma_wait3A_225] : memref<2x16x127x1x80xi32, #tpu.memory_space<hbm>> -> memref<1x1x1x1x80xi32, #tpu.memory_space<hbm>>
    %dma_wait3A_227 = tpu.memref_squeeze %dma_wait3A_226 : memref<1x1x1x1x80xi32, #tpu.memory_space<hbm>> -> memref<1x80xi32, #tpu.memory_space<hbm>>
    tpu.wait_dma2 semaphore(%arg26 : memref<!tpu.dma_semaphore, #tpu.memory_space<semaphore_mem>>) src(%dma_wait3A_227 : memref<1x80xi32, #tpu.memory_space<hbm>>) dst(%arg10 : memref<1x80xi32, #tpu.memory_space<vmem>>)
    return
  }
}

#map = affine_map<(d0, d1) -> (0, 0)>
#map1 = affine_map<(d0, d1) -> (0, 0, 0, 0)>
#map2 = affine_map<(d0, d1) -> (0, 0, 0)>
module attributes {stable_mosaic.version = 14 : i64} {
  func.func @k(%arg0: i32, %arg1: i32, %arg2: memref<320000x128xf32, #tpu.memory_space<hbm>>, %arg3: memref<320000x128xf32, #tpu.memory_space<hbm>>, %arg4: memref<16x250x1x80xi32, #tpu.memory_space<hbm>>, %arg5: memref<10000x128xf32, #tpu.memory_space<hbm>>, %arg6: memref<2x10000x128xf32, #tpu.memory_space<hbm>>, %arg7: memref<1x80xi32, #tpu.memory_space<vmem>>, %arg8: memref<1x80xi32, #tpu.memory_space<vmem>>, %arg9: memref<80x128xf32, #tpu.memory_space<vmem>>, %arg10: memref<80x128xf32, #tpu.memory_space<vmem>>, %arg11: memref<10000x128xf32, #tpu.memory_space<vmem_shared>>, %arg12: memref<!tpu.dma_semaphore, #tpu.memory_space<semaphore_mem>>, %arg13: memref<!tpu.dma_semaphore, #tpu.memory_space<semaphore_mem>>, %arg14: memref<!tpu.dma_semaphore, #tpu.memory_space<semaphore_mem>>, %arg15: memref<!tpu.dma_semaphore, #tpu.memory_space<semaphore_mem>>) attributes {dimension_semantics = [#tpu.dimension_semantics<core_parallel>, #tpu.dimension_semantics<subcore_parallel>], iteration_bounds = array<i64: 2, 16>, scalar_prefetch = 0 : i64, scratch_operands = 9 : i64, tpu.core_type = #tpu.core_type<sc_vector_subcore>, window_params = [{transform_indices = #map}, {transform_indices = #map}, {transform_indices = #map1}, {transform_indices = #map}, {transform_indices = #map2}]} {
    %eq3A = arith.constant 0 : i32
    %eq3A_0 = arith.cmpi eq, %arg1, %eq3A : i32
    %convert_element_type3A = arith.extui %eq3A_0 : i1 to i32
    %cond3A = arith.constant 0 : i32
    %cond3A_1 = arith.cmpi ne, %convert_element_type3A, %cond3A : i32
    scf.if %cond3A_1 {
      "tpu.region"() ({
        %run_scoped3A = tpu.sem_alloc : memref<!tpu.dma_semaphore, #tpu.memory_space<semaphore_mem>>
        tpu.enqueue_dma source(%arg5 : memref<10000x128xf32, #tpu.memory_space<hbm>>) target(%arg11 : memref<10000x128xf32, #tpu.memory_space<vmem_shared>>) target_semaphore(%run_scoped3A : memref<!tpu.dma_semaphore, #tpu.memory_space<semaphore_mem>>)
        tpu.wait_dma2 semaphore(%run_scoped3A : memref<!tpu.dma_semaphore, #tpu.memory_space<semaphore_mem>>) src(%arg5 : memref<10000x128xf32, #tpu.memory_space<hbm>>) dst(%arg11 : memref<10000x128xf32, #tpu.memory_space<vmem_shared>>)
        tpu.yield
      }) : () -> ()
    } else {
    }
    %barrier3A = arith.constant 0 : index
    tpu.barrier barrier_id(%barrier3A)
    %mul3A = arith.constant 20000 : i32
    %mul3A_2 = arith.muli %arg1, %mul3A : i32
    %eq3A_3 = arith.constant 0 : i32
    %eq3A_4 = arith.cmpi eq, %arg0, %eq3A_3 : i32
    %convert_element_type3A_5 = arith.extui %eq3A_4 : i1 to i32
    %cond3A_6 = arith.constant 0 : i32
    %cond3A_7 = arith.cmpi ne, %convert_element_type3A_5, %cond3A_6 : i32
    scf.if %cond3A_7 {
      %add3A = arith.constant 0 : i32
      %add3A_18 = arith.addi %mul3A_2, %add3A : i32
      %dma_start3A = arith.constant 0 : i32
      %dma_start3A_19 = tpu.memref_slice %arg2[%add3A_18, %dma_start3A] : memref<320000x128xf32, #tpu.memory_space<hbm>> -> memref<80x128xf32, #tpu.memory_space<hbm>>
      %dma_start3A_20 = arith.constant 0 : i32
      %dma_start3A_21 = tpu.memref_slice %arg2[%add3A_18, %dma_start3A_20] : memref<320000x128xf32, #tpu.memory_space<hbm>> -> memref<80x128xf32, #tpu.memory_space<hbm>>
      tpu.enqueue_dma source(%dma_start3A_21 : memref<80x128xf32, #tpu.memory_space<hbm>>) target(%arg9 : memref<80x128xf32, #tpu.memory_space<vmem>>) target_semaphore(%arg12 : memref<!tpu.dma_semaphore, #tpu.memory_space<semaphore_mem>>)
      %dma_start3A_22 = arith.constant 0 : i32
      %dma_start3A_23 = arith.constant 0 : i32
      %dma_start3A_24 = arith.constant 0 : i32
      %dma_start3A_25 = tpu.memref_slice %arg4[%arg1, %dma_start3A_22, %dma_start3A_23, %dma_start3A_24] : memref<16x250x1x80xi32, #tpu.memory_space<hbm>> -> memref<1x1x1x80xi32, #tpu.memory_space<hbm>>
      %dma_start3A_26 = tpu.memref_squeeze %dma_start3A_25 : memref<1x1x1x80xi32, #tpu.memory_space<hbm>> -> memref<1x80xi32, #tpu.memory_space<hbm>>
      %dma_start3A_27 = arith.constant 0 : i32
      %dma_start3A_28 = arith.constant 0 : i32
      %dma_start3A_29 = tpu.memref_slice %arg4[%arg1, %dma_start3A_22, %dma_start3A_27, %dma_start3A_28] : memref<16x250x1x80xi32, #tpu.memory_space<hbm>> -> memref<1x1x1x80xi32, #tpu.memory_space<hbm>>
      %dma_start3A_30 = tpu.memref_squeeze %dma_start3A_29 : memref<1x1x1x80xi32, #tpu.memory_space<hbm>> -> memref<1x80xi32, #tpu.memory_space<hbm>>
      tpu.enqueue_dma source(%dma_start3A_30 : memref<1x80xi32, #tpu.memory_space<hbm>>) target(%arg7 : memref<1x80xi32, #tpu.memory_space<vmem>>) target_semaphore(%arg12 : memref<!tpu.dma_semaphore, #tpu.memory_space<semaphore_mem>>)
      %scan3A = arith.constant 0 : i32
      %scan3A_31 = arith.constant 0 : i32
      %scan3A_32 = arith.constant 125 : i32
      %scan3A_33 = arith.addi %scan3A_31, %scan3A_32 : i32
      %scan3A_34 = arith.constant 1 : i32
      scf.for %scan3A_42 = %scan3A_31 to %scan3A_33 step %scan3A_34  : i32 {
        %mul3A_43 = arith.constant 2 : i32
        %mul3A_44 = arith.muli %mul3A_43, %scan3A_42 : i32
        %dma_wait3A_45 = arith.constant 0 : i32
        %dma_wait3A_46 = tpu.memref_slice %arg2[%mul3A_2, %dma_wait3A_45] : memref<320000x128xf32, #tpu.memory_space<hbm>> -> memref<80x128xf32, #tpu.memory_space<hbm>>
        %dma_wait3A_47 = arith.constant 0 : i32
        %dma_wait3A_48 = tpu.memref_slice %arg2[%mul3A_2, %dma_wait3A_47] : memref<320000x128xf32, #tpu.memory_space<hbm>> -> memref<80x128xf32, #tpu.memory_space<hbm>>
        tpu.wait_dma2 semaphore(%arg12 : memref<!tpu.dma_semaphore, #tpu.memory_space<semaphore_mem>>) src(%dma_wait3A_48 : memref<80x128xf32, #tpu.memory_space<hbm>>) dst(%arg9 : memref<80x128xf32, #tpu.memory_space<vmem>>)
        %dma_wait3A_49 = arith.constant 0 : i32
        %dma_wait3A_50 = arith.constant 0 : i32
        %dma_wait3A_51 = arith.constant 0 : i32
        %dma_wait3A_52 = tpu.memref_slice %arg4[%arg1, %dma_wait3A_49, %dma_wait3A_50, %dma_wait3A_51] : memref<16x250x1x80xi32, #tpu.memory_space<hbm>> -> memref<1x1x1x80xi32, #tpu.memory_space<hbm>>
        %dma_wait3A_53 = tpu.memref_squeeze %dma_wait3A_52 : memref<1x1x1x80xi32, #tpu.memory_space<hbm>> -> memref<1x80xi32, #tpu.memory_space<hbm>>
        %dma_wait3A_54 = arith.constant 0 : i32
        %dma_wait3A_55 = arith.constant 0 : i32
        %dma_wait3A_56 = tpu.memref_slice %arg4[%arg1, %dma_wait3A_49, %dma_wait3A_54, %dma_wait3A_55] : memref<16x250x1x80xi32, #tpu.memory_space<hbm>> -> memref<1x1x1x80xi32, #tpu.memory_space<hbm>>
        %dma_wait3A_57 = tpu.memref_squeeze %dma_wait3A_56 : memref<1x1x1x80xi32, #tpu.memory_space<hbm>> -> memref<1x80xi32, #tpu.memory_space<hbm>>
        tpu.wait_dma2 semaphore(%arg12 : memref<!tpu.dma_semaphore, #tpu.memory_space<semaphore_mem>>) src(%dma_wait3A_57 : memref<1x80xi32, #tpu.memory_space<hbm>>) dst(%arg7 : memref<1x80xi32, #tpu.memory_space<vmem>>)
        %dma_start3A_58 = arith.constant 0 : i32
        %dma_start3A_59 = arith.constant 0 : i32
        %dma_start3A_60 = tpu.memref_slice %arg7[%dma_start3A_58, %dma_start3A_59] : memref<1x80xi32, #tpu.memory_space<vmem>> -> memref<1x80xi32, #tpu.memory_space<vmem>>
        %dma_start3A_61 = tpu.memref_squeeze %dma_start3A_60 : memref<1x80xi32, #tpu.memory_space<vmem>> -> memref<80xi32, #tpu.memory_space<vmem>>
        %dma_start3A_62 = arith.constant 0 : i32
        %dma_start3A_63 = arith.constant 0 : i32
        %dma_start3A_64 = tpu.memref_slice %arg11[%dma_start3A_62, %dma_start3A_63] : memref<10000x128xf32, #tpu.memory_space<vmem_shared>> -> memref<10000x128xf32, #tpu.memory_space<vmem_shared>>
        tpu.enqueue_indirect_dma source(%arg9 : memref<80x128xf32, #tpu.memory_space<vmem>>) target(%dma_start3A_64 : memref<10000x128xf32, #tpu.memory_space<vmem_shared>>) offsets(%dma_start3A_61 : memref<80xi32, #tpu.memory_space<vmem>>) semaphore(%arg14 : memref<!tpu.dma_semaphore, #tpu.memory_space<semaphore_mem>>) {add = true}
        %gt3A = arith.constant 0 : i32
        %gt3A_65 = arith.cmpi sgt, %scan3A_42, %gt3A : i32
        %convert_element_type3A_66 = arith.extui %gt3A_65 : i1 to i32
        %cond3A_67 = arith.constant 0 : i32
        %cond3A_68 = arith.cmpi ne, %convert_element_type3A_66, %cond3A_67 : i32
        scf.if %cond3A_68 {
          %dma_wait3A_118 = arith.constant 0 : i32
          %dma_wait3A_119 = arith.constant 0 : i32
          %dma_wait3A_120 = tpu.memref_slice %arg8[%dma_wait3A_118, %dma_wait3A_119] : memref<1x80xi32, #tpu.memory_space<vmem>> -> memref<1x80xi32, #tpu.memory_space<vmem>>
          %dma_wait3A_121 = tpu.memref_squeeze %dma_wait3A_120 : memref<1x80xi32, #tpu.memory_space<vmem>> -> memref<80xi32, #tpu.memory_space<vmem>>
          %dma_wait3A_122 = arith.constant 0 : i32
          %dma_wait3A_123 = arith.constant 0 : i32
          %dma_wait3A_124 = tpu.memref_slice %arg11[%dma_wait3A_122, %dma_wait3A_123] : memref<10000x128xf32, #tpu.memory_space<vmem_shared>> -> memref<10000x128xf32, #tpu.memory_space<vmem_shared>>
          tpu.wait_indirect_dma semaphore(%arg15 : memref<!tpu.dma_semaphore, #tpu.memory_space<semaphore_mem>>) src(%arg10 : memref<80x128xf32, #tpu.memory_space<vmem>>) dst(%dma_wait3A_124 : memref<10000x128xf32, #tpu.memory_space<vmem_shared>>)
        } else {
        }
        %add3A_69 = arith.constant 1 : i32
        %add3A_70 = arith.addi %mul3A_44, %add3A_69 : i32
        %mul3A_71 = arith.constant 80 : i32
        %mul3A_72 = arith.muli %add3A_70, %mul3A_71 : i32
        %add3A_73 = arith.addi %mul3A_2, %mul3A_72 : i32
        %dma_start3A_74 = arith.constant 0 : i32
        %dma_start3A_75 = tpu.memref_slice %arg2[%add3A_73, %dma_start3A_74] : memref<320000x128xf32, #tpu.memory_space<hbm>> -> memref<80x128xf32, #tpu.memory_space<hbm>>
        %dma_start3A_76 = arith.constant 0 : i32
        %dma_start3A_77 = tpu.memref_slice %arg2[%add3A_73, %dma_start3A_76] : memref<320000x128xf32, #tpu.memory_space<hbm>> -> memref<80x128xf32, #tpu.memory_space<hbm>>
        tpu.enqueue_dma source(%dma_start3A_77 : memref<80x128xf32, #tpu.memory_space<hbm>>) target(%arg10 : memref<80x128xf32, #tpu.memory_space<vmem>>) target_semaphore(%arg13 : memref<!tpu.dma_semaphore, #tpu.memory_space<semaphore_mem>>)
        %dma_start3A_78 = arith.constant 0 : i32
        %dma_start3A_79 = arith.constant 0 : i32
        %dma_start3A_80 = tpu.memref_slice %arg4[%arg1, %add3A_70, %dma_start3A_78, %dma_start3A_79] : memref<16x250x1x80xi32, #tpu.memory_space<hbm>> -> memref<1x1x1x80xi32, #tpu.memory_space<hbm>>
        %dma_start3A_81 = tpu.memref_squeeze %dma_start3A_80 : memref<1x1x1x80xi32, #tpu.memory_space<hbm>> -> memref<1x80xi32, #tpu.memory_space<hbm>>
        %dma_start3A_82 = arith.constant 0 : i32
        %dma_start3A_83 = arith.constant 0 : i32
        %dma_start3A_84 = tpu.memref_slice %arg4[%arg1, %add3A_70, %dma_start3A_82, %dma_start3A_83] : memref<16x250x1x80xi32, #tpu.memory_space<hbm>> -> memref<1x1x1x80xi32, #tpu.memory_space<hbm>>
        %dma_start3A_85 = tpu.memref_squeeze %dma_start3A_84 : memref<1x1x1x80xi32, #tpu.memory_space<hbm>> -> memref<1x80xi32, #tpu.memory_space<hbm>>
        tpu.enqueue_dma source(%dma_start3A_85 : memref<1x80xi32, #tpu.memory_space<hbm>>) target(%arg8 : memref<1x80xi32, #tpu.memory_space<vmem>>) target_semaphore(%arg13 : memref<!tpu.dma_semaphore, #tpu.memory_space<semaphore_mem>>)
        %dma_wait3A_86 = arith.constant 0 : i32
        %dma_wait3A_87 = tpu.memref_slice %arg2[%mul3A_2, %dma_wait3A_86] : memref<320000x128xf32, #tpu.memory_space<hbm>> -> memref<80x128xf32, #tpu.memory_space<hbm>>
        %dma_wait3A_88 = arith.constant 0 : i32
        %dma_wait3A_89 = tpu.memref_slice %arg2[%mul3A_2, %dma_wait3A_88] : memref<320000x128xf32, #tpu.memory_space<hbm>> -> memref<80x128xf32, #tpu.memory_space<hbm>>
        tpu.wait_dma2 semaphore(%arg13 : memref<!tpu.dma_semaphore, #tpu.memory_space<semaphore_mem>>) src(%dma_wait3A_89 : memref<80x128xf32, #tpu.memory_space<hbm>>) dst(%arg10 : memref<80x128xf32, #tpu.memory_space<vmem>>)
        %dma_wait3A_90 = arith.constant 0 : i32
        %dma_wait3A_91 = arith.constant 0 : i32
        %dma_wait3A_92 = arith.constant 0 : i32
        %dma_wait3A_93 = tpu.memref_slice %arg4[%arg1, %dma_wait3A_90, %dma_wait3A_91, %dma_wait3A_92] : memref<16x250x1x80xi32, #tpu.memory_space<hbm>> -> memref<1x1x1x80xi32, #tpu.memory_space<hbm>>
        %dma_wait3A_94 = tpu.memref_squeeze %dma_wait3A_93 : memref<1x1x1x80xi32, #tpu.memory_space<hbm>> -> memref<1x80xi32, #tpu.memory_space<hbm>>
        %dma_wait3A_95 = arith.constant 0 : i32
        %dma_wait3A_96 = arith.constant 0 : i32
        %dma_wait3A_97 = tpu.memref_slice %arg4[%arg1, %dma_wait3A_90, %dma_wait3A_95, %dma_wait3A_96] : memref<16x250x1x80xi32, #tpu.memory_space<hbm>> -> memref<1x1x1x80xi32, #tpu.memory_space<hbm>>
        %dma_wait3A_98 = tpu.memref_squeeze %dma_wait3A_97 : memref<1x1x1x80xi32, #tpu.memory_space<hbm>> -> memref<1x80xi32, #tpu.memory_space<hbm>>
        tpu.wait_dma2 semaphore(%arg13 : memref<!tpu.dma_semaphore, #tpu.memory_space<semaphore_mem>>) src(%dma_wait3A_98 : memref<1x80xi32, #tpu.memory_space<hbm>>) dst(%arg8 : memref<1x80xi32, #tpu.memory_space<vmem>>)
        %dma_start3A_99 = arith.constant 0 : i32
        %dma_start3A_100 = arith.constant 0 : i32
        %dma_start3A_101 = tpu.memref_slice %arg8[%dma_start3A_99, %dma_start3A_100] : memref<1x80xi32, #tpu.memory_space<vmem>> -> memref<1x80xi32, #tpu.memory_space<vmem>>
        %dma_start3A_102 = tpu.memref_squeeze %dma_start3A_101 : memref<1x80xi32, #tpu.memory_space<vmem>> -> memref<80xi32, #tpu.memory_space<vmem>>
        %dma_start3A_103 = arith.constant 0 : i32
        %dma_start3A_104 = arith.constant 0 : i32
        %dma_start3A_105 = tpu.memref_slice %arg11[%dma_start3A_103, %dma_start3A_104] : memref<10000x128xf32, #tpu.memory_space<vmem_shared>> -> memref<10000x128xf32, #tpu.memory_space<vmem_shared>>
        tpu.enqueue_indirect_dma source(%arg10 : memref<80x128xf32, #tpu.memory_space<vmem>>) target(%dma_start3A_105 : memref<10000x128xf32, #tpu.memory_space<vmem_shared>>) offsets(%dma_start3A_102 : memref<80xi32, #tpu.memory_space<vmem>>) semaphore(%arg15 : memref<!tpu.dma_semaphore, #tpu.memory_space<semaphore_mem>>) {add = true}
        %dma_wait3A_106 = arith.constant 0 : i32
        %dma_wait3A_107 = arith.constant 0 : i32
        %dma_wait3A_108 = tpu.memref_slice %arg7[%dma_wait3A_106, %dma_wait3A_107] : memref<1x80xi32, #tpu.memory_space<vmem>> -> memref<1x80xi32, #tpu.memory_space<vmem>>
        %dma_wait3A_109 = tpu.memref_squeeze %dma_wait3A_108 : memref<1x80xi32, #tpu.memory_space<vmem>> -> memref<80xi32, #tpu.memory_space<vmem>>
        %dma_wait3A_110 = arith.constant 0 : i32
        %dma_wait3A_111 = arith.constant 0 : i32
        %dma_wait3A_112 = tpu.memref_slice %arg11[%dma_wait3A_110, %dma_wait3A_111] : memref<10000x128xf32, #tpu.memory_space<vmem_shared>> -> memref<10000x128xf32, #tpu.memory_space<vmem_shared>>
        tpu.wait_indirect_dma semaphore(%arg14 : memref<!tpu.dma_semaphore, #tpu.memory_space<semaphore_mem>>) src(%arg9 : memref<80x128xf32, #tpu.memory_space<vmem>>) dst(%dma_wait3A_112 : memref<10000x128xf32, #tpu.memory_space<vmem_shared>>)
        %lt3A_113 = arith.constant 124 : i32
        %lt3A_114 = arith.cmpi slt, %scan3A_42, %lt3A_113 : i32
        %convert_element_type3A_115 = arith.extui %lt3A_114 : i1 to i32
        %cond3A_116 = arith.constant 0 : i32
        %cond3A_117 = arith.cmpi ne, %convert_element_type3A_115, %cond3A_116 : i32
        scf.if %cond3A_117 {
          %add3A_118 = arith.constant 2 : i32
          %add3A_119 = arith.addi %mul3A_44, %add3A_118 : i32
          %mul3A_120 = arith.constant 80 : i32
          %mul3A_121 = arith.muli %add3A_119, %mul3A_120 : i32
          %add3A_122 = arith.addi %mul3A_2, %mul3A_121 : i32
          %dma_start3A_123 = arith.constant 0 : i32
          %dma_start3A_124 = tpu.memref_slice %arg2[%add3A_122, %dma_start3A_123] : memref<320000x128xf32, #tpu.memory_space<hbm>> -> memref<80x128xf32, #tpu.memory_space<hbm>>
          %dma_start3A_125 = arith.constant 0 : i32
          %dma_start3A_126 = tpu.memref_slice %arg2[%add3A_122, %dma_start3A_125] : memref<320000x128xf32, #tpu.memory_space<hbm>> -> memref<80x128xf32, #tpu.memory_space<hbm>>
          tpu.enqueue_dma source(%dma_start3A_126 : memref<80x128xf32, #tpu.memory_space<hbm>>) target(%arg9 : memref<80x128xf32, #tpu.memory_space<vmem>>) target_semaphore(%arg12 : memref<!tpu.dma_semaphore, #tpu.memory_space<semaphore_mem>>)
          %dma_start3A_127 = arith.constant 0 : i32
          %dma_start3A_128 = arith.constant 0 : i32
          %dma_start3A_129 = tpu.memref_slice %arg4[%arg1, %add3A_119, %dma_start3A_127, %dma_start3A_128] : memref<16x250x1x80xi32, #tpu.memory_space<hbm>> -> memref<1x1x1x80xi32, #tpu.memory_space<hbm>>
          %dma_start3A_130 = tpu.memref_squeeze %dma_start3A_129 : memref<1x1x1x80xi32, #tpu.memory_space<hbm>> -> memref<1x80xi32, #tpu.memory_space<hbm>>
          %dma_start3A_131 = arith.constant 0 : i32
          %dma_start3A_132 = arith.constant 0 : i32
          %dma_start3A_133 = tpu.memref_slice %arg4[%arg1, %add3A_119, %dma_start3A_131, %dma_start3A_132] : memref<16x250x1x80xi32, #tpu.memory_space<hbm>> -> memref<1x1x1x80xi32, #tpu.memory_space<hbm>>
          %dma_start3A_134 = tpu.memref_squeeze %dma_start3A_133 : memref<1x1x1x80xi32, #tpu.memory_space<hbm>> -> memref<1x80xi32, #tpu.memory_space<hbm>>
          tpu.enqueue_dma source(%dma_start3A_134 : memref<1x80xi32, #tpu.memory_space<hbm>>) target(%arg7 : memref<1x80xi32, #tpu.memory_space<vmem>>) target_semaphore(%arg12 : memref<!tpu.dma_semaphore, #tpu.memory_space<semaphore_mem>>)
        } else {
        }
      }
      %scan3A_35 = arith.constant 125 : i32
      %dma_wait3A = arith.constant 0 : i32
      %dma_wait3A_36 = arith.constant 0 : i32
      %dma_wait3A_37 = tpu.memref_slice %arg8[%dma_wait3A, %dma_wait3A_36] : memref<1x80xi32, #tpu.memory_space<vmem>> -> memref<1x80xi32, #tpu.memory_space<vmem>>
      %dma_wait3A_38 = tpu.memref_squeeze %dma_wait3A_37 : memref<1x80xi32, #tpu.memory_space<vmem>> -> memref<80xi32, #tpu.memory_space<vmem>>
      %dma_wait3A_39 = arith.constant 0 : i32
      %dma_wait3A_40 = arith.constant 0 : i32
      %dma_wait3A_41 = tpu.memref_slice %arg11[%dma_wait3A_39, %dma_wait3A_40] : memref<10000x128xf32, #tpu.memory_space<vmem_shared>> -> memref<10000x128xf32, #tpu.memory_space<vmem_shared>>
      tpu.wait_indirect_dma semaphore(%arg15 : memref<!tpu.dma_semaphore, #tpu.memory_space<semaphore_mem>>) src(%arg10 : memref<80x128xf32, #tpu.memory_space<vmem>>) dst(%dma_wait3A_41 : memref<10000x128xf32, #tpu.memory_space<vmem_shared>>)
    } else {
    }
    %eq3A_8 = arith.constant 1 : i32
    %eq3A_9 = arith.cmpi eq, %arg0, %eq3A_8 : i32
    %convert_element_type3A_10 = arith.extui %eq3A_9 : i1 to i32
    %cond3A_11 = arith.constant 0 : i32
    %cond3A_12 = arith.cmpi ne, %convert_element_type3A_10, %cond3A_11 : i32
    scf.if %cond3A_12 {
      %add3A = arith.constant 0 : i32
      %add3A_18 = arith.addi %mul3A_2, %add3A : i32
      %dma_start3A = arith.constant 0 : i32
      %dma_start3A_19 = tpu.memref_slice %arg3[%add3A_18, %dma_start3A] : memref<320000x128xf32, #tpu.memory_space<hbm>> -> memref<80x128xf32, #tpu.memory_space<hbm>>
      %dma_start3A_20 = arith.constant 0 : i32
      %dma_start3A_21 = tpu.memref_slice %arg3[%add3A_18, %dma_start3A_20] : memref<320000x128xf32, #tpu.memory_space<hbm>> -> memref<80x128xf32, #tpu.memory_space<hbm>>
      tpu.enqueue_dma source(%dma_start3A_21 : memref<80x128xf32, #tpu.memory_space<hbm>>) target(%arg9 : memref<80x128xf32, #tpu.memory_space<vmem>>) target_semaphore(%arg12 : memref<!tpu.dma_semaphore, #tpu.memory_space<semaphore_mem>>)
      %dma_start3A_22 = arith.constant 0 : i32
      %dma_start3A_23 = arith.constant 0 : i32
      %dma_start3A_24 = arith.constant 0 : i32
      %dma_start3A_25 = tpu.memref_slice %arg4[%arg1, %dma_start3A_22, %dma_start3A_23, %dma_start3A_24] : memref<16x250x1x80xi32, #tpu.memory_space<hbm>> -> memref<1x1x1x80xi32, #tpu.memory_space<hbm>>
      %dma_start3A_26 = tpu.memref_squeeze %dma_start3A_25 : memref<1x1x1x80xi32, #tpu.memory_space<hbm>> -> memref<1x80xi32, #tpu.memory_space<hbm>>
      %dma_start3A_27 = arith.constant 0 : i32
      %dma_start3A_28 = arith.constant 0 : i32
      %dma_start3A_29 = tpu.memref_slice %arg4[%arg1, %dma_start3A_22, %dma_start3A_27, %dma_start3A_28] : memref<16x250x1x80xi32, #tpu.memory_space<hbm>> -> memref<1x1x1x80xi32, #tpu.memory_space<hbm>>
      %dma_start3A_30 = tpu.memref_squeeze %dma_start3A_29 : memref<1x1x1x80xi32, #tpu.memory_space<hbm>> -> memref<1x80xi32, #tpu.memory_space<hbm>>
      tpu.enqueue_dma source(%dma_start3A_30 : memref<1x80xi32, #tpu.memory_space<hbm>>) target(%arg7 : memref<1x80xi32, #tpu.memory_space<vmem>>) target_semaphore(%arg12 : memref<!tpu.dma_semaphore, #tpu.memory_space<semaphore_mem>>)
      %scan3A = arith.constant 0 : i32
      %scan3A_31 = arith.constant 0 : i32
      %scan3A_32 = arith.constant 125 : i32
      %scan3A_33 = arith.addi %scan3A_31, %scan3A_32 : i32
      %scan3A_34 = arith.constant 1 : i32
      scf.for %scan3A_42 = %scan3A_31 to %scan3A_33 step %scan3A_34  : i32 {
        %mul3A_43 = arith.constant 2 : i32
        %mul3A_44 = arith.muli %mul3A_43, %scan3A_42 : i32
        %dma_wait3A_45 = arith.constant 0 : i32
        %dma_wait3A_46 = tpu.memref_slice %arg3[%mul3A_2, %dma_wait3A_45] : memref<320000x128xf32, #tpu.memory_space<hbm>> -> memref<80x128xf32, #tpu.memory_space<hbm>>
        %dma_wait3A_47 = arith.constant 0 : i32
        %dma_wait3A_48 = tpu.memref_slice %arg3[%mul3A_2, %dma_wait3A_47] : memref<320000x128xf32, #tpu.memory_space<hbm>> -> memref<80x128xf32, #tpu.memory_space<hbm>>
        tpu.wait_dma2 semaphore(%arg12 : memref<!tpu.dma_semaphore, #tpu.memory_space<semaphore_mem>>) src(%dma_wait3A_48 : memref<80x128xf32, #tpu.memory_space<hbm>>) dst(%arg9 : memref<80x128xf32, #tpu.memory_space<vmem>>)
        %dma_wait3A_49 = arith.constant 0 : i32
        %dma_wait3A_50 = arith.constant 0 : i32
        %dma_wait3A_51 = arith.constant 0 : i32
        %dma_wait3A_52 = tpu.memref_slice %arg4[%arg1, %dma_wait3A_49, %dma_wait3A_50, %dma_wait3A_51] : memref<16x250x1x80xi32, #tpu.memory_space<hbm>> -> memref<1x1x1x80xi32, #tpu.memory_space<hbm>>
        %dma_wait3A_53 = tpu.memref_squeeze %dma_wait3A_52 : memref<1x1x1x80xi32, #tpu.memory_space<hbm>> -> memref<1x80xi32, #tpu.memory_space<hbm>>
        %dma_wait3A_54 = arith.constant 0 : i32
        %dma_wait3A_55 = arith.constant 0 : i32
        %dma_wait3A_56 = tpu.memref_slice %arg4[%arg1, %dma_wait3A_49, %dma_wait3A_54, %dma_wait3A_55] : memref<16x250x1x80xi32, #tpu.memory_space<hbm>> -> memref<1x1x1x80xi32, #tpu.memory_space<hbm>>
        %dma_wait3A_57 = tpu.memref_squeeze %dma_wait3A_56 : memref<1x1x1x80xi32, #tpu.memory_space<hbm>> -> memref<1x80xi32, #tpu.memory_space<hbm>>
        tpu.wait_dma2 semaphore(%arg12 : memref<!tpu.dma_semaphore, #tpu.memory_space<semaphore_mem>>) src(%dma_wait3A_57 : memref<1x80xi32, #tpu.memory_space<hbm>>) dst(%arg7 : memref<1x80xi32, #tpu.memory_space<vmem>>)
        %dma_start3A_58 = arith.constant 0 : i32
        %dma_start3A_59 = arith.constant 0 : i32
        %dma_start3A_60 = tpu.memref_slice %arg7[%dma_start3A_58, %dma_start3A_59] : memref<1x80xi32, #tpu.memory_space<vmem>> -> memref<1x80xi32, #tpu.memory_space<vmem>>
        %dma_start3A_61 = tpu.memref_squeeze %dma_start3A_60 : memref<1x80xi32, #tpu.memory_space<vmem>> -> memref<80xi32, #tpu.memory_space<vmem>>
        %dma_start3A_62 = arith.constant 0 : i32
        %dma_start3A_63 = arith.constant 0 : i32
        %dma_start3A_64 = tpu.memref_slice %arg11[%dma_start3A_62, %dma_start3A_63] : memref<10000x128xf32, #tpu.memory_space<vmem_shared>> -> memref<10000x128xf32, #tpu.memory_space<vmem_shared>>
        tpu.enqueue_indirect_dma source(%arg9 : memref<80x128xf32, #tpu.memory_space<vmem>>) target(%dma_start3A_64 : memref<10000x128xf32, #tpu.memory_space<vmem_shared>>) offsets(%dma_start3A_61 : memref<80xi32, #tpu.memory_space<vmem>>) semaphore(%arg14 : memref<!tpu.dma_semaphore, #tpu.memory_space<semaphore_mem>>) {add = true}
        %gt3A = arith.constant 0 : i32
        %gt3A_65 = arith.cmpi sgt, %scan3A_42, %gt3A : i32
        %convert_element_type3A_66 = arith.extui %gt3A_65 : i1 to i32
        %cond3A_67 = arith.constant 0 : i32
        %cond3A_68 = arith.cmpi ne, %convert_element_type3A_66, %cond3A_67 : i32
        scf.if %cond3A_68 {
          %dma_wait3A_118 = arith.constant 0 : i32
          %dma_wait3A_119 = arith.constant 0 : i32
          %dma_wait3A_120 = tpu.memref_slice %arg8[%dma_wait3A_118, %dma_wait3A_119] : memref<1x80xi32, #tpu.memory_space<vmem>> -> memref<1x80xi32, #tpu.memory_space<vmem>>
          %dma_wait3A_121 = tpu.memref_squeeze %dma_wait3A_120 : memref<1x80xi32, #tpu.memory_space<vmem>> -> memref<80xi32, #tpu.memory_space<vmem>>
          %dma_wait3A_122 = arith.constant 0 : i32
          %dma_wait3A_123 = arith.constant 0 : i32
          %dma_wait3A_124 = tpu.memref_slice %arg11[%dma_wait3A_122, %dma_wait3A_123] : memref<10000x128xf32, #tpu.memory_space<vmem_shared>> -> memref<10000x128xf32, #tpu.memory_space<vmem_shared>>
          tpu.wait_indirect_dma semaphore(%arg15 : memref<!tpu.dma_semaphore, #tpu.memory_space<semaphore_mem>>) src(%arg10 : memref<80x128xf32, #tpu.memory_space<vmem>>) dst(%dma_wait3A_124 : memref<10000x128xf32, #tpu.memory_space<vmem_shared>>)
        } else {
        }
        %add3A_69 = arith.constant 1 : i32
        %add3A_70 = arith.addi %mul3A_44, %add3A_69 : i32
        %mul3A_71 = arith.constant 80 : i32
        %mul3A_72 = arith.muli %add3A_70, %mul3A_71 : i32
        %add3A_73 = arith.addi %mul3A_2, %mul3A_72 : i32
        %dma_start3A_74 = arith.constant 0 : i32
        %dma_start3A_75 = tpu.memref_slice %arg3[%add3A_73, %dma_start3A_74] : memref<320000x128xf32, #tpu.memory_space<hbm>> -> memref<80x128xf32, #tpu.memory_space<hbm>>
        %dma_start3A_76 = arith.constant 0 : i32
        %dma_start3A_77 = tpu.memref_slice %arg3[%add3A_73, %dma_start3A_76] : memref<320000x128xf32, #tpu.memory_space<hbm>> -> memref<80x128xf32, #tpu.memory_space<hbm>>
        tpu.enqueue_dma source(%dma_start3A_77 : memref<80x128xf32, #tpu.memory_space<hbm>>) target(%arg10 : memref<80x128xf32, #tpu.memory_space<vmem>>) target_semaphore(%arg13 : memref<!tpu.dma_semaphore, #tpu.memory_space<semaphore_mem>>)
        %dma_start3A_78 = arith.constant 0 : i32
        %dma_start3A_79 = arith.constant 0 : i32
        %dma_start3A_80 = tpu.memref_slice %arg4[%arg1, %add3A_70, %dma_start3A_78, %dma_start3A_79] : memref<16x250x1x80xi32, #tpu.memory_space<hbm>> -> memref<1x1x1x80xi32, #tpu.memory_space<hbm>>
        %dma_start3A_81 = tpu.memref_squeeze %dma_start3A_80 : memref<1x1x1x80xi32, #tpu.memory_space<hbm>> -> memref<1x80xi32, #tpu.memory_space<hbm>>
        %dma_start3A_82 = arith.constant 0 : i32
        %dma_start3A_83 = arith.constant 0 : i32
        %dma_start3A_84 = tpu.memref_slice %arg4[%arg1, %add3A_70, %dma_start3A_82, %dma_start3A_83] : memref<16x250x1x80xi32, #tpu.memory_space<hbm>> -> memref<1x1x1x80xi32, #tpu.memory_space<hbm>>
        %dma_start3A_85 = tpu.memref_squeeze %dma_start3A_84 : memref<1x1x1x80xi32, #tpu.memory_space<hbm>> -> memref<1x80xi32, #tpu.memory_space<hbm>>
        tpu.enqueue_dma source(%dma_start3A_85 : memref<1x80xi32, #tpu.memory_space<hbm>>) target(%arg8 : memref<1x80xi32, #tpu.memory_space<vmem>>) target_semaphore(%arg13 : memref<!tpu.dma_semaphore, #tpu.memory_space<semaphore_mem>>)
        %dma_wait3A_86 = arith.constant 0 : i32
        %dma_wait3A_87 = tpu.memref_slice %arg3[%mul3A_2, %dma_wait3A_86] : memref<320000x128xf32, #tpu.memory_space<hbm>> -> memref<80x128xf32, #tpu.memory_space<hbm>>
        %dma_wait3A_88 = arith.constant 0 : i32
        %dma_wait3A_89 = tpu.memref_slice %arg3[%mul3A_2, %dma_wait3A_88] : memref<320000x128xf32, #tpu.memory_space<hbm>> -> memref<80x128xf32, #tpu.memory_space<hbm>>
        tpu.wait_dma2 semaphore(%arg13 : memref<!tpu.dma_semaphore, #tpu.memory_space<semaphore_mem>>) src(%dma_wait3A_89 : memref<80x128xf32, #tpu.memory_space<hbm>>) dst(%arg10 : memref<80x128xf32, #tpu.memory_space<vmem>>)
        %dma_wait3A_90 = arith.constant 0 : i32
        %dma_wait3A_91 = arith.constant 0 : i32
        %dma_wait3A_92 = arith.constant 0 : i32
        %dma_wait3A_93 = tpu.memref_slice %arg4[%arg1, %dma_wait3A_90, %dma_wait3A_91, %dma_wait3A_92] : memref<16x250x1x80xi32, #tpu.memory_space<hbm>> -> memref<1x1x1x80xi32, #tpu.memory_space<hbm>>
        %dma_wait3A_94 = tpu.memref_squeeze %dma_wait3A_93 : memref<1x1x1x80xi32, #tpu.memory_space<hbm>> -> memref<1x80xi32, #tpu.memory_space<hbm>>
        %dma_wait3A_95 = arith.constant 0 : i32
        %dma_wait3A_96 = arith.constant 0 : i32
        %dma_wait3A_97 = tpu.memref_slice %arg4[%arg1, %dma_wait3A_90, %dma_wait3A_95, %dma_wait3A_96] : memref<16x250x1x80xi32, #tpu.memory_space<hbm>> -> memref<1x1x1x80xi32, #tpu.memory_space<hbm>>
        %dma_wait3A_98 = tpu.memref_squeeze %dma_wait3A_97 : memref<1x1x1x80xi32, #tpu.memory_space<hbm>> -> memref<1x80xi32, #tpu.memory_space<hbm>>
        tpu.wait_dma2 semaphore(%arg13 : memref<!tpu.dma_semaphore, #tpu.memory_space<semaphore_mem>>) src(%dma_wait3A_98 : memref<1x80xi32, #tpu.memory_space<hbm>>) dst(%arg8 : memref<1x80xi32, #tpu.memory_space<vmem>>)
        %dma_start3A_99 = arith.constant 0 : i32
        %dma_start3A_100 = arith.constant 0 : i32
        %dma_start3A_101 = tpu.memref_slice %arg8[%dma_start3A_99, %dma_start3A_100] : memref<1x80xi32, #tpu.memory_space<vmem>> -> memref<1x80xi32, #tpu.memory_space<vmem>>
        %dma_start3A_102 = tpu.memref_squeeze %dma_start3A_101 : memref<1x80xi32, #tpu.memory_space<vmem>> -> memref<80xi32, #tpu.memory_space<vmem>>
        %dma_start3A_103 = arith.constant 0 : i32
        %dma_start3A_104 = arith.constant 0 : i32
        %dma_start3A_105 = tpu.memref_slice %arg11[%dma_start3A_103, %dma_start3A_104] : memref<10000x128xf32, #tpu.memory_space<vmem_shared>> -> memref<10000x128xf32, #tpu.memory_space<vmem_shared>>
        tpu.enqueue_indirect_dma source(%arg10 : memref<80x128xf32, #tpu.memory_space<vmem>>) target(%dma_start3A_105 : memref<10000x128xf32, #tpu.memory_space<vmem_shared>>) offsets(%dma_start3A_102 : memref<80xi32, #tpu.memory_space<vmem>>) semaphore(%arg15 : memref<!tpu.dma_semaphore, #tpu.memory_space<semaphore_mem>>) {add = true}
        %dma_wait3A_106 = arith.constant 0 : i32
        %dma_wait3A_107 = arith.constant 0 : i32
        %dma_wait3A_108 = tpu.memref_slice %arg7[%dma_wait3A_106, %dma_wait3A_107] : memref<1x80xi32, #tpu.memory_space<vmem>> -> memref<1x80xi32, #tpu.memory_space<vmem>>
        %dma_wait3A_109 = tpu.memref_squeeze %dma_wait3A_108 : memref<1x80xi32, #tpu.memory_space<vmem>> -> memref<80xi32, #tpu.memory_space<vmem>>
        %dma_wait3A_110 = arith.constant 0 : i32
        %dma_wait3A_111 = arith.constant 0 : i32
        %dma_wait3A_112 = tpu.memref_slice %arg11[%dma_wait3A_110, %dma_wait3A_111] : memref<10000x128xf32, #tpu.memory_space<vmem_shared>> -> memref<10000x128xf32, #tpu.memory_space<vmem_shared>>
        tpu.wait_indirect_dma semaphore(%arg14 : memref<!tpu.dma_semaphore, #tpu.memory_space<semaphore_mem>>) src(%arg9 : memref<80x128xf32, #tpu.memory_space<vmem>>) dst(%dma_wait3A_112 : memref<10000x128xf32, #tpu.memory_space<vmem_shared>>)
        %lt3A_113 = arith.constant 124 : i32
        %lt3A_114 = arith.cmpi slt, %scan3A_42, %lt3A_113 : i32
        %convert_element_type3A_115 = arith.extui %lt3A_114 : i1 to i32
        %cond3A_116 = arith.constant 0 : i32
        %cond3A_117 = arith.cmpi ne, %convert_element_type3A_115, %cond3A_116 : i32
        scf.if %cond3A_117 {
          %add3A_118 = arith.constant 2 : i32
          %add3A_119 = arith.addi %mul3A_44, %add3A_118 : i32
          %mul3A_120 = arith.constant 80 : i32
          %mul3A_121 = arith.muli %add3A_119, %mul3A_120 : i32
          %add3A_122 = arith.addi %mul3A_2, %mul3A_121 : i32
          %dma_start3A_123 = arith.constant 0 : i32
          %dma_start3A_124 = tpu.memref_slice %arg3[%add3A_122, %dma_start3A_123] : memref<320000x128xf32, #tpu.memory_space<hbm>> -> memref<80x128xf32, #tpu.memory_space<hbm>>
          %dma_start3A_125 = arith.constant 0 : i32
          %dma_start3A_126 = tpu.memref_slice %arg3[%add3A_122, %dma_start3A_125] : memref<320000x128xf32, #tpu.memory_space<hbm>> -> memref<80x128xf32, #tpu.memory_space<hbm>>
          tpu.enqueue_dma source(%dma_start3A_126 : memref<80x128xf32, #tpu.memory_space<hbm>>) target(%arg9 : memref<80x128xf32, #tpu.memory_space<vmem>>) target_semaphore(%arg12 : memref<!tpu.dma_semaphore, #tpu.memory_space<semaphore_mem>>)
          %dma_start3A_127 = arith.constant 0 : i32
          %dma_start3A_128 = arith.constant 0 : i32
          %dma_start3A_129 = tpu.memref_slice %arg4[%arg1, %add3A_119, %dma_start3A_127, %dma_start3A_128] : memref<16x250x1x80xi32, #tpu.memory_space<hbm>> -> memref<1x1x1x80xi32, #tpu.memory_space<hbm>>
          %dma_start3A_130 = tpu.memref_squeeze %dma_start3A_129 : memref<1x1x1x80xi32, #tpu.memory_space<hbm>> -> memref<1x80xi32, #tpu.memory_space<hbm>>
          %dma_start3A_131 = arith.constant 0 : i32
          %dma_start3A_132 = arith.constant 0 : i32
          %dma_start3A_133 = tpu.memref_slice %arg4[%arg1, %add3A_119, %dma_start3A_131, %dma_start3A_132] : memref<16x250x1x80xi32, #tpu.memory_space<hbm>> -> memref<1x1x1x80xi32, #tpu.memory_space<hbm>>
          %dma_start3A_134 = tpu.memref_squeeze %dma_start3A_133 : memref<1x1x1x80xi32, #tpu.memory_space<hbm>> -> memref<1x80xi32, #tpu.memory_space<hbm>>
          tpu.enqueue_dma source(%dma_start3A_134 : memref<1x80xi32, #tpu.memory_space<hbm>>) target(%arg7 : memref<1x80xi32, #tpu.memory_space<vmem>>) target_semaphore(%arg12 : memref<!tpu.dma_semaphore, #tpu.memory_space<semaphore_mem>>)
        } else {
        }
      }
      %scan3A_35 = arith.constant 125 : i32
      %dma_wait3A = arith.constant 0 : i32
      %dma_wait3A_36 = arith.constant 0 : i32
      %dma_wait3A_37 = tpu.memref_slice %arg8[%dma_wait3A, %dma_wait3A_36] : memref<1x80xi32, #tpu.memory_space<vmem>> -> memref<1x80xi32, #tpu.memory_space<vmem>>
      %dma_wait3A_38 = tpu.memref_squeeze %dma_wait3A_37 : memref<1x80xi32, #tpu.memory_space<vmem>> -> memref<80xi32, #tpu.memory_space<vmem>>
      %dma_wait3A_39 = arith.constant 0 : i32
      %dma_wait3A_40 = arith.constant 0 : i32
      %dma_wait3A_41 = tpu.memref_slice %arg11[%dma_wait3A_39, %dma_wait3A_40] : memref<10000x128xf32, #tpu.memory_space<vmem_shared>> -> memref<10000x128xf32, #tpu.memory_space<vmem_shared>>
      tpu.wait_indirect_dma semaphore(%arg15 : memref<!tpu.dma_semaphore, #tpu.memory_space<semaphore_mem>>) src(%arg10 : memref<80x128xf32, #tpu.memory_space<vmem>>) dst(%dma_wait3A_41 : memref<10000x128xf32, #tpu.memory_space<vmem_shared>>)
    } else {
    }
    %barrier3A_13 = arith.constant 0 : index
    tpu.barrier barrier_id(%barrier3A_13)
    %lt3A = arith.constant 10 : i32
    %lt3A_14 = arith.cmpi slt, %arg1, %lt3A : i32
    %convert_element_type3A_15 = arith.extui %lt3A_14 : i1 to i32
    %cond3A_16 = arith.constant 0 : i32
    %cond3A_17 = arith.cmpi ne, %convert_element_type3A_15, %cond3A_16 : i32
    scf.if %cond3A_17 {
      %mul3A_18 = arith.constant 1000 : i32
      %mul3A_19 = arith.muli %arg1, %mul3A_18 : i32
      %mul3A_20 = arith.constant 1000 : i32
      %mul3A_21 = arith.muli %arg1, %mul3A_20 : i32
      "tpu.region"() ({
        %run_scoped3A = tpu.sem_alloc : memref<!tpu.dma_semaphore, #tpu.memory_space<semaphore_mem>>
        %dma_start3A = arith.constant 0 : i32
        %dma_start3A_22 = tpu.memref_slice %arg6[%arg0, %mul3A_21, %dma_start3A] : memref<2x10000x128xf32, #tpu.memory_space<hbm>> -> memref<1x1000x128xf32, #tpu.memory_space<hbm>>
        %dma_start3A_23 = tpu.memref_squeeze %dma_start3A_22 : memref<1x1000x128xf32, #tpu.memory_space<hbm>> -> memref<1000x128xf32, #tpu.memory_space<hbm>>
        %dma_start3A_24 = arith.constant 0 : i32
        %dma_start3A_25 = tpu.memref_slice %arg11[%mul3A_19, %dma_start3A_24] : memref<10000x128xf32, #tpu.memory_space<vmem_shared>> -> memref<1000x128xf32, #tpu.memory_space<vmem_shared>>
        tpu.enqueue_dma source(%dma_start3A_25 : memref<1000x128xf32, #tpu.memory_space<vmem_shared>>) target(%dma_start3A_23 : memref<1000x128xf32, #tpu.memory_space<hbm>>) target_semaphore(%run_scoped3A : memref<!tpu.dma_semaphore, #tpu.memory_space<semaphore_mem>>)
        %dma_wait3A = arith.constant 0 : i32
        %dma_wait3A_26 = tpu.memref_slice %arg6[%arg0, %mul3A_21, %dma_wait3A] : memref<2x10000x128xf32, #tpu.memory_space<hbm>> -> memref<1x1000x128xf32, #tpu.memory_space<hbm>>
        %dma_wait3A_27 = tpu.memref_squeeze %dma_wait3A_26 : memref<1x1000x128xf32, #tpu.memory_space<hbm>> -> memref<1000x128xf32, #tpu.memory_space<hbm>>
        %dma_wait3A_28 = arith.constant 0 : i32
        %dma_wait3A_29 = tpu.memref_slice %arg11[%mul3A_19, %dma_wait3A_28] : memref<10000x128xf32, #tpu.memory_space<vmem_shared>> -> memref<1000x128xf32, #tpu.memory_space<vmem_shared>>
        tpu.wait_dma2 semaphore(%run_scoped3A : memref<!tpu.dma_semaphore, #tpu.memory_space<semaphore_mem>>) src(%dma_wait3A_29 : memref<1000x128xf32, #tpu.memory_space<vmem_shared>>) dst(%dma_wait3A_27 : memref<1000x128xf32, #tpu.memory_space<hbm>>)
        tpu.yield
      }) : () -> ()
    } else {
    }
    return
  }
}

module attributes {stable_mosaic.version = 14 : i64} {
  func.func @_prep_body(%arg0: i32, %arg1: memref<1000x128xf32, #tpu.memory_space<vmem>>, %arg2: memref<1000x16xf32, #tpu.memory_space<vmem>>, %arg3: memref<1000x16xf32, #tpu.memory_space<vmem>>, %arg4: memref<128x128xf32, #tpu.memory_space<vmem>>, %arg5: memref<128x128xf32, #tpu.memory_space<vmem>>, %arg6: memref<1000x256xf32, #tpu.memory_space<vmem>>, %arg7: memref<1000x256xf32, #tpu.memory_space<vmem>>) attributes {dimension_semantics = [#tpu.dimension_semantics<arbitrary>], iteration_bounds = array<i64: 10>, scalar_prefetch = 0 : i64, scratch_operands = 0 : i64, tpu.core_type = #tpu.core_type<tc>, window_params = [{transform_indices = @transform_0, window_bounds = array<i64: 1000, 128>}, {transform_indices = @transform_1, window_bounds = array<i64: 1000, 16>}, {transform_indices = @transform_2, window_bounds = array<i64: 1000, 16>}, {pipeline_mode = #tpu.pipeline_mode<synchronous>, transform_indices = @transform_3, window_bounds = array<i64: 128, 128>}, {pipeline_mode = #tpu.pipeline_mode<synchronous>, transform_indices = @transform_4, window_bounds = array<i64: 128, 128>}, {transform_indices = @transform_5, window_bounds = array<i64: 1000, 256>}, {transform_indices = @transform_6, window_bounds = array<i64: 1000, 256>}]} {
    %get3A = arith.constant 0 : index
    %get3A_0 = arith.constant 0 : index
    %get3A_1 = vector.load %arg1[%get3A, %get3A_0] : memref<1000x128xf32, #tpu.memory_space<vmem>>, vector<1000x128xf32>
    %broadcast_in_dim3A = arith.constant 0.000000e+00 : f32
    %broadcast_in_dim3A_2 = vector.broadcast %broadcast_in_dim3A : f32 to vector<1000x112xf32>
    %get3A_3 = arith.constant 0 : index
    %get3A_4 = arith.constant 0 : index
    %get3A_5 = vector.load %arg4[%get3A_3, %get3A_4] : memref<128x128xf32, #tpu.memory_space<vmem>>, vector<128x128xf32>
    %dot_general3A = arith.constant dense<0.000000e+00> : vector<1000x128xf32>
    %dot_general3A_6 = tpu.matmul %get3A_1, %get3A_5, %dot_general3A {dimension_numbers = #tpu.dot_dimension_numbers<[1], [0], [0], [1], [0, 0, 1, 1], [], []>, transpose_lhs_hint = false} : vector<1000x128xf32>, vector<128x128xf32>, vector<1000x128xf32> -> vector<1000x128xf32>
    %get3A_7 = arith.constant 0 : index
    %get3A_8 = arith.constant 0 : index
    %get3A_9 = vector.load %arg2[%get3A_7, %get3A_8] : memref<1000x16xf32, #tpu.memory_space<vmem>>, vector<1000x16xf32>
    %concatenate3A = tpu.concatenate %dot_general3A_6, %get3A_9, %broadcast_in_dim3A_2 in 1 : vector<1000x128xf32>, vector<1000x16xf32>, vector<1000x112xf32> -> vector<1000x256xf32>
    %swap3A = arith.constant 0 : index
    %swap3A_10 = arith.constant 0 : index
    %swap3A_11 = vector.load %arg6[%swap3A, %swap3A_10] : memref<1000x256xf32, #tpu.memory_space<vmem>>, vector<1000x256xf32>
    tpu.vector_store %arg6[%swap3A, %swap3A_10], %concatenate3A {strides = array<i32>} : memref<1000x256xf32, #tpu.memory_space<vmem>>, vector<1000x256xf32>,
    %get3A_12 = arith.constant 0 : index
    %get3A_13 = arith.constant 0 : index
    %get3A_14 = vector.load %arg5[%get3A_12, %get3A_13] : memref<128x128xf32, #tpu.memory_space<vmem>>, vector<128x128xf32>
    %dot_general3A_15 = arith.constant dense<0.000000e+00> : vector<1000x128xf32>
    %dot_general3A_16 = tpu.matmul %get3A_1, %get3A_14, %dot_general3A_15 {dimension_numbers = #tpu.dot_dimension_numbers<[1], [0], [0], [1], [0, 0, 1, 1], [], []>, transpose_lhs_hint = false} : vector<1000x128xf32>, vector<128x128xf32>, vector<1000x128xf32> -> vector<1000x128xf32>
    %get3A_17 = arith.constant 0 : index
    %get3A_18 = arith.constant 0 : index
    %get3A_19 = vector.load %arg3[%get3A_17, %get3A_18] : memref<1000x16xf32, #tpu.memory_space<vmem>>, vector<1000x16xf32>
    %concatenate3A_20 = tpu.concatenate %dot_general3A_16, %get3A_19, %broadcast_in_dim3A_2 in 1 : vector<1000x128xf32>, vector<1000x16xf32>, vector<1000x112xf32> -> vector<1000x256xf32>
    %swap3A_21 = arith.constant 0 : index
    %swap3A_22 = arith.constant 0 : index
    %swap3A_23 = vector.load %arg7[%swap3A_21, %swap3A_22] : memref<1000x256xf32, #tpu.memory_space<vmem>>, vector<1000x256xf32>
    tpu.vector_store %arg7[%swap3A_21, %swap3A_22], %concatenate3A_20 {strides = array<i32>} : memref<1000x256xf32, #tpu.memory_space<vmem>>, vector<1000x256xf32>,
    return
  }
  func.func @transform_0(%arg0: i32) -> (i32, i32) {
    %c0_i32 = arith.constant 0 : i32
    %c0_i32_0 = arith.constant 0 : i32
    return %arg0, %c0_i32 : i32, i32
  }
  func.func @transform_1(%arg0: i32) -> (i32, i32) {
    %c0_i32 = arith.constant 0 : i32
    %c0_i32_0 = arith.constant 0 : i32
    return %arg0, %c0_i32 : i32, i32
  }
  func.func @transform_2(%arg0: i32) -> (i32, i32) {
    %c0_i32 = arith.constant 0 : i32
    %c0_i32_0 = arith.constant 0 : i32
    return %arg0, %c0_i32 : i32, i32
  }
  func.func @transform_3(%arg0: i32) -> (i32, i32) {
    %c0_i32 = arith.constant 0 : i32
    %c0_i32_0 = arith.constant 0 : i32
    %c0_i32_1 = arith.constant 0 : i32
    return %c0_i32, %c0_i32_0 : i32, i32
  }
  func.func @transform_4(%arg0: i32) -> (i32, i32) {
    %c0_i32 = arith.constant 0 : i32
    %c0_i32_0 = arith.constant 0 : i32
    %c0_i32_1 = arith.constant 0 : i32
    return %c0_i32, %c0_i32_0 : i32, i32
  }
  func.func @transform_5(%arg0: i32) -> (i32, i32) {
    %c0_i32 = arith.constant 0 : i32
    %c0_i32_0 = arith.constant 0 : i32
    return %arg0, %c0_i32 : i32, i32
  }
  func.func @transform_6(%arg0: i32) -> (i32, i32) {
    %c0_i32 = arith.constant 0 : i32
    %c0_i32_0 = arith.constant 0 : i32
    return %arg0, %c0_i32 : i32, i32
  }
}

module attributes {stable_mosaic.version = 14 : i64} {
  func.func @_edge_body(%arg0: i32, %arg1: memref<2000x128xf32, #tpu.memory_space<vmem>>, %arg2: memref<2000x16xf32, #tpu.memory_space<vmem>>, %arg3: memref<2000x16xf32, #tpu.memory_space<vmem>>, %arg4: memref<16x128xf32, #tpu.memory_space<vmem>>, %arg5: memref<1x128xf32, #tpu.memory_space<vmem>>, %arg6: memref<1x128xf32, #tpu.memory_space<vmem>>, %arg7: memref<128x128xf32, #tpu.memory_space<vmem>>, %arg8: memref<1x128xf32, #tpu.memory_space<vmem>>, %arg9: memref<128x128xf32, #tpu.memory_space<vmem>>, %arg10: memref<1x128xf32, #tpu.memory_space<vmem>>, %arg11: memref<128x1xf32, #tpu.memory_space<vmem>>, %arg12: memref<1x1xf32, #tpu.memory_space<vmem>>, %arg13: memref<2000x128xf32, #tpu.memory_space<vmem>>, %arg14: memref<2000x128xf32, #tpu.memory_space<vmem>>) attributes {dimension_semantics = [#tpu.dimension_semantics<arbitrary>], iteration_bounds = array<i64: 160>, scalar_prefetch = 0 : i64, scratch_operands = 0 : i64, tpu.core_type = #tpu.core_type<tc>, window_params = [{transform_indices = @transform_0, window_bounds = array<i64: 2000, 128>}, {transform_indices = @transform_1, window_bounds = array<i64: 2000, 16>}, {transform_indices = @transform_2, window_bounds = array<i64: 2000, 16>}, {pipeline_mode = #tpu.pipeline_mode<synchronous>, transform_indices = @transform_3, window_bounds = array<i64: 16, 128>}, {pipeline_mode = #tpu.pipeline_mode<synchronous>, transform_indices = @transform_4, window_bounds = array<i64: 1, 128>}, {pipeline_mode = #tpu.pipeline_mode<synchronous>, transform_indices = @transform_5, window_bounds = array<i64: 1, 128>}, {pipeline_mode = #tpu.pipeline_mode<synchronous>, transform_indices = @transform_6, window_bounds = array<i64: 128, 128>}, {pipeline_mode = #tpu.pipeline_mode<synchronous>, transform_indices = @transform_7, window_bounds = array<i64: 1, 128>}, {pipeline_mode = #tpu.pipeline_mode<synchronous>, transform_indices = @transform_8, window_bounds = array<i64: 128, 128>}, {pipeline_mode = #tpu.pipeline_mode<synchronous>, transform_indices = @transform_9, window_bounds = array<i64: 1, 128>}, {pipeline_mode = #tpu.pipeline_mode<synchronous>, transform_indices = @transform_10, window_bounds = array<i64: 128, 1>}, {pipeline_mode = #tpu.pipeline_mode<synchronous>, transform_indices = @transform_11, window_bounds = array<i64: 1, 1>}, {transform_indices = @transform_12, window_bounds = array<i64: 2000, 128>}, {transform_indices = @transform_13, window_bounds = array<i64: 2000, 128>}]} {
    %get3A = arith.constant 0 : index
    %get3A_0 = arith.constant 0 : index
    %get3A_1 = vector.load %arg1[%get3A, %get3A_0] : memref<2000x128xf32, #tpu.memory_space<vmem>>, vector<2000x128xf32>
    %get3A_2 = arith.constant 0 : index
    %get3A_3 = arith.constant 0 : index
    %get3A_4 = vector.load %arg2[%get3A_2, %get3A_3] : memref<2000x16xf32, #tpu.memory_space<vmem>>, vector<2000x16xf32>
    %mul3A = arith.mulf %get3A_4, %get3A_4 : vector<2000x16xf32>
    %reduce_sum3A = arith.constant dense<0.000000e+00> : vector<2000xf32>
    %reduce_sum3A_5 = vector.multi_reduction <add>, %mul3A, %reduce_sum3A [1] : vector<2000x16xf32> to vector<2000xf32>
    %broadcast_in_dim3A = vector.shape_cast %reduce_sum3A_5 : vector<2000xf32> to vector<2000x1xf32>
    %get3A_6 = arith.constant 0 : index
    %get3A_7 = arith.constant 0 : index
    %get3A_8 = vector.load %arg3[%get3A_6, %get3A_7] : memref<2000x16xf32, #tpu.memory_space<vmem>>, vector<2000x16xf32>
    %get3A_9 = arith.constant 0 : index
    %get3A_10 = arith.constant 0 : index
    %get3A_11 = vector.load %arg4[%get3A_9, %get3A_10] : memref<16x128xf32, #tpu.memory_space<vmem>>, vector<16x128xf32>
    %dot_general3A = arith.constant dense<0.000000e+00> : vector<2000x128xf32>
    %dot_general3A_12 = tpu.matmul %get3A_8, %get3A_11, %dot_general3A {dimension_numbers = #tpu.dot_dimension_numbers<[1], [0], [0], [1], [0, 0, 1, 1], [], []>, transpose_lhs_hint = false} : vector<2000x16xf32>, vector<16x128xf32>, vector<2000x128xf32> -> vector<2000x128xf32>
    %add3A = arith.addf %get3A_1, %dot_general3A_12 : vector<2000x128xf32>
    %get3A_13 = arith.constant 0 : index
    %get3A_14 = arith.constant 0 : index
    %get3A_15 = vector.load %arg5[%get3A_13, %get3A_14] : memref<1x128xf32, #tpu.memory_space<vmem>>, vector<1x128xf32>
    %mul3A_16 = vector.broadcast %broadcast_in_dim3A : vector<2000x1xf32> to vector<2000x128xf32>
    %mul3A_17 = vector.broadcast %get3A_15 : vector<1x128xf32> to vector<2000x128xf32>
    %mul3A_18 = arith.mulf %mul3A_16, %mul3A_17 : vector<2000x128xf32>
    %add3A_19 = arith.addf %add3A, %mul3A_18 : vector<2000x128xf32>
    %get3A_20 = arith.constant 0 : index
    %get3A_21 = arith.constant 0 : index
    %get3A_22 = vector.load %arg6[%get3A_20, %get3A_21] : memref<1x128xf32, #tpu.memory_space<vmem>>, vector<1x128xf32>
    %add3A_23 = vector.broadcast %get3A_22 : vector<1x128xf32> to vector<2000x128xf32>
    %add3A_24 = arith.addf %add3A_19, %add3A_23 : vector<2000x128xf32>
    %logistic3A = arith.negf %add3A_24 : vector<2000x128xf32>
    %logistic3A_25 = math.exp %logistic3A : vector<2000x128xf32>
    %logistic3A_26 = arith.constant 1.000000e+00 : f32
    %logistic3A_27 = vector.broadcast %logistic3A_26 : f32 to vector<2000x128xf32>
    %logistic3A_28 = arith.addf %logistic3A_27, %logistic3A_25 : vector<2000x128xf32>
    %logistic3A_29 = arith.divf %logistic3A_27, %logistic3A_28 : vector<2000x128xf32>
    %mul3A_30 = arith.mulf %add3A_24, %logistic3A_29 : vector<2000x128xf32>
    %get3A_31 = arith.constant 0 : index
    %get3A_32 = arith.constant 0 : index
    %get3A_33 = vector.load %arg7[%get3A_31, %get3A_32] : memref<128x128xf32, #tpu.memory_space<vmem>>, vector<128x128xf32>
    %dot_general3A_34 = arith.constant dense<0.000000e+00> : vector<2000x128xf32>
    %dot_general3A_35 = tpu.matmul %mul3A_30, %get3A_33, %dot_general3A_34 {dimension_numbers = #tpu.dot_dimension_numbers<[1], [0], [0], [1], [0, 0, 1, 1], [], []>, transpose_lhs_hint = false} : vector<2000x128xf32>, vector<128x128xf32>, vector<2000x128xf32> -> vector<2000x128xf32>
    %get3A_36 = arith.constant 0 : index
    %get3A_37 = arith.constant 0 : index
    %get3A_38 = vector.load %arg8[%get3A_36, %get3A_37] : memref<1x128xf32, #tpu.memory_space<vmem>>, vector<1x128xf32>
    %add3A_39 = vector.broadcast %get3A_38 : vector<1x128xf32> to vector<2000x128xf32>
    %add3A_40 = arith.addf %dot_general3A_35, %add3A_39 : vector<2000x128xf32>
    %logistic3A_41 = arith.negf %add3A_40 : vector<2000x128xf32>
    %logistic3A_42 = math.exp %logistic3A_41 : vector<2000x128xf32>
    %logistic3A_43 = arith.constant 1.000000e+00 : f32
    %logistic3A_44 = vector.broadcast %logistic3A_43 : f32 to vector<2000x128xf32>
    %logistic3A_45 = arith.addf %logistic3A_44, %logistic3A_42 : vector<2000x128xf32>
    %logistic3A_46 = arith.divf %logistic3A_44, %logistic3A_45 : vector<2000x128xf32>
    %mul3A_47 = arith.mulf %add3A_40, %logistic3A_46 : vector<2000x128xf32>
    %get3A_48 = arith.constant 0 : index
    %get3A_49 = arith.constant 0 : index
    %get3A_50 = vector.load %arg9[%get3A_48, %get3A_49] : memref<128x128xf32, #tpu.memory_space<vmem>>, vector<128x128xf32>
    %dot_general3A_51 = arith.constant dense<0.000000e+00> : vector<2000x128xf32>
    %dot_general3A_52 = tpu.matmul %mul3A_47, %get3A_50, %dot_general3A_51 {dimension_numbers = #tpu.dot_dimension_numbers<[1], [0], [0], [1], [0, 0, 1, 1], [], []>, transpose_lhs_hint = false} : vector<2000x128xf32>, vector<128x128xf32>, vector<2000x128xf32> -> vector<2000x128xf32>
    %get3A_53 = arith.constant 0 : index
    %get3A_54 = arith.constant 0 : index
    %get3A_55 = vector.load %arg10[%get3A_53, %get3A_54] : memref<1x128xf32, #tpu.memory_space<vmem>>, vector<1x128xf32>
    %add3A_56 = vector.broadcast %get3A_55 : vector<1x128xf32> to vector<2000x128xf32>
    %add3A_57 = arith.addf %dot_general3A_52, %add3A_56 : vector<2000x128xf32>
    %logistic3A_58 = arith.negf %add3A_57 : vector<2000x128xf32>
    %logistic3A_59 = math.exp %logistic3A_58 : vector<2000x128xf32>
    %logistic3A_60 = arith.constant 1.000000e+00 : f32
    %logistic3A_61 = vector.broadcast %logistic3A_60 : f32 to vector<2000x128xf32>
    %logistic3A_62 = arith.addf %logistic3A_61, %logistic3A_59 : vector<2000x128xf32>
    %logistic3A_63 = arith.divf %logistic3A_61, %logistic3A_62 : vector<2000x128xf32>
    %mul3A_64 = arith.mulf %add3A_57, %logistic3A_63 : vector<2000x128xf32>
    %get3A_65 = arith.constant 0 : index
    %get3A_66 = arith.constant 0 : index
    %get3A_67 = vector.load %arg11[%get3A_65, %get3A_66] : memref<128x1xf32, #tpu.memory_space<vmem>>, vector<128x1xf32>
    %dot_general3A_68 = arith.constant dense<0.000000e+00> : vector<2000x1xf32>
    %dot_general3A_69 = tpu.matmul %mul3A_64, %get3A_67, %dot_general3A_68 {dimension_numbers = #tpu.dot_dimension_numbers<[1], [0], [0], [1], [0, 0, 1, 1], [], []>, transpose_lhs_hint = false} : vector<2000x128xf32>, vector<128x1xf32>, vector<2000x1xf32> -> vector<2000x1xf32>
    %get3A_70 = arith.constant 0 : index
    %get3A_71 = arith.constant 0 : index
    %get3A_72 = vector.load %arg12[%get3A_70, %get3A_71] : memref<1x1xf32, #tpu.memory_space<vmem>>, vector<1x1xf32>
    %add3A_73 = vector.broadcast %get3A_72 : vector<1x1xf32> to vector<2000x1xf32>
    %add3A_74 = arith.addf %dot_general3A_69, %add3A_73 : vector<2000x1xf32>
    %swap3A = arith.constant 0 : index
    %swap3A_75 = arith.constant 0 : index
    %swap3A_76 = vector.load %arg13[%swap3A, %swap3A_75] : memref<2000x128xf32, #tpu.memory_space<vmem>>, vector<2000x128xf32>
    tpu.vector_store %arg13[%swap3A, %swap3A_75], %mul3A_47 {strides = array<i32>} : memref<2000x128xf32, #tpu.memory_space<vmem>>, vector<2000x128xf32>,
    %mul3A_77 = vector.broadcast %add3A_74 : vector<2000x1xf32> to vector<2000x16xf32>
    %mul3A_78 = arith.mulf %get3A_4, %mul3A_77 : vector<2000x16xf32>
    %iota3A = tpu.iota {dimensions = array<i32: 1>} : vector<2000x16xi32>
    %eq3A = arith.constant 3 : i32
    %eq3A_79 = vector.broadcast %eq3A : i32 to vector<2000x16xi32>
    %eq3A_80 = arith.cmpi eq, %iota3A, %eq3A_79 : vector<2000x16xi32>
    %jit3A = arith.constant 1.000000e+00 : f32
    %broadcast_in_dim3A_81 = vector.broadcast %jit3A : f32 to vector<2000x16xf32>
    %select_n3A = arith.select %eq3A_80, %broadcast_in_dim3A_81, %mul3A_78 : vector<2000x16xi1>, vector<2000x16xf32>
    %broadcast_in_dim3A_82 = arith.constant 0.000000e+00 : f32
    %broadcast_in_dim3A_83 = vector.broadcast %broadcast_in_dim3A_82 : f32 to vector<2000x112xf32>
    %concatenate3A = tpu.concatenate %select_n3A, %broadcast_in_dim3A_83 in 1 : vector<2000x16xf32>, vector<2000x112xf32> -> vector<2000x128xf32>
    %swap3A_84 = arith.constant 0 : index
    %swap3A_85 = arith.constant 0 : index
    %swap3A_86 = vector.load %arg14[%swap3A_84, %swap3A_85] : memref<2000x128xf32, #tpu.memory_space<vmem>>, vector<2000x128xf32>
    tpu.vector_store %arg14[%swap3A_84, %swap3A_85], %concatenate3A {strides = array<i32>} : memref<2000x128xf32, #tpu.memory_space<vmem>>, vector<2000x128xf32>,
    return
  }
  func.func @transform_0(%arg0: i32) -> (i32, i32) {
    %c0_i32 = arith.constant 0 : i32
    %c0_i32_0 = arith.constant 0 : i32
    return %arg0, %c0_i32 : i32, i32
  }
  func.func @transform_1(%arg0: i32) -> (i32, i32) {
    %c0_i32 = arith.constant 0 : i32
    %c0_i32_0 = arith.constant 0 : i32
    return %arg0, %c0_i32 : i32, i32
  }
  func.func @transform_2(%arg0: i32) -> (i32, i32) {
    %c0_i32 = arith.constant 0 : i32
    %c0_i32_0 = arith.constant 0 : i32
    return %arg0, %c0_i32 : i32, i32
  }
  func.func @transform_3(%arg0: i32) -> (i32, i32) {
    %c0_i32 = arith.constant 0 : i32
    %c0_i32_0 = arith.constant 0 : i32
    %c0_i32_1 = arith.constant 0 : i32
    return %c0_i32, %c0_i32_0 : i32, i32
  }
  func.func @transform_4(%arg0: i32) -> (i32, i32) {
    %c0_i32 = arith.constant 0 : i32
    %c0_i32_0 = arith.constant 0 : i32
    %c0_i32_1 = arith.constant 0 : i32
    return %c0_i32, %c0_i32_0 : i32, i32
  }
  func.func @transform_5(%arg0: i32) -> (i32, i32) {
    %c0_i32 = arith.constant 0 : i32
    %c0_i32_0 = arith.constant 0 : i32
    %c0_i32_1 = arith.constant 0 : i32
    return %c0_i32, %c0_i32_0 : i32, i32
  }
  func.func @transform_6(%arg0: i32) -> (i32, i32) {
    %c0_i32 = arith.constant 0 : i32
    %c0_i32_0 = arith.constant 0 : i32
    %c0_i32_1 = arith.constant 0 : i32
    return %c0_i32, %c0_i32_0 : i32, i32
  }
  func.func @transform_7(%arg0: i32) -> (i32, i32) {
    %c0_i32 = arith.constant 0 : i32
    %c0_i32_0 = arith.constant 0 : i32
    %c0_i32_1 = arith.constant 0 : i32
    return %c0_i32, %c0_i32_0 : i32, i32
  }
  func.func @transform_8(%arg0: i32) -> (i32, i32) {
    %c0_i32 = arith.constant 0 : i32
    %c0_i32_0 = arith.constant 0 : i32
    %c0_i32_1 = arith.constant 0 : i32
    return %c0_i32, %c0_i32_0 : i32, i32
  }
  func.func @transform_9(%arg0: i32) -> (i32, i32) {
    %c0_i32 = arith.constant 0 : i32
    %c0_i32_0 = arith.constant 0 : i32
    %c0_i32_1 = arith.constant 0 : i32
    return %c0_i32, %c0_i32_0 : i32, i32
  }
  func.func @transform_10(%arg0: i32) -> (i32, i32) {
    %c0_i32 = arith.constant 0 : i32
    %c0_i32_0 = arith.constant 0 : i32
    %c0_i32_1 = arith.constant 0 : i32
    return %c0_i32, %c0_i32_0 : i32, i32
  }
  func.func @transform_11(%arg0: i32) -> (i32, i32) {
    %c0_i32 = arith.constant 0 : i32
    %c0_i32_0 = arith.constant 0 : i32
    %c0_i32_1 = arith.constant 0 : i32
    return %c0_i32, %c0_i32_0 : i32, i32
  }
  func.func @transform_12(%arg0: i32) -> (i32, i32) {
    %c0_i32 = arith.constant 0 : i32
    %c0_i32_0 = arith.constant 0 : i32
    return %arg0, %c0_i32 : i32, i32
  }
  func.func @transform_13(%arg0: i32) -> (i32, i32) {
    %c0_i32 = arith.constant 0 : i32
    %c0_i32_0 = arith.constant 0 : i32
    return %arg0, %c0_i32 : i32, i32
  }
}

module attributes {stable_mosaic.version = 14 : i64} {
  func.func @_node_body(%arg0: i32, %arg1: memref<1000x128xf32, #tpu.memory_space<vmem>>, %arg2: memref<1000x16xf32, #tpu.memory_space<vmem>>, %arg3: memref<2x1000x128xf32, #tpu.memory_space<vmem>>, %arg4: memref<128x128xf32, #tpu.memory_space<vmem>>, %arg5: memref<128x128xf32, #tpu.memory_space<vmem>>, %arg6: memref<1x128xf32, #tpu.memory_space<vmem>>, %arg7: memref<128x128xf32, #tpu.memory_space<vmem>>, %arg8: memref<1x128xf32, #tpu.memory_space<vmem>>, %arg9: memref<1x128xf32, #tpu.memory_space<vmem>>, %arg10: memref<1x128xf32, #tpu.memory_space<vmem>>, %arg11: memref<1000x128xf32, #tpu.memory_space<vmem>>, %arg12: memref<1000x16xf32, #tpu.memory_space<vmem>>) attributes {dimension_semantics = [#tpu.dimension_semantics<arbitrary>], iteration_bounds = array<i64: 10>, scalar_prefetch = 0 : i64, scratch_operands = 0 : i64, tpu.core_type = #tpu.core_type<tc>, window_params = [{transform_indices = @transform_0, window_bounds = array<i64: 1000, 128>}, {transform_indices = @transform_1, window_bounds = array<i64: 1000, 16>}, {transform_indices = @transform_2, window_bounds = array<i64: 2, 1000, 128>}, {pipeline_mode = #tpu.pipeline_mode<synchronous>, transform_indices = @transform_3, window_bounds = array<i64: 128, 128>}, {pipeline_mode = #tpu.pipeline_mode<synchronous>, transform_indices = @transform_4, window_bounds = array<i64: 128, 128>}, {pipeline_mode = #tpu.pipeline_mode<synchronous>, transform_indices = @transform_5, window_bounds = array<i64: 1, 128>}, {pipeline_mode = #tpu.pipeline_mode<synchronous>, transform_indices = @transform_6, window_bounds = array<i64: 128, 128>}, {pipeline_mode = #tpu.pipeline_mode<synchronous>, transform_indices = @transform_7, window_bounds = array<i64: 1, 128>}, {pipeline_mode = #tpu.pipeline_mode<synchronous>, transform_indices = @transform_8, window_bounds = array<i64: 1, 128>}, {pipeline_mode = #tpu.pipeline_mode<synchronous>, transform_indices = @transform_9, window_bounds = array<i64: 1, 128>}, {transform_indices = @transform_10, window_bounds = array<i64: 1000, 128>}, {transform_indices = @transform_11, window_bounds = array<i64: 1000, 16>}]} {
    %get3A = arith.constant 0 : index
    %get3A_0 = arith.constant 0 : index
    %get3A_1 = vector.load %arg1[%get3A, %get3A_0] : memref<1000x128xf32, #tpu.memory_space<vmem>>, vector<1000x128xf32>
    %get3A_2 = arith.constant 0 : index
    %get3A_3 = arith.constant 0 : index
    %get3A_4 = arith.constant 0 : index
    %get3A_5 = vector.load %arg3[%get3A_2, %get3A_3, %get3A_4] : memref<2x1000x128xf32, #tpu.memory_space<vmem>>, vector<2x1000x128xf32>
    %slice3A = vector.extract_strided_slice %get3A_5 {offsets = [0, 0, 0], sizes = [1, 1000, 128], strides = [1, 1, 1]} : vector<2x1000x128xf32> to vector<1x1000x128xf32>
    %squeeze3A = vector.shape_cast %slice3A : vector<1x1000x128xf32> to vector<1000x128xf32>
    %slice3A_6 = vector.extract_strided_slice %get3A_5 {offsets = [1, 0, 0], sizes = [1, 1000, 16], strides = [1, 1, 1]} : vector<2x1000x128xf32> to vector<1x1000x16xf32>
    %squeeze3A_7 = vector.shape_cast %slice3A_6 : vector<1x1000x16xf32> to vector<1000x16xf32>
    %slice3A_8 = vector.extract_strided_slice %squeeze3A_7 {offsets = [0, 3], sizes = [1000, 1], strides = [1, 1]} : vector<1000x16xf32> to vector<1000x1xf32>
    %max3A = arith.constant 1.000000e+00 : f32
    %max3A_9 = vector.broadcast %max3A : f32 to vector<1000x1xf32>
    %max3A_10 = arith.maximumf %slice3A_8, %max3A_9 : vector<1000x1xf32>
    %get3A_11 = arith.constant 0 : index
    %get3A_12 = arith.constant 0 : index
    %get3A_13 = vector.load %arg2[%get3A_11, %get3A_12] : memref<1000x16xf32, #tpu.memory_space<vmem>>, vector<1000x16xf32>
    %div3A = vector.broadcast %max3A_10 : vector<1000x1xf32> to vector<1000x16xf32>
    %div3A_14 = arith.divf %squeeze3A_7, %div3A : vector<1000x16xf32>
    %add3A = arith.addf %get3A_13, %div3A_14 : vector<1000x16xf32>
    %swap3A = arith.constant 0 : index
    %swap3A_15 = arith.constant 0 : index
    %swap3A_16 = vector.load %arg12[%swap3A, %swap3A_15] : memref<1000x16xf32, #tpu.memory_space<vmem>>, vector<1000x16xf32>
    tpu.vector_store %arg12[%swap3A, %swap3A_15], %add3A {strides = array<i32>} : memref<1000x16xf32, #tpu.memory_space<vmem>>, vector<1000x16xf32>,
    %get3A_17 = arith.constant 0 : index
    %get3A_18 = arith.constant 0 : index
    %get3A_19 = vector.load %arg4[%get3A_17, %get3A_18] : memref<128x128xf32, #tpu.memory_space<vmem>>, vector<128x128xf32>
    %dot_general3A = arith.constant dense<0.000000e+00> : vector<1000x128xf32>
    %dot_general3A_20 = tpu.matmul %get3A_1, %get3A_19, %dot_general3A {dimension_numbers = #tpu.dot_dimension_numbers<[1], [0], [0], [1], [0, 0, 1, 1], [], []>, transpose_lhs_hint = false} : vector<1000x128xf32>, vector<128x128xf32>, vector<1000x128xf32> -> vector<1000x128xf32>
    %get3A_21 = arith.constant 0 : index
    %get3A_22 = arith.constant 0 : index
    %get3A_23 = vector.load %arg5[%get3A_21, %get3A_22] : memref<128x128xf32, #tpu.memory_space<vmem>>, vector<128x128xf32>
    %dot_general3A_24 = arith.constant dense<0.000000e+00> : vector<1000x128xf32>
    %dot_general3A_25 = tpu.matmul %squeeze3A, %get3A_23, %dot_general3A_24 {dimension_numbers = #tpu.dot_dimension_numbers<[1], [0], [0], [1], [0, 0, 1, 1], [], []>, transpose_lhs_hint = false} : vector<1000x128xf32>, vector<128x128xf32>, vector<1000x128xf32> -> vector<1000x128xf32>
    %add3A_26 = arith.addf %dot_general3A_20, %dot_general3A_25 : vector<1000x128xf32>
    %get3A_27 = arith.constant 0 : index
    %get3A_28 = arith.constant 0 : index
    %get3A_29 = vector.load %arg6[%get3A_27, %get3A_28] : memref<1x128xf32, #tpu.memory_space<vmem>>, vector<1x128xf32>
    %add3A_30 = vector.broadcast %get3A_29 : vector<1x128xf32> to vector<1000x128xf32>
    %add3A_31 = arith.addf %add3A_26, %add3A_30 : vector<1000x128xf32>
    %logistic3A = arith.negf %add3A_31 : vector<1000x128xf32>
    %logistic3A_32 = math.exp %logistic3A : vector<1000x128xf32>
    %logistic3A_33 = arith.constant 1.000000e+00 : f32
    %logistic3A_34 = vector.broadcast %logistic3A_33 : f32 to vector<1000x128xf32>
    %logistic3A_35 = arith.addf %logistic3A_34, %logistic3A_32 : vector<1000x128xf32>
    %logistic3A_36 = arith.divf %logistic3A_34, %logistic3A_35 : vector<1000x128xf32>
    %mul3A = arith.mulf %add3A_31, %logistic3A_36 : vector<1000x128xf32>
    %get3A_37 = arith.constant 0 : index
    %get3A_38 = arith.constant 0 : index
    %get3A_39 = vector.load %arg7[%get3A_37, %get3A_38] : memref<128x128xf32, #tpu.memory_space<vmem>>, vector<128x128xf32>
    %dot_general3A_40 = arith.constant dense<0.000000e+00> : vector<1000x128xf32>
    %dot_general3A_41 = tpu.matmul %mul3A, %get3A_39, %dot_general3A_40 {dimension_numbers = #tpu.dot_dimension_numbers<[1], [0], [0], [1], [0, 0, 1, 1], [], []>, transpose_lhs_hint = false} : vector<1000x128xf32>, vector<128x128xf32>, vector<1000x128xf32> -> vector<1000x128xf32>
    %get3A_42 = arith.constant 0 : index
    %get3A_43 = arith.constant 0 : index
    %get3A_44 = vector.load %arg8[%get3A_42, %get3A_43] : memref<1x128xf32, #tpu.memory_space<vmem>>, vector<1x128xf32>
    %add3A_45 = vector.broadcast %get3A_44 : vector<1x128xf32> to vector<1000x128xf32>
    %add3A_46 = arith.addf %dot_general3A_41, %add3A_45 : vector<1000x128xf32>
    %add3A_47 = arith.addf %get3A_1, %add3A_46 : vector<1000x128xf32>
    %reduce_sum3A = arith.constant dense<0.000000e+00> : vector<1000xf32>
    %reduce_sum3A_48 = vector.multi_reduction <add>, %add3A_47, %reduce_sum3A [1] : vector<1000x128xf32> to vector<1000xf32>
    %broadcast_in_dim3A = vector.shape_cast %reduce_sum3A_48 : vector<1000xf32> to vector<1000x1xf32>
    %div3A_49 = arith.constant 1.280000e+02 : f32
    %div3A_50 = vector.broadcast %div3A_49 : f32 to vector<1000x1xf32>
    %div3A_51 = arith.divf %broadcast_in_dim3A, %div3A_50 : vector<1000x1xf32>
    %sub3A = vector.broadcast %div3A_51 : vector<1000x1xf32> to vector<1000x128xf32>
    %sub3A_52 = arith.subf %add3A_47, %sub3A : vector<1000x128xf32>
    %mul3A_53 = arith.mulf %sub3A_52, %sub3A_52 : vector<1000x128xf32>
    %reduce_sum3A_54 = arith.constant dense<0.000000e+00> : vector<1000xf32>
    %reduce_sum3A_55 = vector.multi_reduction <add>, %mul3A_53, %reduce_sum3A_54 [1] : vector<1000x128xf32> to vector<1000xf32>
    %broadcast_in_dim3A_56 = vector.shape_cast %reduce_sum3A_55 : vector<1000xf32> to vector<1000x1xf32>
    %div3A_57 = arith.constant 1.280000e+02 : f32
    %div3A_58 = vector.broadcast %div3A_57 : f32 to vector<1000x1xf32>
    %div3A_59 = arith.divf %broadcast_in_dim3A_56, %div3A_58 : vector<1000x1xf32>
    %add3A_60 = arith.constant 9.99999974E-6 : f32
    %add3A_61 = vector.broadcast %add3A_60 : f32 to vector<1000x1xf32>
    %add3A_62 = arith.addf %div3A_59, %add3A_61 : vector<1000x1xf32>
    %rsqrt3A = math.rsqrt %add3A_62 : vector<1000x1xf32>
    %mul3A_63 = vector.broadcast %rsqrt3A : vector<1000x1xf32> to vector<1000x128xf32>
    %mul3A_64 = arith.mulf %sub3A_52, %mul3A_63 : vector<1000x128xf32>
    %get3A_65 = arith.constant 0 : index
    %get3A_66 = arith.constant 0 : index
    %get3A_67 = vector.load %arg9[%get3A_65, %get3A_66] : memref<1x128xf32, #tpu.memory_space<vmem>>, vector<1x128xf32>
    %mul3A_68 = vector.broadcast %get3A_67 : vector<1x128xf32> to vector<1000x128xf32>
    %mul3A_69 = arith.mulf %mul3A_64, %mul3A_68 : vector<1000x128xf32>
    %get3A_70 = arith.constant 0 : index
    %get3A_71 = arith.constant 0 : index
    %get3A_72 = vector.load %arg10[%get3A_70, %get3A_71] : memref<1x128xf32, #tpu.memory_space<vmem>>, vector<1x128xf32>
    %add3A_73 = vector.broadcast %get3A_72 : vector<1x128xf32> to vector<1000x128xf32>
    %add3A_74 = arith.addf %mul3A_69, %add3A_73 : vector<1000x128xf32>
    %swap3A_75 = arith.constant 0 : index
    %swap3A_76 = arith.constant 0 : index
    %swap3A_77 = vector.load %arg11[%swap3A_75, %swap3A_76] : memref<1000x128xf32, #tpu.memory_space<vmem>>, vector<1000x128xf32>
    tpu.vector_store %arg11[%swap3A_75, %swap3A_76], %add3A_74 {strides = array<i32>} : memref<1000x128xf32, #tpu.memory_space<vmem>>, vector<1000x128xf32>,
    return
  }
  func.func @transform_0(%arg0: i32) -> (i32, i32) {
    %c0_i32 = arith.constant 0 : i32
    %c0_i32_0 = arith.constant 0 : i32
    return %arg0, %c0_i32 : i32, i32
  }
  func.func @transform_1(%arg0: i32) -> (i32, i32) {
    %c0_i32 = arith.constant 0 : i32
    %c0_i32_0 = arith.constant 0 : i32
    return %arg0, %c0_i32 : i32, i32
  }
  func.func @transform_2(%arg0: i32) -> (i32, i32, i32) {
    %c0_i32 = arith.constant 0 : i32
    %c0_i32_0 = arith.constant 0 : i32
    %c0_i32_1 = arith.constant 0 : i32
    return %c0_i32, %arg0, %c0_i32_0 : i32, i32, i32
  }
  func.func @transform_3(%arg0: i32) -> (i32, i32) {
    %c0_i32 = arith.constant 0 : i32
    %c0_i32_0 = arith.constant 0 : i32
    %c0_i32_1 = arith.constant 0 : i32
    return %c0_i32, %c0_i32_0 : i32, i32
  }
  func.func @transform_4(%arg0: i32) -> (i32, i32) {
    %c0_i32 = arith.constant 0 : i32
    %c0_i32_0 = arith.constant 0 : i32
    %c0_i32_1 = arith.constant 0 : i32
    return %c0_i32, %c0_i32_0 : i32, i32
  }
  func.func @transform_5(%arg0: i32) -> (i32, i32) {
    %c0_i32 = arith.constant 0 : i32
    %c0_i32_0 = arith.constant 0 : i32
    %c0_i32_1 = arith.constant 0 : i32
    return %c0_i32, %c0_i32_0 : i32, i32
  }
  func.func @transform_6(%arg0: i32) -> (i32, i32) {
    %c0_i32 = arith.constant 0 : i32
    %c0_i32_0 = arith.constant 0 : i32
    %c0_i32_1 = arith.constant 0 : i32
    return %c0_i32, %c0_i32_0 : i32, i32
  }
  func.func @transform_7(%arg0: i32) -> (i32, i32) {
    %c0_i32 = arith.constant 0 : i32
    %c0_i32_0 = arith.constant 0 : i32
    %c0_i32_1 = arith.constant 0 : i32
    return %c0_i32, %c0_i32_0 : i32, i32
  }
  func.func @transform_8(%arg0: i32) -> (i32, i32) {
    %c0_i32 = arith.constant 0 : i32
    %c0_i32_0 = arith.constant 0 : i32
    %c0_i32_1 = arith.constant 0 : i32
    return %c0_i32, %c0_i32_0 : i32, i32
  }
  func.func @transform_9(%arg0: i32) -> (i32, i32) {
    %c0_i32 = arith.constant 0 : i32
    %c0_i32_0 = arith.constant 0 : i32
    %c0_i32_1 = arith.constant 0 : i32
    return %c0_i32, %c0_i32_0 : i32, i32
  }
  func.func @transform_10(%arg0: i32) -> (i32, i32) {
    %c0_i32 = arith.constant 0 : i32
    %c0_i32_0 = arith.constant 0 : i32
    return %arg0, %c0_i32 : i32, i32
  }
  func.func @transform_11(%arg0: i32) -> (i32, i32) {
    %c0_i32 = arith.constant 0 : i32
    %c0_i32_0 = arith.constant 0 : i32
    return %arg0, %c0_i32 : i32, i32
  }
}

</mosaic_0001>

<sc_bundles>
// kernel: kernel.10.cloned.1.call-start
scs
__scs_entry_jumppad:
0x0: {  	(pc) =	sbr.rel $0x88, $3  }
0x1: {  	(tag) =	ssettag $0x0;
	lr =	simm.s32 $0x1  }
0x2: {  	[smem:$0x3F8F] =	sst lr;
	_ =	strace $0xD0000000  }
0x3: {  	_ = 	snop  }
0x4: {  	_ = 	snop  }
0x5: {  	_ = 	snop  }
0x6: {  	_ = 	snop  }
0x7: {  	_ = 	snop  }
__scs_overlays_trampoline_lowered:
0x8: {  	[smem:$0x3F9E] =	sst s0  }
0x9: {  	[smem:$0x3F9F] =	sst s1  }
0xa: {  	[smem:$0x3FA0] =	sst s2  }
0xb: {  	[smem:$0x3FA1] =	sst s3  }
0xc: {  	[smem:$0x3FA2] =	sst s4  }
0xd: {  	[smem:$0x3FA3] =	sst s5  }
0xe: {  	[smem:$0x3FA4] =	sst s6  }
0xf: {  	[smem:$0x3FA5] =	sst s7  }
0x10: {  	[smem:$0x3FA6] =	sst s8  }
0x11: {  	[smem:$0x3FA7] =	sst s9;
	s0 =	simm.s32 @!p0 $0x0  }
0x12: {  	s1 =	sld [smem:$0x3F8D];
	s0 =	simm.s32 @p0 $0x1  }
0x13: {  	[smem:$0x3FA8] =	sst s0;
	s0 =	simm.s32 @!p1 $0x0  }
0x14: {  	s2 =	sld [smem:$0x3F8C];
	s0 =	simm.s32 @p1 $0x1  }
0x15: {  	[smem:$0x3FA9] =	sst s0;
	s0 =	simm.s32 @!p2 $0x0  }
0x16: {  	s3 =	sld [smem:$0x3FDB];
	s0 =	simm.s32 @p2 $0x1  }
0x17: {  	s4 =	simm.s32 $0x1BF5;
	[smem:$0x3FAB] =	sst s0  }
0x18: {  	s0 =	sld [smem:$0x3F8E];
	_ =	swait.ge [sflag:s4], $0x0  }
0x19: {  	s7 =	sld [smem:$0x3F8F]  }
0x1a: {  	s8 =	sadd.s32 $0xFFFFE003, lr  }
0x1b: {  	s9 =	sadd.s32 $0xFFFFFEF7, lr;
	s5 =	simm.s32 $0xFFFFFFFF;
	p2 =	slt.u32 s8, $0xFFFFF086  }
0x1c: {  	p1 =	slt.u32 s9, $0xF7A;
	s5 =	simm.s32 @!p2 $0x0  }
0x1d: {  	s5 =	simm.s32 @p1 $0x1;
	p0 =	seq.s32 s7, s2  }
0x1e: {  	s7 =	smul.u32 @!p0 $0xF7A, s2;
	p2 =	seq.s32 @!p0 s5, $0x0  }
0x1f: {  	s9 =	smul.u32 $0xF7A, s1;
	s8 =	simm.s32 @!p0 $0x1BF5;
	p2 =	por !p2, p0  }
0x20: {  	[sflag:s8] =	ssyncset.s32 @!p0 $0xFFFFF086;
	s6 =	sadd.s32 @!p0 s3, s7;
	s7 =	simm.s32 @!p0 $0x108  }
0x21: {  	s3 =	sadd.s32 s3, s9;
	s6 =	sadd.s32 @!p0 $0x88, s6;
	s7 =	simm.s32 @p2 $0x1082  }
0x22: {  	[simem:s7], [sflag:s8] =	dma.local @!p0 [hbm:s6], $0xF7A  }
0x23: {  	s9 =	sor.u32 $0xD0000000, s2;
	s6 =	simm.s32 $0x108;
	_ =	swait.ge @!p0 [sflag:s8], $0x0  }
0x24: {  	s3 =	sadd.s32 $0x88, s3;
	s6 =	simm.s32 @!p1 $0x1082;
	[sflag:s4] =	ssyncset.s32 $0xFFFFF086  }
0x25: {  	[simem:s6], [sflag:s4] =	dma.local [hbm:s3], $0xF7A  }
0x26: {  	[smem:$0x3F8F] =	sst s1;
	(tag) =	ssettag s2;
	_ =	strace s9  }
0x27: {  	s1 =	sld [smem:$0x3F9F]  }
0x28: {  	s2 =	sld [smem:$0x3FA0]  }
0x29: {  	s4 =	sld [smem:$0x3FA2]  }
0x2a: {  	p0 =	seq.s32 s5, $0x0;
	s5 =	sld [smem:$0x3FA3]  }
0x2b: {  	s6 =	sld [smem:$0x3FA4]  }
0x2c: {  	s7 =	sld [smem:$0x3FA5]  }
0x2d: {  	s3 =	simm.s32 $0x108;
	s8 =	sld [smem:$0x3FA6]  }
0x2e: {  	s3 =	simm.s32 @!p0 $0x1082;
	s9 =	sld [smem:$0x3FA7]  }
0x2f: {  	lr =	sadd.s32 s0, s3;
	s0 =	sld [smem:$0x3F9E]  }
0x30: {  	s3 =	sld [smem:$0x3FA1]  }
0x31: {  	[smem:$0x3FAA] =	sst s10  }
0x32: {  	s10 =	sld [smem:$0x3FA8];
	_ =	sdelay $0x3  }
0x33: {  	p0 =	seq.s32 s10, $0x1;
	s10 =	sld [smem:$0x3FAA];
	_ =	sdelay $0x3  }
0x34: {  	[smem:$0x3FAA] =	sst s10  }
0x35: {  	s10 =	sld [smem:$0x3FA9];
	_ =	sdelay $0x3  }
0x36: {  	p1 =	seq.s32 s10, $0x1;
	s10 =	sld [smem:$0x3FAA];
	_ =	sdelay $0x3  }
0x37: {  	[smem:$0x3FAA] =	sst s10  }
0x38: {  	s10 =	sld [smem:$0x3FAB]  }
0x39: {  	_ = 	snop;
	(pc) =	sbr.ind lr, $3  }
0x3a: {  	_ = 	snop  }
0x3b: {  	_ = 	snop  }
0x3c: {  	p2 =	seq.s32 s10, $0x1;
	s10 =	sld [smem:$0x3FAA]  }
0x3d: {  	_ =	shalt  }
0x3e: {  	_ =	shalt  }
0x3f: {  	_ =	shalt  }
0x40: {  	_ =	shalt  }
0x41: {  	_ =	shalt  }
0x42: {  	_ =	shalt  }
0x43: {  	_ =	shalt  }
0x44: {  	_ =	shalt  }
0x45: {  	_ =	shalt  }
0x46: {  	_ =	shalt  }
0x47: {  	_ =	shalt  }
0x48: {  	_ =	shalt  }
0x49: {  	_ =	shalt  }
0x4a: {  	_ =	shalt  }
0x4b: {  	_ =	shalt  }
0x4c: {  	_ =	shalt  }
0x4d: {  	_ =	shalt  }
0x4e: {  	_ =	shalt  }
0x4f: {  	_ =	shalt  }
0x50: {  	_ =	shalt  }
0x51: {  	_ =	shalt  }
0x52: {  	_ =	shalt  }
0x53: {  	_ =	shalt  }
0x54: {  	_ =	shalt  }
0x55: {  	_ =	shalt  }
0x56: {  	_ =	shalt  }
0x57: {  	_ =	shalt  }
0x58: {  	_ =	shalt  }
0x59: {  	_ =	shalt  }
0x5a: {  	_ =	shalt  }
0x5b: {  	_ =	shalt  }
0x5c: {  	_ =	shalt  }
0x5d: {  	_ =	shalt  }
0x5e: {  	_ =	shalt  }
0x5f: {  	_ =	shalt  }
0x60: {  	_ =	shalt  }
0x61: {  	_ =	shalt  }
0x62: {  	_ =	shalt  }
0x63: {  	_ =	shalt  }
0x64: {  	_ =	shalt  }
0x65: {  	_ =	shalt  }
0x66: {  	_ =	shalt  }
0x67: {  	_ =	shalt  }
0x68: {  	_ =	shalt  }
0x69: {  	_ =	shalt  }
0x6a: {  	_ =	shalt  }
0x6b: {  	_ =	shalt  }
0x6c: {  	_ =	shalt  }
0x6d: {  	_ =	shalt  }
0x6e: {  	_ =	shalt  }
0x6f: {  	_ =	shalt  }
0x70: {  	_ =	shalt  }
0x71: {  	_ =	shalt  }
0x72: {  	_ =	shalt  }
0x73: {  	_ =	shalt  }
0x74: {  	_ =	shalt  }
0x75: {  	_ =	shalt  }
0x76: {  	_ =	shalt  }
0x77: {  	_ =	shalt  }
0x78: {  	_ =	shalt  }
0x79: {  	_ =	shalt  }
0x7a: {  	_ =	shalt  }
0x7b: {  	_ =	shalt  }
0x7c: {  	_ =	shalt  }
0x7d: {  	_ =	shalt  }
0x7e: {  	_ =	shalt  }
0x7f: {  	_ =	shalt  }
0x80: {  	_ =	shalt  }
0x81: {  	_ =	shalt  }
0x82: {  	_ =	shalt  }
0x83: {  	_ =	shalt  }
0x84: {  	_ =	shalt  }
0x85: {  	_ =	shalt  }
0x86: {  	_ =	shalt  }
0x87: {  	_ =	shalt  }
.Lfunc_end0:
.L_simem_size_0:
called_computation.1_lowered:
.L_overlay_start_0:
0x88: {  	s2 =	sld [smem:$0x3FD9]  }
0x89: {  	s3 =	sld [smem:$0x3FFE];
	_ =	sdelay $0x1  }
0x8a: {  	s1 =	srdreg.scid  }
0x8b: {  	s0 =	sand.u32 $0x1, s1  }
0x8c: {  	s16 =	sshll.u32 s0, $0xA;
	s2 =	sadd.s32 s3, s2  }
0x8d: {  	s2 =	sadd.s32 s2, s16  }
0x8e: {  	[smem:$0x3FB6] =	sst s2  }
0x8f: {  	_ = 	snop  }
0x90: {  	(tm) =	ssettm $0x1  }
0x91: {  	s17 =	sld [smem:$0x3FFB];
	_ =	sdelay $0x3  }
0x92: {  	_ =	strace s17  }
0x93: {  	s2 =	sld [smem:$0x3FFC];
	_ =	sdelay $0x3  }
0x94: {  	_ =	strace s2  }
0x95: {  	s2 =	sld [smem:$0x3FFD];
	_ =	sdelay $0x3  }
0x96: {  	_ =	strace s2  }
0x97: {  	_ =	strace $0x8FFFFFFF  }
0x98: {  	s18 =	sld [smem:$0x3FDB];
	_ =	sdelay $0x1  }
0x99: {  	s19 =	simm.s32 $_scs_section_size  }
0x9a: {  	s4 =	simm.s32 $_size__tile_overlayer_lowered;
	s5 =	simm.s32 $_tile_overlayer_lowered  }
0x9b: {  	s22 =	simm.s32 $0x1BFF;
	s21 =	sshll.u32 s5, $0x1;
	s2 =	sadd.s32 s19, s18  }
0x9c: {  	s6 =	simm.s32 $0x0;
	s20 =	sshll.u32 s4, $0x1;
	s4 =	sadd.s32 s21, s2  }
0x9d: {  	[timem:s6], [sflag:s22] =	dma.local [hbm:s4], s20  }
0x9e: {  	_ =	swait.ge [sflag:s22], s20  }
0x9f: {  	s3 =	ssub.s32 $0x0, s20;
	[sflag:s22] =	ssyncset.done $0x0  }
0xa0: {  	[sflag:s22] =	ssyncadd.s32 s3;
	_ =	sdelay $0x1  }
0xa1: {  	s23 =	simm.s32 $0x1B8B  }
0xa2: {  	_ =	swait.ge [sflag:s23], $0x1  }
0xa3: {  	[sflag:s23] =	ssyncset.done $0x0  }
0xa4: {  	s25 =	simm.s32 $0x1B8E;
	s24 =	sld [smem:$0x3FFE];
	[sflag:s23] =	ssyncadd.s32 $0xFFFFFFFF  }
0xa5: {  	s26 =	simm.s32 $execute0_lowered;
	[smem:$0x3FD2] =	sst s25  }
0xa6: {  	s4 =	sshll.u32 s26, $0x1;
	_ =	strace $0x80000049;
	[dreg:$0x1] =	wrdreg $0xFFFFFFFF  }
0xa7: {  	s28 =	simm.s32 $_size_execute0_lowered;
	s2 =	sadd.s32 s2, s4;
	[dreg:$0x0] =	wrdreg $0x0  }
0xa8: {  	s4 =	sshll.u32 s28, $0x1;
	[dreg:$0x2] =	wrdreg s2  }
0xa9: {  	[dreg:$0x3] =	wrdreg s4  }
0xaa: {  	[dreg:$0x4] =	wrdreg $0xC0  }
0xab: {  	_ =	task [dreg:s6], $0x5FFFF  }
0xac: {  	[dreg:$0x1] =	wrdreg $0xFFFFFFFF  }
0xad: {  	[dreg:$0x0] =	wrdreg $0x60  }
0xae: {  	[dreg:$0x2] =	wrdreg s24  }
0xaf: {  	[dreg:$0x3] =	wrdreg $0x51000  }
0xb0: {  	[dreg:$0x4] =	wrdreg $0x9  }
0xb1: {  	_ =	task.clear_ibuf [dreg:s6], $0x5FFFF;
	_ =	strace $0x90000049  }
0xb2: {  	s29 =	simm.s32 $0x9;
	_ =	strace $0x8000004B  }
0xb3: {  	_ =	swait.ge [sflag:s29], $0x1  }
0xb4: {  	[sflag:s29] =	ssyncadd.s32 $0xFFFFFFFF  }
0xb5: {  	_ =	strace $0x9000004B  }
0xb6: {  	_ =	sfence  }
0xb7: {  	s30 =	sld [smem:$0x0];
	_ =	sdelay $0x2  }
0xb8: {  	s31 =	sshll.u32 s1, $0xD;
	s1 =	sshrl.u32 s1, $0x2  }
0xb9: {  	s3 =	sand.u32 $0x4000, s31;
	s1 =	sadd.s32 s1, s30  }
0xba: {  	s0 =	sor.u32 s3, s0;
	s1 =	sshll.u32 s1, $0x11  }
0xbb: {  	s0 =	sor.u32 s1, s0  }
0xbc: {  	s0 =	sadd.s32 $0x8F2B, s0  }
0xbd: {  	[sflag:s0] =	ssyncadd.remote.s32 $0x1  }
0xbe: {  	_ =	sfence.sel $0xFFFF  }
0xbf: {  	[dreg:$0x0] =	wrdreg $0xFFFFFFFF;
	(pc) =	sbr.abs _section_cstart, $3  }
0xc0: {  	[dreg:$0x1] =	wrdreg $0xFFFFFFFF  }
0xc1: {  	_ =	task.clear_ibuf [dreg:s6], $0x2FFFF;
	_ =	strace $0x9FFFFFFF  }
0xc2: {  	(tm) =	ssettm $0x7FFFFFFF  }
0xc3: {  	_ =	shalt  }
tec
execute0_lowered:
.L_overlay_start_1:
0x0: {  	(tag) =	ssettag $0x1  }
0x1: {  	s0 =	rddreg [dreg:$0x0]  }
0x2: {  	s1 =	rddreg [dreg:$0x1];
	s2 =	simm.s32 $0x0;
	s3 =	srdreg.scid  }
0x3: {  	s20 =	simm.s32 $0x100;
	s28 =	simm.s32 $0x3;
	s5 =	sand.u32 $0x1, s3  }
0x4: {  	s3 =	stileid.u32;
	s10 =	sadd.s32 $0xF76800, s0;
	s6 =	smul.u32 $0x138800, s5  }
0x5: {  	s29 =	simm.s32 $0x4;
	s15 =	sadd.s32 $0x1458800, s0;
	s7 =	smul.u32 $0x1F400, s3  }
0x6: {  	s30 =	simm.s32 $0x0;
	s16 =	sadd.s32 $0xA84E00, s0;
	s8 =	smul.u32 $0x7D00, s3  }
0x7: {  	[smem:$0x7FF] =	sst s2;
	s4 =	sadd.s32 $0xA94800, s0;
	s11 =	smul.u32 $0x4E200, s3  }
0x8: {  	_ =	strace $0x8000004A;
	s21 =	ssub.s32 $0x2, s5;
	s12 =	smul.u32 $0x7D000, s3  }
0x9: {  	p0 =	seq.s32 s5, $0x1;
	s19 =	smul.u32 $0xFA0, s3;
	p1 =	sne.s32 s3, $0x0  }
0xa: {  	p2 =	sgt.u32 s3, $0x9;
	s22 =	sshrl.u32 s21, $0x1;
	s6 =	sadd.s32 s7, s6  }
0xb: {  	s9 =	ssub.s32 s21, s22;
	s23 =	sshrl.u32 s8, $0x3;
	s24 =	sadd.s32 s10, s11  }
0xc: {  	s7 =	sadd.s32 s15, s11;
	s25 =	sshrl.u32 s12, $0x2;
	s26 =	sadd.s32 $0x500, s11  }
0xd: {  	s18 =	sadd.s32 $0xA00, s11;
	s21 =	simm.s32 $0x1;
	s22 =	simm.s32 $0x50  }
0xe: {  	s6 =	sshrl.u32 s6, $0x3;
	s17 =	sadd.s32 s25, s1;
	s9 =	smax.u32 s9, $0x1  }
0xf: {  	s31 =	sadd.s32 s10, s26;
	s10 =	sadd.s32 s10, s18;
	s14 =	sadd.s32 s15, s26  }
0x10: {  	s15 =	sadd.s32 s15, s18;
	s12 =	smov.u32 s24;
	s18 =	sadd.s32 $0xF00, s7  }
.Ltmp0:
0x11: {  	s26 =	simm.s32 $0x2;
	[dreg:$0x3] =	wrdreg s31;
	(pc) =	sbr.rel .LBB2_1-.Ltmp0, $4  }
0x12: {  	s0 =	sadd.s32 s6, s0;
	s6 =	sadd.s32 s16, s23;
	[dreg:$0x4] =	wrdreg s10  }
0x13: {  	s16 =	sadd.s32 s19, s16;
	s19 =	sshrl.u32 @!p1 s1, $0x3;
	s23 =	simm.s32 $0x2900  }
0x14: {  	s25 =	sshrl.u32 @!p2 s17, $0x3;
	s8 =	sadd.s32 $0xABBA00, s0;
	s11 =	sadd.s32 $0x10, s6  }
0x15: {  	s13 =	sadd.s32 $0x20, s6;
	s0 =	sadd.s32 $0xF00, s24;
	s24 =	simm.s32 $0x80  }
.LBB2_8:
0x16: {  	_ =	swait.ge [sflag:s29], $0x2800  }
0x17: {  	[sflag:s29] =	ssyncset.done $0x0  }
0x18: {  	s5 =	sshll.u32 @!p2 s3, $0x6;
	s30 =	sadd.s32 $0x1, s30;
	[sflag:s29] =	ssyncadd.s32 $0xFFFFD800  }
0x19: {  	s5 =	sor.u32 @!p2 $0x1C05, s5;
	p3 =	sne.s32 s30, s9;
	[bflag:$0x0] =	sbarrier.arrive $0xFFFF  }
0x1a: {  	[hbm:s8], [sflag:s5] =	dma.local @!p2 [spmem:s25], $0x3E80  }
.Ltmp1:
0x1b: {  	_ = 	snop;
	(pc) =	sbr.rel @!p3 .LBB2_9-.Ltmp1, $4  }
0x1c: {  	s5 =	simm.s32 @!p2 $0x5  }
0x1d: {  	_ =	swait.ge @!p2 [sflag:s5], $0x3E80  }
0x1e: {  	[sflag:s5] =	ssyncset.done @!p2 $0x0  }
0x1f: {  	[sflag:s5] =	ssyncadd.s32 @!p2 $0xFFFFC180  }
.LBB2_1:
0x20: {  	s10 =	simm.s32 @!p1 $0x1C05  }
0x21: {  	[spmem:s19], [sflag:s10] =	dma.local @!p1 [hbm:s4], $0x27100  }
0x22: {  	s10 =	simm.s32 @!p1 $0x5  }
.Ltmp2:
0x23: {  	_ =	swait.ge @!p1 [sflag:s10], $0x27100;
	(pc) =	sbr.rel @!p0 .LBB2_2-.Ltmp2, $4  }
0x24: {  	[sflag:s10] =	ssyncset.done @!p1 $0x0  }
0x25: {  	[sflag:s10] =	ssyncadd.s32 @!p1 $0xFFFD8F00  }
0x26: {  	[bflag:$0x0] =	sbarrier.arrive $0xFFFF  }
0x27: {  	s31 =	simm.s32 $0x0  }
0x28: {  	[tilespmem:s20], [sflag:$0x1] =	stream.linear.gather [hbm4b:s7+s31], $0x2800, $0x38;
	[tilespmem:$0x18980] =	vst v63  }
0x29: {  	_ = 	snop  }
0x2a: {  	[tilespmem:s31], [sflag:$0x1] =	stream.linear.gather [hbm4b:s6+s31], $0x80, $0x38;
	[tilespmem:$0x18980] =	vst v63  }
0x2b: {  	_ =	swait.ge [sflag:s21], $0x2800  }
0x2c: {  	[sflag:s21] =	ssyncset.done $0x0  }
0x2d: {  	[sflag:s21] =	ssyncadd.s32 $0xFFFFD800  }
0x2e: {  	_ =	swait.ge [sflag:s21], $0x80  }
0x2f: {  	[sflag:s21] =	ssyncset.done $0x0  }
0x30: {  	[sflag:s21] =	ssyncadd.s32 $0xFFFFFF80  }
0x31: {  	[spmem:s1] =	stream.indirect.scatter.add.f32 [tilespmem:s20], [sflag:$0x3], $0x80, s31, s22, $0xb8;
	[tilespmem:$0x18980] =	vst v63  }
0x32: {  	_ = 	snop  }
0x33: {  	[tilespmem:s23], [sflag:$0x2] =	stream.linear.gather [hbm4b:s14+s31], $0x2800, $0x38;
	[tilespmem:$0x18980] =	vst v63  }
0x34: {  	_ = 	snop  }
0x35: {  	[tilespmem:s24], [sflag:$0x2] =	stream.linear.gather [hbm4b:s11+s31], $0x80, $0x38;
	[tilespmem:$0x18980] =	vst v63  }
0x36: {  	_ =	swait.ge [sflag:s26], $0x2800  }
0x37: {  	[sflag:s26] =	ssyncset.done $0x0  }
0x38: {  	[sflag:s26] =	ssyncadd.s32 $0xFFFFD800  }
0x39: {  	_ =	swait.ge [sflag:s26], $0x80  }
0x3a: {  	[sflag:s26] =	ssyncset.done $0x0  }
0x3b: {  	[sflag:s26] =	ssyncadd.s32 $0xFFFFFF80  }
0x3c: {  	[spmem:s1] =	stream.indirect.scatter.add.f32 [tilespmem:s23], [sflag:$0x4], $0x80, s24, s22, $0xb8;
	[tilespmem:$0x18980] =	vst v63  }
0x3d: {  	_ =	swait.ge [sflag:s28], $0x2800  }
0x3e: {  	[sflag:s28] =	ssyncset.done $0x0  }
0x3f: {  	[sflag:s28] =	ssyncadd.s32 $0xFFFFD800  }
0x40: {  	[tilespmem:s20], [sflag:$0x1] =	stream.linear.gather [hbm4b:s15+s31], $0x2800, $0x38;
	[tilespmem:$0x18980] =	vst v63  }
0x41: {  	s17 =	smov.u32 s18  }
0x42: {  	[tilespmem:s31], [sflag:$0x1] =	stream.linear.gather [hbm4b:s13+s31], $0x80, $0x38;
	[tilespmem:$0x18980] =	vst v63  }
.LBB2_6:
0x43: {  	_ =	swait.ge [sflag:s21], $0x2800  }
0x44: {  	[sflag:s21] =	ssyncset.done $0x0  }
0x45: {  	[sflag:s21] =	ssyncadd.s32 $0xFFFFD800  }
0x46: {  	_ =	swait.ge [sflag:s21], $0x80  }
0x47: {  	[sflag:s21] =	ssyncset.done $0x0  }
0x48: {  	[sflag:s21] =	ssyncadd.s32 $0xFFFFFF80  }
0x49: {  	[spmem:s1] =	stream.indirect.scatter.add.f32 [tilespmem:s20], [sflag:$0x3], $0x80, s2, s22, $0xb8;
	[tilespmem:$0x18980] =	vst v63  }
0x4a: {  	_ =	swait.ge [sflag:s29], $0x2800  }
0x4b: {  	[sflag:s29] =	ssyncset.done $0x0  }
0x4c: {  	s10 =	sadd.s32 s31, s16;
	[sflag:s29] =	ssyncadd.s32 $0xFFFFD800  }
0x4d: {  	[tilespmem:s23], [sflag:$0x2] =	stream.linear.gather [hbm4b:s17+s2], $0x2800, $0x38;
	[tilespmem:$0x18980] =	vst v63  }
0x4e: {  	s5 =	sadd.s32 $0x30, s10  }
0x4f: {  	[tilespmem:s24], [sflag:$0x2] =	stream.linear.gather [hbm4b:s5+s2], $0x80, $0x38;
	[tilespmem:$0x18980] =	vst v63  }
0x50: {  	_ =	swait.ge [sflag:s26], $0x2800  }
0x51: {  	[sflag:s26] =	ssyncset.done $0x0  }
0x52: {  	[sflag:s26] =	ssyncadd.s32 $0xFFFFD800  }
0x53: {  	_ =	swait.ge [sflag:s26], $0x80  }
0x54: {  	p3 =	seq.s32 s31, $0xF60;
	[sflag:s26] =	ssyncset.done $0x0  }
.Ltmp3:
0x55: {  	[sflag:s26] =	ssyncadd.s32 $0xFFFFFF80;
	(pc) =	sbr.rel @p3 .LBB2_8-.Ltmp3, $4  }
0x56: {  	[spmem:s1] =	stream.indirect.scatter.add.f32 [tilespmem:s23], [sflag:$0x4], $0x80, s24, s22, $0xb8;
	[tilespmem:$0x18980] =	vst v63  }
0x57: {  	_ =	swait.ge [sflag:s28], $0x2800  }
0x58: {  	[sflag:s28] =	ssyncset.done $0x0  }
0x59: {  	[sflag:s28] =	ssyncadd.s32 $0xFFFFD800  }
.Ltmp4:
0x5a: {  	(pc) =	sbr.rel .LBB2_6-.Ltmp4, $4  }
0x5b: {  	s5 =	sadd.s32 $0x500, s17  }
0x5c: {  	[tilespmem:s20], [sflag:$0x1] =	stream.linear.gather [hbm4b:s5+s2], $0x2800, $0x38;
	[tilespmem:$0x18980] =	vst v63  }
0x5d: {  	s10 =	sadd.s32 $0x40, s10;
	s31 =	sadd.s32 $0x20, s31;
	s17 =	sadd.s32 $0xA00, s17  }
0x5e: {  	[tilespmem:s2], [sflag:$0x1] =	stream.linear.gather [hbm4b:s10+s2], $0x80, $0x38;
	[tilespmem:$0x18980] =	vst v63  }
.LBB2_2:
0x5f: {  	[tilespmem:s20], [sflag:$0x1] =	stream.linear.gather [hbm4b:s12+s31], $0x2800, $0x38;
	[tilespmem:$0x18980] =	vst v63  }
0x60: {  	_ = 	snop  }
0x61: {  	[tilespmem:s31], [sflag:$0x1] =	stream.linear.gather [hbm4b:s6+s31], $0x80, $0x38;
	[tilespmem:$0x18980] =	vst v63  }
0x62: {  	_ =	swait.ge [sflag:s21], $0x2800  }
0x63: {  	[sflag:s21] =	ssyncset.done $0x0  }
0x64: {  	[sflag:s21] =	ssyncadd.s32 $0xFFFFD800  }
0x65: {  	_ =	swait.ge [sflag:s21], $0x80  }
0x66: {  	[sflag:s21] =	ssyncset.done $0x0  }
0x67: {  	[sflag:s21] =	ssyncadd.s32 $0xFFFFFF80  }
0x68: {  	[spmem:s1] =	stream.indirect.scatter.add.f32 [tilespmem:s20], [sflag:$0x3], $0x80, s31, s22, $0xb8;
	[tilespmem:$0x18980] =	vst v63  }
0x69: {  	s5 =	rddreg [dreg:$0x3]  }
0x6a: {  	[tilespmem:s23], [sflag:$0x2] =	stream.linear.gather [hbm4b:s5+s31], $0x2800, $0x38;
	[tilespmem:$0x18980] =	vst v63  }
0x6b: {  	_ = 	snop  }
0x6c: {  	[tilespmem:s24], [sflag:$0x2] =	stream.linear.gather [hbm4b:s11+s31], $0x80, $0x38;
	[tilespmem:$0x18980] =	vst v63  }
0x6d: {  	_ =	swait.ge [sflag:s26], $0x2800  }
0x6e: {  	[sflag:s26] =	ssyncset.done $0x0  }
0x6f: {  	[sflag:s26] =	ssyncadd.s32 $0xFFFFD800  }
0x70: {  	_ =	swait.ge [sflag:s26], $0x80  }
0x71: {  	[sflag:s26] =	ssyncset.done $0x0  }
0x72: {  	[sflag:s26] =	ssyncadd.s32 $0xFFFFFF80  }
0x73: {  	[spmem:s1] =	stream.indirect.scatter.add.f32 [tilespmem:s23], [sflag:$0x4], $0x80, s24, s22, $0xb8;
	[tilespmem:$0x18980] =	vst v63  }
0x74: {  	_ =	swait.ge [sflag:s28], $0x2800  }
0x75: {  	[sflag:s28] =	ssyncset.done $0x0  }
0x76: {  	s17 =	rddreg [dreg:$0x4];
	[sflag:s28] =	ssyncadd.s32 $0xFFFFD800  }
0x77: {  	[tilespmem:s20], [sflag:$0x1] =	stream.linear.gather [hbm4b:s17+s31], $0x2800, $0x38;
	[tilespmem:$0x18980] =	vst v63  }
0x78: {  	s17 =	smov.u32 s0  }
0x79: {  	[tilespmem:s31], [sflag:$0x1] =	stream.linear.gather [hbm4b:s13+s31], $0x80, $0x38;
	[tilespmem:$0x18980] =	vst v63  }
.LBB2_3:
0x7a: {  	_ =	swait.ge [sflag:s21], $0x2800  }
0x7b: {  	[sflag:s21] =	ssyncset.done $0x0  }
0x7c: {  	[sflag:s21] =	ssyncadd.s32 $0xFFFFD800  }
0x7d: {  	_ =	swait.ge [sflag:s21], $0x80  }
0x7e: {  	[sflag:s21] =	ssyncset.done $0x0  }
0x7f: {  	[sflag:s21] =	ssyncadd.s32 $0xFFFFFF80  }
0x80: {  	[spmem:s1] =	stream.indirect.scatter.add.f32 [tilespmem:s20], [sflag:$0x3], $0x80, s2, s22, $0xb8;
	[tilespmem:$0x18980] =	vst v63  }
0x81: {  	_ =	swait.ge [sflag:s29], $0x2800  }
0x82: {  	[sflag:s29] =	ssyncset.done $0x0  }
0x83: {  	s10 =	sadd.s32 s31, s16;
	[sflag:s29] =	ssyncadd.s32 $0xFFFFD800  }
0x84: {  	[tilespmem:s23], [sflag:$0x2] =	stream.linear.gather [hbm4b:s17+s2], $0x2800, $0x38;
	[tilespmem:$0x18980] =	vst v63  }
0x85: {  	s5 =	sadd.s32 $0x30, s10  }
0x86: {  	[tilespmem:s24], [sflag:$0x2] =	stream.linear.gather [hbm4b:s5+s2], $0x80, $0x38;
	[tilespmem:$0x18980] =	vst v63  }
0x87: {  	_ =	swait.ge [sflag:s26], $0x2800  }
0x88: {  	[sflag:s26] =	ssyncset.done $0x0  }
0x89: {  	[sflag:s26] =	ssyncadd.s32 $0xFFFFD800  }
0x8a: {  	_ =	swait.ge [sflag:s26], $0x80  }
0x8b: {  	p3 =	seq.s32 s31, $0xF60;
	[sflag:s26] =	ssyncset.done $0x0  }
.Ltmp5:
0x8c: {  	[sflag:s26] =	ssyncadd.s32 $0xFFFFFF80;
	(pc) =	sbr.rel @p3 .LBB2_8-.Ltmp5, $4  }
0x8d: {  	[spmem:s1] =	stream.indirect.scatter.add.f32 [tilespmem:s23], [sflag:$0x4], $0x80, s24, s22, $0xb8;
	[tilespmem:$0x18980] =	vst v63  }
0x8e: {  	_ =	swait.ge [sflag:s28], $0x2800  }
0x8f: {  	[sflag:s28] =	ssyncset.done $0x0  }
0x90: {  	[sflag:s28] =	ssyncadd.s32 $0xFFFFD800  }
.Ltmp6:
0x91: {  	(pc) =	sbr.rel .LBB2_3-.Ltmp6, $4  }
0x92: {  	s5 =	sadd.s32 $0x500, s17  }
0x93: {  	[tilespmem:s20], [sflag:$0x1] =	stream.linear.gather [hbm4b:s5+s2], $0x2800, $0x38;
	[tilespmem:$0x18980] =	vst v63  }
0x94: {  	s10 =	sadd.s32 $0x40, s10;
	s31 =	sadd.s32 $0x20, s31;
	s17 =	sadd.s32 $0xA00, s17  }
0x95: {  	[tilespmem:s2], [sflag:$0x1] =	stream.linear.gather [hbm4b:s10+s2], $0x80, $0x38;
	[tilespmem:$0x18980] =	vst v63  }
.LBB2_9:
0x96: {  	_ =	sfence.sel $0x180000  }
0x97: {  	[bflag:$0x0] =	sbarrier.arrive $0xFFFF  }
0x98: {  	_ =	strace $0x9000004A  }
0x99: {  	[bflag:$0x2] =	sbarrier.arrive $0xFFFF  }
0x9a: {  	s0 =	rddreg [dreg:$0x2]  }
0x9b: {  	s0 =	sadd.s32 @!p1 $0x100000, s0  }
0x9c: {  	[sflag:s0] =	ssyncadd.tile.s32 @!p1 $0x1;
	_ =	shalt  }
.Lfunc_end2:
_tile_overlayer_lowered:
.L_overlay_start_2:
0x9d: {  	(tag) =	ssettag $0x2  }
0x9e: {  	s0 =	rddreg [dreg:$0x0];
	s2 =	stileid.u32  }
0x9f: {  	s1 =	rddreg [dreg:$0x1];
	p0 =	sne.s32 s2, $0x0  }
0xa0: {  	s3 =	rddreg [dreg:$0x2];
	[bflag:$0x3] =	sbarrier.arrive $0xFFFF;
	s2 =	simm.s32 @!p0 $0x1C05  }
0xa1: {  	[timem:s3], [sflag:s2] =	dma.local @!p0 [hbm:s0], s1  }
0xa2: {  	s0 =	simm.s32 @!p0 $0x5  }
0xa3: {  	_ =	swait.ge @!p0 [sflag:s0], s1  }
0xa4: {  	s1 =	ssub.s32 @!p0 $0x0, s1;
	[sflag:s0] =	ssyncset.done @!p0 $0x0  }
0xa5: {  	[sflag:s0] =	ssyncadd.s32 @!p0 s1  }
0xa6: {  	[bflag:$0x3] =	sbarrier.arrive $0xFFFF  }
0xa7: {  	_ =	shalt  }

// kernel: kernel.7.cloned.1.call-start
scs
__scs_entry_jumppad:
0x0: {  	(pc) =	sbr.rel $0x88, $3  }
0x1: {  	(tag) =	ssettag $0x0;
	lr =	simm.s32 $0x1  }
0x2: {  	[smem:$0x3F8F] =	sst lr;
	_ =	strace $0xD0000000  }
0x3: {  	_ = 	snop  }
0x4: {  	_ = 	snop  }
0x5: {  	_ = 	snop  }
0x6: {  	_ = 	snop  }
0x7: {  	_ = 	snop  }
__scs_overlays_trampoline_lowered:
0x8: {  	[smem:$0x3F9E] =	sst s0  }
0x9: {  	[smem:$0x3F9F] =	sst s1  }
0xa: {  	[smem:$0x3FA0] =	sst s2  }
0xb: {  	[smem:$0x3FA1] =	sst s3  }
0xc: {  	[smem:$0x3FA2] =	sst s4  }
0xd: {  	[smem:$0x3FA3] =	sst s5  }
0xe: {  	[smem:$0x3FA4] =	sst s6  }
0xf: {  	[smem:$0x3FA5] =	sst s7  }
0x10: {  	[smem:$0x3FA6] =	sst s8  }
0x11: {  	[smem:$0x3FA7] =	sst s9;
	s0 =	simm.s32 @!p0 $0x0  }
0x12: {  	s1 =	sld [smem:$0x3F8D];
	s0 =	simm.s32 @p0 $0x1  }
0x13: {  	[smem:$0x3FA8] =	sst s0;
	s0 =	simm.s32 @!p1 $0x0  }
0x14: {  	s2 =	sld [smem:$0x3F8C];
	s0 =	simm.s32 @p1 $0x1  }
0x15: {  	[smem:$0x3FA9] =	sst s0;
	s0 =	simm.s32 @!p2 $0x0  }
0x16: {  	s3 =	sld [smem:$0x3FDB];
	s0 =	simm.s32 @p2 $0x1  }
0x17: {  	s4 =	simm.s32 $0x1BF5;
	[smem:$0x3FAB] =	sst s0  }
0x18: {  	s0 =	sld [smem:$0x3F8E];
	_ =	swait.ge [sflag:s4], $0x0  }
0x19: {  	s7 =	sld [smem:$0x3F8F]  }
0x1a: {  	s8 =	sadd.s32 $0xFFFFE003, lr  }
0x1b: {  	s9 =	sadd.s32 $0xFFFFFEF7, lr;
	s5 =	simm.s32 $0xFFFFFFFF;
	p2 =	slt.u32 s8, $0xFFFFF086  }
0x1c: {  	p1 =	slt.u32 s9, $0xF7A;
	s5 =	simm.s32 @!p2 $0x0  }
0x1d: {  	s5 =	simm.s32 @p1 $0x1;
	p0 =	seq.s32 s7, s2  }
0x1e: {  	s7 =	smul.u32 @!p0 $0xF7A, s2;
	p2 =	seq.s32 @!p0 s5, $0x0  }
0x1f: {  	s9 =	smul.u32 $0xF7A, s1;
	s8 =	simm.s32 @!p0 $0x1BF5;
	p2 =	por !p2, p0  }
0x20: {  	[sflag:s8] =	ssyncset.s32 @!p0 $0xFFFFF086;
	s6 =	sadd.s32 @!p0 s3, s7;
	s7 =	simm.s32 @!p0 $0x108  }
0x21: {  	s3 =	sadd.s32 s3, s9;
	s6 =	sadd.s32 @!p0 $0x88, s6;
	s7 =	simm.s32 @p2 $0x1082  }
0x22: {  	[simem:s7], [sflag:s8] =	dma.local @!p0 [hbm:s6], $0xF7A  }
0x23: {  	s9 =	sor.u32 $0xD0000000, s2;
	s6 =	simm.s32 $0x108;
	_ =	swait.ge @!p0 [sflag:s8], $0x0  }
0x24: {  	s3 =	sadd.s32 $0x88, s3;
	s6 =	simm.s32 @!p1 $0x1082;
	[sflag:s4] =	ssyncset.s32 $0xFFFFF086  }
0x25: {  	[simem:s6], [sflag:s4] =	dma.local [hbm:s3], $0xF7A  }
0x26: {  	[smem:$0x3F8F] =	sst s1;
	(tag) =	ssettag s2;
	_ =	strace s9  }
0x27: {  	s1 =	sld [smem:$0x3F9F]  }
0x28: {  	s2 =	sld [smem:$0x3FA0]  }
0x29: {  	s4 =	sld [smem:$0x3FA2]  }
0x2a: {  	p0 =	seq.s32 s5, $0x0;
	s5 =	sld [smem:$0x3FA3]  }
0x2b: {  	s6 =	sld [smem:$0x3FA4]  }
0x2c: {  	s7 =	sld [smem:$0x3FA5]  }
0x2d: {  	s3 =	simm.s32 $0x108;
	s8 =	sld [smem:$0x3FA6]  }
0x2e: {  	s3 =	simm.s32 @!p0 $0x1082;
	s9 =	sld [smem:$0x3FA7]  }
0x2f: {  	lr =	sadd.s32 s0, s3;
	s0 =	sld [smem:$0x3F9E]  }
0x30: {  	s3 =	sld [smem:$0x3FA1]  }
0x31: {  	[smem:$0x3FAA] =	sst s10  }
0x32: {  	s10 =	sld [smem:$0x3FA8];
	_ =	sdelay $0x3  }
0x33: {  	p0 =	seq.s32 s10, $0x1;
	s10 =	sld [smem:$0x3FAA];
	_ =	sdelay $0x3  }
0x34: {  	[smem:$0x3FAA] =	sst s10  }
0x35: {  	s10 =	sld [smem:$0x3FA9];
	_ =	sdelay $0x3  }
0x36: {  	p1 =	seq.s32 s10, $0x1;
	s10 =	sld [smem:$0x3FAA];
	_ =	sdelay $0x3  }
0x37: {  	[smem:$0x3FAA] =	sst s10  }
0x38: {  	s10 =	sld [smem:$0x3FAB]  }
0x39: {  	_ = 	snop;
	(pc) =	sbr.ind lr, $3  }
0x3a: {  	_ = 	snop  }
0x3b: {  	_ = 	snop  }
0x3c: {  	p2 =	seq.s32 s10, $0x1;
	s10 =	sld [smem:$0x3FAA]  }
0x3d: {  	_ =	shalt  }
0x3e: {  	_ =	shalt  }
0x3f: {  	_ =	shalt  }
0x40: {  	_ =	shalt  }
0x41: {  	_ =	shalt  }
0x42: {  	_ =	shalt  }
0x43: {  	_ =	shalt  }
0x44: {  	_ =	shalt  }
0x45: {  	_ =	shalt  }
0x46: {  	_ =	shalt  }
0x47: {  	_ =	shalt  }
0x48: {  	_ =	shalt  }
0x49: {  	_ =	shalt  }
0x4a: {  	_ =	shalt  }
0x4b: {  	_ =	shalt  }
0x4c: {  	_ =	shalt  }
0x4d: {  	_ =	shalt  }
0x4e: {  	_ =	shalt  }
0x4f: {  	_ =	shalt  }
0x50: {  	_ =	shalt  }
0x51: {  	_ =	shalt  }
0x52: {  	_ =	shalt  }
0x53: {  	_ =	shalt  }
0x54: {  	_ =	shalt  }
0x55: {  	_ =	shalt  }
0x56: {  	_ =	shalt  }
0x57: {  	_ =	shalt  }
0x58: {  	_ =	shalt  }
0x59: {  	_ =	shalt  }
0x5a: {  	_ =	shalt  }
0x5b: {  	_ =	shalt  }
0x5c: {  	_ =	shalt  }
0x5d: {  	_ =	shalt  }
0x5e: {  	_ =	shalt  }
0x5f: {  	_ =	shalt  }
0x60: {  	_ =	shalt  }
0x61: {  	_ =	shalt  }
0x62: {  	_ =	shalt  }
0x63: {  	_ =	shalt  }
0x64: {  	_ =	shalt  }
0x65: {  	_ =	shalt  }
0x66: {  	_ =	shalt  }
0x67: {  	_ =	shalt  }
0x68: {  	_ =	shalt  }
0x69: {  	_ =	shalt  }
0x6a: {  	_ =	shalt  }
0x6b: {  	_ =	shalt  }
0x6c: {  	_ =	shalt  }
0x6d: {  	_ =	shalt  }
0x6e: {  	_ =	shalt  }
0x6f: {  	_ =	shalt  }
0x70: {  	_ =	shalt  }
0x71: {  	_ =	shalt  }
0x72: {  	_ =	shalt  }
0x73: {  	_ =	shalt  }
0x74: {  	_ =	shalt  }
0x75: {  	_ =	shalt  }
0x76: {  	_ =	shalt  }
0x77: {  	_ =	shalt  }
0x78: {  	_ =	shalt  }
0x79: {  	_ =	shalt  }
0x7a: {  	_ =	shalt  }
0x7b: {  	_ =	shalt  }
0x7c: {  	_ =	shalt  }
0x7d: {  	_ =	shalt  }
0x7e: {  	_ =	shalt  }
0x7f: {  	_ =	shalt  }
0x80: {  	_ =	shalt  }
0x81: {  	_ =	shalt  }
0x82: {  	_ =	shalt  }
0x83: {  	_ =	shalt  }
0x84: {  	_ =	shalt  }
0x85: {  	_ =	shalt  }
0x86: {  	_ =	shalt  }
0x87: {  	_ =	shalt  }
.Lfunc_end0:
.L_simem_size_0:
called_computation_lowered:
.L_overlay_start_0:
0x88: {  	s2 =	sld [smem:$0x3FD9]  }
0x89: {  	s3 =	sld [smem:$0x3FFE];
	_ =	sdelay $0x1  }
0x8a: {  	s1 =	srdreg.scid  }
0x8b: {  	s0 =	sand.u32 $0x1, s1  }
0x8c: {  	s16 =	sshll.u32 s0, $0xA;
	s2 =	sadd.s32 s3, s2  }
0x8d: {  	s2 =	sadd.s32 s2, s16  }
0x8e: {  	[smem:$0x3FB6] =	sst s2  }
0x8f: {  	_ = 	snop  }
0x90: {  	(tm) =	ssettm $0x1  }
0x91: {  	s17 =	sld [smem:$0x3FFB];
	_ =	sdelay $0x3  }
0x92: {  	_ =	strace s17  }
0x93: {  	s2 =	sld [smem:$0x3FFC];
	_ =	sdelay $0x3  }
0x94: {  	_ =	strace s2  }
0x95: {  	s2 =	sld [smem:$0x3FFD];
	_ =	sdelay $0x3  }
0x96: {  	_ =	strace s2  }
0x97: {  	_ =	strace $0x8FFFFFFF  }
0x98: {  	s18 =	sld [smem:$0x3FDB];
	_ =	sdelay $0x1  }
0x99: {  	s19 =	simm.s32 $_scs_section_size  }
0x9a: {  	s4 =	simm.s32 $_size__tile_overlayer_lowered;
	s5 =	simm.s32 $_tile_overlayer_lowered  }
0x9b: {  	s22 =	simm.s32 $0x1BFF;
	s21 =	sshll.u32 s5, $0x1;
	s2 =	sadd.s32 s19, s18  }
0x9c: {  	s6 =	simm.s32 $0x0;
	s20 =	sshll.u32 s4, $0x1;
	s4 =	sadd.s32 s21, s2  }
0x9d: {  	[timem:s6], [sflag:s22] =	dma.local [hbm:s4], s20  }
0x9e: {  	_ =	swait.ge [sflag:s22], s20  }
0x9f: {  	s3 =	ssub.s32 $0x0, s20;
	[sflag:s22] =	ssyncset.done $0x0  }
0xa0: {  	[sflag:s22] =	ssyncadd.s32 s3;
	_ =	sdelay $0x1  }
0xa1: {  	s23 =	simm.s32 $0x1B8B  }
0xa2: {  	_ =	swait.ge [sflag:s23], $0x1  }
0xa3: {  	[sflag:s23] =	ssyncset.done $0x0  }
0xa4: {  	s25 =	simm.s32 $0x1B8E;
	s24 =	sld [smem:$0x3FFE];
	[sflag:s23] =	ssyncadd.s32 $0xFFFFFFFF  }
0xa5: {  	s26 =	simm.s32 $execute0_lowered;
	[smem:$0x3FD2] =	sst s25  }
0xa6: {  	s4 =	sshll.u32 s26, $0x1;
	_ =	strace $0x80000046;
	[dreg:$0x1] =	wrdreg $0xFFFFFFFF  }
0xa7: {  	s28 =	simm.s32 $_size_execute0_lowered;
	s2 =	sadd.s32 s2, s4;
	[dreg:$0x0] =	wrdreg $0x0  }
0xa8: {  	s4 =	sshll.u32 s28, $0x1;
	[dreg:$0x2] =	wrdreg s2  }
0xa9: {  	[dreg:$0x3] =	wrdreg s4  }
0xaa: {  	[dreg:$0x4] =	wrdreg $0xC0  }
0xab: {  	_ =	task [dreg:s6], $0x5FFFF  }
0xac: {  	[dreg:$0x1] =	wrdreg $0xFFFFFFFF  }
0xad: {  	[dreg:$0x0] =	wrdreg $0x60  }
0xae: {  	[dreg:$0x2] =	wrdreg s24  }
0xaf: {  	[dreg:$0x3] =	wrdreg $0x9  }
0xb0: {  	_ =	task.clear_ibuf [dreg:s6], $0x4FFFF;
	_ =	strace $0x90000046  }
0xb1: {  	s29 =	simm.s32 $0x9;
	_ =	strace $0x80000048  }
0xb2: {  	_ =	swait.ge [sflag:s29], $0x1  }
0xb3: {  	[sflag:s29] =	ssyncadd.s32 $0xFFFFFFFF  }
0xb4: {  	_ =	strace $0x90000048  }
0xb5: {  	_ =	sfence  }
0xb6: {  	s30 =	sld [smem:$0x0];
	_ =	sdelay $0x2  }
0xb7: {  	s31 =	sshll.u32 s1, $0xD;
	s1 =	sshrl.u32 s1, $0x2  }
0xb8: {  	s3 =	sand.u32 $0x4000, s31;
	s1 =	sadd.s32 s1, s30  }
0xb9: {  	s0 =	sor.u32 s3, s0;
	s1 =	sshll.u32 s1, $0x11  }
0xba: {  	s0 =	sor.u32 s1, s0  }
0xbb: {  	s0 =	sadd.s32 $0x8F2B, s0  }
0xbc: {  	[sflag:s0] =	ssyncadd.remote.s32 $0x1  }
0xbd: {  	_ =	sfence.sel $0xFFFF  }
0xbe: {  	[dreg:$0x0] =	wrdreg $0xFFFFFFFF;
	(pc) =	sbr.abs _section_cstart, $3  }
0xbf: {  	[dreg:$0x1] =	wrdreg $0xFFFFFFFF  }
0xc0: {  	_ =	task.clear_ibuf [dreg:s6], $0x2FFFF;
	_ =	strace $0x9FFFFFFF  }
0xc1: {  	(tm) =	ssettm $0x7FFFFFFF  }
tec
execute0_lowered:
.L_overlay_start_1:
0x0: {  	(tag) =	ssettag $0x1  }
0x1: {  	s0 =	rddreg [dreg:$0x0];
	s1 =	simm.s32 $0x0  }
0x2: {  	s2 =	srdreg.scid;
	s11 =	stileid.u32;
	s28 =	simm.s32 $0x7  }
0x3: {  	s31 =	simm.s32 $0x8;
	s15 =	simm.s32 $0x6;
	[smem:$0x7FF] =	sst s1  }
0x4: {  	s2 =	sand.u32 $0x1, s2;
	s3 =	sadd.s32 $0x24A00, s0;
	s4 =	sadd.s32 $0x72C00, s0  }
0x5: {  	s5 =	sadd.s32 $0x14C00, s0;
	s10 =	smul.u32 $0x3F80, s11;
	s6 =	sadd.s32 $0x4E00, s0  }
0x6: {  	s9 =	smul.u32 $0x3F800, s2;
	s17 =	ssub.s32 $0x2, s2;
	s2 =	sshll.u32 s2, $0x4  }
0x7: {  	s7 =	sadd.s32 $0xC0E00, s0;
	s8 =	sadd.s32 $0x5A2E00, s0;
	s2 =	sor.u32 s11, s2  }
0x8: {  	_ =	strace $0x80000047;
	s18 =	sshrl.u32 s17, $0x1;
	s13 =	smul.u32 $0x2710, s2  }
0x9: {  	s9 =	sadd.s32 s10, s9;
	s0 =	ssub.s32 s17, s18;
	s12 =	smul.u32 $0x27100, s2  }
0xa: {  	s2 =	smul.u32 $0x138800, s2;
	s19 =	sshrl.u32 s9, $0x3;
	s25 =	sadd.s32 $0x100, s9  }
0xb: {  	s9 =	sadd.s32 $0x180, s9;
	s0 =	smax.u32 s0, $0x1;
	[dreg:$0x8] =	wrdreg s25  }
0xc: {  	s20 =	sadd.s32 s5, s19;
	s21 =	sadd.s32 s6, s19;
	[dreg:$0x9] =	wrdreg s9  }
0xd: {  	s22 =	sadd.s32 $0x10, s19;
	s23 =	sadd.s32 s7, s12;
	[dreg:$0xe] =	wrdreg s0  }
0xe: {  	s24 =	sadd.s32 s8, s12;
	s26 =	sadd.s32 $0x7E0, s19;
	[dreg:$0x2] =	wrdreg s20  }
0xf: {  	s2 =	sshrl.u32 s2, $0x3;
	s17 =	smov.u32 s13;
	[dreg:$0x3] =	wrdreg s21  }
0x10: {  	s18 =	sadd.s32 $0x50, s13;
	s14 =	sadd.s32 s5, s22;
	[dreg:$0x6] =	wrdreg s23  }
0x11: {  	s10 =	sadd.s32 s6, s22;
	[dreg:$0x7] =	wrdreg s24;
	s29 =	sadd.s32 s5, s26  }
0x12: {  	s2 =	sadd.s32 $0x26C00, s2;
	s9 =	sadd.s32 s6, s26;
	[dreg:$0x4] =	wrdreg s14  }
0x13: {  	s20 =	simm.s32 $0x1;
	s21 =	simm.s32 $0x3;
	[dreg:$0x5] =	wrdreg s10  }
0x14: {  	s22 =	simm.s32 $0x5;
	s23 =	simm.s32 $0x2;
	[dreg:$0xa] =	wrdreg s29  }
0x15: {  	v2 =	vlaneseq.u32;
	[dreg:$0xb] =	wrdreg s9;
	s30 =	sadd.s32 s7, s2;
	s2 =	sadd.s32 s8, s2  }
0x16: {  	vm0 =	vmmov $0xffff;
	v1 =	vshrl.u32 v2, $0x3;
	s9 =	simm.s32 $0x14200;
	s10 =	simm.s32 $0x19200;
	[dreg:$0xc] =	wrdreg s30  }
0x17: {  	v0 =	vand.u32 $0x7, v2;
	v2 =	vor.u32 $0x8, v2;
	v1 =	vmul.u32 $0x8, v1;
	s14 =	simm.s32 $0x4;
	[dreg:$0xd] =	wrdreg s2;
	s2 =	simm.s32 $0x0  }
.LBB2_1:
0x18: {  	[dreg:$0xf] =	wrdreg s2  }
0x19: {  	s0 =	rddreg [dreg:$0x2]  }
0x1a: {  	[tilespmem:s1], [sflag:$0x7] =	stream.linear.gather [hbm4b:s0+s1], $0x80, $0x38;
	[tilespmem:$0x1E200] =	vst v63  }
0x1b: {  	s19 =	rddreg [dreg:$0x3];
	s24 =	simm.s32 $0x100  }
0x1c: {  	[tilespmem:s24], [sflag:$0x7] =	stream.linear.gather [hbm4b:s19+s1], $0x80, $0x38;
	[tilespmem:$0x1E200] =	vst v63  }
0x1d: {  	s25 =	rddreg [dreg:$0x4];
	s26 =	simm.s32 $0x80  }
0x1e: {  	[tilespmem:s26], [sflag:$0x8] =	stream.linear.gather [hbm4b:s25+s1], $0x80, $0x38;
	[tilespmem:$0x1E200] =	vst v63  }
0x1f: {  	s29 =	rddreg [dreg:$0x5];
	s30 =	simm.s32 $0x180  }
0x20: {  	[tilespmem:s30], [sflag:$0x8] =	stream.linear.gather [hbm4b:s29+s1], $0x80, $0x38;
	[tilespmem:$0x1E200] =	vst v63  }
0x21: {  	_ =	swait.ge [sflag:s28], $0x80  }
0x22: {  	[sflag:s28] =	ssyncset.done $0x0  }
0x23: {  	[sflag:s28] =	ssyncadd.s32 $0xFFFFFF80  }
0x24: {  	_ =	swait.ge [sflag:s28], $0x80  }
0x25: {  	[sflag:s28] =	ssyncset.done $0x0  }
0x26: {  	[sflag:s28] =	ssyncadd.s32 $0xFFFFFF80  }
0x27: {  	v3 =	vld [tilespmem:$0x0];
	_ =	sdelay $0x4  }
0x28: {  	v4 =	vshll.u32 v3, $0x1  }
0x29: {  	v3 =	vand.u32 $0x7, v3;
	v4 =	vand.u32 $0xFFFFFFF0, v4  }
0x2a: {  	v3 =	vor.u32 v3, v4  }
0x2b: {  	v4 =	vperm.xlane v3, v0;
	_ =	sdelay $0x1  }
0x2c: {  	v3 =	vperm.xlane v3, v2;
	v4 =	vadd.s32 v1, v4;
	_ =	sdelay $0x1  }
0x2d: {  	v3 =	vadd.s32 v1, v3;
	_ =	sdelay $0x1  }
0x2e: {  	s2 =	simm.s32 $0x200  }
0x2f: {  	[tilespmem:s2], [sflag:$0x1] =	stream.indirect_vreg.gather [hbm4b:s3+s1], $0x80, v4, vm0, $0xb8;
	[tilespmem:$0x1E200] =	vst v63  }
0x30: {  	s11 =	simm.s32 $0xA00  }
0x31: {  	[tilespmem:s11], [sflag:$0x1] =	stream.indirect_vreg.gather [hbm4b:s3+s1], $0x80, v3, vm0, $0xb8;
	[tilespmem:$0x1E200] =	vst v63  }
0x32: {  	v3 =	vld [tilespmem:$0x10];
	_ =	sdelay $0x4  }
0x33: {  	v45 =	vshll.u32 v3, $0x1  }
0x34: {  	v3 =	vand.u32 $0x7, v3;
	v4 =	vand.u32 $0xFFFFFFF0, v45  }
0x35: {  	v3 =	vor.u32 v3, v4  }
0x36: {  	v4 =	vperm.xlane v3, v0;
	_ =	sdelay $0x1  }
0x37: {  	v3 =	vperm.xlane v3, v2;
	v4 =	vadd.s32 v1, v4;
	_ =	sdelay $0x1  }
0x38: {  	v3 =	vadd.s32 v1, v3;
	_ =	sdelay $0x1  }
0x39: {  	s12 =	simm.s32 $0x1200  }
0x3a: {  	[tilespmem:s12], [sflag:$0x1] =	stream.indirect_vreg.gather [hbm4b:s3+s1], $0x80, v4, vm0, $0xb8;
	[tilespmem:$0x1E200] =	vst v63  }
0x3b: {  	s13 =	simm.s32 $0x1A00  }
0x3c: {  	[tilespmem:s13], [sflag:$0x1] =	stream.indirect_vreg.gather [hbm4b:s3+s1], $0x80, v3, vm0, $0xb8;
	[tilespmem:$0x1E200] =	vst v63  }
0x3d: {  	v3 =	vld [tilespmem:$0x20];
	_ =	sdelay $0x4  }
0x3e: {  	v46 =	vshll.u32 v3, $0x1  }
0x3f: {  	v3 =	vand.u32 $0x7, v3;
	v4 =	vand.u32 $0xFFFFFFF0, v46  }
0x40: {  	v3 =	vor.u32 v3, v4  }
0x41: {  	v4 =	vperm.xlane v3, v0;
	_ =	sdelay $0x1  }
0x42: {  	v3 =	vperm.xlane v3, v2;
	v4 =	vadd.s32 v1, v4;
	_ =	sdelay $0x1  }
0x43: {  	v3 =	vadd.s32 v1, v3;
	_ =	sdelay $0x1  }
0x44: {  	s16 =	simm.s32 $0x2200  }
0x45: {  	[tilespmem:s16], [sflag:$0x1] =	stream.indirect_vreg.gather [hbm4b:s3+s1], $0x80, v4, vm0, $0xb8;
	[tilespmem:$0x1E200] =	vst v63  }
0x46: {  	s19 =	simm.s32 $0x2A00  }
0x47: {  	[tilespmem:s19], [sflag:$0x1] =	stream.indirect_vreg.gather [hbm4b:s3+s1], $0x80, v3, vm0, $0xb8;
	[tilespmem:$0x1E200] =	vst v63  }
0x48: {  	v3 =	vld [tilespmem:$0x30];
	_ =	sdelay $0x4  }
0x49: {  	v47 =	vshll.u32 v3, $0x1  }
0x4a: {  	v3 =	vand.u32 $0x7, v3;
	v4 =	vand.u32 $0xFFFFFFF0, v47  }
0x4b: {  	v3 =	vor.u32 v3, v4  }
0x4c: {  	v4 =	vperm.xlane v3, v0;
	_ =	sdelay $0x1  }
0x4d: {  	v3 =	vperm.xlane v3, v2;
	v4 =	vadd.s32 v1, v4;
	_ =	sdelay $0x1  }
0x4e: {  	v3 =	vadd.s32 v1, v3;
	_ =	sdelay $0x1  }
0x4f: {  	s24 =	simm.s32 $0x3200  }
0x50: {  	[tilespmem:s24], [sflag:$0x1] =	stream.indirect_vreg.gather [hbm4b:s3+s1], $0x80, v4, vm0, $0xb8;
	[tilespmem:$0x1E200] =	vst v63  }
0x51: {  	s25 =	simm.s32 $0x3A00  }
0x52: {  	[tilespmem:s25], [sflag:$0x1] =	stream.indirect_vreg.gather [hbm4b:s3+s1], $0x80, v3, vm0, $0xb8;
	[tilespmem:$0x1E200] =	vst v63  }
0x53: {  	v3 =	vld [tilespmem:$0x40];
	_ =	sdelay $0x4  }
0x54: {  	v48 =	vshll.u32 v3, $0x1  }
0x55: {  	v3 =	vand.u32 $0x7, v3;
	v4 =	vand.u32 $0xFFFFFFF0, v48  }
0x56: {  	v3 =	vor.u32 v3, v4  }
0x57: {  	v4 =	vperm.xlane v3, v0;
	_ =	sdelay $0x1  }
0x58: {  	v3 =	vperm.xlane v3, v2;
	v4 =	vadd.s32 v1, v4;
	_ =	sdelay $0x1  }
0x59: {  	v3 =	vadd.s32 v1, v3;
	_ =	sdelay $0x1  }
0x5a: {  	s26 =	simm.s32 $0x4200  }
0x5b: {  	[tilespmem:s26], [sflag:$0x1] =	stream.indirect_vreg.gather [hbm4b:s3+s1], $0x80, v4, vm0, $0xb8;
	[tilespmem:$0x1E200] =	vst v63  }
0x5c: {  	s29 =	simm.s32 $0x4A00  }
0x5d: {  	[tilespmem:s29], [sflag:$0x1] =	stream.indirect_vreg.gather [hbm4b:s3+s1], $0x80, v3, vm0, $0xb8;
	[tilespmem:$0x1E200] =	vst v63  }
0x5e: {  	v3 =	vld [tilespmem:$0x100];
	_ =	sdelay $0x4  }
0x5f: {  	v49 =	vshll.u32 v3, $0x1  }
0x60: {  	v3 =	vand.u32 $0x7, v3;
	v4 =	vand.u32 $0xFFFFFFF0, v49  }
0x61: {  	v3 =	vor.u32 v3, v4  }
0x62: {  	v4 =	vperm.xlane v3, v0;
	_ =	sdelay $0x1  }
0x63: {  	v3 =	vperm.xlane v3, v2;
	v4 =	vadd.s32 v1, v4;
	_ =	sdelay $0x1  }
0x64: {  	v3 =	vadd.s32 v1, v3;
	_ =	sdelay $0x1  }
0x65: {  	s30 =	simm.s32 $0xA200  }
0x66: {  	[tilespmem:s30], [sflag:$0x3] =	stream.indirect_vreg.gather [hbm4b:s4+s1], $0x80, v4, vm0, $0xb8;
	[tilespmem:$0x1E200] =	vst v63  }
0x67: {  	s2 =	simm.s32 $0xAA00  }
0x68: {  	[tilespmem:s2], [sflag:$0x3] =	stream.indirect_vreg.gather [hbm4b:s4+s1], $0x80, v3, vm0, $0xb8;
	[tilespmem:$0x1E200] =	vst v63  }
0x69: {  	v3 =	vld [tilespmem:$0x110];
	_ =	sdelay $0x4  }
0x6a: {  	v50 =	vshll.u32 v3, $0x1  }
0x6b: {  	v3 =	vand.u32 $0x7, v3;
	v4 =	vand.u32 $0xFFFFFFF0, v50  }
0x6c: {  	v3 =	vor.u32 v3, v4  }
0x6d: {  	v4 =	vperm.xlane v3, v0;
	_ =	sdelay $0x1  }
0x6e: {  	v3 =	vperm.xlane v3, v2;
	v4 =	vadd.s32 v1, v4;
	_ =	sdelay $0x1  }
0x6f: {  	v3 =	vadd.s32 v1, v3;
	_ =	sdelay $0x1  }
0x70: {  	s11 =	simm.s32 $0xB200  }
0x71: {  	[tilespmem:s11], [sflag:$0x3] =	stream.indirect_vreg.gather [hbm4b:s4+s1], $0x80, v4, vm0, $0xb8;
	[tilespmem:$0x1E200] =	vst v63  }
0x72: {  	s12 =	simm.s32 $0xBA00  }
0x73: {  	[tilespmem:s12], [sflag:$0x3] =	stream.indirect_vreg.gather [hbm4b:s4+s1], $0x80, v3, vm0, $0xb8;
	[tilespmem:$0x1E200] =	vst v63  }
0x74: {  	v3 =	vld [tilespmem:$0x120];
	_ =	sdelay $0x4  }
0x75: {  	v51 =	vshll.u32 v3, $0x1  }
0x76: {  	v3 =	vand.u32 $0x7, v3;
	v4 =	vand.u32 $0xFFFFFFF0, v51  }
0x77: {  	v3 =	vor.u32 v3, v4  }
0x78: {  	v4 =	vperm.xlane v3, v0;
	_ =	sdelay $0x1  }
0x79: {  	v3 =	vperm.xlane v3, v2;
	v4 =	vadd.s32 v1, v4;
	_ =	sdelay $0x1  }
0x7a: {  	v3 =	vadd.s32 v1, v3;
	_ =	sdelay $0x1  }
0x7b: {  	s13 =	simm.s32 $0xC200  }
0x7c: {  	[tilespmem:s13], [sflag:$0x3] =	stream.indirect_vreg.gather [hbm4b:s4+s1], $0x80, v4, vm0, $0xb8;
	[tilespmem:$0x1E200] =	vst v63  }
0x7d: {  	s16 =	simm.s32 $0xCA00  }
0x7e: {  	[tilespmem:s16], [sflag:$0x3] =	stream.indirect_vreg.gather [hbm4b:s4+s1], $0x80, v3, vm0, $0xb8;
	[tilespmem:$0x1E200] =	vst v63  }
0x7f: {  	v3 =	vld [tilespmem:$0x130];
	_ =	sdelay $0x4  }
0x80: {  	v52 =	vshll.u32 v3, $0x1  }
0x81: {  	v3 =	vand.u32 $0x7, v3;
	v4 =	vand.u32 $0xFFFFFFF0, v52  }
0x82: {  	v3 =	vor.u32 v3, v4  }
0x83: {  	v4 =	vperm.xlane v3, v0;
	_ =	sdelay $0x1  }
0x84: {  	v3 =	vperm.xlane v3, v2;
	v4 =	vadd.s32 v1, v4;
	_ =	sdelay $0x1  }
0x85: {  	v3 =	vadd.s32 v1, v3;
	_ =	sdelay $0x1  }
0x86: {  	s19 =	simm.s32 $0xD200  }
0x87: {  	[tilespmem:s19], [sflag:$0x3] =	stream.indirect_vreg.gather [hbm4b:s4+s1], $0x80, v4, vm0, $0xb8;
	[tilespmem:$0x1E200] =	vst v63  }
0x88: {  	s24 =	simm.s32 $0xDA00  }
0x89: {  	[tilespmem:s24], [sflag:$0x3] =	stream.indirect_vreg.gather [hbm4b:s4+s1], $0x80, v3, vm0, $0xb8;
	[tilespmem:$0x1E200] =	vst v63  }
0x8a: {  	v3 =	vld [tilespmem:$0x140];
	_ =	sdelay $0x4  }
0x8b: {  	v53 =	vshll.u32 v3, $0x1  }
0x8c: {  	v3 =	vand.u32 $0x7, v3;
	v4 =	vand.u32 $0xFFFFFFF0, v53  }
0x8d: {  	v3 =	vor.u32 v3, v4  }
0x8e: {  	v4 =	vperm.xlane v3, v0;
	_ =	sdelay $0x1  }
0x8f: {  	v3 =	vperm.xlane v3, v2;
	v4 =	vadd.s32 v1, v4;
	_ =	sdelay $0x1  }
0x90: {  	v3 =	vadd.s32 v1, v3;
	_ =	sdelay $0x1  }
0x91: {  	s25 =	simm.s32 $0xE200  }
0x92: {  	[tilespmem:s25], [sflag:$0x3] =	stream.indirect_vreg.gather [hbm4b:s4+s1], $0x80, v4, vm0, $0xb8;
	[tilespmem:$0x1E200] =	vst v63  }
0x93: {  	s26 =	simm.s32 $0xEA00  }
0x94: {  	[tilespmem:s26], [sflag:$0x3] =	stream.indirect_vreg.gather [hbm4b:s4+s1], $0x80, v3, vm0, $0xb8;
	[tilespmem:$0x1E200] =	vst v63  }
0x95: {  	_ =	swait.ge [sflag:s31], $0x80  }
0x96: {  	[sflag:s31] =	ssyncset.done $0x0  }
0x97: {  	[sflag:s31] =	ssyncadd.s32 $0xFFFFFF80  }
0x98: {  	_ =	swait.ge [sflag:s31], $0x80  }
0x99: {  	[sflag:s31] =	ssyncset.done $0x0  }
0x9a: {  	[sflag:s31] =	ssyncadd.s32 $0xFFFFFF80  }
0x9b: {  	v3 =	vld [tilespmem:$0x80];
	_ =	sdelay $0x4  }
0x9c: {  	v54 =	vshll.u32 v3, $0x1  }
0x9d: {  	v3 =	vand.u32 $0x7, v3;
	v4 =	vand.u32 $0xFFFFFFF0, v54  }
0x9e: {  	v3 =	vor.u32 v3, v4  }
0x9f: {  	v4 =	vperm.xlane v3, v0;
	_ =	sdelay $0x1  }
0xa0: {  	v3 =	vperm.xlane v3, v2;
	v4 =	vadd.s32 v1, v4;
	_ =	sdelay $0x1  }
0xa1: {  	v3 =	vadd.s32 v1, v3;
	_ =	sdelay $0x1  }
0xa2: {  	s29 =	simm.s32 $0x5200  }
0xa3: {  	[tilespmem:s29], [sflag:$0x2] =	stream.indirect_vreg.gather [hbm4b:s3+s1], $0x80, v4, vm0, $0xb8;
	[tilespmem:$0x1E200] =	vst v63  }
0xa4: {  	s30 =	simm.s32 $0x5A00  }
0xa5: {  	[tilespmem:s30], [sflag:$0x2] =	stream.indirect_vreg.gather [hbm4b:s3+s1], $0x80, v3, vm0, $0xb8;
	[tilespmem:$0x1E200] =	vst v63  }
0xa6: {  	v3 =	vld [tilespmem:$0x90];
	_ =	sdelay $0x4  }
0xa7: {  	v55 =	vshll.u32 v3, $0x1  }
0xa8: {  	v3 =	vand.u32 $0x7, v3;
	v4 =	vand.u32 $0xFFFFFFF0, v55  }
0xa9: {  	v3 =	vor.u32 v3, v4  }
0xaa: {  	v4 =	vperm.xlane v3, v0;
	_ =	sdelay $0x1  }
0xab: {  	v3 =	vperm.xlane v3, v2;
	v4 =	vadd.s32 v1, v4;
	_ =	sdelay $0x1  }
0xac: {  	v3 =	vadd.s32 v1, v3;
	_ =	sdelay $0x1  }
0xad: {  	s2 =	simm.s32 $0x6200  }
0xae: {  	[tilespmem:s2], [sflag:$0x2] =	stream.indirect_vreg.gather [hbm4b:s3+s1], $0x80, v4, vm0, $0xb8;
	[tilespmem:$0x1E200] =	vst v63  }
0xaf: {  	s11 =	simm.s32 $0x6A00  }
0xb0: {  	[tilespmem:s11], [sflag:$0x2] =	stream.indirect_vreg.gather [hbm4b:s3+s1], $0x80, v3, vm0, $0xb8;
	[tilespmem:$0x1E200] =	vst v63  }
0xb1: {  	v3 =	vld [tilespmem:$0xA0];
	_ =	sdelay $0x4  }
0xb2: {  	v56 =	vshll.u32 v3, $0x1  }
0xb3: {  	v3 =	vand.u32 $0x7, v3;
	v4 =	vand.u32 $0xFFFFFFF0, v56  }
0xb4: {  	v3 =	vor.u32 v3, v4  }
0xb5: {  	v4 =	vperm.xlane v3, v0;
	_ =	sdelay $0x1  }
0xb6: {  	v3 =	vperm.xlane v3, v2;
	v4 =	vadd.s32 v1, v4;
	_ =	sdelay $0x1  }
0xb7: {  	v3 =	vadd.s32 v1, v3;
	_ =	sdelay $0x1  }
0xb8: {  	s12 =	simm.s32 $0x7200  }
0xb9: {  	[tilespmem:s12], [sflag:$0x2] =	stream.indirect_vreg.gather [hbm4b:s3+s1], $0x80, v4, vm0, $0xb8;
	[tilespmem:$0x1E200] =	vst v63  }
0xba: {  	s13 =	simm.s32 $0x7A00  }
0xbb: {  	[tilespmem:s13], [sflag:$0x2] =	stream.indirect_vreg.gather [hbm4b:s3+s1], $0x80, v3, vm0, $0xb8;
	[tilespmem:$0x1E200] =	vst v63  }
0xbc: {  	v3 =	vld [tilespmem:$0xB0];
	_ =	sdelay $0x4  }
0xbd: {  	v57 =	vshll.u32 v3, $0x1  }
0xbe: {  	v3 =	vand.u32 $0x7, v3;
	v4 =	vand.u32 $0xFFFFFFF0, v57  }
0xbf: {  	v3 =	vor.u32 v3, v4  }
0xc0: {  	v4 =	vperm.xlane v3, v0;
	_ =	sdelay $0x1  }
0xc1: {  	v3 =	vperm.xlane v3, v2;
	v4 =	vadd.s32 v1, v4;
	_ =	sdelay $0x1  }
0xc2: {  	v3 =	vadd.s32 v1, v3;
	_ =	sdelay $0x1  }
0xc3: {  	s16 =	simm.s32 $0x8200  }
0xc4: {  	[tilespmem:s16], [sflag:$0x2] =	stream.indirect_vreg.gather [hbm4b:s3+s1], $0x80, v4, vm0, $0xb8;
	[tilespmem:$0x1E200] =	vst v63  }
0xc5: {  	s19 =	simm.s32 $0x8A00  }
0xc6: {  	[tilespmem:s19], [sflag:$0x2] =	stream.indirect_vreg.gather [hbm4b:s3+s1], $0x80, v3, vm0, $0xb8;
	[tilespmem:$0x1E200] =	vst v63  }
0xc7: {  	v3 =	vld [tilespmem:$0xC0];
	_ =	sdelay $0x4  }
0xc8: {  	v58 =	vshll.u32 v3, $0x1  }
0xc9: {  	v3 =	vand.u32 $0x7, v3;
	v4 =	vand.u32 $0xFFFFFFF0, v58  }
0xca: {  	v3 =	vor.u32 v3, v4  }
0xcb: {  	v4 =	vperm.xlane v3, v0;
	_ =	sdelay $0x1  }
0xcc: {  	v3 =	vperm.xlane v3, v2;
	v4 =	vadd.s32 v1, v4;
	_ =	sdelay $0x1  }
0xcd: {  	v3 =	vadd.s32 v1, v3;
	_ =	sdelay $0x1  }
0xce: {  	s24 =	simm.s32 $0x9200  }
0xcf: {  	[tilespmem:s24], [sflag:$0x2] =	stream.indirect_vreg.gather [hbm4b:s3+s1], $0x80, v4, vm0, $0xb8;
	[tilespmem:$0x1E200] =	vst v63  }
0xd0: {  	s25 =	simm.s32 $0x9A00  }
0xd1: {  	[tilespmem:s25], [sflag:$0x2] =	stream.indirect_vreg.gather [hbm4b:s3+s1], $0x80, v3, vm0, $0xb8;
	[tilespmem:$0x1E200] =	vst v63  }
0xd2: {  	v3 =	vld [tilespmem:$0x180];
	_ =	sdelay $0x4  }
0xd3: {  	v59 =	vshll.u32 v3, $0x1  }
0xd4: {  	v3 =	vand.u32 $0x7, v3;
	v4 =	vand.u32 $0xFFFFFFF0, v59  }
0xd5: {  	v3 =	vor.u32 v3, v4  }
0xd6: {  	v4 =	vperm.xlane v3, v0;
	_ =	sdelay $0x1  }
0xd7: {  	v3 =	vperm.xlane v3, v2;
	v4 =	vadd.s32 v1, v4;
	_ =	sdelay $0x1  }
0xd8: {  	v3 =	vadd.s32 v1, v3;
	_ =	sdelay $0x1  }
0xd9: {  	s26 =	simm.s32 $0xF200  }
0xda: {  	[tilespmem:s26], [sflag:$0x4] =	stream.indirect_vreg.gather [hbm4b:s4+s1], $0x80, v4, vm0, $0xb8;
	[tilespmem:$0x1E200] =	vst v63  }
0xdb: {  	s29 =	simm.s32 $0xFA00  }
0xdc: {  	[tilespmem:s29], [sflag:$0x4] =	stream.indirect_vreg.gather [hbm4b:s4+s1], $0x80, v3, vm0, $0xb8;
	[tilespmem:$0x1E200] =	vst v63  }
0xdd: {  	v3 =	vld [tilespmem:$0x190];
	_ =	sdelay $0x4  }
0xde: {  	v60 =	vshll.u32 v3, $0x1  }
0xdf: {  	v3 =	vand.u32 $0x7, v3;
	v4 =	vand.u32 $0xFFFFFFF0, v60  }
0xe0: {  	v3 =	vor.u32 v3, v4  }
0xe1: {  	v4 =	vperm.xlane v3, v0;
	_ =	sdelay $0x1  }
0xe2: {  	v3 =	vperm.xlane v3, v2;
	v4 =	vadd.s32 v1, v4;
	_ =	sdelay $0x1  }
0xe3: {  	v3 =	vadd.s32 v1, v3;
	_ =	sdelay $0x1  }
0xe4: {  	s30 =	simm.s32 $0x10200  }
0xe5: {  	[tilespmem:s30], [sflag:$0x4] =	stream.indirect_vreg.gather [hbm4b:s4+s1], $0x80, v4, vm0, $0xb8;
	[tilespmem:$0x1E200] =	vst v63  }
0xe6: {  	s2 =	simm.s32 $0x10A00  }
0xe7: {  	[tilespmem:s2], [sflag:$0x4] =	stream.indirect_vreg.gather [hbm4b:s4+s1], $0x80, v3, vm0, $0xb8;
	[tilespmem:$0x1E200] =	vst v63  }
0xe8: {  	v3 =	vld [tilespmem:$0x1A0];
	_ =	sdelay $0x4  }
0xe9: {  	v61 =	vshll.u32 v3, $0x1  }
0xea: {  	v3 =	vand.u32 $0x7, v3;
	v4 =	vand.u32 $0xFFFFFFF0, v61  }
0xeb: {  	v3 =	vor.u32 v3, v4  }
0xec: {  	v4 =	vperm.xlane v3, v0;
	_ =	sdelay $0x1  }
0xed: {  	v3 =	vperm.xlane v3, v2;
	v4 =	vadd.s32 v1, v4;
	_ =	sdelay $0x1  }
0xee: {  	v3 =	vadd.s32 v1, v3;
	_ =	sdelay $0x1  }
0xef: {  	s11 =	simm.s32 $0x11200  }
0xf0: {  	[tilespmem:s11], [sflag:$0x4] =	stream.indirect_vreg.gather [hbm4b:s4+s1], $0x80, v4, vm0, $0xb8;
	[tilespmem:$0x1E200] =	vst v63  }
0xf1: {  	s12 =	simm.s32 $0x11A00  }
0xf2: {  	[tilespmem:s12], [sflag:$0x4] =	stream.indirect_vreg.gather [hbm4b:s4+s1], $0x80, v3, vm0, $0xb8;
	[tilespmem:$0x1E200] =	vst v63  }
0xf3: {  	v3 =	vld [tilespmem:$0x1B0];
	_ =	sdelay $0x4  }
0xf4: {  	v62 =	vshll.u32 v3, $0x1  }
0xf5: {  	v3 =	vand.u32 $0x7, v3;
	v4 =	vand.u32 $0xFFFFFFF0, v62  }
0xf6: {  	v3 =	vor.u32 v3, v4  }
0xf7: {  	v4 =	vperm.xlane v3, v0;
	_ =	sdelay $0x1  }
0xf8: {  	v3 =	vperm.xlane v3, v2;
	v4 =	vadd.s32 v1, v4;
	_ =	sdelay $0x1  }
0xf9: {  	v3 =	vadd.s32 v1, v3;
	_ =	sdelay $0x1  }
0xfa: {  	s13 =	simm.s32 $0x12200  }
0xfb: {  	[tilespmem:s13], [sflag:$0x4] =	stream.indirect_vreg.gather [hbm4b:s4+s1], $0x80, v4, vm0, $0xb8;
	[tilespmem:$0x1E200] =	vst v63  }
0xfc: {  	s16 =	simm.s32 $0x12A00  }
0xfd: {  	[tilespmem:s16], [sflag:$0x4] =	stream.indirect_vreg.gather [hbm4b:s4+s1], $0x80, v3, vm0, $0xb8;
	[tilespmem:$0x1E200] =	vst v63  }
0xfe: {  	v3 =	vld [tilespmem:$0x1C0];
	_ =	sdelay $0x4  }
0xff: {  	v63 =	vshll.u32 v3, $0x1  }
0x100: {  	v3 =	vand.u32 $0x7, v3;
	v4 =	vand.u32 $0xFFFFFFF0, v63  }
0x101: {  	v3 =	vor.u32 v3, v4  }
0x102: {  	v4 =	vperm.xlane v3, v0;
	_ =	sdelay $0x1  }
0x103: {  	v3 =	vperm.xlane v3, v2;
	v4 =	vadd.s32 v1, v4;
	_ =	sdelay $0x1  }
0x104: {  	v3 =	vadd.s32 v1, v3;
	_ =	sdelay $0x1  }
0x105: {  	s19 =	simm.s32 $0x13200  }
0x106: {  	[tilespmem:s19], [sflag:$0x4] =	stream.indirect_vreg.gather [hbm4b:s4+s1], $0x80, v4, vm0, $0xb8;
	[tilespmem:$0x1E200] =	vst v63  }
0x107: {  	s24 =	simm.s32 $0x13A00  }
0x108: {  	[tilespmem:s24], [sflag:$0x4] =	stream.indirect_vreg.gather [hbm4b:s4+s1], $0x80, v3, vm0, $0xb8;
	[tilespmem:$0x1E200] =	vst v63  }
0x109: {  	s25 =	rddreg [dreg:$0x6]  }
0x10a: {  	[hbm4b:s25+s1] =	stream.linear.scatter [tilespmem:s9], [sflag:$0x5], $0x2800, $0x38;
	[tilespmem:$0x1E200] =	vst v63  }
0x10b: {  	s26 =	rddreg [dreg:$0x7]  }
0x10c: {  	[hbm4b:s26+s1] =	stream.linear.scatter [tilespmem:s10], [sflag:$0x5], $0x2800, $0x38;
	[tilespmem:$0x1E200] =	vst v63  }
0x10d: {  	s29 =	simm.s32 $0x16A00  }
0x10e: {  	[hbm4b:s25+s1] =	stream.linear.scatter [tilespmem:s29], [sflag:$0x6], $0x2800, $0x38;
	[tilespmem:$0x1E200] =	vst v63  }
0x10f: {  	s30 =	simm.s32 $0x1BA00;
	s25 =	simm.s32 $0x0  }
0x110: {  	[hbm4b:s26+s1] =	stream.linear.scatter [tilespmem:s30], [sflag:$0x6], $0x2800, $0x38;
	[tilespmem:$0x1E200] =	vst v63  }
.LBB2_2:
0x111: {  	s26 =	sshll.u32 s25, $0x8;
	s0 =	rddreg [dreg:$0x8]  }
0x112: {  	s0 =	sadd.s32 s26, s0  }
0x113: {  	s0 =	sshrl.u32 s0, $0x3  }
0x114: {  	s29 =	simm.s32 $0x0;
	s2 =	sadd.s32 s5, s0  }
0x115: {  	[tilespmem:s29], [sflag:$0x7] =	stream.linear.gather [hbm4b:s2+s29], $0x80, $0x38;
	[tilespmem:$0x1E200] =	vst v63  }
0x116: {  	s10 =	simm.s32 $0x100;
	s0 =	sadd.s32 s6, s0  }
0x117: {  	[tilespmem:s10], [sflag:$0x7] =	stream.linear.gather [hbm4b:s0+s29], $0x80, $0x38;
	[tilespmem:$0x1E200] =	vst v63  }
0x118: {  	_ =	swait.ge [sflag:s20], $0x5000  }
0x119: {  	[sflag:s20] =	ssyncset.done $0x0  }
0x11a: {  	[sflag:s20] =	ssyncadd.s32 $0xFFFFB000  }
0x11b: {  	_ =	swait.ge [sflag:s21], $0x5000  }
0x11c: {  	[sflag:s21] =	ssyncset.done $0x0  }
0x11d: {  	[sflag:s21] =	ssyncadd.s32 $0xFFFFB000  }
0x11e: {  	_ =	swait.ge [sflag:s22], $0x2800  }
0x11f: {  	[sflag:s22] =	ssyncset.done $0x0  }
0x120: {  	[sflag:s22] =	ssyncadd.s32 $0xFFFFD800  }
0x121: {  	_ =	swait.ge [sflag:s22], $0x2800  }
0x122: {  	s11 =	sand.u32 $0x7800, s29;
	s12 =	sand.u32 $0x200, s29;
	[sflag:s22] =	ssyncset.done $0x0  }
0x123: {  	s0 =	sor.u32 s12, s11;
	[sflag:s22] =	ssyncadd.s32 $0xFFFFD800  }
0x124: {  	v3 =	vld [tilespmem:s0+$0x200]  }
0x125: {  	v4 =	vld [tilespmem:s0+$0xA200];
	_ =	sdelay $0x4  }
0x126: {  	v3 =	vadd.f32 v4, v3  }
0x127: {  	s30 =	simm.s32 $0x14300  }
0x128: {  	[tilespmem:s30+$0xFFFFFF00] =	vst v3  }
0x129: {  	v3 =	vld [tilespmem:s0+$0x210]  }
0x12a: {  	v4 =	vld [tilespmem:s0+$0xA210];
	_ =	sdelay $0x4  }
0x12b: {  	v3 =	vadd.f32 v4, v3;
	_ =	sdelay $0x1  }
0x12c: {  	[tilespmem:s30+$0xFFFFFF10] =	vst v3  }
0x12d: {  	v3 =	vld [tilespmem:s0+$0x220]  }
0x12e: {  	v4 =	vld [tilespmem:s0+$0xA220];
	_ =	sdelay $0x4  }
0x12f: {  	v3 =	vadd.f32 v4, v3;
	_ =	sdelay $0x1  }
0x130: {  	[tilespmem:s30+$0xFFFFFF20] =	vst v3  }
0x131: {  	v3 =	vld [tilespmem:s0+$0x230]  }
0x132: {  	v4 =	vld [tilespmem:s0+$0xA230];
	_ =	sdelay $0x4  }
0x133: {  	v3 =	vadd.f32 v4, v3;
	_ =	sdelay $0x1  }
0x134: {  	[tilespmem:s30+$0xFFFFFF30] =	vst v3  }
0x135: {  	v3 =	vld [tilespmem:s0+$0x240]  }
0x136: {  	v4 =	vld [tilespmem:s0+$0xA240];
	_ =	sdelay $0x4  }
0x137: {  	v3 =	vadd.f32 v4, v3;
	_ =	sdelay $0x1  }
0x138: {  	[tilespmem:s30+$0xFFFFFF40] =	vst v3  }
0x139: {  	v3 =	vld [tilespmem:s0+$0x250]  }
0x13a: {  	v4 =	vld [tilespmem:s0+$0xA250];
	_ =	sdelay $0x4  }
0x13b: {  	v3 =	vadd.f32 v4, v3;
	_ =	sdelay $0x1  }
0x13c: {  	[tilespmem:s30+$0xFFFFFF50] =	vst v3  }
0x13d: {  	v3 =	vld [tilespmem:s0+$0x260]  }
0x13e: {  	v4 =	vld [tilespmem:s0+$0xA260];
	_ =	sdelay $0x4  }
0x13f: {  	v3 =	vadd.f32 v4, v3;
	_ =	sdelay $0x1  }
0x140: {  	[tilespmem:s30+$0xFFFFFF60] =	vst v3  }
0x141: {  	v3 =	vld [tilespmem:s0+$0x270]  }
0x142: {  	v4 =	vld [tilespmem:s0+$0xA270];
	_ =	sdelay $0x2  }
0x143: {  	p0 =	por $0x0, $0x0;
	s0 =	simm.s32 $0x1  }
0x144: {  	s0 =	simm.s32 @!p0 $0x0  }
0x145: {  	s0 =	sshll.u32 s0, $0x9;
	v3 =	vadd.f32 v4, v3  }
0x146: {  	s0 =	sadd.s32 $0x0, s0  }
0x147: {  	s0 =	sor.u32 $0x400, s0;
	[tilespmem:s30+$0xFFFFFF70] =	vst v3  }
0x148: {  	v3 =	vld [tilespmem:s0+$0x200]  }
0x149: {  	v4 =	vld [tilespmem:s0+$0xA200];
	_ =	sdelay $0x4  }
0x14a: {  	s9 =	simm.s32 $0x80;
	v3 =	vadd.f32 v4, v3  }
0x14b: {  	s9 =	sand.u32 $0x280, s9;
	s0 =	simm.s32 $0x19300  }
0x14c: {  	s9 =	sor.u32 s11, s9;
	[tilespmem:s0+$0xFFFFFF00] =	vst v3  }
0x14d: {  	v3 =	vld [tilespmem:s9+$0x200]  }
0x14e: {  	v4 =	vld [tilespmem:s9+$0xA200];
	_ =	sdelay $0x4  }
0x14f: {  	v3 =	vadd.f32 v4, v3;
	_ =	sdelay $0x1  }
0x150: {  	[tilespmem:s30+$0xFFFFFF80] =	vst v3  }
0x151: {  	v3 =	vld [tilespmem:s9+$0x210]  }
0x152: {  	v4 =	vld [tilespmem:s9+$0xA210];
	_ =	sdelay $0x4  }
0x153: {  	v3 =	vadd.f32 v4, v3;
	_ =	sdelay $0x1  }
0x154: {  	[tilespmem:s30+$0xFFFFFF90] =	vst v3  }
0x155: {  	v3 =	vld [tilespmem:s9+$0x220]  }
0x156: {  	v4 =	vld [tilespmem:s9+$0xA220];
	_ =	sdelay $0x4  }
0x157: {  	v3 =	vadd.f32 v4, v3;
	_ =	sdelay $0x1  }
0x158: {  	[tilespmem:s30+$0xFFFFFFA0] =	vst v3  }
0x159: {  	v3 =	vld [tilespmem:s9+$0x230]  }
0x15a: {  	v4 =	vld [tilespmem:s9+$0xA230];
	_ =	sdelay $0x4  }
0x15b: {  	v3 =	vadd.f32 v4, v3;
	_ =	sdelay $0x1  }
0x15c: {  	[tilespmem:s30+$0xFFFFFFB0] =	vst v3  }
0x15d: {  	v3 =	vld [tilespmem:s9+$0x240]  }
0x15e: {  	v4 =	vld [tilespmem:s9+$0xA240];
	_ =	sdelay $0x4  }
0x15f: {  	v3 =	vadd.f32 v4, v3;
	_ =	sdelay $0x1  }
0x160: {  	[tilespmem:s30+$0xFFFFFFC0] =	vst v3  }
0x161: {  	v3 =	vld [tilespmem:s9+$0x250]  }
0x162: {  	v4 =	vld [tilespmem:s9+$0xA250];
	_ =	sdelay $0x4  }
0x163: {  	v3 =	vadd.f32 v4, v3;
	_ =	sdelay $0x1  }
0x164: {  	[tilespmem:s30+$0xFFFFFFD0] =	vst v3  }
0x165: {  	v3 =	vld [tilespmem:s9+$0x260]  }
0x166: {  	v4 =	vld [tilespmem:s9+$0xA260];
	_ =	sdelay $0x4  }
0x167: {  	v3 =	vadd.f32 v4, v3;
	_ =	sdelay $0x1  }
0x168: {  	[tilespmem:s30+$0xFFFFFFE0] =	vst v3  }
0x169: {  	v3 =	vld [tilespmem:s9+$0x270]  }
0x16a: {  	v4 =	vld [tilespmem:s9+$0xA270];
	_ =	sdelay $0x2  }
0x16b: {  	s13 =	sand.u32 $0x7, s29  }
0x16c: {  	s9 =	sshll.u32 s13, $0x7  }
0x16d: {  	s9 =	sadd.s32 $0x0, s9;
	v3 =	vadd.f32 v4, v3  }
0x16e: {  	s10 =	sadd.s32 $0x80, s9  }
0x16f: {  	s10 =	sor.u32 $0x400, s10;
	[tilespmem:s30+$0xFFFFFFF0] =	vst v3  }
0x170: {  	v3 =	vld [tilespmem:s10+$0x200]  }
0x171: {  	v4 =	vld [tilespmem:s10+$0xA200];
	_ =	sdelay $0x4  }
0x172: {  	s16 =	simm.s32 $0x100;
	v3 =	vadd.f32 v4, v3  }
0x173: {  	s10 =	sand.u32 $0x300, s16  }
0x174: {  	s10 =	sor.u32 s11, s10;
	[tilespmem:s0+$0xFFFFFF80] =	vst v3  }
0x175: {  	v3 =	vld [tilespmem:s10+$0x200]  }
0x176: {  	v4 =	vld [tilespmem:s10+$0xA200];
	_ =	sdelay $0x4  }
0x177: {  	v3 =	vadd.f32 v4, v3;
	_ =	sdelay $0x1  }
0x178: {  	[tilespmem:s30+$0x0] =	vst v3  }
0x179: {  	v3 =	vld [tilespmem:s10+$0x210]  }
0x17a: {  	v4 =	vld [tilespmem:s10+$0xA210];
	_ =	sdelay $0x4  }
0x17b: {  	v3 =	vadd.f32 v4, v3;
	_ =	sdelay $0x1  }
0x17c: {  	[tilespmem:s30+$0x10] =	vst v3  }
0x17d: {  	v3 =	vld [tilespmem:s10+$0x220]  }
0x17e: {  	v4 =	vld [tilespmem:s10+$0xA220];
	_ =	sdelay $0x4  }
0x17f: {  	v3 =	vadd.f32 v4, v3;
	_ =	sdelay $0x1  }
0x180: {  	[tilespmem:s30+$0x20] =	vst v3  }
0x181: {  	v3 =	vld [tilespmem:s10+$0x230]  }
0x182: {  	v4 =	vld [tilespmem:s10+$0xA230];
	_ =	sdelay $0x4  }
0x183: {  	v3 =	vadd.f32 v4, v3;
	_ =	sdelay $0x1  }
0x184: {  	[tilespmem:s30+$0x30] =	vst v3  }
0x185: {  	v3 =	vld [tilespmem:s10+$0x240]  }
0x186: {  	v4 =	vld [tilespmem:s10+$0xA240];
	_ =	sdelay $0x4  }
0x187: {  	v3 =	vadd.f32 v4, v3;
	_ =	sdelay $0x1  }
0x188: {  	[tilespmem:s30+$0x40] =	vst v3  }
0x189: {  	v3 =	vld [tilespmem:s10+$0x250]  }
0x18a: {  	v4 =	vld [tilespmem:s10+$0xA250];
	_ =	sdelay $0x4  }
0x18b: {  	v3 =	vadd.f32 v4, v3;
	_ =	sdelay $0x1  }
0x18c: {  	[tilespmem:s30+$0x50] =	vst v3  }
0x18d: {  	v3 =	vld [tilespmem:s10+$0x260]  }
0x18e: {  	v4 =	vld [tilespmem:s10+$0xA260];
	_ =	sdelay $0x4  }
0x18f: {  	v3 =	vadd.f32 v4, v3;
	_ =	sdelay $0x1  }
0x190: {  	[tilespmem:s30+$0x60] =	vst v3  }
0x191: {  	v3 =	vld [tilespmem:s10+$0x270]  }
0x192: {  	v4 =	vld [tilespmem:s10+$0xA270];
	_ =	sdelay $0x2  }
0x193: {  	s19 =	sand.u32 $0x3, s29  }
0x194: {  	s10 =	sshll.u32 s19, $0x8  }
0x195: {  	s10 =	sadd.s32 $0x0, s10;
	v3 =	vadd.f32 v4, v3  }
0x196: {  	s10 =	sadd.s32 $0x100, s10  }
0x197: {  	s10 =	sor.u32 $0x400, s10;
	[tilespmem:s30+$0x70] =	vst v3  }
0x198: {  	v3 =	vld [tilespmem:s10+$0x200]  }
0x199: {  	v4 =	vld [tilespmem:s10+$0xA200];
	_ =	sdelay $0x4  }
0x19a: {  	s24 =	simm.s32 $0x180;
	v3 =	vadd.f32 v4, v3  }
0x19b: {  	s10 =	sand.u32 $0x380, s24  }
0x19c: {  	s12 =	sor.u32 s11, s10;
	[tilespmem:s0+$0x0] =	vst v3  }
0x19d: {  	v3 =	vld [tilespmem:s12+$0x200]  }
0x19e: {  	v4 =	vld [tilespmem:s12+$0xA200];
	_ =	sdelay $0x4  }
0x19f: {  	v3 =	vadd.f32 v4, v3;
	_ =	sdelay $0x1  }
0x1a0: {  	[tilespmem:s30+$0x80] =	vst v3  }
0x1a1: {  	v3 =	vld [tilespmem:s12+$0x210]  }
0x1a2: {  	v4 =	vld [tilespmem:s12+$0xA210];
	_ =	sdelay $0x4  }
0x1a3: {  	v3 =	vadd.f32 v4, v3;
	_ =	sdelay $0x1  }
0x1a4: {  	[tilespmem:s30+$0x90] =	vst v3  }
0x1a5: {  	v3 =	vld [tilespmem:s12+$0x220]  }
0x1a6: {  	v4 =	vld [tilespmem:s12+$0xA220];
	_ =	sdelay $0x4  }
0x1a7: {  	v3 =	vadd.f32 v4, v3;
	_ =	sdelay $0x1  }
0x1a8: {  	[tilespmem:s30+$0xA0] =	vst v3  }
0x1a9: {  	v3 =	vld [tilespmem:s12+$0x230]  }
0x1aa: {  	v4 =	vld [tilespmem:s12+$0xA230];
	_ =	sdelay $0x4  }
0x1ab: {  	v3 =	vadd.f32 v4, v3;
	_ =	sdelay $0x1  }
0x1ac: {  	[tilespmem:s30+$0xB0] =	vst v3  }
0x1ad: {  	v3 =	vld [tilespmem:s12+$0x240]  }
0x1ae: {  	v4 =	vld [tilespmem:s12+$0xA240];
	_ =	sdelay $0x4  }
0x1af: {  	s2 =	simm.s32 $0x400;
	s13 =	simm.s32 $0x19500;
	s9 =	sadd.s32 $0x180, s9;
	v3 =	vadd.f32 v4, v3  }
0x1b0: {  	s19 =	simm.s32 $0x14500;
	s24 =	simm.s32 $0x0;
	s10 =	simm.s32 $0x200  }
.LBB2_3:
0x1b1: {  	[tilespmem:s30+$0xC0] =	vst v3;
	s29 =	sadd.s32 $0x4, s29;
	s24 =	sadd.s32 $0x2, s24;
	p0 =	por !p0, !p0  }
0x1b2: {  	p1 =	sne.s32 s2, $0x4C00;
	s11 =	smov.u32 s2;
	s2 =	sadd.s32 $0x400, s2;
	v3 =	vld [tilespmem:s12+$0x250]  }
0x1b3: {  	v4 =	vld [tilespmem:s12+$0xA250];
	_ =	sdelay $0x4  }
0x1b4: {  	v3 =	vadd.f32 v4, v3;
	_ =	sdelay $0x1  }
0x1b5: {  	[tilespmem:s30+$0xD0] =	vst v3  }
0x1b6: {  	v3 =	vld [tilespmem:s12+$0x260]  }
0x1b7: {  	v4 =	vld [tilespmem:s12+$0xA260];
	_ =	sdelay $0x4  }
0x1b8: {  	v3 =	vadd.f32 v4, v3;
	_ =	sdelay $0x1  }
0x1b9: {  	[tilespmem:s30+$0xE0] =	vst v3  }
0x1ba: {  	v3 =	vld [tilespmem:s12+$0x270]  }
0x1bb: {  	v4 =	vld [tilespmem:s12+$0xA270];
	_ =	sdelay $0x4  }
0x1bc: {  	v3 =	vadd.f32 v4, v3;
	_ =	sdelay $0x1  }
0x1bd: {  	s9 =	sor.u32 $0x400, s9;
	[tilespmem:s30+$0xF0] =	vst v3;
	s30 =	smov.u32 s19  }
0x1be: {  	v3 =	vld [tilespmem:s9+$0x200]  }
0x1bf: {  	v4 =	vld [tilespmem:s9+$0xA200];
	_ =	sdelay $0x4  }
0x1c0: {  	v3 =	vadd.f32 v4, v3  }
0x1c1: {  	s12 =	sand.u32 $0x7800, s11;
	s9 =	sand.u32 $0x200, s10  }
0x1c2: {  	s9 =	sor.u32 s9, s12;
	[tilespmem:s0+$0x80] =	vst v3;
	s0 =	smov.u32 s13  }
0x1c3: {  	v3 =	vld [tilespmem:s9+$0x200]  }
0x1c4: {  	v4 =	vld [tilespmem:s9+$0xA200];
	_ =	sdelay $0x4  }
0x1c5: {  	v3 =	vadd.f32 v4, v3;
	_ =	sdelay $0x1  }
0x1c6: {  	[tilespmem:s19+$0xFFFFFF00] =	vst v3  }
0x1c7: {  	v3 =	vld [tilespmem:s9+$0x210]  }
0x1c8: {  	v4 =	vld [tilespmem:s9+$0xA210];
	_ =	sdelay $0x4  }
0x1c9: {  	v3 =	vadd.f32 v4, v3;
	_ =	sdelay $0x1  }
0x1ca: {  	[tilespmem:s19+$0xFFFFFF10] =	vst v3  }
0x1cb: {  	v3 =	vld [tilespmem:s9+$0x220]  }
0x1cc: {  	v4 =	vld [tilespmem:s9+$0xA220];
	_ =	sdelay $0x4  }
0x1cd: {  	v3 =	vadd.f32 v4, v3;
	_ =	sdelay $0x1  }
0x1ce: {  	[tilespmem:s19+$0xFFFFFF20] =	vst v3  }
0x1cf: {  	v3 =	vld [tilespmem:s9+$0x230]  }
0x1d0: {  	v4 =	vld [tilespmem:s9+$0xA230];
	_ =	sdelay $0x4  }
0x1d1: {  	v3 =	vadd.f32 v4, v3;
	_ =	sdelay $0x1  }
0x1d2: {  	[tilespmem:s19+$0xFFFFFF30] =	vst v3  }
0x1d3: {  	v3 =	vld [tilespmem:s9+$0x240]  }
0x1d4: {  	v4 =	vld [tilespmem:s9+$0xA240];
	_ =	sdelay $0x4  }
0x1d5: {  	v3 =	vadd.f32 v4, v3;
	_ =	sdelay $0x1  }
0x1d6: {  	[tilespmem:s19+$0xFFFFFF40] =	vst v3  }
0x1d7: {  	v3 =	vld [tilespmem:s9+$0x250]  }
0x1d8: {  	v4 =	vld [tilespmem:s9+$0xA250];
	_ =	sdelay $0x4  }
0x1d9: {  	v3 =	vadd.f32 v4, v3;
	_ =	sdelay $0x1  }
0x1da: {  	[tilespmem:s19+$0xFFFFFF50] =	vst v3  }
0x1db: {  	v3 =	vld [tilespmem:s9+$0x260]  }
0x1dc: {  	v4 =	vld [tilespmem:s9+$0xA260];
	_ =	sdelay $0x4  }
0x1dd: {  	v3 =	vadd.f32 v4, v3;
	_ =	sdelay $0x1  }
0x1de: {  	[tilespmem:s19+$0xFFFFFF60] =	vst v3  }
0x1df: {  	v3 =	vld [tilespmem:s9+$0x270]  }
0x1e0: {  	v4 =	vld [tilespmem:s9+$0xA270];
	_ =	sdelay $0x2  }
0x1e1: {  	s9 =	simm.s32 $0x1  }
0x1e2: {  	s9 =	simm.s32 @!p0 $0x0  }
0x1e3: {  	s9 =	sshll.u32 s9, $0x9;
	v3 =	vadd.f32 v4, v3  }
0x1e4: {  	s9 =	sadd.s32 s9, s11  }
0x1e5: {  	s9 =	sor.u32 $0x400, s9;
	[tilespmem:s19+$0xFFFFFF70] =	vst v3  }
0x1e6: {  	v3 =	vld [tilespmem:s9+$0x200]  }
0x1e7: {  	v4 =	vld [tilespmem:s9+$0xA200];
	_ =	sdelay $0x4  }
0x1e8: {  	s9 =	sadd.s32 $0x80, s10;
	v3 =	vadd.f32 v4, v3  }
0x1e9: {  	s9 =	sand.u32 $0x280, s9  }
0x1ea: {  	s9 =	sor.u32 s12, s9;
	[tilespmem:s13+$0xFFFFFF00] =	vst v3  }
0x1eb: {  	v3 =	vld [tilespmem:s9+$0x200]  }
0x1ec: {  	v4 =	vld [tilespmem:s9+$0xA200];
	_ =	sdelay $0x4  }
0x1ed: {  	v3 =	vadd.f32 v4, v3;
	_ =	sdelay $0x1  }
0x1ee: {  	[tilespmem:s19+$0xFFFFFF80] =	vst v3  }
0x1ef: {  	v3 =	vld [tilespmem:s9+$0x210]  }
0x1f0: {  	v4 =	vld [tilespmem:s9+$0xA210];
	_ =	sdelay $0x4  }
0x1f1: {  	v3 =	vadd.f32 v4, v3;
	_ =	sdelay $0x1  }
0x1f2: {  	[tilespmem:s19+$0xFFFFFF90] =	vst v3  }
0x1f3: {  	v3 =	vld [tilespmem:s9+$0x220]  }
0x1f4: {  	v4 =	vld [tilespmem:s9+$0xA220];
	_ =	sdelay $0x4  }
0x1f5: {  	v3 =	vadd.f32 v4, v3;
	_ =	sdelay $0x1  }
0x1f6: {  	[tilespmem:s19+$0xFFFFFFA0] =	vst v3  }
0x1f7: {  	v3 =	vld [tilespmem:s9+$0x230]  }
0x1f8: {  	v4 =	vld [tilespmem:s9+$0xA230];
	_ =	sdelay $0x4  }
0x1f9: {  	v3 =	vadd.f32 v4, v3;
	_ =	sdelay $0x1  }
0x1fa: {  	[tilespmem:s19+$0xFFFFFFB0] =	vst v3  }
0x1fb: {  	v3 =	vld [tilespmem:s9+$0x240]  }
0x1fc: {  	v4 =	vld [tilespmem:s9+$0xA240];
	_ =	sdelay $0x4  }
0x1fd: {  	v3 =	vadd.f32 v4, v3;
	_ =	sdelay $0x1  }
0x1fe: {  	[tilespmem:s19+$0xFFFFFFC0] =	vst v3  }
0x1ff: {  	v3 =	vld [tilespmem:s9+$0x250]  }
0x200: {  	v4 =	vld [tilespmem:s9+$0xA250];
	_ =	sdelay $0x4  }
0x201: {  	v3 =	vadd.f32 v4, v3;
	_ =	sdelay $0x1  }
0x202: {  	[tilespmem:s19+$0xFFFFFFD0] =	vst v3  }
0x203: {  	v3 =	vld [tilespmem:s9+$0x260]  }
0x204: {  	v4 =	vld [tilespmem:s9+$0xA260];
	_ =	sdelay $0x4  }
0x205: {  	v3 =	vadd.f32 v4, v3;
	_ =	sdelay $0x1  }
0x206: {  	[tilespmem:s19+$0xFFFFFFE0] =	vst v3  }
0x207: {  	v3 =	vld [tilespmem:s9+$0x270]  }
0x208: {  	v4 =	vld [tilespmem:s9+$0xA270];
	_ =	sdelay $0x2  }
0x209: {  	s9 =	sand.u32 $0x7, s29  }
0x20a: {  	s9 =	sshll.u32 s9, $0x7  }
0x20b: {  	s9 =	sadd.s32 s11, s9;
	v3 =	vadd.f32 v4, v3  }
0x20c: {  	s16 =	sadd.s32 $0x80, s9;
	s9 =	sadd.s32 $0x180, s9  }
0x20d: {  	s16 =	sor.u32 $0x400, s16;
	[tilespmem:s19+$0xFFFFFFF0] =	vst v3  }
0x20e: {  	v3 =	vld [tilespmem:s16+$0x200]  }
0x20f: {  	v4 =	vld [tilespmem:s16+$0xA200];
	_ =	sdelay $0x4  }
0x210: {  	s16 =	sadd.s32 $0x100, s10;
	v3 =	vadd.f32 v4, v3  }
0x211: {  	s16 =	sand.u32 $0x300, s16  }
0x212: {  	s16 =	sor.u32 s12, s16;
	[tilespmem:s13+$0xFFFFFF80] =	vst v3  }
0x213: {  	v3 =	vld [tilespmem:s16+$0x200]  }
0x214: {  	v4 =	vld [tilespmem:s16+$0xA200];
	_ =	sdelay $0x4  }
0x215: {  	v3 =	vadd.f32 v4, v3;
	_ =	sdelay $0x1  }
0x216: {  	[tilespmem:s19+$0x0] =	vst v3  }
0x217: {  	v3 =	vld [tilespmem:s16+$0x210]  }
0x218: {  	v4 =	vld [tilespmem:s16+$0xA210];
	_ =	sdelay $0x4  }
0x219: {  	v3 =	vadd.f32 v4, v3;
	_ =	sdelay $0x1  }
0x21a: {  	[tilespmem:s19+$0x10] =	vst v3  }
0x21b: {  	v3 =	vld [tilespmem:s16+$0x220]  }
0x21c: {  	v4 =	vld [tilespmem:s16+$0xA220];
	_ =	sdelay $0x4  }
0x21d: {  	v3 =	vadd.f32 v4, v3;
	_ =	sdelay $0x1  }
0x21e: {  	[tilespmem:s19+$0x20] =	vst v3  }
0x21f: {  	v3 =	vld [tilespmem:s16+$0x230]  }
0x220: {  	v4 =	vld [tilespmem:s16+$0xA230];
	_ =	sdelay $0x4  }
0x221: {  	v3 =	vadd.f32 v4, v3;
	_ =	sdelay $0x1  }
0x222: {  	[tilespmem:s19+$0x30] =	vst v3  }
0x223: {  	v3 =	vld [tilespmem:s16+$0x240]  }
0x224: {  	v4 =	vld [tilespmem:s16+$0xA240];
	_ =	sdelay $0x4  }
0x225: {  	v3 =	vadd.f32 v4, v3;
	_ =	sdelay $0x1  }
0x226: {  	[tilespmem:s19+$0x40] =	vst v3  }
0x227: {  	v3 =	vld [tilespmem:s16+$0x250]  }
0x228: {  	v4 =	vld [tilespmem:s16+$0xA250];
	_ =	sdelay $0x4  }
0x229: {  	v3 =	vadd.f32 v4, v3;
	_ =	sdelay $0x1  }
0x22a: {  	[tilespmem:s19+$0x50] =	vst v3  }
0x22b: {  	v3 =	vld [tilespmem:s16+$0x260]  }
0x22c: {  	v4 =	vld [tilespmem:s16+$0xA260];
	_ =	sdelay $0x4  }
0x22d: {  	v3 =	vadd.f32 v4, v3;
	_ =	sdelay $0x1  }
0x22e: {  	[tilespmem:s19+$0x60] =	vst v3  }
0x22f: {  	v3 =	vld [tilespmem:s16+$0x270]  }
0x230: {  	v4 =	vld [tilespmem:s16+$0xA270];
	_ =	sdelay $0x2  }
0x231: {  	s16 =	sand.u32 $0x3, s24  }
0x232: {  	s16 =	sshll.u32 s16, $0x8  }
0x233: {  	s11 =	sadd.s32 s11, s16;
	v3 =	vadd.f32 v4, v3  }
0x234: {  	s11 =	sadd.s32 $0x100, s11  }
0x235: {  	s11 =	sor.u32 $0x400, s11;
	[tilespmem:s19+$0x70] =	vst v3  }
0x236: {  	v3 =	vld [tilespmem:s11+$0x200]  }
0x237: {  	v4 =	vld [tilespmem:s11+$0xA200];
	_ =	sdelay $0x4  }
0x238: {  	s11 =	sadd.s32 $0x180, s10;
	v3 =	vadd.f32 v4, v3  }
0x239: {  	s11 =	sand.u32 $0x380, s11  }
0x23a: {  	s12 =	sor.u32 s12, s11;
	[tilespmem:s13+$0x0] =	vst v3  }
0x23b: {  	v3 =	vld [tilespmem:s12+$0x200]  }
0x23c: {  	v4 =	vld [tilespmem:s12+$0xA200];
	_ =	sdelay $0x4  }
0x23d: {  	v3 =	vadd.f32 v4, v3;
	_ =	sdelay $0x1  }
0x23e: {  	[tilespmem:s19+$0x80] =	vst v3  }
0x23f: {  	v3 =	vld [tilespmem:s12+$0x210]  }
0x240: {  	v4 =	vld [tilespmem:s12+$0xA210];
	_ =	sdelay $0x4  }
0x241: {  	v3 =	vadd.f32 v4, v3;
	_ =	sdelay $0x1  }
0x242: {  	[tilespmem:s19+$0x90] =	vst v3  }
0x243: {  	v3 =	vld [tilespmem:s12+$0x220]  }
0x244: {  	v4 =	vld [tilespmem:s12+$0xA220];
	_ =	sdelay $0x4  }
0x245: {  	v3 =	vadd.f32 v4, v3;
	_ =	sdelay $0x1  }
0x246: {  	[tilespmem:s19+$0xA0] =	vst v3  }
0x247: {  	v3 =	vld [tilespmem:s12+$0x230]  }
0x248: {  	v4 =	vld [tilespmem:s12+$0xA230];
	_ =	sdelay $0x4  }
0x249: {  	v3 =	vadd.f32 v4, v3;
	_ =	sdelay $0x1  }
0x24a: {  	[tilespmem:s19+$0xB0] =	vst v3  }
0x24b: {  	v3 =	vld [tilespmem:s12+$0x240]  }
0x24c: {  	v4 =	vld [tilespmem:s12+$0xA240];
	_ =	sdelay $0x1  }
.Ltmp0:
0x24d: {  	(pc) =	sbr.rel @p1 .LBB2_3-.Ltmp0, $3  }
0x24e: {  	_ =	sdelay $0x1  }
0x24f: {  	v3 =	vadd.f32 v4, v3  }
0x250: {  	s10 =	sadd.s32 $0x200, s10;
	s13 =	sadd.s32 $0x200, s13;
	s19 =	sadd.s32 $0x200, s19  }
0x251: {  	[tilespmem:s30+$0xC0] =	vst v3  }
0x252: {  	v3 =	vld [tilespmem:s12+$0x250]  }
0x253: {  	v4 =	vld [tilespmem:s12+$0xA250];
	_ =	sdelay $0x4  }
0x254: {  	v3 =	vadd.f32 v4, v3;
	_ =	sdelay $0x1  }
0x255: {  	[tilespmem:s30+$0xD0] =	vst v3  }
0x256: {  	v3 =	vld [tilespmem:s12+$0x260]  }
0x257: {  	v4 =	vld [tilespmem:s12+$0xA260];
	_ =	sdelay $0x4  }
0x258: {  	v3 =	vadd.f32 v4, v3;
	_ =	sdelay $0x1  }
0x259: {  	[tilespmem:s30+$0xE0] =	vst v3  }
0x25a: {  	v3 =	vld [tilespmem:s12+$0x270]  }
0x25b: {  	v4 =	vld [tilespmem:s12+$0xA270];
	_ =	sdelay $0x4  }
0x25c: {  	v3 =	vadd.f32 v4, v3;
	_ =	sdelay $0x1  }
0x25d: {  	s2 =	sor.u32 $0x400, s9;
	[tilespmem:s30+$0xF0] =	vst v3  }
0x25e: {  	v3 =	vld [tilespmem:s2+$0x200]  }
0x25f: {  	v4 =	vld [tilespmem:s2+$0xA200];
	_ =	sdelay $0x2  }
0x260: {  	s29 =	smul.u32 $0xA0, s25;
	_ =	sdelay $0x1  }
0x261: {  	s24 =	sadd.s32 s17, s29;
	v3 =	vadd.f32 v4, v3  }
0x262: {  	s2 =	sshll.u32 s24, $0x4  }
0x263: {  	s10 =	simm.s32 $0x14200;
	s30 =	simm.s32 $0x0;
	s9 =	sadd.s32 s7, s2;
	[tilespmem:s0+$0x80] =	vst v3  }
0x264: {  	[hbm4b:s9+s30] =	stream.linear.scatter [tilespmem:s10], [sflag:$0x5], $0x2800, $0x38;
	[tilespmem:$0x1E200] =	vst v63  }
0x265: {  	s12 =	simm.s32 $0x19200;
	s11 =	sadd.s32 s8, s2  }
0x266: {  	[hbm4b:s11+s30] =	stream.linear.scatter [tilespmem:s12], [sflag:$0x5], $0x2800, $0x38;
	[tilespmem:$0x1E200] =	vst v63  }
0x267: {  	_ =	swait.ge [sflag:s28], $0x80  }
0x268: {  	[sflag:s28] =	ssyncset.done $0x0  }
0x269: {  	[sflag:s28] =	ssyncadd.s32 $0xFFFFFF80  }
0x26a: {  	_ =	swait.ge [sflag:s28], $0x80  }
0x26b: {  	[sflag:s28] =	ssyncset.done $0x0  }
0x26c: {  	[sflag:s28] =	ssyncadd.s32 $0xFFFFFF80  }
0x26d: {  	v3 =	vld [tilespmem:$0x0];
	_ =	sdelay $0x4  }
0x26e: {  	v4 =	vshll.u32 v3, $0x1  }
0x26f: {  	v3 =	vand.u32 $0x7, v3;
	v4 =	vand.u32 $0xFFFFFFF0, v4  }
0x270: {  	v3 =	vor.u32 v3, v4  }
0x271: {  	v4 =	vperm.xlane v3, v0;
	_ =	sdelay $0x1  }
0x272: {  	v3 =	vperm.xlane v3, v2;
	v4 =	vadd.s32 v1, v4;
	_ =	sdelay $0x1  }
0x273: {  	v3 =	vadd.s32 v1, v3;
	_ =	sdelay $0x1  }
0x274: {  	s13 =	simm.s32 $0x200  }
0x275: {  	[tilespmem:s13], [sflag:$0x1] =	stream.indirect_vreg.gather [hbm4b:s3+s30], $0x80, v4, vm0, $0xb8;
	[tilespmem:$0x1E200] =	vst v63  }
0x276: {  	s16 =	simm.s32 $0xA00  }
0x277: {  	[tilespmem:s16], [sflag:$0x1] =	stream.indirect_vreg.gather [hbm4b:s3+s30], $0x80, v3, vm0, $0xb8;
	[tilespmem:$0x1E200] =	vst v63  }
0x278: {  	v3 =	vld [tilespmem:$0x10];
	_ =	sdelay $0x4  }
0x279: {  	v4 =	vshll.u32 v3, $0x1  }
0x27a: {  	v3 =	vand.u32 $0x7, v3;
	v4 =	vand.u32 $0xFFFFFFF0, v4  }
0x27b: {  	v3 =	vor.u32 v3, v4  }
0x27c: {  	v4 =	vperm.xlane v3, v0;
	_ =	sdelay $0x1  }
0x27d: {  	v3 =	vperm.xlane v3, v2;
	v4 =	vadd.s32 v1, v4;
	_ =	sdelay $0x1  }
0x27e: {  	v3 =	vadd.s32 v1, v3;
	_ =	sdelay $0x1  }
0x27f: {  	s19 =	simm.s32 $0x1200  }
0x280: {  	[tilespmem:s19], [sflag:$0x1] =	stream.indirect_vreg.gather [hbm4b:s3+s30], $0x80, v4, vm0, $0xb8;
	[tilespmem:$0x1E200] =	vst v63  }
0x281: {  	s24 =	simm.s32 $0x1A00  }
0x282: {  	[tilespmem:s24], [sflag:$0x1] =	stream.indirect_vreg.gather [hbm4b:s3+s30], $0x80, v3, vm0, $0xb8;
	[tilespmem:$0x1E200] =	vst v63  }
0x283: {  	v3 =	vld [tilespmem:$0x20];
	_ =	sdelay $0x4  }
0x284: {  	v4 =	vshll.u32 v3, $0x1  }
0x285: {  	v3 =	vand.u32 $0x7, v3;
	v4 =	vand.u32 $0xFFFFFFF0, v4  }
0x286: {  	v3 =	vor.u32 v3, v4  }
0x287: {  	v4 =	vperm.xlane v3, v0;
	_ =	sdelay $0x1  }
0x288: {  	v3 =	vperm.xlane v3, v2;
	v4 =	vadd.s32 v1, v4;
	_ =	sdelay $0x1  }
0x289: {  	v3 =	vadd.s32 v1, v3;
	_ =	sdelay $0x1  }
0x28a: {  	s2 =	simm.s32 $0x2200  }
0x28b: {  	[tilespmem:s2], [sflag:$0x1] =	stream.indirect_vreg.gather [hbm4b:s3+s30], $0x80, v4, vm0, $0xb8;
	[tilespmem:$0x1E200] =	vst v63  }
0x28c: {  	s9 =	simm.s32 $0x2A00  }
0x28d: {  	[tilespmem:s9], [sflag:$0x1] =	stream.indirect_vreg.gather [hbm4b:s3+s30], $0x80, v3, vm0, $0xb8;
	[tilespmem:$0x1E200] =	vst v63  }
0x28e: {  	v3 =	vld [tilespmem:$0x30];
	_ =	sdelay $0x4  }
0x28f: {  	v4 =	vshll.u32 v3, $0x1  }
0x290: {  	v3 =	vand.u32 $0x7, v3;
	v4 =	vand.u32 $0xFFFFFFF0, v4  }
0x291: {  	v3 =	vor.u32 v3, v4  }
0x292: {  	v4 =	vperm.xlane v3, v0;
	_ =	sdelay $0x1  }
0x293: {  	v3 =	vperm.xlane v3, v2;
	v4 =	vadd.s32 v1, v4;
	_ =	sdelay $0x1  }
0x294: {  	v3 =	vadd.s32 v1, v3;
	_ =	sdelay $0x1  }
0x295: {  	s10 =	simm.s32 $0x3200  }
0x296: {  	[tilespmem:s10], [sflag:$0x1] =	stream.indirect_vreg.gather [hbm4b:s3+s30], $0x80, v4, vm0, $0xb8;
	[tilespmem:$0x1E200] =	vst v63  }
0x297: {  	s11 =	simm.s32 $0x3A00  }
0x298: {  	[tilespmem:s11], [sflag:$0x1] =	stream.indirect_vreg.gather [hbm4b:s3+s30], $0x80, v3, vm0, $0xb8;
	[tilespmem:$0x1E200] =	vst v63  }
0x299: {  	v3 =	vld [tilespmem:$0x40];
	_ =	sdelay $0x4  }
0x29a: {  	v4 =	vshll.u32 v3, $0x1  }
0x29b: {  	v3 =	vand.u32 $0x7, v3;
	v4 =	vand.u32 $0xFFFFFFF0, v4  }
0x29c: {  	v3 =	vor.u32 v3, v4  }
0x29d: {  	v4 =	vperm.xlane v3, v0;
	_ =	sdelay $0x1  }
0x29e: {  	v3 =	vperm.xlane v3, v2;
	v4 =	vadd.s32 v1, v4;
	_ =	sdelay $0x1  }
0x29f: {  	v3 =	vadd.s32 v1, v3;
	_ =	sdelay $0x1  }
0x2a0: {  	s12 =	simm.s32 $0x4200  }
0x2a1: {  	[tilespmem:s12], [sflag:$0x1] =	stream.indirect_vreg.gather [hbm4b:s3+s30], $0x80, v4, vm0, $0xb8;
	[tilespmem:$0x1E200] =	vst v63  }
0x2a2: {  	s13 =	simm.s32 $0x4A00  }
0x2a3: {  	[tilespmem:s13], [sflag:$0x1] =	stream.indirect_vreg.gather [hbm4b:s3+s30], $0x80, v3, vm0, $0xb8;
	[tilespmem:$0x1E200] =	vst v63  }
0x2a4: {  	v3 =	vld [tilespmem:$0x100];
	_ =	sdelay $0x4  }
0x2a5: {  	v4 =	vshll.u32 v3, $0x1  }
0x2a6: {  	v3 =	vand.u32 $0x7, v3;
	v4 =	vand.u32 $0xFFFFFFF0, v4  }
0x2a7: {  	v3 =	vor.u32 v3, v4  }
0x2a8: {  	v4 =	vperm.xlane v3, v0;
	_ =	sdelay $0x1  }
0x2a9: {  	v3 =	vperm.xlane v3, v2;
	v4 =	vadd.s32 v1, v4;
	_ =	sdelay $0x1  }
0x2aa: {  	v3 =	vadd.s32 v1, v3;
	_ =	sdelay $0x1  }
0x2ab: {  	s16 =	simm.s32 $0xA200  }
0x2ac: {  	[tilespmem:s16], [sflag:$0x3] =	stream.indirect_vreg.gather [hbm4b:s4+s30], $0x80, v4, vm0, $0xb8;
	[tilespmem:$0x1E200] =	vst v63  }
0x2ad: {  	s19 =	simm.s32 $0xAA00  }
0x2ae: {  	[tilespmem:s19], [sflag:$0x3] =	stream.indirect_vreg.gather [hbm4b:s4+s30], $0x80, v3, vm0, $0xb8;
	[tilespmem:$0x1E200] =	vst v63  }
0x2af: {  	v3 =	vld [tilespmem:$0x110];
	_ =	sdelay $0x4  }
0x2b0: {  	v4 =	vshll.u32 v3, $0x1  }
0x2b1: {  	v3 =	vand.u32 $0x7, v3;
	v4 =	vand.u32 $0xFFFFFFF0, v4  }
0x2b2: {  	v3 =	vor.u32 v3, v4  }
0x2b3: {  	v4 =	vperm.xlane v3, v0;
	_ =	sdelay $0x1  }
0x2b4: {  	v3 =	vperm.xlane v3, v2;
	v4 =	vadd.s32 v1, v4;
	_ =	sdelay $0x1  }
0x2b5: {  	v3 =	vadd.s32 v1, v3;
	_ =	sdelay $0x1  }
0x2b6: {  	s24 =	simm.s32 $0xB200  }
0x2b7: {  	[tilespmem:s24], [sflag:$0x3] =	stream.indirect_vreg.gather [hbm4b:s4+s30], $0x80, v4, vm0, $0xb8;
	[tilespmem:$0x1E200] =	vst v63  }
0x2b8: {  	s2 =	simm.s32 $0xBA00  }
0x2b9: {  	[tilespmem:s2], [sflag:$0x3] =	stream.indirect_vreg.gather [hbm4b:s4+s30], $0x80, v3, vm0, $0xb8;
	[tilespmem:$0x1E200] =	vst v63  }
0x2ba: {  	v3 =	vld [tilespmem:$0x120];
	_ =	sdelay $0x4  }
0x2bb: {  	v4 =	vshll.u32 v3, $0x1  }
0x2bc: {  	v3 =	vand.u32 $0x7, v3;
	v4 =	vand.u32 $0xFFFFFFF0, v4  }
0x2bd: {  	v3 =	vor.u32 v3, v4  }
0x2be: {  	v4 =	vperm.xlane v3, v0;
	_ =	sdelay $0x1  }
0x2bf: {  	v3 =	vperm.xlane v3, v2;
	v4 =	vadd.s32 v1, v4;
	_ =	sdelay $0x1  }
0x2c0: {  	v3 =	vadd.s32 v1, v3;
	_ =	sdelay $0x1  }
0x2c1: {  	s9 =	simm.s32 $0xC200  }
0x2c2: {  	[tilespmem:s9], [sflag:$0x3] =	stream.indirect_vreg.gather [hbm4b:s4+s30], $0x80, v4, vm0, $0xb8;
	[tilespmem:$0x1E200] =	vst v63  }
0x2c3: {  	s10 =	simm.s32 $0xCA00  }
0x2c4: {  	[tilespmem:s10], [sflag:$0x3] =	stream.indirect_vreg.gather [hbm4b:s4+s30], $0x80, v3, vm0, $0xb8;
	[tilespmem:$0x1E200] =	vst v63  }
0x2c5: {  	v3 =	vld [tilespmem:$0x130];
	_ =	sdelay $0x4  }
0x2c6: {  	v4 =	vshll.u32 v3, $0x1  }
0x2c7: {  	v3 =	vand.u32 $0x7, v3;
	v4 =	vand.u32 $0xFFFFFFF0, v4  }
0x2c8: {  	v3 =	vor.u32 v3, v4  }
0x2c9: {  	v4 =	vperm.xlane v3, v0;
	_ =	sdelay $0x1  }
0x2ca: {  	v3 =	vperm.xlane v3, v2;
	v4 =	vadd.s32 v1, v4;
	_ =	sdelay $0x1  }
0x2cb: {  	v3 =	vadd.s32 v1, v3;
	_ =	sdelay $0x1  }
0x2cc: {  	s11 =	simm.s32 $0xD200  }
0x2cd: {  	[tilespmem:s11], [sflag:$0x3] =	stream.indirect_vreg.gather [hbm4b:s4+s30], $0x80, v4, vm0, $0xb8;
	[tilespmem:$0x1E200] =	vst v63  }
0x2ce: {  	s12 =	simm.s32 $0xDA00  }
0x2cf: {  	[tilespmem:s12], [sflag:$0x3] =	stream.indirect_vreg.gather [hbm4b:s4+s30], $0x80, v3, vm0, $0xb8;
	[tilespmem:$0x1E200] =	vst v63  }
0x2d0: {  	v3 =	vld [tilespmem:$0x140];
	_ =	sdelay $0x4  }
0x2d1: {  	v4 =	vshll.u32 v3, $0x1  }
0x2d2: {  	v3 =	vand.u32 $0x7, v3;
	v4 =	vand.u32 $0xFFFFFFF0, v4  }
0x2d3: {  	v3 =	vor.u32 v3, v4  }
0x2d4: {  	v4 =	vperm.xlane v3, v0;
	_ =	sdelay $0x1  }
0x2d5: {  	v3 =	vperm.xlane v3, v2;
	v4 =	vadd.s32 v1, v4;
	_ =	sdelay $0x1  }
0x2d6: {  	v3 =	vadd.s32 v1, v3  }
0x2d7: {  	s19 =	rddreg [dreg:$0x9]  }
0x2d8: {  	s13 =	simm.s32 $0xE200;
	s0 =	sadd.s32 s26, s19  }
0x2d9: {  	[tilespmem:s13], [sflag:$0x3] =	stream.indirect_vreg.gather [hbm4b:s4+s30], $0x80, v4, vm0, $0xb8;
	[tilespmem:$0x1E200] =	vst v63  }
0x2da: {  	s16 =	simm.s32 $0xEA00;
	s0 =	sshrl.u32 s0, $0x3  }
0x2db: {  	[tilespmem:s16], [sflag:$0x3] =	stream.indirect_vreg.gather [hbm4b:s4+s30], $0x80, v3, vm0, $0xb8;
	[tilespmem:$0x1E200] =	vst v63  }
0x2dc: {  	s26 =	simm.s32 $0x80;
	s24 =	sadd.s32 s5, s0  }
0x2dd: {  	[tilespmem:s26], [sflag:$0x8] =	stream.linear.gather [hbm4b:s24+s30], $0x80, $0x38;
	[tilespmem:$0x1E200] =	vst v63  }
0x2de: {  	s0 =	sadd.s32 s6, s0;
	s10 =	simm.s32 $0x180  }
0x2df: {  	[tilespmem:s10], [sflag:$0x8] =	stream.linear.gather [hbm4b:s0+s30], $0x80, $0x38;
	[tilespmem:$0x1E200] =	vst v63  }
0x2e0: {  	_ =	swait.ge [sflag:s23], $0x5000  }
0x2e1: {  	[sflag:s23] =	ssyncset.done $0x0  }
0x2e2: {  	[sflag:s23] =	ssyncadd.s32 $0xFFFFB000  }
0x2e3: {  	_ =	swait.ge [sflag:s14], $0x5000  }
0x2e4: {  	[sflag:s14] =	ssyncset.done $0x0  }
0x2e5: {  	[sflag:s14] =	ssyncadd.s32 $0xFFFFB000  }
0x2e6: {  	_ =	swait.ge [sflag:s15], $0x2800  }
0x2e7: {  	[sflag:s15] =	ssyncset.done $0x0  }
0x2e8: {  	[sflag:s15] =	ssyncadd.s32 $0xFFFFD800  }
0x2e9: {  	_ =	swait.ge [sflag:s15], $0x2800  }
0x2ea: {  	s2 =	sand.u32 $0x7800, s30;
	s11 =	sand.u32 $0x200, s30;
	[sflag:s15] =	ssyncset.done $0x0  }
0x2eb: {  	s0 =	sor.u32 s11, s2;
	[sflag:s15] =	ssyncadd.s32 $0xFFFFD800  }
0x2ec: {  	v3 =	vld [tilespmem:s0+$0x5200]  }
0x2ed: {  	v4 =	vld [tilespmem:s0+$0xF200];
	_ =	sdelay $0x4  }
0x2ee: {  	v3 =	vadd.f32 v4, v3  }
0x2ef: {  	s26 =	simm.s32 $0x16B00  }
0x2f0: {  	[tilespmem:s26+$0xFFFFFF00] =	vst v3  }
0x2f1: {  	v3 =	vld [tilespmem:s0+$0x5210]  }
0x2f2: {  	v4 =	vld [tilespmem:s0+$0xF210];
	_ =	sdelay $0x4  }
0x2f3: {  	v3 =	vadd.f32 v4, v3;
	_ =	sdelay $0x1  }
0x2f4: {  	[tilespmem:s26+$0xFFFFFF10] =	vst v3  }
0x2f5: {  	v3 =	vld [tilespmem:s0+$0x5220]  }
0x2f6: {  	v4 =	vld [tilespmem:s0+$0xF220];
	_ =	sdelay $0x4  }
0x2f7: {  	v3 =	vadd.f32 v4, v3;
	_ =	sdelay $0x1  }
0x2f8: {  	[tilespmem:s26+$0xFFFFFF20] =	vst v3  }
0x2f9: {  	v3 =	vld [tilespmem:s0+$0x5230]  }
0x2fa: {  	v4 =	vld [tilespmem:s0+$0xF230];
	_ =	sdelay $0x4  }
0x2fb: {  	v3 =	vadd.f32 v4, v3;
	_ =	sdelay $0x1  }
0x2fc: {  	[tilespmem:s26+$0xFFFFFF30] =	vst v3  }
0x2fd: {  	v3 =	vld [tilespmem:s0+$0x5240]  }
0x2fe: {  	v4 =	vld [tilespmem:s0+$0xF240];
	_ =	sdelay $0x4  }
0x2ff: {  	v3 =	vadd.f32 v4, v3;
	_ =	sdelay $0x1  }
0x300: {  	[tilespmem:s26+$0xFFFFFF40] =	vst v3  }
0x301: {  	v3 =	vld [tilespmem:s0+$0x5250]  }
0x302: {  	v4 =	vld [tilespmem:s0+$0xF250];
	_ =	sdelay $0x4  }
0x303: {  	v3 =	vadd.f32 v4, v3;
	_ =	sdelay $0x1  }
0x304: {  	[tilespmem:s26+$0xFFFFFF50] =	vst v3  }
0x305: {  	v3 =	vld [tilespmem:s0+$0x5260]  }
0x306: {  	v4 =	vld [tilespmem:s0+$0xF260];
	_ =	sdelay $0x4  }
0x307: {  	v3 =	vadd.f32 v4, v3;
	_ =	sdelay $0x1  }
0x308: {  	[tilespmem:s26+$0xFFFFFF60] =	vst v3  }
0x309: {  	v3 =	vld [tilespmem:s0+$0x5270]  }
0x30a: {  	v4 =	vld [tilespmem:s0+$0xF270];
	_ =	sdelay $0x2  }
0x30b: {  	p0 =	por $0x0, $0x0;
	s0 =	simm.s32 $0x1  }
0x30c: {  	s0 =	simm.s32 @!p0 $0x0  }
0x30d: {  	s0 =	sshll.u32 s0, $0x9;
	v3 =	vadd.f32 v4, v3  }
0x30e: {  	s0 =	sadd.s32 $0x0, s0  }
0x30f: {  	s0 =	sor.u32 $0x400, s0;
	[tilespmem:s26+$0xFFFFFF70] =	vst v3  }
0x310: {  	v3 =	vld [tilespmem:s0+$0x5200]  }
0x311: {  	v4 =	vld [tilespmem:s0+$0xF200];
	_ =	sdelay $0x4  }
0x312: {  	s12 =	simm.s32 $0x80;
	v3 =	vadd.f32 v4, v3  }
0x313: {  	s9 =	sand.u32 $0x280, s12;
	s0 =	simm.s32 $0x1BB00  }
0x314: {  	s9 =	sor.u32 s2, s9;
	[tilespmem:s0+$0xFFFFFF00] =	vst v3  }
0x315: {  	v3 =	vld [tilespmem:s9+$0x5200]  }
0x316: {  	v4 =	vld [tilespmem:s9+$0xF200];
	_ =	sdelay $0x4  }
0x317: {  	v3 =	vadd.f32 v4, v3;
	_ =	sdelay $0x1  }
0x318: {  	[tilespmem:s26+$0xFFFFFF80] =	vst v3  }
0x319: {  	v3 =	vld [tilespmem:s9+$0x5210]  }
0x31a: {  	v4 =	vld [tilespmem:s9+$0xF210];
	_ =	sdelay $0x4  }
0x31b: {  	v3 =	vadd.f32 v4, v3;
	_ =	sdelay $0x1  }
0x31c: {  	[tilespmem:s26+$0xFFFFFF90] =	vst v3  }
0x31d: {  	v3 =	vld [tilespmem:s9+$0x5220]  }
0x31e: {  	v4 =	vld [tilespmem:s9+$0xF220];
	_ =	sdelay $0x4  }
0x31f: {  	v3 =	vadd.f32 v4, v3;
	_ =	sdelay $0x1  }
0x320: {  	[tilespmem:s26+$0xFFFFFFA0] =	vst v3  }
0x321: {  	v3 =	vld [tilespmem:s9+$0x5230]  }
0x322: {  	v4 =	vld [tilespmem:s9+$0xF230];
	_ =	sdelay $0x4  }
0x323: {  	v3 =	vadd.f32 v4, v3;
	_ =	sdelay $0x1  }
0x324: {  	[tilespmem:s26+$0xFFFFFFB0] =	vst v3  }
0x325: {  	v3 =	vld [tilespmem:s9+$0x5240]  }
0x326: {  	v4 =	vld [tilespmem:s9+$0xF240];
	_ =	sdelay $0x4  }
0x327: {  	v3 =	vadd.f32 v4, v3;
	_ =	sdelay $0x1  }
0x328: {  	[tilespmem:s26+$0xFFFFFFC0] =	vst v3  }
0x329: {  	v3 =	vld [tilespmem:s9+$0x5250]  }
0x32a: {  	v4 =	vld [tilespmem:s9+$0xF250];
	_ =	sdelay $0x4  }
0x32b: {  	v3 =	vadd.f32 v4, v3;
	_ =	sdelay $0x1  }
0x32c: {  	[tilespmem:s26+$0xFFFFFFD0] =	vst v3  }
0x32d: {  	v3 =	vld [tilespmem:s9+$0x5260]  }
0x32e: {  	v4 =	vld [tilespmem:s9+$0xF260];
	_ =	sdelay $0x4  }
0x32f: {  	v3 =	vadd.f32 v4, v3;
	_ =	sdelay $0x1  }
0x330: {  	[tilespmem:s26+$0xFFFFFFE0] =	vst v3  }
0x331: {  	v3 =	vld [tilespmem:s9+$0x5270]  }
0x332: {  	v4 =	vld [tilespmem:s9+$0xF270];
	_ =	sdelay $0x2  }
0x333: {  	s13 =	sand.u32 $0x7, s30  }
0x334: {  	s9 =	sshll.u32 s13, $0x7  }
0x335: {  	s9 =	sadd.s32 $0x0, s9;
	v3 =	vadd.f32 v4, v3  }
0x336: {  	s10 =	sadd.s32 $0x80, s9  }
0x337: {  	s10 =	sor.u32 $0x400, s10;
	[tilespmem:s26+$0xFFFFFFF0] =	vst v3  }
0x338: {  	v3 =	vld [tilespmem:s10+$0x5200]  }
0x339: {  	v4 =	vld [tilespmem:s10+$0xF200];
	_ =	sdelay $0x4  }
0x33a: {  	s16 =	simm.s32 $0x100;
	v3 =	vadd.f32 v4, v3  }
0x33b: {  	s10 =	sand.u32 $0x300, s16  }
0x33c: {  	s10 =	sor.u32 s2, s10;
	[tilespmem:s0+$0xFFFFFF80] =	vst v3  }
0x33d: {  	v3 =	vld [tilespmem:s10+$0x5200]  }
0x33e: {  	v4 =	vld [tilespmem:s10+$0xF200];
	_ =	sdelay $0x4  }
0x33f: {  	v3 =	vadd.f32 v4, v3;
	_ =	sdelay $0x1  }
0x340: {  	[tilespmem:s26+$0x0] =	vst v3  }
0x341: {  	v3 =	vld [tilespmem:s10+$0x5210]  }
0x342: {  	v4 =	vld [tilespmem:s10+$0xF210];
	_ =	sdelay $0x4  }
0x343: {  	v3 =	vadd.f32 v4, v3;
	_ =	sdelay $0x1  }
0x344: {  	[tilespmem:s26+$0x10] =	vst v3  }
0x345: {  	v3 =	vld [tilespmem:s10+$0x5220]  }
0x346: {  	v4 =	vld [tilespmem:s10+$0xF220];
	_ =	sdelay $0x4  }
0x347: {  	v3 =	vadd.f32 v4, v3;
	_ =	sdelay $0x1  }
0x348: {  	[tilespmem:s26+$0x20] =	vst v3  }
0x349: {  	v3 =	vld [tilespmem:s10+$0x5230]  }
0x34a: {  	v4 =	vld [tilespmem:s10+$0xF230];
	_ =	sdelay $0x4  }
0x34b: {  	v3 =	vadd.f32 v4, v3;
	_ =	sdelay $0x1  }
0x34c: {  	[tilespmem:s26+$0x30] =	vst v3  }
0x34d: {  	v3 =	vld [tilespmem:s10+$0x5240]  }
0x34e: {  	v4 =	vld [tilespmem:s10+$0xF240];
	_ =	sdelay $0x4  }
0x34f: {  	v3 =	vadd.f32 v4, v3;
	_ =	sdelay $0x1  }
0x350: {  	[tilespmem:s26+$0x40] =	vst v3  }
0x351: {  	v3 =	vld [tilespmem:s10+$0x5250]  }
0x352: {  	v4 =	vld [tilespmem:s10+$0xF250];
	_ =	sdelay $0x4  }
0x353: {  	v3 =	vadd.f32 v4, v3;
	_ =	sdelay $0x1  }
0x354: {  	[tilespmem:s26+$0x50] =	vst v3  }
0x355: {  	v3 =	vld [tilespmem:s10+$0x5260]  }
0x356: {  	v4 =	vld [tilespmem:s10+$0xF260];
	_ =	sdelay $0x4  }
0x357: {  	v3 =	vadd.f32 v4, v3;
	_ =	sdelay $0x1  }
0x358: {  	[tilespmem:s26+$0x60] =	vst v3  }
0x359: {  	v3 =	vld [tilespmem:s10+$0x5270]  }
0x35a: {  	v4 =	vld [tilespmem:s10+$0xF270];
	_ =	sdelay $0x2  }
0x35b: {  	s19 =	sand.u32 $0x3, s30  }
0x35c: {  	s10 =	sshll.u32 s19, $0x8  }
0x35d: {  	s10 =	sadd.s32 $0x0, s10;
	v3 =	vadd.f32 v4, v3  }
0x35e: {  	s10 =	sadd.s32 $0x100, s10  }
0x35f: {  	s10 =	sor.u32 $0x400, s10;
	[tilespmem:s26+$0x70] =	vst v3  }
0x360: {  	v3 =	vld [tilespmem:s10+$0x5200]  }
0x361: {  	v4 =	vld [tilespmem:s10+$0xF200];
	_ =	sdelay $0x4  }
0x362: {  	s24 =	simm.s32 $0x180;
	v3 =	vadd.f32 v4, v3  }
0x363: {  	s10 =	sand.u32 $0x380, s24  }
0x364: {  	s12 =	sor.u32 s2, s10;
	[tilespmem:s0+$0x0] =	vst v3  }
0x365: {  	v3 =	vld [tilespmem:s12+$0x5200]  }
0x366: {  	v4 =	vld [tilespmem:s12+$0xF200];
	_ =	sdelay $0x4  }
0x367: {  	v3 =	vadd.f32 v4, v3;
	_ =	sdelay $0x1  }
0x368: {  	[tilespmem:s26+$0x80] =	vst v3  }
0x369: {  	v3 =	vld [tilespmem:s12+$0x5210]  }
0x36a: {  	v4 =	vld [tilespmem:s12+$0xF210];
	_ =	sdelay $0x4  }
0x36b: {  	v3 =	vadd.f32 v4, v3;
	_ =	sdelay $0x1  }
0x36c: {  	[tilespmem:s26+$0x90] =	vst v3  }
0x36d: {  	v3 =	vld [tilespmem:s12+$0x5220]  }
0x36e: {  	v4 =	vld [tilespmem:s12+$0xF220];
	_ =	sdelay $0x4  }
0x36f: {  	v3 =	vadd.f32 v4, v3;
	_ =	sdelay $0x1  }
0x370: {  	[tilespmem:s26+$0xA0] =	vst v3  }
0x371: {  	v3 =	vld [tilespmem:s12+$0x5230]  }
0x372: {  	v4 =	vld [tilespmem:s12+$0xF230];
	_ =	sdelay $0x4  }
0x373: {  	v3 =	vadd.f32 v4, v3;
	_ =	sdelay $0x1  }
0x374: {  	[tilespmem:s26+$0xB0] =	vst v3  }
0x375: {  	v3 =	vld [tilespmem:s12+$0x5240]  }
0x376: {  	v4 =	vld [tilespmem:s12+$0xF240];
	_ =	sdelay $0x4  }
0x377: {  	s13 =	simm.s32 $0x1BD00;
	s9 =	sadd.s32 $0x180, s9;
	s19 =	simm.s32 $0x16D00;
	v3 =	vadd.f32 v4, v3  }
0x378: {  	s24 =	simm.s32 $0x0;
	s2 =	simm.s32 $0x400;
	s10 =	simm.s32 $0x200  }
.LBB2_5:
0x379: {  	[tilespmem:s26+$0xC0] =	vst v3;
	s30 =	sadd.s32 $0x4, s30;
	s24 =	sadd.s32 $0x2, s24;
	p0 =	por !p0, !p0  }
0x37a: {  	p1 =	sne.s32 s2, $0x4C00;
	s11 =	smov.u32 s2;
	s2 =	sadd.s32 $0x400, s2;
	v3 =	vld [tilespmem:s12+$0x5250]  }
0x37b: {  	v4 =	vld [tilespmem:s12+$0xF250];
	_ =	sdelay $0x4  }
0x37c: {  	v3 =	vadd.f32 v4, v3;
	_ =	sdelay $0x1  }
0x37d: {  	[tilespmem:s26+$0xD0] =	vst v3  }
0x37e: {  	v3 =	vld [tilespmem:s12+$0x5260]  }
0x37f: {  	v4 =	vld [tilespmem:s12+$0xF260];
	_ =	sdelay $0x4  }
0x380: {  	v3 =	vadd.f32 v4, v3;
	_ =	sdelay $0x1  }
0x381: {  	[tilespmem:s26+$0xE0] =	vst v3  }
0x382: {  	v3 =	vld [tilespmem:s12+$0x5270]  }
0x383: {  	v4 =	vld [tilespmem:s12+$0xF270];
	_ =	sdelay $0x4  }
0x384: {  	v3 =	vadd.f32 v4, v3;
	_ =	sdelay $0x1  }
0x385: {  	s9 =	sor.u32 $0x400, s9;
	[tilespmem:s26+$0xF0] =	vst v3;
	s26 =	smov.u32 s19  }
0x386: {  	v3 =	vld [tilespmem:s9+$0x5200]  }
0x387: {  	v4 =	vld [tilespmem:s9+$0xF200];
	_ =	sdelay $0x4  }
0x388: {  	v3 =	vadd.f32 v4, v3  }
0x389: {  	s12 =	sand.u32 $0x7800, s11;
	s9 =	sand.u32 $0x200, s10  }
0x38a: {  	s9 =	sor.u32 s9, s12;
	[tilespmem:s0+$0x80] =	vst v3;
	s0 =	smov.u32 s13  }
0x38b: {  	v3 =	vld [tilespmem:s9+$0x5200]  }
0x38c: {  	v4 =	vld [tilespmem:s9+$0xF200];
	_ =	sdelay $0x4  }
0x38d: {  	v3 =	vadd.f32 v4, v3;
	_ =	sdelay $0x1  }
0x38e: {  	[tilespmem:s19+$0xFFFFFF00] =	vst v3  }
0x38f: {  	v3 =	vld [tilespmem:s9+$0x5210]  }
0x390: {  	v4 =	vld [tilespmem:s9+$0xF210];
	_ =	sdelay $0x4  }
0x391: {  	v3 =	vadd.f32 v4, v3;
	_ =	sdelay $0x1  }
0x392: {  	[tilespmem:s19+$0xFFFFFF10] =	vst v3  }
0x393: {  	v3 =	vld [tilespmem:s9+$0x5220]  }
0x394: {  	v4 =	vld [tilespmem:s9+$0xF220];
	_ =	sdelay $0x4  }
0x395: {  	v3 =	vadd.f32 v4, v3;
	_ =	sdelay $0x1  }
0x396: {  	[tilespmem:s19+$0xFFFFFF20] =	vst v3  }
0x397: {  	v3 =	vld [tilespmem:s9+$0x5230]  }
0x398: {  	v4 =	vld [tilespmem:s9+$0xF230];
	_ =	sdelay $0x4  }
0x399: {  	v3 =	vadd.f32 v4, v3;
	_ =	sdelay $0x1  }
0x39a: {  	[tilespmem:s19+$0xFFFFFF30] =	vst v3  }
0x39b: {  	v3 =	vld [tilespmem:s9+$0x5240]  }
0x39c: {  	v4 =	vld [tilespmem:s9+$0xF240];
	_ =	sdelay $0x4  }
0x39d: {  	v3 =	vadd.f32 v4, v3;
	_ =	sdelay $0x1  }
0x39e: {  	[tilespmem:s19+$0xFFFFFF40] =	vst v3  }
0x39f: {  	v3 =	vld [tilespmem:s9+$0x5250]  }
0x3a0: {  	v4 =	vld [tilespmem:s9+$0xF250];
	_ =	sdelay $0x4  }
0x3a1: {  	v3 =	vadd.f32 v4, v3;
	_ =	sdelay $0x1  }
0x3a2: {  	[tilespmem:s19+$0xFFFFFF50] =	vst v3  }
0x3a3: {  	v3 =	vld [tilespmem:s9+$0x5260]  }
0x3a4: {  	v4 =	vld [tilespmem:s9+$0xF260];
	_ =	sdelay $0x4  }
0x3a5: {  	v3 =	vadd.f32 v4, v3;
	_ =	sdelay $0x1  }
0x3a6: {  	[tilespmem:s19+$0xFFFFFF60] =	vst v3  }
0x3a7: {  	v3 =	vld [tilespmem:s9+$0x5270]  }
0x3a8: {  	v4 =	vld [tilespmem:s9+$0xF270];
	_ =	sdelay $0x2  }
0x3a9: {  	s9 =	simm.s32 $0x1  }
0x3aa: {  	s9 =	simm.s32 @!p0 $0x0  }
0x3ab: {  	s9 =	sshll.u32 s9, $0x9;
	v3 =	vadd.f32 v4, v3  }
0x3ac: {  	s9 =	sadd.s32 s9, s11  }
0x3ad: {  	s9 =	sor.u32 $0x400, s9;
	[tilespmem:s19+$0xFFFFFF70] =	vst v3  }
0x3ae: {  	v3 =	vld [tilespmem:s9+$0x5200]  }
0x3af: {  	v4 =	vld [tilespmem:s9+$0xF200];
	_ =	sdelay $0x4  }
0x3b0: {  	s9 =	sadd.s32 $0x80, s10;
	v3 =	vadd.f32 v4, v3  }
0x3b1: {  	s9 =	sand.u32 $0x280, s9  }
0x3b2: {  	s9 =	sor.u32 s12, s9;
	[tilespmem:s13+$0xFFFFFF00] =	vst v3  }
0x3b3: {  	v3 =	vld [tilespmem:s9+$0x5200]  }
0x3b4: {  	v4 =	vld [tilespmem:s9+$0xF200];
	_ =	sdelay $0x4  }
0x3b5: {  	v3 =	vadd.f32 v4, v3;
	_ =	sdelay $0x1  }
0x3b6: {  	[tilespmem:s19+$0xFFFFFF80] =	vst v3  }
0x3b7: {  	v3 =	vld [tilespmem:s9+$0x5210]  }
0x3b8: {  	v4 =	vld [tilespmem:s9+$0xF210];
	_ =	sdelay $0x4  }
0x3b9: {  	v3 =	vadd.f32 v4, v3;
	_ =	sdelay $0x1  }
0x3ba: {  	[tilespmem:s19+$0xFFFFFF90] =	vst v3  }
0x3bb: {  	v3 =	vld [tilespmem:s9+$0x5220]  }
0x3bc: {  	v4 =	vld [tilespmem:s9+$0xF220];
	_ =	sdelay $0x4  }
0x3bd: {  	v3 =	vadd.f32 v4, v3;
	_ =	sdelay $0x1  }
0x3be: {  	[tilespmem:s19+$0xFFFFFFA0] =	vst v3  }
0x3bf: {  	v3 =	vld [tilespmem:s9+$0x5230]  }
0x3c0: {  	v4 =	vld [tilespmem:s9+$0xF230];
	_ =	sdelay $0x4  }
0x3c1: {  	v3 =	vadd.f32 v4, v3;
	_ =	sdelay $0x1  }
0x3c2: {  	[tilespmem:s19+$0xFFFFFFB0] =	vst v3  }
0x3c3: {  	v3 =	vld [tilespmem:s9+$0x5240]  }
0x3c4: {  	v4 =	vld [tilespmem:s9+$0xF240];
	_ =	sdelay $0x4  }
0x3c5: {  	v3 =	vadd.f32 v4, v3;
	_ =	sdelay $0x1  }
0x3c6: {  	[tilespmem:s19+$0xFFFFFFC0] =	vst v3  }
0x3c7: {  	v3 =	vld [tilespmem:s9+$0x5250]  }
0x3c8: {  	v4 =	vld [tilespmem:s9+$0xF250];
	_ =	sdelay $0x4  }
0x3c9: {  	v3 =	vadd.f32 v4, v3;
	_ =	sdelay $0x1  }
0x3ca: {  	[tilespmem:s19+$0xFFFFFFD0] =	vst v3  }
0x3cb: {  	v3 =	vld [tilespmem:s9+$0x5260]  }
0x3cc: {  	v4 =	vld [tilespmem:s9+$0xF260];
	_ =	sdelay $0x4  }
0x3cd: {  	v3 =	vadd.f32 v4, v3;
	_ =	sdelay $0x1  }
0x3ce: {  	[tilespmem:s19+$0xFFFFFFE0] =	vst v3  }
0x3cf: {  	v3 =	vld [tilespmem:s9+$0x5270]  }
0x3d0: {  	v4 =	vld [tilespmem:s9+$0xF270];
	_ =	sdelay $0x2  }
0x3d1: {  	s9 =	sand.u32 $0x7, s30  }
0x3d2: {  	s9 =	sshll.u32 s9, $0x7  }
0x3d3: {  	s9 =	sadd.s32 s11, s9;
	v3 =	vadd.f32 v4, v3  }
0x3d4: {  	s16 =	sadd.s32 $0x80, s9;
	s9 =	sadd.s32 $0x180, s9  }
0x3d5: {  	s16 =	sor.u32 $0x400, s16;
	[tilespmem:s19+$0xFFFFFFF0] =	vst v3  }
0x3d6: {  	v3 =	vld [tilespmem:s16+$0x5200]  }
0x3d7: {  	v4 =	vld [tilespmem:s16+$0xF200];
	_ =	sdelay $0x4  }
0x3d8: {  	s16 =	sadd.s32 $0x100, s10;
	v3 =	vadd.f32 v4, v3  }
0x3d9: {  	s16 =	sand.u32 $0x300, s16  }
0x3da: {  	s16 =	sor.u32 s12, s16;
	[tilespmem:s13+$0xFFFFFF80] =	vst v3  }
0x3db: {  	v3 =	vld [tilespmem:s16+$0x5200]  }
0x3dc: {  	v4 =	vld [tilespmem:s16+$0xF200];
	_ =	sdelay $0x4  }
0x3dd: {  	v3 =	vadd.f32 v4, v3;
	_ =	sdelay $0x1  }
0x3de: {  	[tilespmem:s19+$0x0] =	vst v3  }
0x3df: {  	v3 =	vld [tilespmem:s16+$0x5210]  }
0x3e0: {  	v4 =	vld [tilespmem:s16+$0xF210];
	_ =	sdelay $0x4  }
0x3e1: {  	v3 =	vadd.f32 v4, v3;
	_ =	sdelay $0x1  }
0x3e2: {  	[tilespmem:s19+$0x10] =	vst v3  }
0x3e3: {  	v3 =	vld [tilespmem:s16+$0x5220]  }
0x3e4: {  	v4 =	vld [tilespmem:s16+$0xF220];
	_ =	sdelay $0x4  }
0x3e5: {  	v3 =	vadd.f32 v4, v3;
	_ =	sdelay $0x1  }
0x3e6: {  	[tilespmem:s19+$0x20] =	vst v3  }
0x3e7: {  	v3 =	vld [tilespmem:s16+$0x5230]  }
0x3e8: {  	v4 =	vld [tilespmem:s16+$0xF230];
	_ =	sdelay $0x4  }
0x3e9: {  	v3 =	vadd.f32 v4, v3;
	_ =	sdelay $0x1  }
0x3ea: {  	[tilespmem:s19+$0x30] =	vst v3  }
0x3eb: {  	v3 =	vld [tilespmem:s16+$0x5240]  }
0x3ec: {  	v4 =	vld [tilespmem:s16+$0xF240];
	_ =	sdelay $0x4  }
0x3ed: {  	v3 =	vadd.f32 v4, v3;
	_ =	sdelay $0x1  }
0x3ee: {  	[tilespmem:s19+$0x40] =	vst v3  }
0x3ef: {  	v3 =	vld [tilespmem:s16+$0x5250]  }
0x3f0: {  	v4 =	vld [tilespmem:s16+$0xF250];
	_ =	sdelay $0x4  }
0x3f1: {  	v3 =	vadd.f32 v4, v3;
	_ =	sdelay $0x1  }
0x3f2: {  	[tilespmem:s19+$0x50] =	vst v3  }
0x3f3: {  	v3 =	vld [tilespmem:s16+$0x5260]  }
0x3f4: {  	v4 =	vld [tilespmem:s16+$0xF260];
	_ =	sdelay $0x4  }
0x3f5: {  	v3 =	vadd.f32 v4, v3;
	_ =	sdelay $0x1  }
0x3f6: {  	[tilespmem:s19+$0x60] =	vst v3  }
0x3f7: {  	v3 =	vld [tilespmem:s16+$0x5270]  }
0x3f8: {  	v4 =	vld [tilespmem:s16+$0xF270];
	_ =	sdelay $0x2  }
0x3f9: {  	s16 =	sand.u32 $0x3, s24  }
0x3fa: {  	s16 =	sshll.u32 s16, $0x8  }
0x3fb: {  	s11 =	sadd.s32 s11, s16;
	v3 =	vadd.f32 v4, v3  }
0x3fc: {  	s11 =	sadd.s32 $0x100, s11  }
0x3fd: {  	s11 =	sor.u32 $0x400, s11;
	[tilespmem:s19+$0x70] =	vst v3  }
0x3fe: {  	v3 =	vld [tilespmem:s11+$0x5200]  }
0x3ff: {  	v4 =	vld [tilespmem:s11+$0xF200];
	_ =	sdelay $0x4  }
0x400: {  	s11 =	sadd.s32 $0x180, s10;
	v3 =	vadd.f32 v4, v3  }
0x401: {  	s11 =	sand.u32 $0x380, s11  }
0x402: {  	s12 =	sor.u32 s12, s11;
	[tilespmem:s13+$0x0] =	vst v3  }
0x403: {  	v3 =	vld [tilespmem:s12+$0x5200]  }
0x404: {  	v4 =	vld [tilespmem:s12+$0xF200];
	_ =	sdelay $0x4  }
0x405: {  	v3 =	vadd.f32 v4, v3;
	_ =	sdelay $0x1  }
0x406: {  	[tilespmem:s19+$0x80] =	vst v3  }
0x407: {  	v3 =	vld [tilespmem:s12+$0x5210]  }
0x408: {  	v4 =	vld [tilespmem:s12+$0xF210];
	_ =	sdelay $0x4  }
0x409: {  	v3 =	vadd.f32 v4, v3;
	_ =	sdelay $0x1  }
0x40a: {  	[tilespmem:s19+$0x90] =	vst v3  }
0x40b: {  	v3 =	vld [tilespmem:s12+$0x5220]  }
0x40c: {  	v4 =	vld [tilespmem:s12+$0xF220];
	_ =	sdelay $0x4  }
0x40d: {  	v3 =	vadd.f32 v4, v3;
	_ =	sdelay $0x1  }
0x40e: {  	[tilespmem:s19+$0xA0] =	vst v3  }
0x40f: {  	v3 =	vld [tilespmem:s12+$0x5230]  }
0x410: {  	v4 =	vld [tilespmem:s12+$0xF230];
	_ =	sdelay $0x4  }
0x411: {  	v3 =	vadd.f32 v4, v3;
	_ =	sdelay $0x1  }
0x412: {  	[tilespmem:s19+$0xB0] =	vst v3  }
0x413: {  	v3 =	vld [tilespmem:s12+$0x5240]  }
0x414: {  	v4 =	vld [tilespmem:s12+$0xF240];
	_ =	sdelay $0x1  }
.Ltmp1:
0x415: {  	(pc) =	sbr.rel @p1 .LBB2_5-.Ltmp1, $3  }
0x416: {  	_ =	sdelay $0x1  }
0x417: {  	v3 =	vadd.f32 v4, v3  }
0x418: {  	s10 =	sadd.s32 $0x200, s10;
	s13 =	sadd.s32 $0x200, s13;
	s19 =	sadd.s32 $0x200, s19  }
0x419: {  	[tilespmem:s26+$0xC0] =	vst v3  }
0x41a: {  	v3 =	vld [tilespmem:s12+$0x5250]  }
0x41b: {  	v4 =	vld [tilespmem:s12+$0xF250];
	_ =	sdelay $0x4  }
0x41c: {  	v3 =	vadd.f32 v4, v3;
	_ =	sdelay $0x1  }
0x41d: {  	[tilespmem:s26+$0xD0] =	vst v3  }
0x41e: {  	v3 =	vld [tilespmem:s12+$0x5260]  }
0x41f: {  	v51 =	vld [tilespmem:s12+$0xF260];
	_ =	sdelay $0x4  }
0x420: {  	v3 =	vadd.f32 v51, v3;
	_ =	sdelay $0x1  }
0x421: {  	[tilespmem:s26+$0xE0] =	vst v3  }
0x422: {  	v3 =	vld [tilespmem:s12+$0x5270]  }
0x423: {  	v52 =	vld [tilespmem:s12+$0xF270];
	_ =	sdelay $0x4  }
0x424: {  	v3 =	vadd.f32 v52, v3;
	_ =	sdelay $0x1  }
0x425: {  	s2 =	sor.u32 $0x400, s9;
	[tilespmem:s26+$0xF0] =	vst v3  }
0x426: {  	v3 =	vld [tilespmem:s2+$0x5200]  }
0x427: {  	v53 =	vld [tilespmem:s2+$0xF200];
	_ =	sdelay $0x4  }
0x428: {  	s26 =	sadd.s32 s29, s18;
	v3 =	vadd.f32 v53, v3  }
0x429: {  	s2 =	sshll.u32 s26, $0x4  }
0x42a: {  	s30 =	simm.s32 $0x16A00;
	s29 =	sadd.s32 s7, s2;
	[tilespmem:s0+$0x80] =	vst v3  }
0x42b: {  	[hbm4b:s29+s1] =	stream.linear.scatter [tilespmem:s30], [sflag:$0x6], $0x2800, $0x38;
	[tilespmem:$0x1E200] =	vst v63  }
0x42c: {  	s11 =	simm.s32 $0x1BA00;
	s10 =	sadd.s32 s8, s2  }
0x42d: {  	[hbm4b:s10+s1] =	stream.linear.scatter [tilespmem:s11], [sflag:$0x6], $0x2800, $0x38;
	[tilespmem:$0x1E200] =	vst v63  }
0x42e: {  	_ =	swait.ge [sflag:s31], $0x80  }
0x42f: {  	[sflag:s31] =	ssyncset.done $0x0  }
0x430: {  	[sflag:s31] =	ssyncadd.s32 $0xFFFFFF80  }
0x431: {  	_ =	swait.ge [sflag:s31], $0x80  }
0x432: {  	[sflag:s31] =	ssyncset.done $0x0  }
0x433: {  	[sflag:s31] =	ssyncadd.s32 $0xFFFFFF80  }
0x434: {  	v3 =	vld [tilespmem:$0x80];
	_ =	sdelay $0x4  }
0x435: {  	v54 =	vshll.u32 v3, $0x1  }
0x436: {  	v3 =	vand.u32 $0x7, v3;
	v4 =	vand.u32 $0xFFFFFFF0, v54  }
0x437: {  	v3 =	vor.u32 v3, v4  }
0x438: {  	v4 =	vperm.xlane v3, v0;
	_ =	sdelay $0x1  }
0x439: {  	v3 =	vperm.xlane v3, v2;
	v4 =	vadd.s32 v1, v4;
	_ =	sdelay $0x1  }
0x43a: {  	v3 =	vadd.s32 v1, v3;
	_ =	sdelay $0x1  }
0x43b: {  	s12 =	simm.s32 $0x5200  }
0x43c: {  	[tilespmem:s12], [sflag:$0x2] =	stream.indirect_vreg.gather [hbm4b:s3+s1], $0x80, v4, vm0, $0xb8;
	[tilespmem:$0x1E200] =	vst v63  }
0x43d: {  	s13 =	simm.s32 $0x5A00  }
0x43e: {  	[tilespmem:s13], [sflag:$0x2] =	stream.indirect_vreg.gather [hbm4b:s3+s1], $0x80, v3, vm0, $0xb8;
	[tilespmem:$0x1E200] =	vst v63  }
0x43f: {  	v3 =	vld [tilespmem:$0x90];
	_ =	sdelay $0x4  }
0x440: {  	v55 =	vshll.u32 v3, $0x1  }
0x441: {  	v3 =	vand.u32 $0x7, v3;
	v4 =	vand.u32 $0xFFFFFFF0, v55  }
0x442: {  	v3 =	vor.u32 v3, v4  }
0x443: {  	v4 =	vperm.xlane v3, v0;
	_ =	sdelay $0x1  }
0x444: {  	v3 =	vperm.xlane v3, v2;
	v4 =	vadd.s32 v1, v4;
	_ =	sdelay $0x1  }
0x445: {  	v3 =	vadd.s32 v1, v3;
	_ =	sdelay $0x1  }
0x446: {  	s16 =	simm.s32 $0x6200  }
0x447: {  	[tilespmem:s16], [sflag:$0x2] =	stream.indirect_vreg.gather [hbm4b:s3+s1], $0x80, v4, vm0, $0xb8;
	[tilespmem:$0x1E200] =	vst v63  }
0x448: {  	s19 =	simm.s32 $0x6A00  }
0x449: {  	[tilespmem:s19], [sflag:$0x2] =	stream.indirect_vreg.gather [hbm4b:s3+s1], $0x80, v3, vm0, $0xb8;
	[tilespmem:$0x1E200] =	vst v63  }
0x44a: {  	v3 =	vld [tilespmem:$0xA0];
	_ =	sdelay $0x4  }
0x44b: {  	v56 =	vshll.u32 v3, $0x1  }
0x44c: {  	v3 =	vand.u32 $0x7, v3;
	v4 =	vand.u32 $0xFFFFFFF0, v56  }
0x44d: {  	v3 =	vor.u32 v3, v4  }
0x44e: {  	v4 =	vperm.xlane v3, v0;
	_ =	sdelay $0x1  }
0x44f: {  	v3 =	vperm.xlane v3, v2;
	v4 =	vadd.s32 v1, v4;
	_ =	sdelay $0x1  }
0x450: {  	v3 =	vadd.s32 v1, v3;
	_ =	sdelay $0x1  }
0x451: {  	s24 =	simm.s32 $0x7200  }
0x452: {  	[tilespmem:s24], [sflag:$0x2] =	stream.indirect_vreg.gather [hbm4b:s3+s1], $0x80, v4, vm0, $0xb8;
	[tilespmem:$0x1E200] =	vst v63  }
0x453: {  	s26 =	simm.s32 $0x7A00  }
0x454: {  	[tilespmem:s26], [sflag:$0x2] =	stream.indirect_vreg.gather [hbm4b:s3+s1], $0x80, v3, vm0, $0xb8;
	[tilespmem:$0x1E200] =	vst v63  }
0x455: {  	v3 =	vld [tilespmem:$0xB0];
	_ =	sdelay $0x4  }
0x456: {  	v57 =	vshll.u32 v3, $0x1  }
0x457: {  	v3 =	vand.u32 $0x7, v3;
	v4 =	vand.u32 $0xFFFFFFF0, v57  }
0x458: {  	v3 =	vor.u32 v3, v4  }
0x459: {  	v4 =	vperm.xlane v3, v0;
	_ =	sdelay $0x1  }
0x45a: {  	v3 =	vperm.xlane v3, v2;
	v4 =	vadd.s32 v1, v4;
	_ =	sdelay $0x1  }
0x45b: {  	v3 =	vadd.s32 v1, v3;
	_ =	sdelay $0x1  }
0x45c: {  	s29 =	simm.s32 $0x8200  }
0x45d: {  	[tilespmem:s29], [sflag:$0x2] =	stream.indirect_vreg.gather [hbm4b:s3+s1], $0x80, v4, vm0, $0xb8;
	[tilespmem:$0x1E200] =	vst v63  }
0x45e: {  	s30 =	simm.s32 $0x8A00  }
0x45f: {  	[tilespmem:s30], [sflag:$0x2] =	stream.indirect_vreg.gather [hbm4b:s3+s1], $0x80, v3, vm0, $0xb8;
	[tilespmem:$0x1E200] =	vst v63  }
0x460: {  	v3 =	vld [tilespmem:$0xC0];
	_ =	sdelay $0x4  }
0x461: {  	v58 =	vshll.u32 v3, $0x1  }
0x462: {  	v3 =	vand.u32 $0x7, v3;
	v4 =	vand.u32 $0xFFFFFFF0, v58  }
0x463: {  	v3 =	vor.u32 v3, v4  }
0x464: {  	v4 =	vperm.xlane v3, v0;
	_ =	sdelay $0x1  }
0x465: {  	v3 =	vperm.xlane v3, v2;
	v4 =	vadd.s32 v1, v4;
	_ =	sdelay $0x1  }
0x466: {  	v3 =	vadd.s32 v1, v3;
	_ =	sdelay $0x1  }
0x467: {  	s2 =	simm.s32 $0x9200  }
0x468: {  	[tilespmem:s2], [sflag:$0x2] =	stream.indirect_vreg.gather [hbm4b:s3+s1], $0x80, v4, vm0, $0xb8;
	[tilespmem:$0x1E200] =	vst v63  }
0x469: {  	s9 =	simm.s32 $0x9A00  }
0x46a: {  	[tilespmem:s9], [sflag:$0x2] =	stream.indirect_vreg.gather [hbm4b:s3+s1], $0x80, v3, vm0, $0xb8;
	[tilespmem:$0x1E200] =	vst v63  }
0x46b: {  	v3 =	vld [tilespmem:$0x180];
	_ =	sdelay $0x4  }
0x46c: {  	v59 =	vshll.u32 v3, $0x1  }
0x46d: {  	v3 =	vand.u32 $0x7, v3;
	v4 =	vand.u32 $0xFFFFFFF0, v59  }
0x46e: {  	v3 =	vor.u32 v3, v4  }
0x46f: {  	v4 =	vperm.xlane v3, v0;
	_ =	sdelay $0x1  }
0x470: {  	v3 =	vperm.xlane v3, v2;
	v4 =	vadd.s32 v1, v4;
	_ =	sdelay $0x1  }
0x471: {  	v3 =	vadd.s32 v1, v3;
	_ =	sdelay $0x1  }
0x472: {  	s10 =	simm.s32 $0xF200  }
0x473: {  	[tilespmem:s10], [sflag:$0x4] =	stream.indirect_vreg.gather [hbm4b:s4+s1], $0x80, v4, vm0, $0xb8;
	[tilespmem:$0x1E200] =	vst v63  }
0x474: {  	s11 =	simm.s32 $0xFA00  }
0x475: {  	[tilespmem:s11], [sflag:$0x4] =	stream.indirect_vreg.gather [hbm4b:s4+s1], $0x80, v3, vm0, $0xb8;
	[tilespmem:$0x1E200] =	vst v63  }
0x476: {  	v3 =	vld [tilespmem:$0x190];
	_ =	sdelay $0x4  }
0x477: {  	v60 =	vshll.u32 v3, $0x1  }
0x478: {  	v3 =	vand.u32 $0x7, v3;
	v4 =	vand.u32 $0xFFFFFFF0, v60  }
0x479: {  	v3 =	vor.u32 v3, v4  }
0x47a: {  	v4 =	vperm.xlane v3, v0;
	_ =	sdelay $0x1  }
0x47b: {  	v3 =	vperm.xlane v3, v2;
	v4 =	vadd.s32 v1, v4;
	_ =	sdelay $0x1  }
0x47c: {  	v3 =	vadd.s32 v1, v3;
	_ =	sdelay $0x1  }
0x47d: {  	s12 =	simm.s32 $0x10200  }
0x47e: {  	[tilespmem:s12], [sflag:$0x4] =	stream.indirect_vreg.gather [hbm4b:s4+s1], $0x80, v4, vm0, $0xb8;
	[tilespmem:$0x1E200] =	vst v63  }
0x47f: {  	s13 =	simm.s32 $0x10A00  }
0x480: {  	[tilespmem:s13], [sflag:$0x4] =	stream.indirect_vreg.gather [hbm4b:s4+s1], $0x80, v3, vm0, $0xb8;
	[tilespmem:$0x1E200] =	vst v63  }
0x481: {  	v3 =	vld [tilespmem:$0x1A0];
	_ =	sdelay $0x4  }
0x482: {  	v61 =	vshll.u32 v3, $0x1  }
0x483: {  	v3 =	vand.u32 $0x7, v3;
	v4 =	vand.u32 $0xFFFFFFF0, v61  }
0x484: {  	v3 =	vor.u32 v3, v4  }
0x485: {  	v4 =	vperm.xlane v3, v0;
	_ =	sdelay $0x1  }
0x486: {  	v3 =	vperm.xlane v3, v2;
	v4 =	vadd.s32 v1, v4;
	_ =	sdelay $0x1  }
0x487: {  	v3 =	vadd.s32 v1, v3;
	_ =	sdelay $0x1  }
0x488: {  	s16 =	simm.s32 $0x11200  }
0x489: {  	[tilespmem:s16], [sflag:$0x4] =	stream.indirect_vreg.gather [hbm4b:s4+s1], $0x80, v4, vm0, $0xb8;
	[tilespmem:$0x1E200] =	vst v63  }
0x48a: {  	s19 =	simm.s32 $0x11A00  }
0x48b: {  	[tilespmem:s19], [sflag:$0x4] =	stream.indirect_vreg.gather [hbm4b:s4+s1], $0x80, v3, vm0, $0xb8;
	[tilespmem:$0x1E200] =	vst v63  }
0x48c: {  	v3 =	vld [tilespmem:$0x1B0];
	_ =	sdelay $0x4  }
0x48d: {  	v62 =	vshll.u32 v3, $0x1  }
0x48e: {  	v3 =	vand.u32 $0x7, v3;
	v4 =	vand.u32 $0xFFFFFFF0, v62  }
0x48f: {  	v3 =	vor.u32 v3, v4  }
0x490: {  	v4 =	vperm.xlane v3, v0;
	_ =	sdelay $0x1  }
0x491: {  	v3 =	vperm.xlane v3, v2;
	v4 =	vadd.s32 v1, v4;
	_ =	sdelay $0x1  }
0x492: {  	v3 =	vadd.s32 v1, v3;
	_ =	sdelay $0x1  }
0x493: {  	s24 =	simm.s32 $0x12200  }
0x494: {  	[tilespmem:s24], [sflag:$0x4] =	stream.indirect_vreg.gather [hbm4b:s4+s1], $0x80, v4, vm0, $0xb8;
	[tilespmem:$0x1E200] =	vst v63  }
0x495: {  	s26 =	simm.s32 $0x12A00  }
0x496: {  	[tilespmem:s26], [sflag:$0x4] =	stream.indirect_vreg.gather [hbm4b:s4+s1], $0x80, v3, vm0, $0xb8;
	[tilespmem:$0x1E200] =	vst v63  }
0x497: {  	v3 =	vld [tilespmem:$0x1C0];
	_ =	sdelay $0x4  }
0x498: {  	v63 =	vshll.u32 v3, $0x1  }
0x499: {  	v3 =	vand.u32 $0x7, v3;
	v4 =	vand.u32 $0xFFFFFFF0, v63  }
0x49a: {  	v3 =	vor.u32 v3, v4  }
0x49b: {  	v4 =	vperm.xlane v3, v0;
	_ =	sdelay $0x1  }
0x49c: {  	v3 =	vperm.xlane v3, v2;
	v4 =	vadd.s32 v1, v4  }
0x49d: {  	s25 =	sadd.s32 $0x1, s25  }
0x49e: {  	p0 =	sne.s32 s25, $0x3E;
	v3 =	vadd.s32 v1, v3  }
.Ltmp2:
0x49f: {  	_ = 	snop;
	(pc) =	sbr.rel @p0 .LBB2_2-.Ltmp2, $4  }
0x4a0: {  	s29 =	simm.s32 $0x13200  }
0x4a1: {  	[tilespmem:s29], [sflag:$0x4] =	stream.indirect_vreg.gather [hbm4b:s4+s1], $0x80, v4, vm0, $0xb8;
	[tilespmem:$0x1E200] =	vst v63  }
0x4a2: {  	s30 =	simm.s32 $0x13A00  }
0x4a3: {  	[tilespmem:s30], [sflag:$0x4] =	stream.indirect_vreg.gather [hbm4b:s4+s1], $0x80, v3, vm0, $0xb8;
	[tilespmem:$0x1E200] =	vst v63  }
0x4a4: {  	s25 =	simm.s32 $0x0;
	s0 =	rddreg [dreg:$0xa]  }
0x4a5: {  	[tilespmem:s25], [sflag:$0x7] =	stream.linear.gather [hbm4b:s0+s25], $0x80, $0x38;
	[tilespmem:$0x1E200] =	vst v63  }
0x4a6: {  	s12 =	rddreg [dreg:$0xb];
	s2 =	simm.s32 $0x100  }
0x4a7: {  	[tilespmem:s2], [sflag:$0x7] =	stream.linear.gather [hbm4b:s12+s25], $0x80, $0x38;
	[tilespmem:$0x1E200] =	vst v63  }
0x4a8: {  	_ =	swait.ge [sflag:s20], $0x5000  }
0x4a9: {  	[sflag:s20] =	ssyncset.done $0x0  }
0x4aa: {  	[sflag:s20] =	ssyncadd.s32 $0xFFFFB000  }
0x4ab: {  	_ =	swait.ge [sflag:s21], $0x5000  }
0x4ac: {  	[sflag:s21] =	ssyncset.done $0x0  }
0x4ad: {  	[sflag:s21] =	ssyncadd.s32 $0xFFFFB000  }
0x4ae: {  	_ =	swait.ge [sflag:s22], $0x2800  }
0x4af: {  	[sflag:s22] =	ssyncset.done $0x0  }
0x4b0: {  	[sflag:s22] =	ssyncadd.s32 $0xFFFFD800  }
0x4b1: {  	_ =	swait.ge [sflag:s22], $0x2800  }
0x4b2: {  	s13 =	sand.u32 $0x7800, s25;
	s16 =	sand.u32 $0x200, s25;
	[sflag:s22] =	ssyncset.done $0x0  }
0x4b3: {  	s0 =	sor.u32 s16, s13;
	[sflag:s22] =	ssyncadd.s32 $0xFFFFD800  }
0x4b4: {  	v3 =	vld [tilespmem:s0+$0x200]  }
0x4b5: {  	v4 =	vld [tilespmem:s0+$0xA200];
	_ =	sdelay $0x4  }
0x4b6: {  	v3 =	vadd.f32 v4, v3  }
0x4b7: {  	s26 =	simm.s32 $0x14300  }
0x4b8: {  	[tilespmem:s26+$0xFFFFFF00] =	vst v3  }
0x4b9: {  	v3 =	vld [tilespmem:s0+$0x210]  }
0x4ba: {  	v4 =	vld [tilespmem:s0+$0xA210];
	_ =	sdelay $0x4  }
0x4bb: {  	v3 =	vadd.f32 v4, v3;
	_ =	sdelay $0x1  }
0x4bc: {  	[tilespmem:s26+$0xFFFFFF10] =	vst v3  }
0x4bd: {  	v3 =	vld [tilespmem:s0+$0x220]  }
0x4be: {  	v4 =	vld [tilespmem:s0+$0xA220];
	_ =	sdelay $0x4  }
0x4bf: {  	v3 =	vadd.f32 v4, v3;
	_ =	sdelay $0x1  }
0x4c0: {  	[tilespmem:s26+$0xFFFFFF20] =	vst v3  }
0x4c1: {  	v3 =	vld [tilespmem:s0+$0x230]  }
0x4c2: {  	v4 =	vld [tilespmem:s0+$0xA230];
	_ =	sdelay $0x4  }
0x4c3: {  	v3 =	vadd.f32 v4, v3;
	_ =	sdelay $0x1  }
0x4c4: {  	[tilespmem:s26+$0xFFFFFF30] =	vst v3  }
0x4c5: {  	v3 =	vld [tilespmem:s0+$0x240]  }
0x4c6: {  	v4 =	vld [tilespmem:s0+$0xA240];
	_ =	sdelay $0x4  }
0x4c7: {  	v3 =	vadd.f32 v4, v3;
	_ =	sdelay $0x1  }
0x4c8: {  	[tilespmem:s26+$0xFFFFFF40] =	vst v3  }
0x4c9: {  	v3 =	vld [tilespmem:s0+$0x250]  }
0x4ca: {  	v4 =	vld [tilespmem:s0+$0xA250];
	_ =	sdelay $0x4  }
0x4cb: {  	v3 =	vadd.f32 v4, v3;
	_ =	sdelay $0x1  }
0x4cc: {  	[tilespmem:s26+$0xFFFFFF50] =	vst v3  }
0x4cd: {  	v3 =	vld [tilespmem:s0+$0x260]  }
0x4ce: {  	v4 =	vld [tilespmem:s0+$0xA260];
	_ =	sdelay $0x4  }
0x4cf: {  	v3 =	vadd.f32 v4, v3;
	_ =	sdelay $0x1  }
0x4d0: {  	[tilespmem:s26+$0xFFFFFF60] =	vst v3  }
0x4d1: {  	v3 =	vld [tilespmem:s0+$0x270]  }
0x4d2: {  	v4 =	vld [tilespmem:s0+$0xA270];
	_ =	sdelay $0x2  }
0x4d3: {  	p0 =	por $0x0, $0x0;
	s0 =	simm.s32 $0x1  }
0x4d4: {  	s0 =	simm.s32 @!p0 $0x0  }
0x4d5: {  	s0 =	sshll.u32 s0, $0x9;
	v3 =	vadd.f32 v4, v3  }
0x4d6: {  	s0 =	sadd.s32 $0x0, s0  }
0x4d7: {  	s0 =	sor.u32 $0x400, s0;
	[tilespmem:s26+$0xFFFFFF70] =	vst v3  }
0x4d8: {  	v3 =	vld [tilespmem:s0+$0x200]  }
0x4d9: {  	v4 =	vld [tilespmem:s0+$0xA200];
	_ =	sdelay $0x4  }
0x4da: {  	s9 =	simm.s32 $0x80;
	v3 =	vadd.f32 v4, v3  }
0x4db: {  	s9 =	sand.u32 $0x280, s9;
	s0 =	simm.s32 $0x19300  }
0x4dc: {  	s9 =	sor.u32 s13, s9;
	[tilespmem:s0+$0xFFFFFF00] =	vst v3  }
0x4dd: {  	v3 =	vld [tilespmem:s9+$0x200]  }
0x4de: {  	v4 =	vld [tilespmem:s9+$0xA200];
	_ =	sdelay $0x4  }
0x4df: {  	v3 =	vadd.f32 v4, v3;
	_ =	sdelay $0x1  }
0x4e0: {  	[tilespmem:s26+$0xFFFFFF80] =	vst v3  }
0x4e1: {  	v3 =	vld [tilespmem:s9+$0x210]  }
0x4e2: {  	v4 =	vld [tilespmem:s9+$0xA210];
	_ =	sdelay $0x4  }
0x4e3: {  	v3 =	vadd.f32 v4, v3;
	_ =	sdelay $0x1  }
0x4e4: {  	[tilespmem:s26+$0xFFFFFF90] =	vst v3  }
0x4e5: {  	v3 =	vld [tilespmem:s9+$0x220]  }
0x4e6: {  	v4 =	vld [tilespmem:s9+$0xA220];
	_ =	sdelay $0x4  }
0x4e7: {  	v3 =	vadd.f32 v4, v3;
	_ =	sdelay $0x1  }
0x4e8: {  	[tilespmem:s26+$0xFFFFFFA0] =	vst v3  }
0x4e9: {  	v3 =	vld [tilespmem:s9+$0x230]  }
0x4ea: {  	v4 =	vld [tilespmem:s9+$0xA230];
	_ =	sdelay $0x4  }
0x4eb: {  	v3 =	vadd.f32 v4, v3;
	_ =	sdelay $0x1  }
0x4ec: {  	[tilespmem:s26+$0xFFFFFFB0] =	vst v3  }
0x4ed: {  	v3 =	vld [tilespmem:s9+$0x240]  }
0x4ee: {  	v4 =	vld [tilespmem:s9+$0xA240];
	_ =	sdelay $0x4  }
0x4ef: {  	v3 =	vadd.f32 v4, v3;
	_ =	sdelay $0x1  }
0x4f0: {  	[tilespmem:s26+$0xFFFFFFC0] =	vst v3  }
0x4f1: {  	v3 =	vld [tilespmem:s9+$0x250]  }
0x4f2: {  	v4 =	vld [tilespmem:s9+$0xA250];
	_ =	sdelay $0x4  }
0x4f3: {  	v3 =	vadd.f32 v4, v3;
	_ =	sdelay $0x1  }
0x4f4: {  	[tilespmem:s26+$0xFFFFFFD0] =	vst v3  }
0x4f5: {  	v3 =	vld [tilespmem:s9+$0x260]  }
0x4f6: {  	v4 =	vld [tilespmem:s9+$0xA260];
	_ =	sdelay $0x4  }
0x4f7: {  	v3 =	vadd.f32 v4, v3;
	_ =	sdelay $0x1  }
0x4f8: {  	[tilespmem:s26+$0xFFFFFFE0] =	vst v3  }
0x4f9: {  	v3 =	vld [tilespmem:s9+$0x270]  }
0x4fa: {  	v4 =	vld [tilespmem:s9+$0xA270];
	_ =	sdelay $0x2  }
0x4fb: {  	s19 =	sand.u32 $0x7, s25  }
0x4fc: {  	s9 =	sshll.u32 s19, $0x7  }
0x4fd: {  	s9 =	sadd.s32 $0x0, s9;
	v3 =	vadd.f32 v4, v3  }
0x4fe: {  	s10 =	sadd.s32 $0x80, s9  }
0x4ff: {  	s10 =	sor.u32 $0x400, s10;
	[tilespmem:s26+$0xFFFFFFF0] =	vst v3  }
0x500: {  	v3 =	vld [tilespmem:s10+$0x200]  }
0x501: {  	v4 =	vld [tilespmem:s10+$0xA200];
	_ =	sdelay $0x4  }
0x502: {  	s24 =	simm.s32 $0x100;
	v3 =	vadd.f32 v4, v3  }
0x503: {  	s10 =	sand.u32 $0x300, s24  }
0x504: {  	s10 =	sor.u32 s13, s10;
	[tilespmem:s0+$0xFFFFFF80] =	vst v3  }
0x505: {  	v3 =	vld [tilespmem:s10+$0x200]  }
0x506: {  	v4 =	vld [tilespmem:s10+$0xA200];
	_ =	sdelay $0x4  }
0x507: {  	v3 =	vadd.f32 v4, v3;
	_ =	sdelay $0x1  }
0x508: {  	[tilespmem:s26+$0x0] =	vst v3  }
0x509: {  	v3 =	vld [tilespmem:s10+$0x210]  }
0x50a: {  	v4 =	vld [tilespmem:s10+$0xA210];
	_ =	sdelay $0x4  }
0x50b: {  	v3 =	vadd.f32 v4, v3;
	_ =	sdelay $0x1  }
0x50c: {  	[tilespmem:s26+$0x10] =	vst v3  }
0x50d: {  	v3 =	vld [tilespmem:s10+$0x220]  }
0x50e: {  	v4 =	vld [tilespmem:s10+$0xA220];
	_ =	sdelay $0x4  }
0x50f: {  	v3 =	vadd.f32 v4, v3;
	_ =	sdelay $0x1  }
0x510: {  	[tilespmem:s26+$0x20] =	vst v3  }
0x511: {  	v3 =	vld [tilespmem:s10+$0x230]  }
0x512: {  	v4 =	vld [tilespmem:s10+$0xA230];
	_ =	sdelay $0x4  }
0x513: {  	v3 =	vadd.f32 v4, v3;
	_ =	sdelay $0x1  }
0x514: {  	[tilespmem:s26+$0x30] =	vst v3  }
0x515: {  	v3 =	vld [tilespmem:s10+$0x240]  }
0x516: {  	v4 =	vld [tilespmem:s10+$0xA240];
	_ =	sdelay $0x4  }
0x517: {  	v3 =	vadd.f32 v4, v3;
	_ =	sdelay $0x1  }
0x518: {  	[tilespmem:s26+$0x40] =	vst v3  }
0x519: {  	v3 =	vld [tilespmem:s10+$0x250]  }
0x51a: {  	v4 =	vld [tilespmem:s10+$0xA250];
	_ =	sdelay $0x4  }
0x51b: {  	v3 =	vadd.f32 v4, v3;
	_ =	sdelay $0x1  }
0x51c: {  	[tilespmem:s26+$0x50] =	vst v3  }
0x51d: {  	v3 =	vld [tilespmem:s10+$0x260]  }
0x51e: {  	v4 =	vld [tilespmem:s10+$0xA260];
	_ =	sdelay $0x4  }
0x51f: {  	v3 =	vadd.f32 v4, v3;
	_ =	sdelay $0x1  }
0x520: {  	[tilespmem:s26+$0x60] =	vst v3  }
0x521: {  	v3 =	vld [tilespmem:s10+$0x270]  }
0x522: {  	v4 =	vld [tilespmem:s10+$0xA270];
	_ =	sdelay $0x2  }
0x523: {  	s29 =	sand.u32 $0x3, s25  }
0x524: {  	s10 =	sshll.u32 s29, $0x8  }
0x525: {  	s10 =	sadd.s32 $0x0, s10;
	v3 =	vadd.f32 v4, v3  }
0x526: {  	s10 =	sadd.s32 $0x100, s10  }
0x527: {  	s10 =	sor.u32 $0x400, s10;
	[tilespmem:s26+$0x70] =	vst v3  }
0x528: {  	v3 =	vld [tilespmem:s10+$0x200]  }
0x529: {  	v4 =	vld [tilespmem:s10+$0xA200];
	_ =	sdelay $0x4  }
0x52a: {  	s30 =	simm.s32 $0x180;
	v3 =	vadd.f32 v4, v3  }
0x52b: {  	s10 =	sand.u32 $0x380, s30  }
0x52c: {  	s12 =	sor.u32 s13, s10;
	[tilespmem:s0+$0x0] =	vst v3  }
0x52d: {  	v3 =	vld [tilespmem:s12+$0x200]  }
0x52e: {  	v4 =	vld [tilespmem:s12+$0xA200];
	_ =	sdelay $0x4  }
0x52f: {  	v3 =	vadd.f32 v4, v3;
	_ =	sdelay $0x1  }
0x530: {  	[tilespmem:s26+$0x80] =	vst v3  }
0x531: {  	v3 =	vld [tilespmem:s12+$0x210]  }
0x532: {  	v4 =	vld [tilespmem:s12+$0xA210];
	_ =	sdelay $0x4  }
0x533: {  	v3 =	vadd.f32 v4, v3;
	_ =	sdelay $0x1  }
0x534: {  	[tilespmem:s26+$0x90] =	vst v3  }
0x535: {  	v3 =	vld [tilespmem:s12+$0x220]  }
0x536: {  	v4 =	vld [tilespmem:s12+$0xA220];
	_ =	sdelay $0x4  }
0x537: {  	v3 =	vadd.f32 v4, v3;
	_ =	sdelay $0x1  }
0x538: {  	[tilespmem:s26+$0xA0] =	vst v3  }
0x539: {  	v3 =	vld [tilespmem:s12+$0x230]  }
0x53a: {  	v4 =	vld [tilespmem:s12+$0xA230];
	_ =	sdelay $0x4  }
0x53b: {  	v3 =	vadd.f32 v4, v3;
	_ =	sdelay $0x1  }
0x53c: {  	[tilespmem:s26+$0xB0] =	vst v3  }
0x53d: {  	v3 =	vld [tilespmem:s12+$0x240]  }
0x53e: {  	v4 =	vld [tilespmem:s12+$0xA240];
	_ =	sdelay $0x4  }
0x53f: {  	s2 =	simm.s32 $0x400;
	s19 =	simm.s32 $0x14500;
	s9 =	sadd.s32 $0x180, s9;
	v3 =	vadd.f32 v4, v3  }
0x540: {  	s24 =	simm.s32 $0x0;
	s10 =	simm.s32 $0x200;
	s13 =	simm.s32 $0x19500  }
.LBB2_8:
0x541: {  	[tilespmem:s26+$0xC0] =	vst v3;
	s25 =	sadd.s32 $0x4, s25;
	s24 =	sadd.s32 $0x2, s24;
	p0 =	por !p0, !p0  }
0x542: {  	p1 =	sne.s32 s2, $0x4C00;
	s11 =	smov.u32 s2;
	s2 =	sadd.s32 $0x400, s2;
	v3 =	vld [tilespmem:s12+$0x250]  }
0x543: {  	v4 =	vld [tilespmem:s12+$0xA250];
	_ =	sdelay $0x4  }
0x544: {  	v3 =	vadd.f32 v4, v3;
	_ =	sdelay $0x1  }
0x545: {  	[tilespmem:s26+$0xD0] =	vst v3  }
0x546: {  	v3 =	vld [tilespmem:s12+$0x260]  }
0x547: {  	v4 =	vld [tilespmem:s12+$0xA260];
	_ =	sdelay $0x4  }
0x548: {  	v3 =	vadd.f32 v4, v3;
	_ =	sdelay $0x1  }
0x549: {  	[tilespmem:s26+$0xE0] =	vst v3  }
0x54a: {  	v3 =	vld [tilespmem:s12+$0x270]  }
0x54b: {  	v4 =	vld [tilespmem:s12+$0xA270];
	_ =	sdelay $0x4  }
0x54c: {  	v3 =	vadd.f32 v4, v3;
	_ =	sdelay $0x1  }
0x54d: {  	s9 =	sor.u32 $0x400, s9;
	[tilespmem:s26+$0xF0] =	vst v3;
	s26 =	smov.u32 s19  }
0x54e: {  	v3 =	vld [tilespmem:s9+$0x200]  }
0x54f: {  	v4 =	vld [tilespmem:s9+$0xA200];
	_ =	sdelay $0x4  }
0x550: {  	v3 =	vadd.f32 v4, v3  }
0x551: {  	s12 =	sand.u32 $0x7800, s11;
	s9 =	sand.u32 $0x200, s10  }
0x552: {  	s9 =	sor.u32 s9, s12;
	[tilespmem:s0+$0x80] =	vst v3;
	s0 =	smov.u32 s13  }
0x553: {  	v3 =	vld [tilespmem:s9+$0x200]  }
0x554: {  	v4 =	vld [tilespmem:s9+$0xA200];
	_ =	sdelay $0x4  }
0x555: {  	v3 =	vadd.f32 v4, v3;
	_ =	sdelay $0x1  }
0x556: {  	[tilespmem:s19+$0xFFFFFF00] =	vst v3  }
0x557: {  	v3 =	vld [tilespmem:s9+$0x210]  }
0x558: {  	v4 =	vld [tilespmem:s9+$0xA210];
	_ =	sdelay $0x4  }
0x559: {  	v3 =	vadd.f32 v4, v3;
	_ =	sdelay $0x1  }
0x55a: {  	[tilespmem:s19+$0xFFFFFF10] =	vst v3  }
0x55b: {  	v3 =	vld [tilespmem:s9+$0x220]  }
0x55c: {  	v4 =	vld [tilespmem:s9+$0xA220];
	_ =	sdelay $0x4  }
0x55d: {  	v3 =	vadd.f32 v4, v3;
	_ =	sdelay $0x1  }
0x55e: {  	[tilespmem:s19+$0xFFFFFF20] =	vst v3  }
0x55f: {  	v3 =	vld [tilespmem:s9+$0x230]  }
0x560: {  	v4 =	vld [tilespmem:s9+$0xA230];
	_ =	sdelay $0x4  }
0x561: {  	v3 =	vadd.f32 v4, v3;
	_ =	sdelay $0x1  }
0x562: {  	[tilespmem:s19+$0xFFFFFF30] =	vst v3  }
0x563: {  	v3 =	vld [tilespmem:s9+$0x240]  }
0x564: {  	v4 =	vld [tilespmem:s9+$0xA240];
	_ =	sdelay $0x4  }
0x565: {  	v3 =	vadd.f32 v4, v3;
	_ =	sdelay $0x1  }
0x566: {  	[tilespmem:s19+$0xFFFFFF40] =	vst v3  }
0x567: {  	v3 =	vld [tilespmem:s9+$0x250]  }
0x568: {  	v4 =	vld [tilespmem:s9+$0xA250];
	_ =	sdelay $0x4  }
0x569: {  	v3 =	vadd.f32 v4, v3;
	_ =	sdelay $0x1  }
0x56a: {  	[tilespmem:s19+$0xFFFFFF50] =	vst v3  }
0x56b: {  	v3 =	vld [tilespmem:s9+$0x260]  }
0x56c: {  	v4 =	vld [tilespmem:s9+$0xA260];
	_ =	sdelay $0x4  }
0x56d: {  	v3 =	vadd.f32 v4, v3;
	_ =	sdelay $0x1  }
0x56e: {  	[tilespmem:s19+$0xFFFFFF60] =	vst v3  }
0x56f: {  	v3 =	vld [tilespmem:s9+$0x270]  }
0x570: {  	v4 =	vld [tilespmem:s9+$0xA270];
	_ =	sdelay $0x2  }
0x571: {  	s9 =	simm.s32 $0x1  }
0x572: {  	s9 =	simm.s32 @!p0 $0x0  }
0x573: {  	s9 =	sshll.u32 s9, $0x9;
	v3 =	vadd.f32 v4, v3  }
0x574: {  	s9 =	sadd.s32 s9, s11  }
0x575: {  	s9 =	sor.u32 $0x400, s9;
	[tilespmem:s19+$0xFFFFFF70] =	vst v3  }
0x576: {  	v3 =	vld [tilespmem:s9+$0x200]  }
0x577: {  	v4 =	vld [tilespmem:s9+$0xA200];
	_ =	sdelay $0x4  }
0x578: {  	s9 =	sadd.s32 $0x80, s10;
	v3 =	vadd.f32 v4, v3  }
0x579: {  	s9 =	sand.u32 $0x280, s9  }
0x57a: {  	s9 =	sor.u32 s12, s9;
	[tilespmem:s13+$0xFFFFFF00] =	vst v3  }
0x57b: {  	v3 =	vld [tilespmem:s9+$0x200]  }
0x57c: {  	v4 =	vld [tilespmem:s9+$0xA200];
	_ =	sdelay $0x4  }
0x57d: {  	v3 =	vadd.f32 v4, v3;
	_ =	sdelay $0x1  }
0x57e: {  	[tilespmem:s19+$0xFFFFFF80] =	vst v3  }
0x57f: {  	v3 =	vld [tilespmem:s9+$0x210]  }
0x580: {  	v4 =	vld [tilespmem:s9+$0xA210];
	_ =	sdelay $0x4  }
0x581: {  	v3 =	vadd.f32 v4, v3;
	_ =	sdelay $0x1  }
0x582: {  	[tilespmem:s19+$0xFFFFFF90] =	vst v3  }
0x583: {  	v3 =	vld [tilespmem:s9+$0x220]  }
0x584: {  	v4 =	vld [tilespmem:s9+$0xA220];
	_ =	sdelay $0x4  }
0x585: {  	v3 =	vadd.f32 v4, v3;
	_ =	sdelay $0x1  }
0x586: {  	[tilespmem:s19+$0xFFFFFFA0] =	vst v3  }
0x587: {  	v3 =	vld [tilespmem:s9+$0x230]  }
0x588: {  	v4 =	vld [tilespmem:s9+$0xA230];
	_ =	sdelay $0x4  }
0x589: {  	v3 =	vadd.f32 v4, v3;
	_ =	sdelay $0x1  }
0x58a: {  	[tilespmem:s19+$0xFFFFFFB0] =	vst v3  }
0x58b: {  	v3 =	vld [tilespmem:s9+$0x240]  }
0x58c: {  	v4 =	vld [tilespmem:s9+$0xA240];
	_ =	sdelay $0x4  }
0x58d: {  	v3 =	vadd.f32 v4, v3;
	_ =	sdelay $0x1  }
0x58e: {  	[tilespmem:s19+$0xFFFFFFC0] =	vst v3  }
0x58f: {  	v3 =	vld [tilespmem:s9+$0x250]  }
0x590: {  	v4 =	vld [tilespmem:s9+$0xA250];
	_ =	sdelay $0x4  }
0x591: {  	v3 =	vadd.f32 v4, v3;
	_ =	sdelay $0x1  }
0x592: {  	[tilespmem:s19+$0xFFFFFFD0] =	vst v3  }
0x593: {  	v3 =	vld [tilespmem:s9+$0x260]  }
0x594: {  	v4 =	vld [tilespmem:s9+$0xA260];
	_ =	sdelay $0x4  }
0x595: {  	v3 =	vadd.f32 v4, v3;
	_ =	sdelay $0x1  }
0x596: {  	[tilespmem:s19+$0xFFFFFFE0] =	vst v3  }
0x597: {  	v3 =	vld [tilespmem:s9+$0x270]  }
0x598: {  	v4 =	vld [tilespmem:s9+$0xA270];
	_ =	sdelay $0x2  }
0x599: {  	s9 =	sand.u32 $0x7, s25  }
0x59a: {  	s9 =	sshll.u32 s9, $0x7  }
0x59b: {  	s9 =	sadd.s32 s11, s9;
	v3 =	vadd.f32 v4, v3  }
0x59c: {  	s16 =	sadd.s32 $0x80, s9;
	s9 =	sadd.s32 $0x180, s9  }
0x59d: {  	s16 =	sor.u32 $0x400, s16;
	[tilespmem:s19+$0xFFFFFFF0] =	vst v3  }
0x59e: {  	v3 =	vld [tilespmem:s16+$0x200]  }
0x59f: {  	v4 =	vld [tilespmem:s16+$0xA200];
	_ =	sdelay $0x4  }
0x5a0: {  	s16 =	sadd.s32 $0x100, s10;
	v3 =	vadd.f32 v4, v3  }
0x5a1: {  	s16 =	sand.u32 $0x300, s16  }
0x5a2: {  	s16 =	sor.u32 s12, s16;
	[tilespmem:s13+$0xFFFFFF80] =	vst v3  }
0x5a3: {  	v3 =	vld [tilespmem:s16+$0x200]  }
0x5a4: {  	v4 =	vld [tilespmem:s16+$0xA200];
	_ =	sdelay $0x4  }
0x5a5: {  	v3 =	vadd.f32 v4, v3;
	_ =	sdelay $0x1  }
0x5a6: {  	[tilespmem:s19+$0x0] =	vst v3  }
0x5a7: {  	v3 =	vld [tilespmem:s16+$0x210]  }
0x5a8: {  	v4 =	vld [tilespmem:s16+$0xA210];
	_ =	sdelay $0x4  }
0x5a9: {  	v3 =	vadd.f32 v4, v3;
	_ =	sdelay $0x1  }
0x5aa: {  	[tilespmem:s19+$0x10] =	vst v3  }
0x5ab: {  	v3 =	vld [tilespmem:s16+$0x220]  }
0x5ac: {  	v4 =	vld [tilespmem:s16+$0xA220];
	_ =	sdelay $0x4  }
0x5ad: {  	v3 =	vadd.f32 v4, v3;
	_ =	sdelay $0x1  }
0x5ae: {  	[tilespmem:s19+$0x20] =	vst v3  }
0x5af: {  	v3 =	vld [tilespmem:s16+$0x230]  }
0x5b0: {  	v4 =	vld [tilespmem:s16+$0xA230];
	_ =	sdelay $0x4  }
0x5b1: {  	v3 =	vadd.f32 v4, v3;
	_ =	sdelay $0x1  }
0x5b2: {  	[tilespmem:s19+$0x30] =	vst v3  }
0x5b3: {  	v3 =	vld [tilespmem:s16+$0x240]  }
0x5b4: {  	v4 =	vld [tilespmem:s16+$0xA240];
	_ =	sdelay $0x4  }
0x5b5: {  	v3 =	vadd.f32 v4, v3;
	_ =	sdelay $0x1  }
0x5b6: {  	[tilespmem:s19+$0x40] =	vst v3  }
0x5b7: {  	v3 =	vld [tilespmem:s16+$0x250]  }
0x5b8: {  	v4 =	vld [tilespmem:s16+$0xA250];
	_ =	sdelay $0x4  }
0x5b9: {  	v3 =	vadd.f32 v4, v3;
	_ =	sdelay $0x1  }
0x5ba: {  	[tilespmem:s19+$0x50] =	vst v3  }
0x5bb: {  	v3 =	vld [tilespmem:s16+$0x260]  }
0x5bc: {  	v4 =	vld [tilespmem:s16+$0xA260];
	_ =	sdelay $0x4  }
0x5bd: {  	v3 =	vadd.f32 v4, v3;
	_ =	sdelay $0x1  }
0x5be: {  	[tilespmem:s19+$0x60] =	vst v3  }
0x5bf: {  	v3 =	vld [tilespmem:s16+$0x270]  }
0x5c0: {  	v4 =	vld [tilespmem:s16+$0xA270];
	_ =	sdelay $0x2  }
0x5c1: {  	s16 =	sand.u32 $0x3, s24  }
0x5c2: {  	s16 =	sshll.u32 s16, $0x8  }
0x5c3: {  	s11 =	sadd.s32 s11, s16;
	v3 =	vadd.f32 v4, v3  }
0x5c4: {  	s11 =	sadd.s32 $0x100, s11  }
0x5c5: {  	s11 =	sor.u32 $0x400, s11;
	[tilespmem:s19+$0x70] =	vst v3  }
0x5c6: {  	v3 =	vld [tilespmem:s11+$0x200]  }
0x5c7: {  	v4 =	vld [tilespmem:s11+$0xA200];
	_ =	sdelay $0x4  }
0x5c8: {  	s11 =	sadd.s32 $0x180, s10;
	v3 =	vadd.f32 v4, v3  }
0x5c9: {  	s11 =	sand.u32 $0x380, s11  }
0x5ca: {  	s12 =	sor.u32 s12, s11;
	[tilespmem:s13+$0x0] =	vst v3  }
0x5cb: {  	v3 =	vld [tilespmem:s12+$0x200]  }
0x5cc: {  	v4 =	vld [tilespmem:s12+$0xA200];
	_ =	sdelay $0x4  }
0x5cd: {  	v3 =	vadd.f32 v4, v3;
	_ =	sdelay $0x1  }
0x5ce: {  	[tilespmem:s19+$0x80] =	vst v3  }
0x5cf: {  	v3 =	vld [tilespmem:s12+$0x210]  }
0x5d0: {  	v4 =	vld [tilespmem:s12+$0xA210];
	_ =	sdelay $0x4  }
0x5d1: {  	v3 =	vadd.f32 v4, v3;
	_ =	sdelay $0x1  }
0x5d2: {  	[tilespmem:s19+$0x90] =	vst v3  }
0x5d3: {  	v3 =	vld [tilespmem:s12+$0x220]  }
0x5d4: {  	v4 =	vld [tilespmem:s12+$0xA220];
	_ =	sdelay $0x4  }
0x5d5: {  	v3 =	vadd.f32 v4, v3;
	_ =	sdelay $0x1  }
0x5d6: {  	[tilespmem:s19+$0xA0] =	vst v3  }
0x5d7: {  	v3 =	vld [tilespmem:s12+$0x230]  }
0x5d8: {  	v4 =	vld [tilespmem:s12+$0xA230];
	_ =	sdelay $0x4  }
0x5d9: {  	v3 =	vadd.f32 v4, v3;
	_ =	sdelay $0x1  }
0x5da: {  	[tilespmem:s19+$0xB0] =	vst v3  }
0x5db: {  	v3 =	vld [tilespmem:s12+$0x240]  }
0x5dc: {  	v4 =	vld [tilespmem:s12+$0xA240];
	_ =	sdelay $0x1  }
.Ltmp3:
0x5dd: {  	(pc) =	sbr.rel @p1 .LBB2_8-.Ltmp3, $3  }
0x5de: {  	_ =	sdelay $0x1  }
0x5df: {  	v3 =	vadd.f32 v4, v3  }
0x5e0: {  	s10 =	sadd.s32 $0x200, s10;
	s13 =	sadd.s32 $0x200, s13;
	s19 =	sadd.s32 $0x200, s19  }
0x5e1: {  	[tilespmem:s26+$0xC0] =	vst v3  }
0x5e2: {  	v3 =	vld [tilespmem:s12+$0x250]  }
0x5e3: {  	v4 =	vld [tilespmem:s12+$0xA250];
	_ =	sdelay $0x4  }
0x5e4: {  	v3 =	vadd.f32 v4, v3;
	_ =	sdelay $0x1  }
0x5e5: {  	[tilespmem:s26+$0xD0] =	vst v3  }
0x5e6: {  	v3 =	vld [tilespmem:s12+$0x260]  }
0x5e7: {  	v61 =	vld [tilespmem:s12+$0xA260];
	_ =	sdelay $0x4  }
0x5e8: {  	v3 =	vadd.f32 v61, v3;
	_ =	sdelay $0x1  }
0x5e9: {  	[tilespmem:s26+$0xE0] =	vst v3  }
0x5ea: {  	v3 =	vld [tilespmem:s12+$0x270]  }
0x5eb: {  	v62 =	vld [tilespmem:s12+$0xA270];
	_ =	sdelay $0x4  }
0x5ec: {  	v3 =	vadd.f32 v62, v3;
	_ =	sdelay $0x1  }
0x5ed: {  	s2 =	sor.u32 $0x400, s9;
	[tilespmem:s26+$0xF0] =	vst v3  }
0x5ee: {  	v3 =	vld [tilespmem:s2+$0x200]  }
0x5ef: {  	v63 =	vld [tilespmem:s2+$0xA200];
	_ =	sdelay $0x4  }
0x5f0: {  	v3 =	vadd.f32 v63, v3;
	_ =	sdelay $0x1  }
0x5f1: {  	s25 =	rddreg [dreg:$0xc];
	s9 =	simm.s32 $0x14200;
	[tilespmem:s0+$0x80] =	vst v3  }
0x5f2: {  	[hbm4b:s25+s1] =	stream.linear.scatter [tilespmem:s9], [sflag:$0x5], $0x2800, $0x38;
	[tilespmem:$0x1E200] =	vst v63  }
0x5f3: {  	s10 =	simm.s32 $0x19200;
	s26 =	rddreg [dreg:$0xd]  }
0x5f4: {  	[hbm4b:s26+s1] =	stream.linear.scatter [tilespmem:s10], [sflag:$0x5], $0x2800, $0x38;
	[tilespmem:$0x1E200] =	vst v63  }
0x5f5: {  	_ =	swait.ge [sflag:s15], $0x2800  }
0x5f6: {  	[sflag:s15] =	ssyncset.done $0x0  }
0x5f7: {  	[sflag:s15] =	ssyncadd.s32 $0xFFFFD800  }
0x5f8: {  	_ =	swait.ge [sflag:s15], $0x2800  }
0x5f9: {  	[sflag:s15] =	ssyncset.done $0x0  }
0x5fa: {  	[sflag:s15] =	ssyncadd.s32 $0xFFFFD800  }
0x5fb: {  	_ =	swait.ge [sflag:s22], $0x2800  }
0x5fc: {  	[sflag:s22] =	ssyncset.done $0x0  }
0x5fd: {  	[sflag:s22] =	ssyncadd.s32 $0xFFFFD800  }
0x5fe: {  	_ =	swait.ge [sflag:s22], $0x2800  }
0x5ff: {  	[sflag:s22] =	ssyncset.done $0x0  }
0x600: {  	[sflag:s22] =	ssyncadd.s32 $0xFFFFD800  }
0x601: {  	_ =	swait.ge [sflag:s23], $0x5000  }
0x602: {  	[sflag:s23] =	ssyncset.done $0x0  }
0x603: {  	[sflag:s23] =	ssyncadd.s32 $0xFFFFB000  }
0x604: {  	_ =	swait.ge [sflag:s14], $0x5000  }
0x605: {  	[sflag:s14] =	ssyncset.done $0x0  }
0x606: {  	[sflag:s14] =	ssyncadd.s32 $0xFFFFB000  }
0x607: {  	_ =	swait.ge [sflag:s28], $0x80  }
0x608: {  	[sflag:s28] =	ssyncset.done $0x0  }
0x609: {  	[sflag:s28] =	ssyncadd.s32 $0xFFFFFF80  }
0x60a: {  	_ =	swait.ge [sflag:s28], $0x80  }
0x60b: {  	s29 =	rddreg [dreg:$0xf]  }
0x60c: {  	s30 =	rddreg [dreg:$0xe];
	s2 =	sadd.s32 $0x1, s29  }
0x60d: {  	p0 =	sne.s32 s2, s30  }
.Ltmp4:
0x60e: {  	_ = 	snop;
	(pc) =	sbr.rel @p0 .LBB2_1-.Ltmp4, $3  }
0x60f: {  	_ =	sdelay $0x1  }
0x610: {  	[sflag:s28] =	ssyncset.done $0x0  }
0x611: {  	[sflag:s28] =	ssyncadd.s32 $0xFFFFFF80  }
0x612: {  	_ =	sfence.sel $0x180000  }
0x613: {  	[bflag:$0x0] =	sbarrier.arrive $0xFFFF  }
0x614: {  	_ =	strace $0x90000047  }
0x615: {  	s0 =	stileid.u32;
	[bflag:$0x2] =	sbarrier.arrive $0xFFFF  }
0x616: {  	p0 =	sne.s32 s0, $0x0;
	s0 =	rddreg [dreg:$0x1]  }
0x617: {  	s0 =	sadd.s32 @!p0 $0x100000, s0  }
0x618: {  	[sflag:s0] =	ssyncadd.tile.s32 @!p0 $0x1;
	_ =	shalt  }
.Lfunc_end2:
_tile_overlayer_lowered:
.L_overlay_start_2:
0x619: {  	(tag) =	ssettag $0x2  }
0x61a: {  	s0 =	rddreg [dreg:$0x0];
	s2 =	stileid.u32  }
0x61b: {  	s1 =	rddreg [dreg:$0x1];
	p0 =	sne.s32 s2, $0x0  }
0x61c: {  	s3 =	rddreg [dreg:$0x2];
	[bflag:$0x3] =	sbarrier.arrive $0xFFFF;
	s2 =	simm.s32 @!p0 $0x1C09  }
0x61d: {  	[timem:s3], [sflag:s2] =	dma.local @!p0 [hbm:s0], s1  }
0x61e: {  	s0 =	simm.s32 @!p0 $0x9  }
0x61f: {  	_ =	swait.ge @!p0 [sflag:s0], s1  }
0x620: {  	s1 =	ssub.s32 @!p0 $0x0, s1;
	[sflag:s0] =	ssyncset.done @!p0 $0x0  }
0x621: {  	[sflag:s0] =	ssyncadd.s32 @!p0 s1  }
0x622: {  	[bflag:$0x3] =	sbarrier.arrive $0xFFFF  }
0x623: {  	_ =	shalt  }

</sc_bundles>
